<compile_context>
chip_gen: v7x
topology: tpu7x:2x2x1
jax: 0.10.2.dev20260603
libtpu: 0.0.44.dev20260713+nightly
codegen_flags: <defaults>
</compile_context>

<pallas_src>
import functools

import jax
import jax.numpy as jnp
from jax import lax
from jax.experimental import pallas as pl
from jax.experimental.pallas import tpu as pltpu
from jax.experimental.pallas import tpu_sc as plsc

ZD, YD, XD = 41, 80, 80
EPS = 1e-3
F32 = jnp.float32

SC_ROWS = 282624
SC_NVOX = 40960
SC_PER = 1280
SC_DUMP = 282496


def _sc_scatter(rows, idx, tab_ref):
    mesh = plsc.VectorSubcoreMesh(core_axis_name="c", subcore_axis_name="s",
                                  num_cores=2)

    @functools.partial(
        pl.kernel, mesh=mesh,
        out_type=(),
        scratch_types=[
            pltpu.VMEM((SC_PER // 128, 128), jnp.int32),
            pltpu.VMEM((256, 128), F32),
            pltpu.SemaphoreType.DMA,
        ],
    )
    def k(rows_hbm, i_hbm, tab_hbm, idx_v, rows_v, sem):
        c = lax.axis_index("c")
        s = lax.axis_index("s")
        w = s * 2 + c
        pltpu.sync_copy(i_hbm.at[w], idx_v)
        for t in range(SC_PER // 256):
            pltpu.sync_copy(
                rows_hbm.at[pl.ds(w * SC_PER + t * 256, 256)], rows_v)
            c0 = pltpu.async_copy(rows_v.at[pl.ds(0, 128)],
                                  tab_hbm.at[idx_v.at[2 * t]], sem)
            c1 = pltpu.async_copy(rows_v.at[pl.ds(128, 128)],
                                  tab_hbm.at[idx_v.at[2 * t + 1]], sem)
            c0.wait()
            c1.wait()

    k(rows, idx, tab_ref)


def _conv_layer(x, m, wT, *, Zi, Zo, s, zoff, Wf, kyx, act, subm,
                sc=None, sh=None, sel=None):
    G = Wf + 1
    P = Wf * Wf
    M = P + 2 * G
    _, Ci, _ = x.shape
    Co = wT.shape[0]
    taps = [(dy, dx) for dy in range(kyx) for dx in range(kyx)]

    def body(*refs):
        xr = refs[0:3]
        mr = refs[3:6]
        i = 6
        if act:
            scr, shr = refs[i], refs[i + 1]
            i += 2
        if sel is not None:
            selr = refs[i]
            i += 1
        wr = refs[i]
        yref, nmref, pref = refs[i + 1:i + 4]

        zi = pl.program_id(0)
        mc = jnp.zeros((1, P), F32)
        m_center = None
        sls = []
        for dz in range(3):
            vz = s * zi + zoff + dz
            valid = jnp.where((vz >= 0) & (vz < Zi), 1.0, 0.0)
            mv = mr[dz][0] * valid
            if dz == 1:
                m_center = mr[dz][0]
            xv = xr[dz][0]
            if act:
                av = jnp.maximum(xv * scr[...] + shr[...], 0.0) * mv
            else:
                av = xv * valid
            for dy, dx in taps:
                o = (dy - 1) * Wf + (dx - 1) if kyx == 3 else 0
                sls.append(jax.lax.slice(av, (0, G + o), (Ci, G + o + P)))
                if not subm:
                    mc = mc + jax.lax.slice(mv, (0, G + o), (1, G + o + P))
        rows = sls[0] if len(sls) == 1 else jnp.concatenate(sls, axis=0)
        acc = jnp.dot(wr[...], rows, preferred_element_type=F32)
        if subm:
            nm_core = jax.lax.slice(m_center, (0, G), (1, G + P))
            nmfull = m_center
        else:
            nm_core = (mc > 0.5).astype(F32)
            nm_core = nm_core * jax.lax.slice(selr[...], (0, G), (1, G + P))
            zg = jnp.zeros((1, G), F32)
            nmfull = jnp.concatenate([zg, nm_core, zg], axis=1)
        zgc = jnp.zeros((Co, G), F32)
        yref[0] = jnp.concatenate([zgc, acc, zgc], axis=1)
        nmref[0] = nmfull

        nm_eff = nm_core
        s1 = jnp.sum(acc * nm_eff, axis=1, keepdims=True)
        s2 = jnp.sum(acc * acc * nm_eff, axis=1, keepdims=True)
        cm = jnp.zeros((Co, 1), F32) + jnp.sum(nm_eff)
        blk = jnp.concatenate([s1, s2, cm, jnp.zeros((Co, 5), F32)], axis=1)
        if Co < 128:
            blk = jnp.concatenate([blk, jnp.zeros((128 - Co, 8), F32)],
                                  axis=0)

        @pl.when(zi == 0)
        def _():
            pref[...] = blk

        @pl.when(zi != 0)
        def _():
            pref[...] = pref[...] + blk

    def xmap(d):
        return lambda z: (jnp.clip(s * z + zoff + d, 0, Zi - 1), 0, 0)

    def mmap(d):
        return lambda z: (jnp.clip(s * z + zoff + d, 0, Zi - 1), 0, 0)

    in_specs = [pl.BlockSpec((1, Ci, M), xmap(d)) for d in range(3)]
    in_specs += [pl.BlockSpec((1, 1, M), mmap(d)) for d in range(3)]
    args = [x, x, x, m, m, m]
    if act:
        in_specs += [pl.BlockSpec((Ci, 1), lambda z: (0, 0))] * 2
        args += [sc, sh]
    if sel is not None:
        in_specs += [pl.BlockSpec((1, M), lambda z: (0, 0))]
        args += [sel]
    in_specs += [pl.BlockSpec(wT.shape, lambda z: (0, 0))]
    args += [wT]

    return pl.pallas_call(
        body,
        grid=(Zo,),
        in_specs=in_specs,
        out_specs=[
            pl.BlockSpec((1, Co, M), lambda z: (z, 0, 0)),
            pl.BlockSpec((1, 1, M), lambda z: (z, 0, 0)),
            pl.BlockSpec((128, 8), lambda z: (0, 0)),
        ],
        out_shape=[
            jax.ShapeDtypeStruct((Zo, Co, M), F32),
            jax.ShapeDtypeStruct((Zo, 1, M), F32),
            jax.ShapeDtypeStruct((128, 8), F32),
        ],
    )(*args)


def _final_apply(y, nm, sc, sh):

    def body(yr, mr, scr, shr, aref):
        a = jnp.maximum(yr[...] * scr[...] + shr[...], 0.0)
        aref[...] = a * mr[...]

    return pl.pallas_call(
        body,
        out_shape=jax.ShapeDtypeStruct(y.shape, F32),
    )(y, nm, sc, sh)


def _finalize(part, g, b):
    Co = g.shape[0]
    cnt = jnp.maximum(part[0, 2], 1.0)
    mean = part[:Co, 0] / cnt
    var = jnp.maximum(part[:Co, 1] / cnt - mean * mean, 0.0)
    scale = g * jax.lax.rsqrt(var + EPS)
    shift = b - mean * scale
    return scale[:, None], shift[:, None]


def _compact(yf, nmf, Whi, Wlo):
    Zo, Co, _ = yf.shape
    Ghi, Phi = Whi + 1, Whi * Whi
    Glo = Wlo + 1
    core = yf[:, :, Ghi:Ghi + Phi].reshape(Zo, Co, Whi, Whi)
    sub = core[:, :, 1:Whi - 1:2, 1:Whi - 1:2]
    y = jnp.pad(sub, ((0, 0), (0, 0), (1, 1), (1, 1)))
    y = y.reshape(Zo, Co, Wlo * Wlo)
    y = jnp.pad(y, ((0, 0), (0, 0), (Glo, Glo)))
    mcore = nmf[:, 0, Ghi:Ghi + Phi].reshape(Zo, Whi, Whi)
    msub = mcore[:, 1:Whi - 1:2, 1:Whi - 1:2]
    nm = jnp.pad(msub, ((0, 0), (1, 1), (1, 1))).reshape(Zo, 1, Wlo * Wlo)
    nm = jnp.pad(nm, ((0, 0), (0, 0), (Glo, Glo)))
    return y, nm


def _selmask(Wf, stride2):
    G = Wf + 1
    i = jnp.arange(Wf)
    if stride2:
        oy = ((i % 2 == 1) & (i < Wf - 1)).astype(F32)
    else:
        oy = ((i > 0) & (i < Wf - 1)).astype(F32)
    sel = oy[:, None] * oy[None, :]
    return jnp.pad(sel.reshape(-1), (G, G))[None]


def kernel(voxel_features, voxel_coords, batch_size, params):
    p = params
    feats = voxel_features.astype(F32)
    zv = voxel_coords[:, 1]
    fv = 83 + (voxel_coords[:, 2] + 1) * 82 + (voxel_coords[:, 3] + 1)
    M1 = 82 * 82 + 2 * 83

    npad = SC_NVOX - feats.shape[0]
    r = (zv * M1 + fv).astype(jnp.int32)
    idx = jnp.concatenate([r, jnp.full((npad,), SC_DUMP, jnp.int32)])
    rows = jnp.concatenate(
        [feats, jnp.ones((feats.shape[0], 1), F32),
         jnp.zeros((feats.shape[0], 123), F32)], axis=1)
    rows = jnp.concatenate([rows, jnp.zeros((npad, 128), F32)], axis=0)
    tab = jax.new_ref(jnp.zeros((SC_ROWS, 128), F32))
    _sc_scatter(rows, idx.reshape(32, SC_PER // 128, 128), tab)
    vol = tab[...][0:ZD * M1, 0:8].reshape(ZD, M1, 8)
    vol = vol.transpose(0, 2, 1)
    dense = vol[:, 0:4]
    mask = vol[:, 4:5]

    wt = lambda w: jnp.transpose(w, (4, 0, 1, 2, 3)).reshape(w.shape[4], -1)
    int82, int42, int12 = _selmask(82, False), _selmask(42, False), \
        _selmask(12, False)
    odd82, odd42, odd22 = _selmask(82, True), _selmask(42, True), \
        _selmask(22, True)

    y, nm, part = _conv_layer(dense, mask, wt(p['win']), Zi=ZD, Zo=ZD, s=1,
                              zoff=-1, Wf=82, kyx=3, act=False, subm=True)
    sc, sh = _finalize(part, p['gin'], p['bin'])
    y, nm, part = _conv_layer(y, nm, wt(p['w1']), Zi=ZD, Zo=ZD, s=1,
                              zoff=-1, Wf=82, kyx=3, act=True, subm=False,
                              sc=sc, sh=sh, sel=int82)
    sc, sh = _finalize(part, p['g1'], p['b1'])
    y, nm, part = _conv_layer(y, nm, wt(p['w2a']), Zi=ZD, Zo=21, s=2,
                              zoff=-1, Wf=82, kyx=3, act=True, subm=False,
                              sc=sc, sh=sh, sel=odd82)
    y, nm = _compact(y, nm, 82, 42)
    sc, sh = _finalize(part, p['g2a'], p['b2a'])
    y, nm, part = _conv_layer(y, nm, wt(p['w2b']), Zi=21, Zo=21, s=1,
                              zoff=-1, Wf=42, kyx=3, act=True, subm=True,
                              sc=sc, sh=sh)
    sc, sh = _finalize(part, p['g2b'], p['b2b'])
    y, nm, part = _conv_layer(y, nm, wt(p['w2c']), Zi=21, Zo=21, s=1,
                              zoff=-1, Wf=42, kyx=3, act=True, subm=False,
                              sc=sc, sh=sh, sel=int42)
    sc, sh = _finalize(part, p['g2c'], p['b2c'])
    y, nm, part = _conv_layer(y, nm, wt(p['w3a']), Zi=21, Zo=11, s=2,
                              zoff=-1, Wf=42, kyx=3, act=True, subm=False,
                              sc=sc, sh=sh, sel=odd42)
    y, nm = _compact(y, nm, 42, 22)
    sc, sh = _finalize(part, p['g3a'], p['b3a'])
    y, nm, part = _conv_layer(y, nm, wt(p['w3b']), Zi=11, Zo=11, s=1,
                              zoff=-1, Wf=22, kyx=3, act=True, subm=True,
                              sc=sc, sh=sh)
    sc, sh = _finalize(part, p['g3b'], p['b3b'])
    y, nm, part = _conv_layer(y, nm, wt(p['w3c']), Zi=11, Zo=11, s=1,
                              zoff=-1, Wf=22, kyx=3, act=True, subm=True,
                              sc=sc, sh=sh)
    sc, sh = _finalize(part, p['g3c'], p['b3c'])
    y, nm, part = _conv_layer(y, nm, wt(p['w4a']), Zi=11, Zo=5, s=2,
                              zoff=0, Wf=22, kyx=3, act=True, subm=False,
                              sc=sc, sh=sh, sel=odd22)
    y, nm = _compact(y, nm, 22, 12)
    sc, sh = _finalize(part, p['g4a'], p['b4a'])
    y, nm, part = _conv_layer(y, nm, wt(p['w4b']), Zi=5, Zo=5, s=1,
                              zoff=-1, Wf=12, kyx=3, act=True, subm=True,
                              sc=sc, sh=sh)
    sc, sh = _finalize(part, p['g4b'], p['b4b'])
    y, nm, part = _conv_layer(y, nm, wt(p['w4c']), Zi=5, Zo=5, s=1,
                              zoff=-1, Wf=12, kyx=3, act=True, subm=True,
                              sc=sc, sh=sh)
    sc, sh = _finalize(part, p['g4c'], p['b4c'])
    y, nm, part = _conv_layer(y, nm, wt(p['wout']), Zi=5, Zo=2, s=2,
                              zoff=0, Wf=12, kyx=1, act=True, subm=False,
                              sc=sc, sh=sh, sel=int12)
    sc, sh = _finalize(part, p['gout'], p['bout'])
    a = _final_apply(y, nm, sc, sh)

    core = a[:, :, 13:13 + 144].reshape(2, 128, 12, 12)[:, :, 1:11, 1:11]
    return core.transpose(0, 2, 3, 1)[None]

# --- scband reference (transcript-rebuilt; emitter-appended) ---
"""Pipeline reference for scband-voxel-back-bone8x-v2-79620103733510 (READ-ONLY COPY).

The authoritative reference and input builder live on the scoring server;
editing this copy changes nothing except your own understanding.
"""

import jax, jax.numpy as jnp
import numpy as np

Z, Y, X = 41, 80, 80
N_VOX = 40000
B = 1

_SPECS = [('in',3,3,3,4,16),('1',3,3,3,16,16),('2a',3,3,3,16,32),('2b',3,3,3,32,32),('2c',3,3,3,32,32),('3a',3,3,3,32,64),('3b',3,3,3,64,64),('3c',3,3,3,64,64),('4a',3,3,3,64,64),('4b',3,3,3,64,64),('4c',3,3,3,64,64),('out',3,1,1,64,128)]


def _conv(x, w, stride, pad):
    return jax.lax.conv_general_dilated(x, w, window_strides=stride, padding=pad, dimension_numbers=('NDHWC','DHWIO','NDHWC'))


def _mask_conv(mask, ksz, stride, pad):
    ones_k = jnp.ones(tuple(ksz) + (1, 1), jnp.float32)
    m = jax.lax.conv_general_dilated(mask[..., None], ones_k, window_strides=stride, padding=pad, dimension_numbers=('NDHWC','DHWIO','NDHWC'))
    return (m[..., 0] > 0.5).astype(jnp.float32)


def _bn_relu(x, mask, g, b, eps=1e-3):
    m = mask[..., None]
    cnt = jnp.maximum(jnp.sum(m), 1.0)
    mean = jnp.sum(x * m, axis=(0, 1, 2, 3)) / cnt
    var = jnp.sum(jnp.square(x - mean) * m, axis=(0, 1, 2, 3)) / cnt
    y = (x - mean) * jax.lax.rsqrt(var + eps) * g + b
    return jnp.maximum(y, 0.0) * m


def _subm(x, mask, w, g, b):
    y = _conv(x, w, (1, 1, 1), [(1, 1), (1, 1), (1, 1)]) * mask[..., None]
    return _bn_relu(y, mask, g, b), mask


def _spconv(x, mask, w, g, b, stride, pad):
    y = _conv(x, w, stride, pad)
    nm = _mask_conv(mask, w.shape[:3], stride, pad)
    return _bn_relu(y * nm[..., None], nm, g, b), nm


def _forward(voxel_features, voxel_coords, batch_size, params):
    C = voxel_features.shape[1]
    bs_zero = (jnp.asarray(batch_size) - jnp.asarray(batch_size)).astype(voxel_coords.dtype)
    bi, zi, yi, xi = voxel_coords[:, 0] + bs_zero, voxel_coords[:, 1], voxel_coords[:, 2], voxel_coords[:, 3]
    dense = jnp.zeros((B, Z, Y, X, C), jnp.float32).at[bi, zi, yi, xi].set(voxel_features)
    mask = jnp.zeros((B, Z, Y, X), jnp.float32).at[bi, zi, yi, xi].set(1.0)
    p = params
    x, m = _subm(dense, mask, p['win'], p['gin'], p['bin'])
    x, m = _spconv(x, m, p['w1'], p['g1'], p['b1'], (1, 1, 1), [(1, 1)] * 3)
    x, m = _spconv(x, m, p['w2a'], p['g2a'], p['b2a'], (2, 2, 2), [(1, 1)] * 3)
    x, m = _subm(x, m, p['w2b'], p['g2b'], p['b2b'])
    x, m = _spconv(x, m, p['w2c'], p['g2c'], p['b2c'], (1, 1, 1), [(1, 1)] * 3)
    x, m = _spconv(x, m, p['w3a'], p['g3a'], p['b3a'], (2, 2, 2), [(1, 1)] * 3)
    x, m = _subm(x, m, p['w3b'], p['g3b'], p['b3b'])
    x, m = _subm(x, m, p['w3c'], p['g3c'], p['b3c'])
    x, m = _spconv(x, m, p['w4a'], p['g4a'], p['b4a'], (2, 2, 2), [(0, 0), (1, 1), (1, 1)])
    x, m = _subm(x, m, p['w4b'], p['g4b'], p['b4b'])
    x, m = _subm(x, m, p['w4c'], p['g4c'], p['b4c'])
    x, m = _spconv(x, m, p['wout'], p['gout'], p['bout'], (2, 1, 1), [(0, 0), (0, 0), (0, 0)])
    return x


def setup_inputs(seed: int = 0):
    key = jax.random.key(seed)
    ks = jax.random.split(key, 64)
    feats = jax.random.normal(ks[0], (N_VOX, 4), jnp.float32)
    rng = np.random.default_rng(0)
    flat = rng.choice(Z * Y * X, size=N_VOX, replace=False)
    zi = flat // (Y * X)
    yi = (flat % (Y * X)) // X
    xi = flat % X
    bi = np.zeros_like(flat)
    coords = jnp.asarray(np.stack([bi, zi, yi, xi], axis=1), jnp.int32)
    params = {}
    for i, (nm, kz, ky, kx, ci, co) in enumerate(_SPECS):
        params['w' + nm] = jax.random.normal(ks[5 + i], (kz, ky, kx, ci, co), jnp.float32) * 0.05
        params['g' + nm] = jnp.ones((co,), jnp.float32)
        params['b' + nm] = jnp.zeros((co,), jnp.float32)
    return {'voxel_features': feats, 'voxel_coords': coords, 'batch_size': B, 'params': params}


def reference(voxel_features, voxel_coords, batch_size, params):
    return _forward(voxel_features, voxel_coords, batch_size, params)

if __name__ == "__main__":
    import jax
    _d = setup_inputs()
    print(jax.jit(kernel)(*tuple(_d.values())))

</pallas_src>

<mosaic_0001>
#map = affine_map<(d0, d1) -> (0, 0)>
#map1 = affine_map<(d0, d1) -> (0, 0, 0)>
module attributes {stable_mosaic.version = 14 : i64} {
  func.func @new_body(%arg0: i32, %arg1: i32, %arg2: memref<40960x128xf32, #tpu.memory_space<hbm>>, %arg3: memref<32x10x128xi32, #tpu.memory_space<hbm>>, %arg4: memref<282624x128xf32, #tpu.memory_space<hbm>>, %arg5: memref<282624x128xf32, #tpu.memory_space<hbm>>, %arg6: memref<10x128xi32, #tpu.memory_space<vmem>>, %arg7: memref<256x128xf32, #tpu.memory_space<vmem>>, %arg8: memref<!tpu.dma_semaphore, #tpu.memory_space<semaphore_mem>>) attributes {dimension_semantics = [#tpu.dimension_semantics<core_parallel>, #tpu.dimension_semantics<subcore_parallel>], iteration_bounds = array<i64: 2, 16>, scalar_prefetch = 0 : i64, scratch_operands = 3 : i64, tpu.core_type = #tpu.core_type<sc_vector_subcore>, window_params = [{transform_indices = #map}, {transform_indices = #map1}, {transform_indices = #map}, {transform_indices = #map}]} {
    %mul3A = arith.constant 2 : i32
    %mul3A_0 = arith.muli %arg1, %mul3A : i32
    %add3A = arith.addi %mul3A_0, %arg0 : i32
    "tpu.region"() ({
      %run_scoped3A = tpu.sem_alloc : memref<!tpu.dma_semaphore, #tpu.memory_space<semaphore_mem>>
      %dma_start3A_219 = arith.constant 0 : i32
      %dma_start3A_220 = arith.constant 0 : i32
      %dma_start3A_221 = tpu.memref_slice %arg3[%add3A, %dma_start3A_219, %dma_start3A_220] : memref<32x10x128xi32, #tpu.memory_space<hbm>> -> memref<1x10x128xi32, #tpu.memory_space<hbm>>
      %dma_start3A_222 = tpu.memref_squeeze %dma_start3A_221 : memref<1x10x128xi32, #tpu.memory_space<hbm>> -> memref<10x128xi32, #tpu.memory_space<hbm>>
      %dma_start3A_223 = arith.constant 0 : i32
      %dma_start3A_224 = arith.constant 0 : i32
      %dma_start3A_225 = tpu.memref_slice %arg3[%add3A, %dma_start3A_223, %dma_start3A_224] : memref<32x10x128xi32, #tpu.memory_space<hbm>> -> memref<1x10x128xi32, #tpu.memory_space<hbm>>
      %dma_start3A_226 = tpu.memref_squeeze %dma_start3A_225 : memref<1x10x128xi32, #tpu.memory_space<hbm>> -> memref<10x128xi32, #tpu.memory_space<hbm>>
      tpu.enqueue_dma source(%dma_start3A_226 : memref<10x128xi32, #tpu.memory_space<hbm>>) target(%arg6 : memref<10x128xi32, #tpu.memory_space<vmem>>) target_semaphore(%run_scoped3A : memref<!tpu.dma_semaphore, #tpu.memory_space<semaphore_mem>>)
      %dma_wait3A_227 = arith.constant 0 : i32
      %dma_wait3A_228 = arith.constant 0 : i32
      %dma_wait3A_229 = tpu.memref_slice %arg3[%add3A, %dma_wait3A_227, %dma_wait3A_228] : memref<32x10x128xi32, #tpu.memory_space<hbm>> -> memref<1x10x128xi32, #tpu.memory_space<hbm>>
      %dma_wait3A_230 = tpu.memref_squeeze %dma_wait3A_229 : memref<1x10x128xi32, #tpu.memory_space<hbm>> -> memref<10x128xi32, #tpu.memory_space<hbm>>
      %dma_wait3A_231 = arith.constant 0 : i32
      %dma_wait3A_232 = arith.constant 0 : i32
      %dma_wait3A_233 = tpu.memref_slice %arg3[%add3A, %dma_wait3A_231, %dma_wait3A_232] : memref<32x10x128xi32, #tpu.memory_space<hbm>> -> memref<1x10x128xi32, #tpu.memory_space<hbm>>
      %dma_wait3A_234 = tpu.memref_squeeze %dma_wait3A_233 : memref<1x10x128xi32, #tpu.memory_space<hbm>> -> memref<10x128xi32, #tpu.memory_space<hbm>>
      tpu.wait_dma2 semaphore(%run_scoped3A : memref<!tpu.dma_semaphore, #tpu.memory_space<semaphore_mem>>) src(%dma_wait3A_234 : memref<10x128xi32, #tpu.memory_space<hbm>>) dst(%arg6 : memref<10x128xi32, #tpu.memory_space<vmem>>)
      tpu.yield
    }) : () -> ()
    %mul3A_1 = arith.constant 1280 : i32
    %mul3A_2 = arith.muli %add3A, %mul3A_1 : i32
    %add3A_3 = arith.constant 0 : i32
    %add3A_4 = arith.addi %mul3A_2, %add3A_3 : i32
    "tpu.region"() ({
      %run_scoped3A = tpu.sem_alloc : memref<!tpu.dma_semaphore, #tpu.memory_space<semaphore_mem>>
      %dma_start3A_219 = arith.constant 0 : i32
      %dma_start3A_220 = tpu.memref_slice %arg2[%add3A_4, %dma_start3A_219] : memref<40960x128xf32, #tpu.memory_space<hbm>> -> memref<256x128xf32, #tpu.memory_space<hbm>>
      %dma_start3A_221 = arith.constant 0 : i32
      %dma_start3A_222 = tpu.memref_slice %arg2[%add3A_4, %dma_start3A_221] : memref<40960x128xf32, #tpu.memory_space<hbm>> -> memref<256x128xf32, #tpu.memory_space<hbm>>
      tpu.enqueue_dma source(%dma_start3A_222 : memref<256x128xf32, #tpu.memory_space<hbm>>) target(%arg7 : memref<256x128xf32, #tpu.memory_space<vmem>>) target_semaphore(%run_scoped3A : memref<!tpu.dma_semaphore, #tpu.memory_space<semaphore_mem>>)
      %dma_wait3A_223 = arith.constant 0 : i32
      %dma_wait3A_224 = tpu.memref_slice %arg2[%add3A_4, %dma_wait3A_223] : memref<40960x128xf32, #tpu.memory_space<hbm>> -> memref<256x128xf32, #tpu.memory_space<hbm>>
      %dma_wait3A_225 = arith.constant 0 : i32
      %dma_wait3A_226 = tpu.memref_slice %arg2[%add3A_4, %dma_wait3A_225] : memref<40960x128xf32, #tpu.memory_space<hbm>> -> memref<256x128xf32, #tpu.memory_space<hbm>>
      tpu.wait_dma2 semaphore(%run_scoped3A : memref<!tpu.dma_semaphore, #tpu.memory_space<semaphore_mem>>) src(%dma_wait3A_226 : memref<256x128xf32, #tpu.memory_space<hbm>>) dst(%arg7 : memref<256x128xf32, #tpu.memory_space<vmem>>)
      tpu.yield
    }) : () -> ()
    %dma_start3A = arith.constant 0 : i32
    %dma_start3A_5 = arith.constant 0 : i32
    %dma_start3A_6 = arith.constant 0 : i32
    %dma_start3A_7 = tpu.memref_slice %arg7[%dma_start3A_5, %dma_start3A_6] : memref<256x128xf32, #tpu.memory_space<vmem>> -> memref<128x128xf32, #tpu.memory_space<vmem>>
    %dma_start3A_8 = arith.constant 0 : i32
    %dma_start3A_9 = tpu.memref_slice %arg6[%dma_start3A, %dma_start3A_8] : memref<10x128xi32, #tpu.memory_space<vmem>> -> memref<1x128xi32, #tpu.memory_space<vmem>>
    %dma_start3A_10 = tpu.memref_squeeze %dma_start3A_9 : memref<1x128xi32, #tpu.memory_space<vmem>> -> memref<128xi32, #tpu.memory_space<vmem>>
    %dma_start3A_11 = arith.constant 0 : i32
    %dma_start3A_12 = arith.constant 0 : i32
    %dma_start3A_13 = tpu.memref_slice %arg4[%dma_start3A_11, %dma_start3A_12] : memref<282624x128xf32, #tpu.memory_space<hbm>> -> memref<282624x128xf32, #tpu.memory_space<hbm>>
    tpu.enqueue_indirect_dma source(%dma_start3A_7 : memref<128x128xf32, #tpu.memory_space<vmem>>) target(%dma_start3A_13 : memref<282624x128xf32, #tpu.memory_space<hbm>>) offsets(%dma_start3A_10 : memref<128xi32, #tpu.memory_space<vmem>>) semaphore(%arg8 : memref<!tpu.dma_semaphore, #tpu.memory_space<semaphore_mem>>)
    %dma_start3A_14 = arith.constant 1 : i32
    %dma_start3A_15 = arith.constant 128 : i32
    %dma_start3A_16 = arith.constant 0 : i32
    %dma_start3A_17 = tpu.memref_slice %arg7[%dma_start3A_15, %dma_start3A_16] : memref<256x128xf32, #tpu.memory_space<vmem>> -> memref<128x128xf32, #tpu.memory_space<vmem>>
    %dma_start3A_18 = arith.constant 0 : i32
    %dma_start3A_19 = tpu.memref_slice %arg6[%dma_start3A_14, %dma_start3A_18] : memref<10x128xi32, #tpu.memory_space<vmem>> -> memref<1x128xi32, #tpu.memory_space<vmem>>
    %dma_start3A_20 = tpu.memref_squeeze %dma_start3A_19 : memref<1x128xi32, #tpu.memory_space<vmem>> -> memref<128xi32, #tpu.memory_space<vmem>>
    %dma_start3A_21 = arith.constant 0 : i32
    %dma_start3A_22 = arith.constant 0 : i32
    %dma_start3A_23 = tpu.memref_slice %arg4[%dma_start3A_21, %dma_start3A_22] : memref<282624x128xf32, #tpu.memory_space<hbm>> -> memref<282624x128xf32, #tpu.memory_space<hbm>>
    tpu.enqueue_indirect_dma source(%dma_start3A_17 : memref<128x128xf32, #tpu.memory_space<vmem>>) target(%dma_start3A_23 : memref<282624x128xf32, #tpu.memory_space<hbm>>) offsets(%dma_start3A_20 : memref<128xi32, #tpu.memory_space<vmem>>) semaphore(%arg8 : memref<!tpu.dma_semaphore, #tpu.memory_space<semaphore_mem>>)
    %dma_wait3A = arith.constant 0 : i32
    %dma_wait3A_24 = arith.constant 0 : i32
    %dma_wait3A_25 = arith.constant 0 : i32
    %dma_wait3A_26 = tpu.memref_slice %arg7[%dma_wait3A_24, %dma_wait3A_25] : memref<256x128xf32, #tpu.memory_space<vmem>> -> memref<128x128xf32, #tpu.memory_space<vmem>>
    %dma_wait3A_27 = arith.constant 0 : i32
    %dma_wait3A_28 = tpu.memref_slice %arg6[%dma_wait3A, %dma_wait3A_27] : memref<10x128xi32, #tpu.memory_space<vmem>> -> memref<1x128xi32, #tpu.memory_space<vmem>>
    %dma_wait3A_29 = tpu.memref_squeeze %dma_wait3A_28 : memref<1x128xi32, #tpu.memory_space<vmem>> -> memref<128xi32, #tpu.memory_space<vmem>>
    %dma_wait3A_30 = arith.constant 0 : i32
    %dma_wait3A_31 = arith.constant 0 : i32
    %dma_wait3A_32 = tpu.memref_slice %arg4[%dma_wait3A_30, %dma_wait3A_31] : memref<282624x128xf32, #tpu.memory_space<hbm>> -> memref<282624x128xf32, #tpu.memory_space<hbm>>
    tpu.wait_indirect_dma semaphore(%arg8 : memref<!tpu.dma_semaphore, #tpu.memory_space<semaphore_mem>>) src(%dma_wait3A_26 : memref<128x128xf32, #tpu.memory_space<vmem>>) dst(%dma_wait3A_32 : memref<282624x128xf32, #tpu.memory_space<hbm>>)
    %dma_wait3A_33 = arith.constant 1 : i32
    %dma_wait3A_34 = arith.constant 128 : i32
    %dma_wait3A_35 = arith.constant 0 : i32
    %dma_wait3A_36 = tpu.memref_slice %arg7[%dma_wait3A_34, %dma_wait3A_35] : memref<256x128xf32, #tpu.memory_space<vmem>> -> memref<128x128xf32, #tpu.memory_space<vmem>>
    %dma_wait3A_37 = arith.constant 0 : i32
    %dma_wait3A_38 = tpu.memref_slice %arg6[%dma_wait3A_33, %dma_wait3A_37] : memref<10x128xi32, #tpu.memory_space<vmem>> -> memref<1x128xi32, #tpu.memory_space<vmem>>
    %dma_wait3A_39 = tpu.memref_squeeze %dma_wait3A_38 : memref<1x128xi32, #tpu.memory_space<vmem>> -> memref<128xi32, #tpu.memory_space<vmem>>
    %dma_wait3A_40 = arith.constant 0 : i32
    %dma_wait3A_41 = arith.constant 0 : i32
    %dma_wait3A_42 = tpu.memref_slice %arg4[%dma_wait3A_40, %dma_wait3A_41] : memref<282624x128xf32, #tpu.memory_space<hbm>> -> memref<282624x128xf32, #tpu.memory_space<hbm>>
    tpu.wait_indirect_dma semaphore(%arg8 : memref<!tpu.dma_semaphore, #tpu.memory_space<semaphore_mem>>) src(%dma_wait3A_36 : memref<128x128xf32, #tpu.memory_space<vmem>>) dst(%dma_wait3A_42 : memref<282624x128xf32, #tpu.memory_space<hbm>>)
    %mul3A_43 = arith.constant 1280 : i32
    %mul3A_44 = arith.muli %add3A, %mul3A_43 : i32
    %add3A_45 = arith.constant 256 : i32
    %add3A_46 = arith.addi %mul3A_44, %add3A_45 : i32
    "tpu.region"() ({
      %run_scoped3A = tpu.sem_alloc : memref<!tpu.dma_semaphore, #tpu.memory_space<semaphore_mem>>
      %dma_start3A_219 = arith.constant 0 : i32
      %dma_start3A_220 = tpu.memref_slice %arg2[%add3A_46, %dma_start3A_219] : memref<40960x128xf32, #tpu.memory_space<hbm>> -> memref<256x128xf32, #tpu.memory_space<hbm>>
      %dma_start3A_221 = arith.constant 0 : i32
      %dma_start3A_222 = tpu.memref_slice %arg2[%add3A_46, %dma_start3A_221] : memref<40960x128xf32, #tpu.memory_space<hbm>> -> memref<256x128xf32, #tpu.memory_space<hbm>>
      tpu.enqueue_dma source(%dma_start3A_222 : memref<256x128xf32, #tpu.memory_space<hbm>>) target(%arg7 : memref<256x128xf32, #tpu.memory_space<vmem>>) target_semaphore(%run_scoped3A : memref<!tpu.dma_semaphore, #tpu.memory_space<semaphore_mem>>)
      %dma_wait3A_223 = arith.constant 0 : i32
      %dma_wait3A_224 = tpu.memref_slice %arg2[%add3A_46, %dma_wait3A_223] : memref<40960x128xf32, #tpu.memory_space<hbm>> -> memref<256x128xf32, #tpu.memory_space<hbm>>
      %dma_wait3A_225 = arith.constant 0 : i32
      %dma_wait3A_226 = tpu.memref_slice %arg2[%add3A_46, %dma_wait3A_225] : memref<40960x128xf32, #tpu.memory_space<hbm>> -> memref<256x128xf32, #tpu.memory_space<hbm>>
      tpu.wait_dma2 semaphore(%run_scoped3A : memref<!tpu.dma_semaphore, #tpu.memory_space<semaphore_mem>>) src(%dma_wait3A_226 : memref<256x128xf32, #tpu.memory_space<hbm>>) dst(%arg7 : memref<256x128xf32, #tpu.memory_space<vmem>>)
      tpu.yield
    }) : () -> ()
    %dma_start3A_47 = arith.constant 2 : i32
    %dma_start3A_48 = arith.constant 0 : i32
    %dma_start3A_49 = arith.constant 0 : i32
    %dma_start3A_50 = tpu.memref_slice %arg7[%dma_start3A_48, %dma_start3A_49] : memref<256x128xf32, #tpu.memory_space<vmem>> -> memref<128x128xf32, #tpu.memory_space<vmem>>
    %dma_start3A_51 = arith.constant 0 : i32
    %dma_start3A_52 = tpu.memref_slice %arg6[%dma_start3A_47, %dma_start3A_51] : memref<10x128xi32, #tpu.memory_space<vmem>> -> memref<1x128xi32, #tpu.memory_space<vmem>>
    %dma_start3A_53 = tpu.memref_squeeze %dma_start3A_52 : memref<1x128xi32, #tpu.memory_space<vmem>> -> memref<128xi32, #tpu.memory_space<vmem>>
    %dma_start3A_54 = arith.constant 0 : i32
    %dma_start3A_55 = arith.constant 0 : i32
    %dma_start3A_56 = tpu.memref_slice %arg4[%dma_start3A_54, %dma_start3A_55] : memref<282624x128xf32, #tpu.memory_space<hbm>> -> memref<282624x128xf32, #tpu.memory_space<hbm>>
    tpu.enqueue_indirect_dma source(%dma_start3A_50 : memref<128x128xf32, #tpu.memory_space<vmem>>) target(%dma_start3A_56 : memref<282624x128xf32, #tpu.memory_space<hbm>>) offsets(%dma_start3A_53 : memref<128xi32, #tpu.memory_space<vmem>>) semaphore(%arg8 : memref<!tpu.dma_semaphore, #tpu.memory_space<semaphore_mem>>)
    %dma_start3A_57 = arith.constant 3 : i32
    %dma_start3A_58 = arith.constant 128 : i32
    %dma_start3A_59 = arith.constant 0 : i32
    %dma_start3A_60 = tpu.memref_slice %arg7[%dma_start3A_58, %dma_start3A_59] : memref<256x128xf32, #tpu.memory_space<vmem>> -> memref<128x128xf32, #tpu.memory_space<vmem>>
    %dma_start3A_61 = arith.constant 0 : i32
    %dma_start3A_62 = tpu.memref_slice %arg6[%dma_start3A_57, %dma_start3A_61] : memref<10x128xi32, #tpu.memory_space<vmem>> -> memref<1x128xi32, #tpu.memory_space<vmem>>
    %dma_start3A_63 = tpu.memref_squeeze %dma_start3A_62 : memref<1x128xi32, #tpu.memory_space<vmem>> -> memref<128xi32, #tpu.memory_space<vmem>>
    %dma_start3A_64 = arith.constant 0 : i32
    %dma_start3A_65 = arith.constant 0 : i32
    %dma_start3A_66 = tpu.memref_slice %arg4[%dma_start3A_64, %dma_start3A_65] : memref<282624x128xf32, #tpu.memory_space<hbm>> -> memref<282624x128xf32, #tpu.memory_space<hbm>>
    tpu.enqueue_indirect_dma source(%dma_start3A_60 : memref<128x128xf32, #tpu.memory_space<vmem>>) target(%dma_start3A_66 : memref<282624x128xf32, #tpu.memory_space<hbm>>) offsets(%dma_start3A_63 : memref<128xi32, #tpu.memory_space<vmem>>) semaphore(%arg8 : memref<!tpu.dma_semaphore, #tpu.memory_space<semaphore_mem>>)
    %dma_wait3A_67 = arith.constant 2 : i32
    %dma_wait3A_68 = arith.constant 0 : i32
    %dma_wait3A_69 = arith.constant 0 : i32
    %dma_wait3A_70 = tpu.memref_slice %arg7[%dma_wait3A_68, %dma_wait3A_69] : memref<256x128xf32, #tpu.memory_space<vmem>> -> memref<128x128xf32, #tpu.memory_space<vmem>>
    %dma_wait3A_71 = arith.constant 0 : i32
    %dma_wait3A_72 = tpu.memref_slice %arg6[%dma_wait3A_67, %dma_wait3A_71] : memref<10x128xi32, #tpu.memory_space<vmem>> -> memref<1x128xi32, #tpu.memory_space<vmem>>
    %dma_wait3A_73 = tpu.memref_squeeze %dma_wait3A_72 : memref<1x128xi32, #tpu.memory_space<vmem>> -> memref<128xi32, #tpu.memory_space<vmem>>
    %dma_wait3A_74 = arith.constant 0 : i32
    %dma_wait3A_75 = arith.constant 0 : i32
    %dma_wait3A_76 = tpu.memref_slice %arg4[%dma_wait3A_74, %dma_wait3A_75] : memref<282624x128xf32, #tpu.memory_space<hbm>> -> memref<282624x128xf32, #tpu.memory_space<hbm>>
    tpu.wait_indirect_dma semaphore(%arg8 : memref<!tpu.dma_semaphore, #tpu.memory_space<semaphore_mem>>) src(%dma_wait3A_70 : memref<128x128xf32, #tpu.memory_space<vmem>>) dst(%dma_wait3A_76 : memref<282624x128xf32, #tpu.memory_space<hbm>>)
    %dma_wait3A_77 = arith.constant 3 : i32
    %dma_wait3A_78 = arith.constant 128 : i32
    %dma_wait3A_79 = arith.constant 0 : i32
    %dma_wait3A_80 = tpu.memref_slice %arg7[%dma_wait3A_78, %dma_wait3A_79] : memref<256x128xf32, #tpu.memory_space<vmem>> -> memref<128x128xf32, #tpu.memory_space<vmem>>
    %dma_wait3A_81 = arith.constant 0 : i32
    %dma_wait3A_82 = tpu.memref_slice %arg6[%dma_wait3A_77, %dma_wait3A_81] : memref<10x128xi32, #tpu.memory_space<vmem>> -> memref<1x128xi32, #tpu.memory_space<vmem>>
    %dma_wait3A_83 = tpu.memref_squeeze %dma_wait3A_82 : memref<1x128xi32, #tpu.memory_space<vmem>> -> memref<128xi32, #tpu.memory_space<vmem>>
    %dma_wait3A_84 = arith.constant 0 : i32
    %dma_wait3A_85 = arith.constant 0 : i32
    %dma_wait3A_86 = tpu.memref_slice %arg4[%dma_wait3A_84, %dma_wait3A_85] : memref<282624x128xf32, #tpu.memory_space<hbm>> -> memref<282624x128xf32, #tpu.memory_space<hbm>>
    tpu.wait_indirect_dma semaphore(%arg8 : memref<!tpu.dma_semaphore, #tpu.memory_space<semaphore_mem>>) src(%dma_wait3A_80 : memref<128x128xf32, #tpu.memory_space<vmem>>) dst(%dma_wait3A_86 : memref<282624x128xf32, #tpu.memory_space<hbm>>)
    %mul3A_87 = arith.constant 1280 : i32
    %mul3A_88 = arith.muli %add3A, %mul3A_87 : i32
    %add3A_89 = arith.constant 512 : i32
    %add3A_90 = arith.addi %mul3A_88, %add3A_89 : i32
    "tpu.region"() ({
      %run_scoped3A = tpu.sem_alloc : memref<!tpu.dma_semaphore, #tpu.memory_space<semaphore_mem>>
      %dma_start3A_219 = arith.constant 0 : i32
      %dma_start3A_220 = tpu.memref_slice %arg2[%add3A_90, %dma_start3A_219] : memref<40960x128xf32, #tpu.memory_space<hbm>> -> memref<256x128xf32, #tpu.memory_space<hbm>>
      %dma_start3A_221 = arith.constant 0 : i32
      %dma_start3A_222 = tpu.memref_slice %arg2[%add3A_90, %dma_start3A_221] : memref<40960x128xf32, #tpu.memory_space<hbm>> -> memref<256x128xf32, #tpu.memory_space<hbm>>
      tpu.enqueue_dma source(%dma_start3A_222 : memref<256x128xf32, #tpu.memory_space<hbm>>) target(%arg7 : memref<256x128xf32, #tpu.memory_space<vmem>>) target_semaphore(%run_scoped3A : memref<!tpu.dma_semaphore, #tpu.memory_space<semaphore_mem>>)
      %dma_wait3A_223 = arith.constant 0 : i32
      %dma_wait3A_224 = tpu.memref_slice %arg2[%add3A_90, %dma_wait3A_223] : memref<40960x128xf32, #tpu.memory_space<hbm>> -> memref<256x128xf32, #tpu.memory_space<hbm>>
      %dma_wait3A_225 = arith.constant 0 : i32
      %dma_wait3A_226 = tpu.memref_slice %arg2[%add3A_90, %dma_wait3A_225] : memref<40960x128xf32, #tpu.memory_space<hbm>> -> memref<256x128xf32, #tpu.memory_space<hbm>>
      tpu.wait_dma2 semaphore(%run_scoped3A : memref<!tpu.dma_semaphore, #tpu.memory_space<semaphore_mem>>) src(%dma_wait3A_226 : memref<256x128xf32, #tpu.memory_space<hbm>>) dst(%arg7 : memref<256x128xf32, #tpu.memory_space<vmem>>)
      tpu.yield
    }) : () -> ()
    %dma_start3A_91 = arith.constant 4 : i32
    %dma_start3A_92 = arith.constant 0 : i32
    %dma_start3A_93 = arith.constant 0 : i32
    %dma_start3A_94 = tpu.memref_slice %arg7[%dma_start3A_92, %dma_start3A_93] : memref<256x128xf32, #tpu.memory_space<vmem>> -> memref<128x128xf32, #tpu.memory_space<vmem>>
    %dma_start3A_95 = arith.constant 0 : i32
    %dma_start3A_96 = tpu.memref_slice %arg6[%dma_start3A_91, %dma_start3A_95] : memref<10x128xi32, #tpu.memory_space<vmem>> -> memref<1x128xi32, #tpu.memory_space<vmem>>
    %dma_start3A_97 = tpu.memref_squeeze %dma_start3A_96 : memref<1x128xi32, #tpu.memory_space<vmem>> -> memref<128xi32, #tpu.memory_space<vmem>>
    %dma_start3A_98 = arith.constant 0 : i32
    %dma_start3A_99 = arith.constant 0 : i32
    %dma_start3A_100 = tpu.memref_slice %arg4[%dma_start3A_98, %dma_start3A_99] : memref<282624x128xf32, #tpu.memory_space<hbm>> -> memref<282624x128xf32, #tpu.memory_space<hbm>>
    tpu.enqueue_indirect_dma source(%dma_start3A_94 : memref<128x128xf32, #tpu.memory_space<vmem>>) target(%dma_start3A_100 : memref<282624x128xf32, #tpu.memory_space<hbm>>) offsets(%dma_start3A_97 : memref<128xi32, #tpu.memory_space<vmem>>) semaphore(%arg8 : memref<!tpu.dma_semaphore, #tpu.memory_space<semaphore_mem>>)
    %dma_start3A_101 = arith.constant 5 : i32
    %dma_start3A_102 = arith.constant 128 : i32
    %dma_start3A_103 = arith.constant 0 : i32
    %dma_start3A_104 = tpu.memref_slice %arg7[%dma_start3A_102, %dma_start3A_103] : memref<256x128xf32, #tpu.memory_space<vmem>> -> memref<128x128xf32, #tpu.memory_space<vmem>>
    %dma_start3A_105 = arith.constant 0 : i32
    %dma_start3A_106 = tpu.memref_slice %arg6[%dma_start3A_101, %dma_start3A_105] : memref<10x128xi32, #tpu.memory_space<vmem>> -> memref<1x128xi32, #tpu.memory_space<vmem>>
    %dma_start3A_107 = tpu.memref_squeeze %dma_start3A_106 : memref<1x128xi32, #tpu.memory_space<vmem>> -> memref<128xi32, #tpu.memory_space<vmem>>
    %dma_start3A_108 = arith.constant 0 : i32
    %dma_start3A_109 = arith.constant 0 : i32
    %dma_start3A_110 = tpu.memref_slice %arg4[%dma_start3A_108, %dma_start3A_109] : memref<282624x128xf32, #tpu.memory_space<hbm>> -> memref<282624x128xf32, #tpu.memory_space<hbm>>
    tpu.enqueue_indirect_dma source(%dma_start3A_104 : memref<128x128xf32, #tpu.memory_space<vmem>>) target(%dma_start3A_110 : memref<282624x128xf32, #tpu.memory_space<hbm>>) offsets(%dma_start3A_107 : memref<128xi32, #tpu.memory_space<vmem>>) semaphore(%arg8 : memref<!tpu.dma_semaphore, #tpu.memory_space<semaphore_mem>>)
    %dma_wait3A_111 = arith.constant 4 : i32
    %dma_wait3A_112 = arith.constant 0 : i32
    %dma_wait3A_113 = arith.constant 0 : i32
    %dma_wait3A_114 = tpu.memref_slice %arg7[%dma_wait3A_112, %dma_wait3A_113] : memref<256x128xf32, #tpu.memory_space<vmem>> -> memref<128x128xf32, #tpu.memory_space<vmem>>
    %dma_wait3A_115 = arith.constant 0 : i32
    %dma_wait3A_116 = tpu.memref_slice %arg6[%dma_wait3A_111, %dma_wait3A_115] : memref<10x128xi32, #tpu.memory_space<vmem>> -> memref<1x128xi32, #tpu.memory_space<vmem>>
    %dma_wait3A_117 = tpu.memref_squeeze %dma_wait3A_116 : memref<1x128xi32, #tpu.memory_space<vmem>> -> memref<128xi32, #tpu.memory_space<vmem>>
    %dma_wait3A_118 = arith.constant 0 : i32
    %dma_wait3A_119 = arith.constant 0 : i32
    %dma_wait3A_120 = tpu.memref_slice %arg4[%dma_wait3A_118, %dma_wait3A_119] : memref<282624x128xf32, #tpu.memory_space<hbm>> -> memref<282624x128xf32, #tpu.memory_space<hbm>>
    tpu.wait_indirect_dma semaphore(%arg8 : memref<!tpu.dma_semaphore, #tpu.memory_space<semaphore_mem>>) src(%dma_wait3A_114 : memref<128x128xf32, #tpu.memory_space<vmem>>) dst(%dma_wait3A_120 : memref<282624x128xf32, #tpu.memory_space<hbm>>)
    %dma_wait3A_121 = arith.constant 5 : i32
    %dma_wait3A_122 = arith.constant 128 : i32
    %dma_wait3A_123 = arith.constant 0 : i32
    %dma_wait3A_124 = tpu.memref_slice %arg7[%dma_wait3A_122, %dma_wait3A_123] : memref<256x128xf32, #tpu.memory_space<vmem>> -> memref<128x128xf32, #tpu.memory_space<vmem>>
    %dma_wait3A_125 = arith.constant 0 : i32
    %dma_wait3A_126 = tpu.memref_slice %arg6[%dma_wait3A_121, %dma_wait3A_125] : memref<10x128xi32, #tpu.memory_space<vmem>> -> memref<1x128xi32, #tpu.memory_space<vmem>>
    %dma_wait3A_127 = tpu.memref_squeeze %dma_wait3A_126 : memref<1x128xi32, #tpu.memory_space<vmem>> -> memref<128xi32, #tpu.memory_space<vmem>>
    %dma_wait3A_128 = arith.constant 0 : i32
    %dma_wait3A_129 = arith.constant 0 : i32
    %dma_wait3A_130 = tpu.memref_slice %arg4[%dma_wait3A_128, %dma_wait3A_129] : memref<282624x128xf32, #tpu.memory_space<hbm>> -> memref<282624x128xf32, #tpu.memory_space<hbm>>
    tpu.wait_indirect_dma semaphore(%arg8 : memref<!tpu.dma_semaphore, #tpu.memory_space<semaphore_mem>>) src(%dma_wait3A_124 : memref<128x128xf32, #tpu.memory_space<vmem>>) dst(%dma_wait3A_130 : memref<282624x128xf32, #tpu.memory_space<hbm>>)
    %mul3A_131 = arith.constant 1280 : i32
    %mul3A_132 = arith.muli %add3A, %mul3A_131 : i32
    %add3A_133 = arith.constant 768 : i32
    %add3A_134 = arith.addi %mul3A_132, %add3A_133 : i32
    "tpu.region"() ({
      %run_scoped3A = tpu.sem_alloc : memref<!tpu.dma_semaphore, #tpu.memory_space<semaphore_mem>>
      %dma_start3A_219 = arith.constant 0 : i32
      %dma_start3A_220 = tpu.memref_slice %arg2[%add3A_134, %dma_start3A_219] : memref<40960x128xf32, #tpu.memory_space<hbm>> -> memref<256x128xf32, #tpu.memory_space<hbm>>
      %dma_start3A_221 = arith.constant 0 : i32
      %dma_start3A_222 = tpu.memref_slice %arg2[%add3A_134, %dma_start3A_221] : memref<40960x128xf32, #tpu.memory_space<hbm>> -> memref<256x128xf32, #tpu.memory_space<hbm>>
      tpu.enqueue_dma source(%dma_start3A_222 : memref<256x128xf32, #tpu.memory_space<hbm>>) target(%arg7 : memref<256x128xf32, #tpu.memory_space<vmem>>) target_semaphore(%run_scoped3A : memref<!tpu.dma_semaphore, #tpu.memory_space<semaphore_mem>>)
      %dma_wait3A_223 = arith.constant 0 : i32
      %dma_wait3A_224 = tpu.memref_slice %arg2[%add3A_134, %dma_wait3A_223] : memref<40960x128xf32, #tpu.memory_space<hbm>> -> memref<256x128xf32, #tpu.memory_space<hbm>>
      %dma_wait3A_225 = arith.constant 0 : i32
      %dma_wait3A_226 = tpu.memref_slice %arg2[%add3A_134, %dma_wait3A_225] : memref<40960x128xf32, #tpu.memory_space<hbm>> -> memref<256x128xf32, #tpu.memory_space<hbm>>
      tpu.wait_dma2 semaphore(%run_scoped3A : memref<!tpu.dma_semaphore, #tpu.memory_space<semaphore_mem>>) src(%dma_wait3A_226 : memref<256x128xf32, #tpu.memory_space<hbm>>) dst(%arg7 : memref<256x128xf32, #tpu.memory_space<vmem>>)
      tpu.yield
    }) : () -> ()
    %dma_start3A_135 = arith.constant 6 : i32
    %dma_start3A_136 = arith.constant 0 : i32
    %dma_start3A_137 = arith.constant 0 : i32
    %dma_start3A_138 = tpu.memref_slice %arg7[%dma_start3A_136, %dma_start3A_137] : memref<256x128xf32, #tpu.memory_space<vmem>> -> memref<128x128xf32, #tpu.memory_space<vmem>>
    %dma_start3A_139 = arith.constant 0 : i32
    %dma_start3A_140 = tpu.memref_slice %arg6[%dma_start3A_135, %dma_start3A_139] : memref<10x128xi32, #tpu.memory_space<vmem>> -> memref<1x128xi32, #tpu.memory_space<vmem>>
    %dma_start3A_141 = tpu.memref_squeeze %dma_start3A_140 : memref<1x128xi32, #tpu.memory_space<vmem>> -> memref<128xi32, #tpu.memory_space<vmem>>
    %dma_start3A_142 = arith.constant 0 : i32
    %dma_start3A_143 = arith.constant 0 : i32
    %dma_start3A_144 = tpu.memref_slice %arg4[%dma_start3A_142, %dma_start3A_143] : memref<282624x128xf32, #tpu.memory_space<hbm>> -> memref<282624x128xf32, #tpu.memory_space<hbm>>
    tpu.enqueue_indirect_dma source(%dma_start3A_138 : memref<128x128xf32, #tpu.memory_space<vmem>>) target(%dma_start3A_144 : memref<282624x128xf32, #tpu.memory_space<hbm>>) offsets(%dma_start3A_141 : memref<128xi32, #tpu.memory_space<vmem>>) semaphore(%arg8 : memref<!tpu.dma_semaphore, #tpu.memory_space<semaphore_mem>>)
    %dma_start3A_145 = arith.constant 7 : i32
    %dma_start3A_146 = arith.constant 128 : i32
    %dma_start3A_147 = arith.constant 0 : i32
    %dma_start3A_148 = tpu.memref_slice %arg7[%dma_start3A_146, %dma_start3A_147] : memref<256x128xf32, #tpu.memory_space<vmem>> -> memref<128x128xf32, #tpu.memory_space<vmem>>
    %dma_start3A_149 = arith.constant 0 : i32
    %dma_start3A_150 = tpu.memref_slice %arg6[%dma_start3A_145, %dma_start3A_149] : memref<10x128xi32, #tpu.memory_space<vmem>> -> memref<1x128xi32, #tpu.memory_space<vmem>>
    %dma_start3A_151 = tpu.memref_squeeze %dma_start3A_150 : memref<1x128xi32, #tpu.memory_space<vmem>> -> memref<128xi32, #tpu.memory_space<vmem>>
    %dma_start3A_152 = arith.constant 0 : i32
    %dma_start3A_153 = arith.constant 0 : i32
    %dma_start3A_154 = tpu.memref_slice %arg4[%dma_start3A_152, %dma_start3A_153] : memref<282624x128xf32, #tpu.memory_space<hbm>> -> memref<282624x128xf32, #tpu.memory_space<hbm>>
    tpu.enqueue_indirect_dma source(%dma_start3A_148 : memref<128x128xf32, #tpu.memory_space<vmem>>) target(%dma_start3A_154 : memref<282624x128xf32, #tpu.memory_space<hbm>>) offsets(%dma_start3A_151 : memref<128xi32, #tpu.memory_space<vmem>>) semaphore(%arg8 : memref<!tpu.dma_semaphore, #tpu.memory_space<semaphore_mem>>)
    %dma_wait3A_155 = arith.constant 6 : i32
    %dma_wait3A_156 = arith.constant 0 : i32
    %dma_wait3A_157 = arith.constant 0 : i32
    %dma_wait3A_158 = tpu.memref_slice %arg7[%dma_wait3A_156, %dma_wait3A_157] : memref<256x128xf32, #tpu.memory_space<vmem>> -> memref<128x128xf32, #tpu.memory_space<vmem>>
    %dma_wait3A_159 = arith.constant 0 : i32
    %dma_wait3A_160 = tpu.memref_slice %arg6[%dma_wait3A_155, %dma_wait3A_159] : memref<10x128xi32, #tpu.memory_space<vmem>> -> memref<1x128xi32, #tpu.memory_space<vmem>>
    %dma_wait3A_161 = tpu.memref_squeeze %dma_wait3A_160 : memref<1x128xi32, #tpu.memory_space<vmem>> -> memref<128xi32, #tpu.memory_space<vmem>>
    %dma_wait3A_162 = arith.constant 0 : i32
    %dma_wait3A_163 = arith.constant 0 : i32
    %dma_wait3A_164 = tpu.memref_slice %arg4[%dma_wait3A_162, %dma_wait3A_163] : memref<282624x128xf32, #tpu.memory_space<hbm>> -> memref<282624x128xf32, #tpu.memory_space<hbm>>
    tpu.wait_indirect_dma semaphore(%arg8 : memref<!tpu.dma_semaphore, #tpu.memory_space<semaphore_mem>>) src(%dma_wait3A_158 : memref<128x128xf32, #tpu.memory_space<vmem>>) dst(%dma_wait3A_164 : memref<282624x128xf32, #tpu.memory_space<hbm>>)
    %dma_wait3A_165 = arith.constant 7 : i32
    %dma_wait3A_166 = arith.constant 128 : i32
    %dma_wait3A_167 = arith.constant 0 : i32
    %dma_wait3A_168 = tpu.memref_slice %arg7[%dma_wait3A_166, %dma_wait3A_167] : memref<256x128xf32, #tpu.memory_space<vmem>> -> memref<128x128xf32, #tpu.memory_space<vmem>>
    %dma_wait3A_169 = arith.constant 0 : i32
    %dma_wait3A_170 = tpu.memref_slice %arg6[%dma_wait3A_165, %dma_wait3A_169] : memref<10x128xi32, #tpu.memory_space<vmem>> -> memref<1x128xi32, #tpu.memory_space<vmem>>
    %dma_wait3A_171 = tpu.memref_squeeze %dma_wait3A_170 : memref<1x128xi32, #tpu.memory_space<vmem>> -> memref<128xi32, #tpu.memory_space<vmem>>
    %dma_wait3A_172 = arith.constant 0 : i32
    %dma_wait3A_173 = arith.constant 0 : i32
    %dma_wait3A_174 = tpu.memref_slice %arg4[%dma_wait3A_172, %dma_wait3A_173] : memref<282624x128xf32, #tpu.memory_space<hbm>> -> memref<282624x128xf32, #tpu.memory_space<hbm>>
    tpu.wait_indirect_dma semaphore(%arg8 : memref<!tpu.dma_semaphore, #tpu.memory_space<semaphore_mem>>) src(%dma_wait3A_168 : memref<128x128xf32, #tpu.memory_space<vmem>>) dst(%dma_wait3A_174 : memref<282624x128xf32, #tpu.memory_space<hbm>>)
    %mul3A_175 = arith.constant 1280 : i32
    %mul3A_176 = arith.muli %add3A, %mul3A_175 : i32
    %add3A_177 = arith.constant 1024 : i32
    %add3A_178 = arith.addi %mul3A_176, %add3A_177 : i32
    "tpu.region"() ({
      %run_scoped3A = tpu.sem_alloc : memref<!tpu.dma_semaphore, #tpu.memory_space<semaphore_mem>>
      %dma_start3A_219 = arith.constant 0 : i32
      %dma_start3A_220 = tpu.memref_slice %arg2[%add3A_178, %dma_start3A_219] : memref<40960x128xf32, #tpu.memory_space<hbm>> -> memref<256x128xf32, #tpu.memory_space<hbm>>
      %dma_start3A_221 = arith.constant 0 : i32
      %dma_start3A_222 = tpu.memref_slice %arg2[%add3A_178, %dma_start3A_221] : memref<40960x128xf32, #tpu.memory_space<hbm>> -> memref<256x128xf32, #tpu.memory_space<hbm>>
      tpu.enqueue_dma source(%dma_start3A_222 : memref<256x128xf32, #tpu.memory_space<hbm>>) target(%arg7 : memref<256x128xf32, #tpu.memory_space<vmem>>) target_semaphore(%run_scoped3A : memref<!tpu.dma_semaphore, #tpu.memory_space<semaphore_mem>>)
      %dma_wait3A_223 = arith.constant 0 : i32
      %dma_wait3A_224 = tpu.memref_slice %arg2[%add3A_178, %dma_wait3A_223] : memref<40960x128xf32, #tpu.memory_space<hbm>> -> memref<256x128xf32, #tpu.memory_space<hbm>>
      %dma_wait3A_225 = arith.constant 0 : i32
      %dma_wait3A_226 = tpu.memref_slice %arg2[%add3A_178, %dma_wait3A_225] : memref<40960x128xf32, #tpu.memory_space<hbm>> -> memref<256x128xf32, #tpu.memory_space<hbm>>
      tpu.wait_dma2 semaphore(%run_scoped3A : memref<!tpu.dma_semaphore, #tpu.memory_space<semaphore_mem>>) src(%dma_wait3A_226 : memref<256x128xf32, #tpu.memory_space<hbm>>) dst(%arg7 : memref<256x128xf32, #tpu.memory_space<vmem>>)
      tpu.yield
    }) : () -> ()
    %dma_start3A_179 = arith.constant 8 : i32
    %dma_start3A_180 = arith.constant 0 : i32
    %dma_start3A_181 = arith.constant 0 : i32
    %dma_start3A_182 = tpu.memref_slice %arg7[%dma_start3A_180, %dma_start3A_181] : memref<256x128xf32, #tpu.memory_space<vmem>> -> memref<128x128xf32, #tpu.memory_space<vmem>>
    %dma_start3A_183 = arith.constant 0 : i32
    %dma_start3A_184 = tpu.memref_slice %arg6[%dma_start3A_179, %dma_start3A_183] : memref<10x128xi32, #tpu.memory_space<vmem>> -> memref<1x128xi32, #tpu.memory_space<vmem>>
    %dma_start3A_185 = tpu.memref_squeeze %dma_start3A_184 : memref<1x128xi32, #tpu.memory_space<vmem>> -> memref<128xi32, #tpu.memory_space<vmem>>
    %dma_start3A_186 = arith.constant 0 : i32
    %dma_start3A_187 = arith.constant 0 : i32
    %dma_start3A_188 = tpu.memref_slice %arg4[%dma_start3A_186, %dma_start3A_187] : memref<282624x128xf32, #tpu.memory_space<hbm>> -> memref<282624x128xf32, #tpu.memory_space<hbm>>
    tpu.enqueue_indirect_dma source(%dma_start3A_182 : memref<128x128xf32, #tpu.memory_space<vmem>>) target(%dma_start3A_188 : memref<282624x128xf32, #tpu.memory_space<hbm>>) offsets(%dma_start3A_185 : memref<128xi32, #tpu.memory_space<vmem>>) semaphore(%arg8 : memref<!tpu.dma_semaphore, #tpu.memory_space<semaphore_mem>>)
    %dma_start3A_189 = arith.constant 9 : i32
    %dma_start3A_190 = arith.constant 128 : i32
    %dma_start3A_191 = arith.constant 0 : i32
    %dma_start3A_192 = tpu.memref_slice %arg7[%dma_start3A_190, %dma_start3A_191] : memref<256x128xf32, #tpu.memory_space<vmem>> -> memref<128x128xf32, #tpu.memory_space<vmem>>
    %dma_start3A_193 = arith.constant 0 : i32
    %dma_start3A_194 = tpu.memref_slice %arg6[%dma_start3A_189, %dma_start3A_193] : memref<10x128xi32, #tpu.memory_space<vmem>> -> memref<1x128xi32, #tpu.memory_space<vmem>>
    %dma_start3A_195 = tpu.memref_squeeze %dma_start3A_194 : memref<1x128xi32, #tpu.memory_space<vmem>> -> memref<128xi32, #tpu.memory_space<vmem>>
    %dma_start3A_196 = arith.constant 0 : i32
    %dma_start3A_197 = arith.constant 0 : i32
    %dma_start3A_198 = tpu.memref_slice %arg4[%dma_start3A_196, %dma_start3A_197] : memref<282624x128xf32, #tpu.memory_space<hbm>> -> memref<282624x128xf32, #tpu.memory_space<hbm>>
    tpu.enqueue_indirect_dma source(%dma_start3A_192 : memref<128x128xf32, #tpu.memory_space<vmem>>) target(%dma_start3A_198 : memref<282624x128xf32, #tpu.memory_space<hbm>>) offsets(%dma_start3A_195 : memref<128xi32, #tpu.memory_space<vmem>>) semaphore(%arg8 : memref<!tpu.dma_semaphore, #tpu.memory_space<semaphore_mem>>)
    %dma_wait3A_199 = arith.constant 8 : i32
    %dma_wait3A_200 = arith.constant 0 : i32
    %dma_wait3A_201 = arith.constant 0 : i32
    %dma_wait3A_202 = tpu.memref_slice %arg7[%dma_wait3A_200, %dma_wait3A_201] : memref<256x128xf32, #tpu.memory_space<vmem>> -> memref<128x128xf32, #tpu.memory_space<vmem>>
    %dma_wait3A_203 = arith.constant 0 : i32
    %dma_wait3A_204 = tpu.memref_slice %arg6[%dma_wait3A_199, %dma_wait3A_203] : memref<10x128xi32, #tpu.memory_space<vmem>> -> memref<1x128xi32, #tpu.memory_space<vmem>>
    %dma_wait3A_205 = tpu.memref_squeeze %dma_wait3A_204 : memref<1x128xi32, #tpu.memory_space<vmem>> -> memref<128xi32, #tpu.memory_space<vmem>>
    %dma_wait3A_206 = arith.constant 0 : i32
    %dma_wait3A_207 = arith.constant 0 : i32
    %dma_wait3A_208 = tpu.memref_slice %arg4[%dma_wait3A_206, %dma_wait3A_207] : memref<282624x128xf32, #tpu.memory_space<hbm>> -> memref<282624x128xf32, #tpu.memory_space<hbm>>
    tpu.wait_indirect_dma semaphore(%arg8 : memref<!tpu.dma_semaphore, #tpu.memory_space<semaphore_mem>>) src(%dma_wait3A_202 : memref<128x128xf32, #tpu.memory_space<vmem>>) dst(%dma_wait3A_208 : memref<282624x128xf32, #tpu.memory_space<hbm>>)
    %dma_wait3A_209 = arith.constant 9 : i32
    %dma_wait3A_210 = arith.constant 128 : i32
    %dma_wait3A_211 = arith.constant 0 : i32
    %dma_wait3A_212 = tpu.memref_slice %arg7[%dma_wait3A_210, %dma_wait3A_211] : memref<256x128xf32, #tpu.memory_space<vmem>> -> memref<128x128xf32, #tpu.memory_space<vmem>>
    %dma_wait3A_213 = arith.constant 0 : i32
    %dma_wait3A_214 = tpu.memref_slice %arg6[%dma_wait3A_209, %dma_wait3A_213] : memref<10x128xi32, #tpu.memory_space<vmem>> -> memref<1x128xi32, #tpu.memory_space<vmem>>
    %dma_wait3A_215 = tpu.memref_squeeze %dma_wait3A_214 : memref<1x128xi32, #tpu.memory_space<vmem>> -> memref<128xi32, #tpu.memory_space<vmem>>
    %dma_wait3A_216 = arith.constant 0 : i32
    %dma_wait3A_217 = arith.constant 0 : i32
    %dma_wait3A_218 = tpu.memref_slice %arg4[%dma_wait3A_216, %dma_wait3A_217] : memref<282624x128xf32, #tpu.memory_space<hbm>> -> memref<282624x128xf32, #tpu.memory_space<hbm>>
    tpu.wait_indirect_dma semaphore(%arg8 : memref<!tpu.dma_semaphore, #tpu.memory_space<semaphore_mem>>) src(%dma_wait3A_212 : memref<128x128xf32, #tpu.memory_space<vmem>>) dst(%dma_wait3A_218 : memref<282624x128xf32, #tpu.memory_space<hbm>>)
    return
  }
}

module attributes {stable_mosaic.version = 14 : i64} {
  func.func @body(%arg0: i32, %arg1: memref<1x4x6890xf32, #tpu.memory_space<vmem>>, %arg2: memref<1x4x6890xf32, #tpu.memory_space<vmem>>, %arg3: memref<1x4x6890xf32, #tpu.memory_space<vmem>>, %arg4: memref<1x1x6890xf32, #tpu.memory_space<vmem>>, %arg5: memref<1x1x6890xf32, #tpu.memory_space<vmem>>, %arg6: memref<1x1x6890xf32, #tpu.memory_space<vmem>>, %arg7: memref<16x108xf32, #tpu.memory_space<vmem>>, %arg8: memref<1x16x6890xf32, #tpu.memory_space<vmem>>, %arg9: memref<1x1x6890xf32, #tpu.memory_space<vmem>>, %arg10: memref<128x8xf32, #tpu.memory_space<vmem>>) attributes {dimension_semantics = [#tpu.dimension_semantics<arbitrary>], iteration_bounds = array<i64: 41>, scalar_prefetch = 0 : i64, scratch_operands = 0 : i64, tpu.core_type = #tpu.core_type<tc>, window_params = [{transform_indices = @transform_0, window_bounds = array<i64: 1, 4, 6890>}, {transform_indices = @transform_1, window_bounds = array<i64: 1, 4, 6890>}, {transform_indices = @transform_2, window_bounds = array<i64: 1, 4, 6890>}, {transform_indices = @transform_3, window_bounds = array<i64: 1, 1, 6890>}, {transform_indices = @transform_4, window_bounds = array<i64: 1, 1, 6890>}, {transform_indices = @transform_5, window_bounds = array<i64: 1, 1, 6890>}, {pipeline_mode = #tpu.pipeline_mode<synchronous>, transform_indices = @transform_6, window_bounds = array<i64: 16, 108>}, {transform_indices = @transform_7, window_bounds = array<i64: 1, 16, 6890>}, {transform_indices = @transform_8, window_bounds = array<i64: 1, 1, 6890>}, {pipeline_mode = #tpu.pipeline_mode<synchronous>, transform_indices = @transform_9, window_bounds = array<i64: 128, 8>}]} {
    %mul3A = arith.constant 1 : i32
    %mul3A_0 = arith.muli %mul3A, %arg0 : i32
    %add3A = arith.constant -1 : i32
    %add3A_1 = arith.addi %mul3A_0, %add3A : i32
    %add3A_2 = arith.constant 0 : i32
    %add3A_3 = arith.addi %add3A_1, %add3A_2 : i32
    %ge3A = arith.constant 0 : i32
    %ge3A_4 = arith.cmpi sge, %add3A_3, %ge3A : i32
    %lt3A = arith.constant 41 : i32
    %lt3A_5 = arith.cmpi slt, %add3A_3, %lt3A : i32
    %and3A = arith.andi %ge3A_4, %lt3A_5 : i1
    %jit3A = arith.constant 1.000000e+00 : f32
    %jit3A_6 = arith.constant 0.000000e+00 : f32
    %select_n3A = arith.select %and3A, %jit3A, %jit3A_6 : f32
    %get3A = arith.constant 0 : index
    %get3A_7 = arith.constant 0 : index
    %get3A_8 = arith.constant 0 : index
    %get3A_9 = vector.load %arg1[%get3A, %get3A_7, %get3A_8] : memref<1x4x6890xf32, #tpu.memory_space<vmem>>, vector<1x4x6890xf32>
    %get3A_10 = vector.shape_cast %get3A_9 : vector<1x4x6890xf32> to vector<4x6890xf32>
    %mul3A_11 = vector.broadcast %select_n3A : f32 to vector<4x6890xf32>
    %mul3A_12 = arith.mulf %get3A_10, %mul3A_11 : vector<4x6890xf32>
    %slice3A = vector.extract_strided_slice %mul3A_12 {offsets = [0, 0], sizes = [4, 6724], strides = [1, 1]} : vector<4x6890xf32> to vector<4x6724xf32>
    %slice3A_13 = vector.extract_strided_slice %mul3A_12 {offsets = [0, 1], sizes = [4, 6724], strides = [1, 1]} : vector<4x6890xf32> to vector<4x6724xf32>
    %slice3A_14 = vector.extract_strided_slice %mul3A_12 {offsets = [0, 2], sizes = [4, 6724], strides = [1, 1]} : vector<4x6890xf32> to vector<4x6724xf32>
    %slice3A_15 = vector.extract_strided_slice %mul3A_12 {offsets = [0, 82], sizes = [4, 6724], strides = [1, 1]} : vector<4x6890xf32> to vector<4x6724xf32>
    %slice3A_16 = vector.extract_strided_slice %mul3A_12 {offsets = [0, 83], sizes = [4, 6724], strides = [1, 1]} : vector<4x6890xf32> to vector<4x6724xf32>
    %slice3A_17 = vector.extract_strided_slice %mul3A_12 {offsets = [0, 84], sizes = [4, 6724], strides = [1, 1]} : vector<4x6890xf32> to vector<4x6724xf32>
    %slice3A_18 = vector.extract_strided_slice %mul3A_12 {offsets = [0, 164], sizes = [4, 6724], strides = [1, 1]} : vector<4x6890xf32> to vector<4x6724xf32>
    %slice3A_19 = vector.extract_strided_slice %mul3A_12 {offsets = [0, 165], sizes = [4, 6724], strides = [1, 1]} : vector<4x6890xf32> to vector<4x6724xf32>
    %slice3A_20 = vector.extract_strided_slice %mul3A_12 {offsets = [0, 166], sizes = [4, 6724], strides = [1, 1]} : vector<4x6890xf32> to vector<4x6724xf32>
    %mul3A_21 = arith.constant 1 : i32
    %mul3A_22 = arith.muli %mul3A_21, %arg0 : i32
    %add3A_23 = arith.constant -1 : i32
    %add3A_24 = arith.addi %mul3A_22, %add3A_23 : i32
    %add3A_25 = arith.constant 1 : i32
    %add3A_26 = arith.addi %add3A_24, %add3A_25 : i32
    %ge3A_27 = arith.constant 0 : i32
    %ge3A_28 = arith.cmpi sge, %add3A_26, %ge3A_27 : i32
    %lt3A_29 = arith.constant 41 : i32
    %lt3A_30 = arith.cmpi slt, %add3A_26, %lt3A_29 : i32
    %and3A_31 = arith.andi %ge3A_28, %lt3A_30 : i1
    %jit3A_32 = arith.constant 1.000000e+00 : f32
    %jit3A_33 = arith.constant 0.000000e+00 : f32
    %select_n3A_34 = arith.select %and3A_31, %jit3A_32, %jit3A_33 : f32
    %get3A_35 = arith.constant 0 : index
    %get3A_36 = arith.constant 0 : index
    %get3A_37 = arith.constant 0 : index
    %get3A_38 = vector.load %arg5[%get3A_35, %get3A_36, %get3A_37] : memref<1x1x6890xf32, #tpu.memory_space<vmem>>, vector<1x1x6890xf32>
    %get3A_39 = vector.shape_cast %get3A_38 : vector<1x1x6890xf32> to vector<1x6890xf32>
    %get3A_40 = arith.constant 0 : index
    %get3A_41 = arith.constant 0 : index
    %get3A_42 = arith.constant 0 : index
    %get3A_43 = vector.load %arg2[%get3A_40, %get3A_41, %get3A_42] : memref<1x4x6890xf32, #tpu.memory_space<vmem>>, vector<1x4x6890xf32>
    %get3A_44 = vector.shape_cast %get3A_43 : vector<1x4x6890xf32> to vector<4x6890xf32>
    %mul3A_45 = vector.broadcast %select_n3A_34 : f32 to vector<4x6890xf32>
    %mul3A_46 = arith.mulf %get3A_44, %mul3A_45 : vector<4x6890xf32>
    %slice3A_47 = vector.extract_strided_slice %mul3A_46 {offsets = [0, 0], sizes = [4, 6724], strides = [1, 1]} : vector<4x6890xf32> to vector<4x6724xf32>
    %slice3A_48 = vector.extract_strided_slice %mul3A_46 {offsets = [0, 1], sizes = [4, 6724], strides = [1, 1]} : vector<4x6890xf32> to vector<4x6724xf32>
    %slice3A_49 = vector.extract_strided_slice %mul3A_46 {offsets = [0, 2], sizes = [4, 6724], strides = [1, 1]} : vector<4x6890xf32> to vector<4x6724xf32>
    %slice3A_50 = vector.extract_strided_slice %mul3A_46 {offsets = [0, 82], sizes = [4, 6724], strides = [1, 1]} : vector<4x6890xf32> to vector<4x6724xf32>
    %slice3A_51 = vector.extract_strided_slice %mul3A_46 {offsets = [0, 83], sizes = [4, 6724], strides = [1, 1]} : vector<4x6890xf32> to vector<4x6724xf32>
    %slice3A_52 = vector.extract_strided_slice %mul3A_46 {offsets = [0, 84], sizes = [4, 6724], strides = [1, 1]} : vector<4x6890xf32> to vector<4x6724xf32>
    %slice3A_53 = vector.extract_strided_slice %mul3A_46 {offsets = [0, 164], sizes = [4, 6724], strides = [1, 1]} : vector<4x6890xf32> to vector<4x6724xf32>
    %slice3A_54 = vector.extract_strided_slice %mul3A_46 {offsets = [0, 165], sizes = [4, 6724], strides = [1, 1]} : vector<4x6890xf32> to vector<4x6724xf32>
    %slice3A_55 = vector.extract_strided_slice %mul3A_46 {offsets = [0, 166], sizes = [4, 6724], strides = [1, 1]} : vector<4x6890xf32> to vector<4x6724xf32>
    %mul3A_56 = arith.constant 1 : i32
    %mul3A_57 = arith.muli %mul3A_56, %arg0 : i32
    %add3A_58 = arith.constant -1 : i32
    %add3A_59 = arith.addi %mul3A_57, %add3A_58 : i32
    %add3A_60 = arith.constant 2 : i32
    %add3A_61 = arith.addi %add3A_59, %add3A_60 : i32
    %ge3A_62 = arith.constant 0 : i32
    %ge3A_63 = arith.cmpi sge, %add3A_61, %ge3A_62 : i32
    %lt3A_64 = arith.constant 41 : i32
    %lt3A_65 = arith.cmpi slt, %add3A_61, %lt3A_64 : i32
    %and3A_66 = arith.andi %ge3A_63, %lt3A_65 : i1
    %jit3A_67 = arith.constant 1.000000e+00 : f32
    %jit3A_68 = arith.constant 0.000000e+00 : f32
    %select_n3A_69 = arith.select %and3A_66, %jit3A_67, %jit3A_68 : f32
    %get3A_70 = arith.constant 0 : index
    %get3A_71 = arith.constant 0 : index
    %get3A_72 = arith.constant 0 : index
    %get3A_73 = vector.load %arg3[%get3A_70, %get3A_71, %get3A_72] : memref<1x4x6890xf32, #tpu.memory_space<vmem>>, vector<1x4x6890xf32>
    %get3A_74 = vector.shape_cast %get3A_73 : vector<1x4x6890xf32> to vector<4x6890xf32>
    %mul3A_75 = vector.broadcast %select_n3A_69 : f32 to vector<4x6890xf32>
    %mul3A_76 = arith.mulf %get3A_74, %mul3A_75 : vector<4x6890xf32>
    %slice3A_77 = vector.extract_strided_slice %mul3A_76 {offsets = [0, 0], sizes = [4, 6724], strides = [1, 1]} : vector<4x6890xf32> to vector<4x6724xf32>
    %slice3A_78 = vector.extract_strided_slice %mul3A_76 {offsets = [0, 1], sizes = [4, 6724], strides = [1, 1]} : vector<4x6890xf32> to vector<4x6724xf32>
    %slice3A_79 = vector.extract_strided_slice %mul3A_76 {offsets = [0, 2], sizes = [4, 6724], strides = [1, 1]} : vector<4x6890xf32> to vector<4x6724xf32>
    %slice3A_80 = vector.extract_strided_slice %mul3A_76 {offsets = [0, 82], sizes = [4, 6724], strides = [1, 1]} : vector<4x6890xf32> to vector<4x6724xf32>
    %slice3A_81 = vector.extract_strided_slice %mul3A_76 {offsets = [0, 83], sizes = [4, 6724], strides = [1, 1]} : vector<4x6890xf32> to vector<4x6724xf32>
    %slice3A_82 = vector.extract_strided_slice %mul3A_76 {offsets = [0, 84], sizes = [4, 6724], strides = [1, 1]} : vector<4x6890xf32> to vector<4x6724xf32>
    %slice3A_83 = vector.extract_strided_slice %mul3A_76 {offsets = [0, 164], sizes = [4, 6724], strides = [1, 1]} : vector<4x6890xf32> to vector<4x6724xf32>
    %slice3A_84 = vector.extract_strided_slice %mul3A_76 {offsets = [0, 165], sizes = [4, 6724], strides = [1, 1]} : vector<4x6890xf32> to vector<4x6724xf32>
    %slice3A_85 = vector.extract_strided_slice %mul3A_76 {offsets = [0, 166], sizes = [4, 6724], strides = [1, 1]} : vector<4x6890xf32> to vector<4x6724xf32>
    %concatenate3A = tpu.concatenate %slice3A, %slice3A_13, %slice3A_14, %slice3A_15, %slice3A_16, %slice3A_17, %slice3A_18, %slice3A_19, %slice3A_20, %slice3A_47, %slice3A_48, %slice3A_49, %slice3A_50, %slice3A_51, %slice3A_52, %slice3A_53, %slice3A_54, %slice3A_55, %slice3A_77, %slice3A_78, %slice3A_79, %slice3A_80, %slice3A_81, %slice3A_82, %slice3A_83, %slice3A_84, %slice3A_85 in 0 : vector<4x6724xf32>, vector<4x6724xf32>, vector<4x6724xf32>, vector<4x6724xf32>, vector<4x6724xf32>, vector<4x6724xf32>, vector<4x6724xf32>, vector<4x6724xf32>, vector<4x6724xf32>, vector<4x6724xf32>, vector<4x6724xf32>, vector<4x6724xf32>, vector<4x6724xf32>, vector<4x6724xf32>, vector<4x6724xf32>, vector<4x6724xf32>, vector<4x6724xf32>, vector<4x6724xf32>, vector<4x6724xf32>, vector<4x6724xf32>, vector<4x6724xf32>, vector<4x6724xf32>, vector<4x6724xf32>, vector<4x6724xf32>, vector<4x6724xf32>, vector<4x6724xf32>, vector<4x6724xf32> -> vector<108x6724xf32>
    %get3A_86 = arith.constant 0 : index
    %get3A_87 = arith.constant 0 : index
    %get3A_88 = vector.load %arg7[%get3A_86, %get3A_87] : memref<16x108xf32, #tpu.memory_space<vmem>>, vector<16x108xf32>
    %dot_general3A = arith.constant dense<0.000000e+00> : vector<16x6724xf32>
    %dot_general3A_89 = tpu.matmul %get3A_88, %concatenate3A, %dot_general3A {dimension_numbers = #tpu.dot_dimension_numbers<[1], [0], [0], [1], [0, 0, 1, 1], [], []>, transpose_lhs_hint = false} : vector<16x108xf32>, vector<108x6724xf32>, vector<16x6724xf32> -> vector<16x6724xf32>
    %slice3A_90 = vector.extract_strided_slice %get3A_39 {offsets = [0, 83], sizes = [1, 6724], strides = [1, 1]} : vector<1x6890xf32> to vector<1x6724xf32>
    %broadcast_in_dim3A = arith.constant 0.000000e+00 : f32
    %broadcast_in_dim3A_91 = vector.broadcast %broadcast_in_dim3A : f32 to vector<16x83xf32>
    %concatenate3A_92 = tpu.concatenate %broadcast_in_dim3A_91, %dot_general3A_89, %broadcast_in_dim3A_91 in 1 : vector<16x83xf32>, vector<16x6724xf32>, vector<16x83xf32> -> vector<16x6890xf32>
    %swap3A = arith.constant 0 : index
    %swap3A_93 = arith.constant 0 : index
    %swap3A_94 = arith.constant 0 : index
    %swap3A_95 = vector.load %arg8[%swap3A, %swap3A_93, %swap3A_94] : memref<1x16x6890xf32, #tpu.memory_space<vmem>>, vector<1x16x6890xf32>
    %swap3A_96 = vector.shape_cast %swap3A_95 : vector<1x16x6890xf32> to vector<16x6890xf32>
    %swap3A_97 = vector.shape_cast %concatenate3A_92 : vector<16x6890xf32> to vector<1x16x6890xf32>
    tpu.vector_store %arg8[%swap3A, %swap3A_93, %swap3A_94], %swap3A_97 {strides = array<i32>} : memref<1x16x6890xf32, #tpu.memory_space<vmem>>, vector<1x16x6890xf32>,
    %swap3A_98 = arith.constant 0 : index
    %swap3A_99 = arith.constant 0 : index
    %swap3A_100 = arith.constant 0 : index
    %swap3A_101 = vector.load %arg9[%swap3A_98, %swap3A_99, %swap3A_100] : memref<1x1x6890xf32, #tpu.memory_space<vmem>>, vector<1x1x6890xf32>
    %swap3A_102 = vector.shape_cast %swap3A_101 : vector<1x1x6890xf32> to vector<1x6890xf32>
    %swap3A_103 = vector.shape_cast %get3A_39 : vector<1x6890xf32> to vector<1x1x6890xf32>
    tpu.vector_store %arg9[%swap3A_98, %swap3A_99, %swap3A_100], %swap3A_103 {strides = array<i32>} : memref<1x1x6890xf32, #tpu.memory_space<vmem>>, vector<1x1x6890xf32>,
    %mul3A_104 = vector.broadcast %slice3A_90 : vector<1x6724xf32> to vector<16x6724xf32>
    %mul3A_105 = arith.mulf %dot_general3A_89, %mul3A_104 : vector<16x6724xf32>
    %reduce_sum3A = arith.constant dense<0.000000e+00> : vector<16xf32>
    %reduce_sum3A_106 = vector.multi_reduction <add>, %mul3A_105, %reduce_sum3A [1] : vector<16x6724xf32> to vector<16xf32>
    %broadcast_in_dim3A_107 = vector.shape_cast %reduce_sum3A_106 : vector<16xf32> to vector<16x1xf32>
    %mul3A_108 = arith.mulf %dot_general3A_89, %dot_general3A_89 : vector<16x6724xf32>
    %mul3A_109 = vector.broadcast %slice3A_90 : vector<1x6724xf32> to vector<16x6724xf32>
    %mul3A_110 = arith.mulf %mul3A_108, %mul3A_109 : vector<16x6724xf32>
    %reduce_sum3A_111 = arith.constant dense<0.000000e+00> : vector<16xf32>
    %reduce_sum3A_112 = vector.multi_reduction <add>, %mul3A_110, %reduce_sum3A_111 [1] : vector<16x6724xf32> to vector<16xf32>
    %broadcast_in_dim3A_113 = vector.shape_cast %reduce_sum3A_112 : vector<16xf32> to vector<16x1xf32>
    %broadcast_in_dim3A_114 = arith.constant 0.000000e+00 : f32
    %broadcast_in_dim3A_115 = vector.broadcast %broadcast_in_dim3A_114 : f32 to vector<16x1xf32>
    %reduce_sum3A_116 = vector.shape_cast %slice3A_90 : vector<1x6724xf32> to vector<1x1x6724xf32>
    %reduce_sum3A_117 = arith.constant dense<0.000000e+00> : vector<1xf32>
    %reduce_sum3A_118 = vector.multi_reduction <add>, %reduce_sum3A_116, %reduce_sum3A_117 [1, 2] : vector<1x1x6724xf32> to vector<1xf32>
    %reduce_sum3A_119 = vector.shape_cast %reduce_sum3A_118 : vector<1xf32> to vector<1x1x1xf32>
    %reduce_sum3A_120 = vector.extract %reduce_sum3A_119[0, 0, 0] : f32 from vector<1x1x1xf32>
    %add3A_121 = vector.broadcast %reduce_sum3A_120 : f32 to vector<16x1xf32>
    %add3A_122 = arith.addf %broadcast_in_dim3A_115, %add3A_121 : vector<16x1xf32>
    %broadcast_in_dim3A_123 = arith.constant 0.000000e+00 : f32
    %broadcast_in_dim3A_124 = vector.broadcast %broadcast_in_dim3A_123 : f32 to vector<16x5xf32>
    %concatenate3A_125 = tpu.concatenate %broadcast_in_dim3A_107, %broadcast_in_dim3A_113, %add3A_122, %broadcast_in_dim3A_124 in 1 : vector<16x1xf32>, vector<16x1xf32>, vector<16x1xf32>, vector<16x5xf32> -> vector<16x8xf32>
    %broadcast_in_dim3A_126 = arith.constant 0.000000e+00 : f32
    %broadcast_in_dim3A_127 = vector.broadcast %broadcast_in_dim3A_126 : f32 to vector<112x8xf32>
    %concatenate3A_128 = tpu.concatenate %concatenate3A_125, %broadcast_in_dim3A_127 in 0 : vector<16x8xf32>, vector<112x8xf32> -> vector<128x8xf32>
    %eq3A = arith.constant 0 : i32
    %eq3A_129 = arith.cmpi eq, %arg0, %eq3A : i32
    %convert_element_type3A = arith.extui %eq3A_129 : i1 to i32
    %cond3A = arith.constant 0 : i32
    %cond3A_130 = arith.cmpi ne, %convert_element_type3A, %cond3A : i32
    scf.if %cond3A_130 {
      %swap3A_135 = arith.constant 0 : index
      %swap3A_136 = arith.constant 0 : index
      %swap3A_137 = vector.load %arg10[%swap3A_135, %swap3A_136] : memref<128x8xf32, #tpu.memory_space<vmem>>, vector<128x8xf32>
      tpu.vector_store %arg10[%swap3A_135, %swap3A_136], %concatenate3A_128 {strides = array<i32>} : memref<128x8xf32, #tpu.memory_space<vmem>>, vector<128x8xf32>,
    } else {
    }
    %ne3A = arith.constant 0 : i32
    %ne3A_131 = arith.cmpi ne, %arg0, %ne3A : i32
    %convert_element_type3A_132 = arith.extui %ne3A_131 : i1 to i32
    %cond3A_133 = arith.constant 0 : i32
    %cond3A_134 = arith.cmpi ne, %convert_element_type3A_132, %cond3A_133 : i32
    scf.if %cond3A_134 {
      %get3A_135 = arith.constant 0 : index
      %get3A_136 = arith.constant 0 : index
      %get3A_137 = vector.load %arg10[%get3A_135, %get3A_136] : memref<128x8xf32, #tpu.memory_space<vmem>>, vector<128x8xf32>
      %add3A_138 = arith.addf %get3A_137, %concatenate3A_128 : vector<128x8xf32>
      %swap3A_139 = arith.constant 0 : index
      %swap3A_140 = arith.constant 0 : index
      %swap3A_141 = vector.load %arg10[%swap3A_139, %swap3A_140] : memref<128x8xf32, #tpu.memory_space<vmem>>, vector<128x8xf32>
      tpu.vector_store %arg10[%swap3A_139, %swap3A_140], %add3A_138 {strides = array<i32>} : memref<128x8xf32, #tpu.memory_space<vmem>>, vector<128x8xf32>,
    } else {
    }
    return
  }
  func.func @transform_0(%arg0: i32) -> (i32, i32, i32) {
    %mul3A = arith.constant 1 : i32
    %mul3A_0 = arith.muli %mul3A, %arg0 : i32
    %add3A = arith.constant -1 : i32
    %add3A_1 = arith.addi %mul3A_0, %add3A : i32
    %add3A_2 = arith.constant 0 : i32
    %add3A_3 = arith.addi %add3A_1, %add3A_2 : i32
    %jit3A = arith.constant 0 : i32
    %jit3A_4 = arith.constant 40 : i32
    %max3A = arith.maxsi %jit3A, %add3A_3 : i32
    %min3A = arith.minsi %jit3A_4, %max3A : i32
    %c0_i32 = arith.constant 0 : i32
    %c0_i32_5 = arith.constant 0 : i32
    %c0_i32_6 = arith.constant 0 : i32
    return %min3A, %c0_i32, %c0_i32_5 : i32, i32, i32
  }
  func.func @transform_1(%arg0: i32) -> (i32, i32, i32) {
    %mul3A = arith.constant 1 : i32
    %mul3A_0 = arith.muli %mul3A, %arg0 : i32
    %add3A = arith.constant -1 : i32
    %add3A_1 = arith.addi %mul3A_0, %add3A : i32
    %add3A_2 = arith.constant 1 : i32
    %add3A_3 = arith.addi %add3A_1, %add3A_2 : i32
    %jit3A = arith.constant 0 : i32
    %jit3A_4 = arith.constant 40 : i32
    %max3A = arith.maxsi %jit3A, %add3A_3 : i32
    %min3A = arith.minsi %jit3A_4, %max3A : i32
    %c0_i32 = arith.constant 0 : i32
    %c0_i32_5 = arith.constant 0 : i32
    %c0_i32_6 = arith.constant 0 : i32
    return %min3A, %c0_i32, %c0_i32_5 : i32, i32, i32
  }
  func.func @transform_2(%arg0: i32) -> (i32, i32, i32) {
    %mul3A = arith.constant 1 : i32
    %mul3A_0 = arith.muli %mul3A, %arg0 : i32
    %add3A = arith.constant -1 : i32
    %add3A_1 = arith.addi %mul3A_0, %add3A : i32
    %add3A_2 = arith.constant 2 : i32
    %add3A_3 = arith.addi %add3A_1, %add3A_2 : i32
    %jit3A = arith.constant 0 : i32
    %jit3A_4 = arith.constant 40 : i32
    %max3A = arith.maxsi %jit3A, %add3A_3 : i32
    %min3A = arith.minsi %jit3A_4, %max3A : i32
    %c0_i32 = arith.constant 0 : i32
    %c0_i32_5 = arith.constant 0 : i32
    %c0_i32_6 = arith.constant 0 : i32
    return %min3A, %c0_i32, %c0_i32_5 : i32, i32, i32
  }
  func.func @transform_3(%arg0: i32) -> (i32, i32, i32) {
    %mul3A = arith.constant 1 : i32
    %mul3A_0 = arith.muli %mul3A, %arg0 : i32
    %add3A = arith.constant -1 : i32
    %add3A_1 = arith.addi %mul3A_0, %add3A : i32
    %add3A_2 = arith.constant 0 : i32
    %add3A_3 = arith.addi %add3A_1, %add3A_2 : i32
    %jit3A = arith.constant 0 : i32
    %jit3A_4 = arith.constant 40 : i32
    %max3A = arith.maxsi %jit3A, %add3A_3 : i32
    %min3A = arith.minsi %jit3A_4, %max3A : i32
    %c0_i32 = arith.constant 0 : i32
    %c0_i32_5 = arith.constant 0 : i32
    %c0_i32_6 = arith.constant 0 : i32
    return %min3A, %c0_i32, %c0_i32_5 : i32, i32, i32
  }
  func.func @transform_4(%arg0: i32) -> (i32, i32, i32) {
    %mul3A = arith.constant 1 : i32
    %mul3A_0 = arith.muli %mul3A, %arg0 : i32
    %add3A = arith.constant -1 : i32
    %add3A_1 = arith.addi %mul3A_0, %add3A : i32
    %add3A_2 = arith.constant 1 : i32
    %add3A_3 = arith.addi %add3A_1, %add3A_2 : i32
    %jit3A = arith.constant 0 : i32
    %jit3A_4 = arith.constant 40 : i32
    %max3A = arith.maxsi %jit3A, %add3A_3 : i32
    %min3A = arith.minsi %jit3A_4, %max3A : i32
    %c0_i32 = arith.constant 0 : i32
    %c0_i32_5 = arith.constant 0 : i32
    %c0_i32_6 = arith.constant 0 : i32
    return %min3A, %c0_i32, %c0_i32_5 : i32, i32, i32
  }
  func.func @transform_5(%arg0: i32) -> (i32, i32, i32) {
    %mul3A = arith.constant 1 : i32
    %mul3A_0 = arith.muli %mul3A, %arg0 : i32
    %add3A = arith.constant -1 : i32
    %add3A_1 = arith.addi %mul3A_0, %add3A : i32
    %add3A_2 = arith.constant 2 : i32
    %add3A_3 = arith.addi %add3A_1, %add3A_2 : i32
    %jit3A = arith.constant 0 : i32
    %jit3A_4 = arith.constant 40 : i32
    %max3A = arith.maxsi %jit3A, %add3A_3 : i32
    %min3A = arith.minsi %jit3A_4, %max3A : i32
    %c0_i32 = arith.constant 0 : i32
    %c0_i32_5 = arith.constant 0 : i32
    %c0_i32_6 = arith.constant 0 : i32
    return %min3A, %c0_i32, %c0_i32_5 : i32, i32, i32
  }
  func.func @transform_6(%arg0: i32) -> (i32, i32) {
    %c0_i32 = arith.constant 0 : i32
    %c0_i32_0 = arith.constant 0 : i32
    %c0_i32_1 = arith.constant 0 : i32
    return %c0_i32, %c0_i32_0 : i32, i32
  }
  func.func @transform_7(%arg0: i32) -> (i32, i32, i32) {
    %c0_i32 = arith.constant 0 : i32
    %c0_i32_0 = arith.constant 0 : i32
    %c0_i32_1 = arith.constant 0 : i32
    return %arg0, %c0_i32, %c0_i32_0 : i32, i32, i32
  }
  func.func @transform_8(%arg0: i32) -> (i32, i32, i32) {
    %c0_i32 = arith.constant 0 : i32
    %c0_i32_0 = arith.constant 0 : i32
    %c0_i32_1 = arith.constant 0 : i32
    return %arg0, %c0_i32, %c0_i32_0 : i32, i32, i32
  }
  func.func @transform_9(%arg0: i32) -> (i32, i32) {
    %c0_i32 = arith.constant 0 : i32
    %c0_i32_0 = arith.constant 0 : i32
    %c0_i32_1 = arith.constant 0 : i32
    return %c0_i32, %c0_i32_0 : i32, i32
  }
}

module attributes {stable_mosaic.version = 14 : i64} {
  func.func @body(%arg0: i32, %arg1: memref<1x16x6890xf32, #tpu.memory_space<vmem>>, %arg2: memref<1x16x6890xf32, #tpu.memory_space<vmem>>, %arg3: memref<1x16x6890xf32, #tpu.memory_space<vmem>>, %arg4: memref<1x1x6890xf32, #tpu.memory_space<vmem>>, %arg5: memref<1x1x6890xf32, #tpu.memory_space<vmem>>, %arg6: memref<1x1x6890xf32, #tpu.memory_space<vmem>>, %arg7: memref<16x1xf32, #tpu.memory_space<vmem>>, %arg8: memref<16x1xf32, #tpu.memory_space<vmem>>, %arg9: memref<1x6890xf32, #tpu.memory_space<vmem>>, %arg10: memref<16x432xf32, #tpu.memory_space<vmem>>, %arg11: memref<1x16x6890xf32, #tpu.memory_space<vmem>>, %arg12: memref<1x1x6890xf32, #tpu.memory_space<vmem>>, %arg13: memref<128x8xf32, #tpu.memory_space<vmem>>) attributes {dimension_semantics = [#tpu.dimension_semantics<arbitrary>], iteration_bounds = array<i64: 41>, scalar_prefetch = 0 : i64, scratch_operands = 0 : i64, tpu.core_type = #tpu.core_type<tc>, window_params = [{transform_indices = @transform_0, window_bounds = array<i64: 1, 16, 6890>}, {transform_indices = @transform_1, window_bounds = array<i64: 1, 16, 6890>}, {transform_indices = @transform_2, window_bounds = array<i64: 1, 16, 6890>}, {transform_indices = @transform_3, window_bounds = array<i64: 1, 1, 6890>}, {transform_indices = @transform_4, window_bounds = array<i64: 1, 1, 6890>}, {transform_indices = @transform_5, window_bounds = array<i64: 1, 1, 6890>}, {pipeline_mode = #tpu.pipeline_mode<synchronous>, transform_indices = @transform_6, window_bounds = array<i64: 16, 1>}, {pipeline_mode = #tpu.pipeline_mode<synchronous>, transform_indices = @transform_7, window_bounds = array<i64: 16, 1>}, {pipeline_mode = #tpu.pipeline_mode<synchronous>, transform_indices = @transform_8, window_bounds = array<i64: 1, 6890>}, {pipeline_mode = #tpu.pipeline_mode<synchronous>, transform_indices = @transform_9, window_bounds = array<i64: 16, 432>}, {transform_indices = @transform_10, window_bounds = array<i64: 1, 16, 6890>}, {transform_indices = @transform_11, window_bounds = array<i64: 1, 1, 6890>}, {pipeline_mode = #tpu.pipeline_mode<synchronous>, transform_indices = @transform_12, window_bounds = array<i64: 128, 8>}]} {
    %broadcast_in_dim3A = arith.constant 0.000000e+00 : f32
    %broadcast_in_dim3A_0 = vector.broadcast %broadcast_in_dim3A : f32 to vector<1x6724xf32>
    %mul3A = arith.constant 1 : i32
    %mul3A_1 = arith.muli %mul3A, %arg0 : i32
    %add3A = arith.constant -1 : i32
    %add3A_2 = arith.addi %mul3A_1, %add3A : i32
    %add3A_3 = arith.constant 0 : i32
    %add3A_4 = arith.addi %add3A_2, %add3A_3 : i32
    %ge3A = arith.constant 0 : i32
    %ge3A_5 = arith.cmpi sge, %add3A_4, %ge3A : i32
    %lt3A = arith.constant 41 : i32
    %lt3A_6 = arith.cmpi slt, %add3A_4, %lt3A : i32
    %and3A = arith.andi %ge3A_5, %lt3A_6 : i1
    %jit3A = arith.constant 1.000000e+00 : f32
    %jit3A_7 = arith.constant 0.000000e+00 : f32
    %select_n3A = arith.select %and3A, %jit3A, %jit3A_7 : f32
    %get3A = arith.constant 0 : index
    %get3A_8 = arith.constant 0 : index
    %get3A_9 = arith.constant 0 : index
    %get3A_10 = vector.load %arg4[%get3A, %get3A_8, %get3A_9] : memref<1x1x6890xf32, #tpu.memory_space<vmem>>, vector<1x1x6890xf32>
    %get3A_11 = vector.shape_cast %get3A_10 : vector<1x1x6890xf32> to vector<1x6890xf32>
    %mul3A_12 = vector.broadcast %select_n3A : f32 to vector<1x6890xf32>
    %mul3A_13 = arith.mulf %get3A_11, %mul3A_12 : vector<1x6890xf32>
    %get3A_14 = arith.constant 0 : index
    %get3A_15 = arith.constant 0 : index
    %get3A_16 = arith.constant 0 : index
    %get3A_17 = vector.load %arg1[%get3A_14, %get3A_15, %get3A_16] : memref<1x16x6890xf32, #tpu.memory_space<vmem>>, vector<1x16x6890xf32>
    %get3A_18 = vector.shape_cast %get3A_17 : vector<1x16x6890xf32> to vector<16x6890xf32>
    %get3A_19 = arith.constant 0 : index
    %get3A_20 = arith.constant 0 : index
    %get3A_21 = vector.load %arg7[%get3A_19, %get3A_20] : memref<16x1xf32, #tpu.memory_space<vmem>>, vector<16x1xf32>
    %mul3A_22 = vector.broadcast %get3A_21 : vector<16x1xf32> to vector<16x6890xf32>
    %mul3A_23 = arith.mulf %get3A_18, %mul3A_22 : vector<16x6890xf32>
    %get3A_24 = arith.constant 0 : index
    %get3A_25 = arith.constant 0 : index
    %get3A_26 = vector.load %arg8[%get3A_24, %get3A_25] : memref<16x1xf32, #tpu.memory_space<vmem>>, vector<16x1xf32>
    %add3A_27 = vector.broadcast %get3A_26 : vector<16x1xf32> to vector<16x6890xf32>
    %add3A_28 = arith.addf %mul3A_23, %add3A_27 : vector<16x6890xf32>
    %max3A = arith.constant 0.000000e+00 : f32
    %max3A_29 = vector.broadcast %max3A : f32 to vector<16x6890xf32>
    %max3A_30 = arith.maximumf %add3A_28, %max3A_29 : vector<16x6890xf32>
    %mul3A_31 = vector.broadcast %mul3A_13 : vector<1x6890xf32> to vector<16x6890xf32>
    %mul3A_32 = arith.mulf %max3A_30, %mul3A_31 : vector<16x6890xf32>
    %slice3A = vector.extract_strided_slice %mul3A_32 {offsets = [0, 0], sizes = [16, 6724], strides = [1, 1]} : vector<16x6890xf32> to vector<16x6724xf32>
    %slice3A_33 = vector.extract_strided_slice %mul3A_13 {offsets = [0, 0], sizes = [1, 6724], strides = [1, 1]} : vector<1x6890xf32> to vector<1x6724xf32>
    %add3A_34 = arith.addf %broadcast_in_dim3A_0, %slice3A_33 : vector<1x6724xf32>
    %slice3A_35 = vector.extract_strided_slice %mul3A_32 {offsets = [0, 1], sizes = [16, 6724], strides = [1, 1]} : vector<16x6890xf32> to vector<16x6724xf32>
    %slice3A_36 = vector.extract_strided_slice %mul3A_13 {offsets = [0, 1], sizes = [1, 6724], strides = [1, 1]} : vector<1x6890xf32> to vector<1x6724xf32>
    %add3A_37 = arith.addf %add3A_34, %slice3A_36 : vector<1x6724xf32>
    %slice3A_38 = vector.extract_strided_slice %mul3A_32 {offsets = [0, 2], sizes = [16, 6724], strides = [1, 1]} : vector<16x6890xf32> to vector<16x6724xf32>
    %slice3A_39 = vector.extract_strided_slice %mul3A_13 {offsets = [0, 2], sizes = [1, 6724], strides = [1, 1]} : vector<1x6890xf32> to vector<1x6724xf32>
    %add3A_40 = arith.addf %add3A_37, %slice3A_39 : vector<1x6724xf32>
    %slice3A_41 = vector.extract_strided_slice %mul3A_32 {offsets = [0, 82], sizes = [16, 6724], strides = [1, 1]} : vector<16x6890xf32> to vector<16x6724xf32>
    %slice3A_42 = vector.extract_strided_slice %mul3A_13 {offsets = [0, 82], sizes = [1, 6724], strides = [1, 1]} : vector<1x6890xf32> to vector<1x6724xf32>
    %add3A_43 = arith.addf %add3A_40, %slice3A_42 : vector<1x6724xf32>
    %slice3A_44 = vector.extract_strided_slice %mul3A_32 {offsets = [0, 83], sizes = [16, 6724], strides = [1, 1]} : vector<16x6890xf32> to vector<16x6724xf32>
    %slice3A_45 = vector.extract_strided_slice %mul3A_13 {offsets = [0, 83], sizes = [1, 6724], strides = [1, 1]} : vector<1x6890xf32> to vector<1x6724xf32>
    %add3A_46 = arith.addf %add3A_43, %slice3A_45 : vector<1x6724xf32>
    %slice3A_47 = vector.extract_strided_slice %mul3A_32 {offsets = [0, 84], sizes = [16, 6724], strides = [1, 1]} : vector<16x6890xf32> to vector<16x6724xf32>
    %slice3A_48 = vector.extract_strided_slice %mul3A_13 {offsets = [0, 84], sizes = [1, 6724], strides = [1, 1]} : vector<1x6890xf32> to vector<1x6724xf32>
    %add3A_49 = arith.addf %add3A_46, %slice3A_48 : vector<1x6724xf32>
    %slice3A_50 = vector.extract_strided_slice %mul3A_32 {offsets = [0, 164], sizes = [16, 6724], strides = [1, 1]} : vector<16x6890xf32> to vector<16x6724xf32>
    %slice3A_51 = vector.extract_strided_slice %mul3A_13 {offsets = [0, 164], sizes = [1, 6724], strides = [1, 1]} : vector<1x6890xf32> to vector<1x6724xf32>
    %add3A_52 = arith.addf %add3A_49, %slice3A_51 : vector<1x6724xf32>
    %slice3A_53 = vector.extract_strided_slice %mul3A_32 {offsets = [0, 165], sizes = [16, 6724], strides = [1, 1]} : vector<16x6890xf32> to vector<16x6724xf32>
    %slice3A_54 = vector.extract_strided_slice %mul3A_13 {offsets = [0, 165], sizes = [1, 6724], strides = [1, 1]} : vector<1x6890xf32> to vector<1x6724xf32>
    %add3A_55 = arith.addf %add3A_52, %slice3A_54 : vector<1x6724xf32>
    %slice3A_56 = vector.extract_strided_slice %mul3A_32 {offsets = [0, 166], sizes = [16, 6724], strides = [1, 1]} : vector<16x6890xf32> to vector<16x6724xf32>
    %slice3A_57 = vector.extract_strided_slice %mul3A_13 {offsets = [0, 166], sizes = [1, 6724], strides = [1, 1]} : vector<1x6890xf32> to vector<1x6724xf32>
    %add3A_58 = arith.addf %add3A_55, %slice3A_57 : vector<1x6724xf32>
    %mul3A_59 = arith.constant 1 : i32
    %mul3A_60 = arith.muli %mul3A_59, %arg0 : i32
    %add3A_61 = arith.constant -1 : i32
    %add3A_62 = arith.addi %mul3A_60, %add3A_61 : i32
    %add3A_63 = arith.constant 1 : i32
    %add3A_64 = arith.addi %add3A_62, %add3A_63 : i32
    %ge3A_65 = arith.constant 0 : i32
    %ge3A_66 = arith.cmpi sge, %add3A_64, %ge3A_65 : i32
    %lt3A_67 = arith.constant 41 : i32
    %lt3A_68 = arith.cmpi slt, %add3A_64, %lt3A_67 : i32
    %and3A_69 = arith.andi %ge3A_66, %lt3A_68 : i1
    %jit3A_70 = arith.constant 1.000000e+00 : f32
    %jit3A_71 = arith.constant 0.000000e+00 : f32
    %select_n3A_72 = arith.select %and3A_69, %jit3A_70, %jit3A_71 : f32
    %get3A_73 = arith.constant 0 : index
    %get3A_74 = arith.constant 0 : index
    %get3A_75 = arith.constant 0 : index
    %get3A_76 = vector.load %arg5[%get3A_73, %get3A_74, %get3A_75] : memref<1x1x6890xf32, #tpu.memory_space<vmem>>, vector<1x1x6890xf32>
    %get3A_77 = vector.shape_cast %get3A_76 : vector<1x1x6890xf32> to vector<1x6890xf32>
    %mul3A_78 = vector.broadcast %select_n3A_72 : f32 to vector<1x6890xf32>
    %mul3A_79 = arith.mulf %get3A_77, %mul3A_78 : vector<1x6890xf32>
    %get3A_80 = arith.constant 0 : index
    %get3A_81 = arith.constant 0 : index
    %get3A_82 = arith.constant 0 : index
    %get3A_83 = vector.load %arg2[%get3A_80, %get3A_81, %get3A_82] : memref<1x16x6890xf32, #tpu.memory_space<vmem>>, vector<1x16x6890xf32>
    %get3A_84 = vector.shape_cast %get3A_83 : vector<1x16x6890xf32> to vector<16x6890xf32>
    %get3A_85 = arith.constant 0 : index
    %get3A_86 = arith.constant 0 : index
    %get3A_87 = vector.load %arg7[%get3A_85, %get3A_86] : memref<16x1xf32, #tpu.memory_space<vmem>>, vector<16x1xf32>
    %mul3A_88 = vector.broadcast %get3A_87 : vector<16x1xf32> to vector<16x6890xf32>
    %mul3A_89 = arith.mulf %get3A_84, %mul3A_88 : vector<16x6890xf32>
    %get3A_90 = arith.constant 0 : index
    %get3A_91 = arith.constant 0 : index
    %get3A_92 = vector.load %arg8[%get3A_90, %get3A_91] : memref<16x1xf32, #tpu.memory_space<vmem>>, vector<16x1xf32>
    %add3A_93 = vector.broadcast %get3A_92 : vector<16x1xf32> to vector<16x6890xf32>
    %add3A_94 = arith.addf %mul3A_89, %add3A_93 : vector<16x6890xf32>
    %max3A_95 = arith.constant 0.000000e+00 : f32
    %max3A_96 = vector.broadcast %max3A_95 : f32 to vector<16x6890xf32>
    %max3A_97 = arith.maximumf %add3A_94, %max3A_96 : vector<16x6890xf32>
    %mul3A_98 = vector.broadcast %mul3A_79 : vector<1x6890xf32> to vector<16x6890xf32>
    %mul3A_99 = arith.mulf %max3A_97, %mul3A_98 : vector<16x6890xf32>
    %slice3A_100 = vector.extract_strided_slice %mul3A_99 {offsets = [0, 0], sizes = [16, 6724], strides = [1, 1]} : vector<16x6890xf32> to vector<16x6724xf32>
    %slice3A_101 = vector.extract_strided_slice %mul3A_79 {offsets = [0, 0], sizes = [1, 6724], strides = [1, 1]} : vector<1x6890xf32> to vector<1x6724xf32>
    %add3A_102 = arith.addf %add3A_58, %slice3A_101 : vector<1x6724xf32>
    %slice3A_103 = vector.extract_strided_slice %mul3A_99 {offsets = [0, 1], sizes = [16, 6724], strides = [1, 1]} : vector<16x6890xf32> to vector<16x6724xf32>
    %slice3A_104 = vector.extract_strided_slice %mul3A_79 {offsets = [0, 1], sizes = [1, 6724], strides = [1, 1]} : vector<1x6890xf32> to vector<1x6724xf32>
    %add3A_105 = arith.addf %add3A_102, %slice3A_104 : vector<1x6724xf32>
    %slice3A_106 = vector.extract_strided_slice %mul3A_99 {offsets = [0, 2], sizes = [16, 6724], strides = [1, 1]} : vector<16x6890xf32> to vector<16x6724xf32>
    %slice3A_107 = vector.extract_strided_slice %mul3A_79 {offsets = [0, 2], sizes = [1, 6724], strides = [1, 1]} : vector<1x6890xf32> to vector<1x6724xf32>
    %add3A_108 = arith.addf %add3A_105, %slice3A_107 : vector<1x6724xf32>
    %slice3A_109 = vector.extract_strided_slice %mul3A_99 {offsets = [0, 82], sizes = [16, 6724], strides = [1, 1]} : vector<16x6890xf32> to vector<16x6724xf32>
    %slice3A_110 = vector.extract_strided_slice %mul3A_79 {offsets = [0, 82], sizes = [1, 6724], strides = [1, 1]} : vector<1x6890xf32> to vector<1x6724xf32>
    %add3A_111 = arith.addf %add3A_108, %slice3A_110 : vector<1x6724xf32>
    %slice3A_112 = vector.extract_strided_slice %mul3A_99 {offsets = [0, 83], sizes = [16, 6724], strides = [1, 1]} : vector<16x6890xf32> to vector<16x6724xf32>
    %slice3A_113 = vector.extract_strided_slice %mul3A_79 {offsets = [0, 83], sizes = [1, 6724], strides = [1, 1]} : vector<1x6890xf32> to vector<1x6724xf32>
    %add3A_114 = arith.addf %add3A_111, %slice3A_113 : vector<1x6724xf32>
    %slice3A_115 = vector.extract_strided_slice %mul3A_99 {offsets = [0, 84], sizes = [16, 6724], strides = [1, 1]} : vector<16x6890xf32> to vector<16x6724xf32>
    %slice3A_116 = vector.extract_strided_slice %mul3A_79 {offsets = [0, 84], sizes = [1, 6724], strides = [1, 1]} : vector<1x6890xf32> to vector<1x6724xf32>
    %add3A_117 = arith.addf %add3A_114, %slice3A_116 : vector<1x6724xf32>
    %slice3A_118 = vector.extract_strided_slice %mul3A_99 {offsets = [0, 164], sizes = [16, 6724], strides = [1, 1]} : vector<16x6890xf32> to vector<16x6724xf32>
    %slice3A_119 = vector.extract_strided_slice %mul3A_79 {offsets = [0, 164], sizes = [1, 6724], strides = [1, 1]} : vector<1x6890xf32> to vector<1x6724xf32>
    %add3A_120 = arith.addf %add3A_117, %slice3A_119 : vector<1x6724xf32>
    %slice3A_121 = vector.extract_strided_slice %mul3A_99 {offsets = [0, 165], sizes = [16, 6724], strides = [1, 1]} : vector<16x6890xf32> to vector<16x6724xf32>
    %slice3A_122 = vector.extract_strided_slice %mul3A_79 {offsets = [0, 165], sizes = [1, 6724], strides = [1, 1]} : vector<1x6890xf32> to vector<1x6724xf32>
    %add3A_123 = arith.addf %add3A_120, %slice3A_122 : vector<1x6724xf32>
    %slice3A_124 = vector.extract_strided_slice %mul3A_99 {offsets = [0, 166], sizes = [16, 6724], strides = [1, 1]} : vector<16x6890xf32> to vector<16x6724xf32>
    %slice3A_125 = vector.extract_strided_slice %mul3A_79 {offsets = [0, 166], sizes = [1, 6724], strides = [1, 1]} : vector<1x6890xf32> to vector<1x6724xf32>
    %add3A_126 = arith.addf %add3A_123, %slice3A_125 : vector<1x6724xf32>
    %mul3A_127 = arith.constant 1 : i32
    %mul3A_128 = arith.muli %mul3A_127, %arg0 : i32
    %add3A_129 = arith.constant -1 : i32
    %add3A_130 = arith.addi %mul3A_128, %add3A_129 : i32
    %add3A_131 = arith.constant 2 : i32
    %add3A_132 = arith.addi %add3A_130, %add3A_131 : i32
    %ge3A_133 = arith.constant 0 : i32
    %ge3A_134 = arith.cmpi sge, %add3A_132, %ge3A_133 : i32
    %lt3A_135 = arith.constant 41 : i32
    %lt3A_136 = arith.cmpi slt, %add3A_132, %lt3A_135 : i32
    %and3A_137 = arith.andi %ge3A_134, %lt3A_136 : i1
    %jit3A_138 = arith.constant 1.000000e+00 : f32
    %jit3A_139 = arith.constant 0.000000e+00 : f32
    %select_n3A_140 = arith.select %and3A_137, %jit3A_138, %jit3A_139 : f32
    %get3A_141 = arith.constant 0 : index
    %get3A_142 = arith.constant 0 : index
    %get3A_143 = arith.constant 0 : index
    %get3A_144 = vector.load %arg6[%get3A_141, %get3A_142, %get3A_143] : memref<1x1x6890xf32, #tpu.memory_space<vmem>>, vector<1x1x6890xf32>
    %get3A_145 = vector.shape_cast %get3A_144 : vector<1x1x6890xf32> to vector<1x6890xf32>
    %mul3A_146 = vector.broadcast %select_n3A_140 : f32 to vector<1x6890xf32>
    %mul3A_147 = arith.mulf %get3A_145, %mul3A_146 : vector<1x6890xf32>
    %get3A_148 = arith.constant 0 : index
    %get3A_149 = arith.constant 0 : index
    %get3A_150 = arith.constant 0 : index
    %get3A_151 = vector.load %arg3[%get3A_148, %get3A_149, %get3A_150] : memref<1x16x6890xf32, #tpu.memory_space<vmem>>, vector<1x16x6890xf32>
    %get3A_152 = vector.shape_cast %get3A_151 : vector<1x16x6890xf32> to vector<16x6890xf32>
    %get3A_153 = arith.constant 0 : index
    %get3A_154 = arith.constant 0 : index
    %get3A_155 = vector.load %arg7[%get3A_153, %get3A_154] : memref<16x1xf32, #tpu.memory_space<vmem>>, vector<16x1xf32>
    %mul3A_156 = vector.broadcast %get3A_155 : vector<16x1xf32> to vector<16x6890xf32>
    %mul3A_157 = arith.mulf %get3A_152, %mul3A_156 : vector<16x6890xf32>
    %get3A_158 = arith.constant 0 : index
    %get3A_159 = arith.constant 0 : index
    %get3A_160 = vector.load %arg8[%get3A_158, %get3A_159] : memref<16x1xf32, #tpu.memory_space<vmem>>, vector<16x1xf32>
    %add3A_161 = vector.broadcast %get3A_160 : vector<16x1xf32> to vector<16x6890xf32>
    %add3A_162 = arith.addf %mul3A_157, %add3A_161 : vector<16x6890xf32>
    %max3A_163 = arith.constant 0.000000e+00 : f32
    %max3A_164 = vector.broadcast %max3A_163 : f32 to vector<16x6890xf32>
    %max3A_165 = arith.maximumf %add3A_162, %max3A_164 : vector<16x6890xf32>
    %mul3A_166 = vector.broadcast %mul3A_147 : vector<1x6890xf32> to vector<16x6890xf32>
    %mul3A_167 = arith.mulf %max3A_165, %mul3A_166 : vector<16x6890xf32>
    %slice3A_168 = vector.extract_strided_slice %mul3A_167 {offsets = [0, 0], sizes = [16, 6724], strides = [1, 1]} : vector<16x6890xf32> to vector<16x6724xf32>
    %slice3A_169 = vector.extract_strided_slice %mul3A_147 {offsets = [0, 0], sizes = [1, 6724], strides = [1, 1]} : vector<1x6890xf32> to vector<1x6724xf32>
    %add3A_170 = arith.addf %add3A_126, %slice3A_169 : vector<1x6724xf32>
    %slice3A_171 = vector.extract_strided_slice %mul3A_167 {offsets = [0, 1], sizes = [16, 6724], strides = [1, 1]} : vector<16x6890xf32> to vector<16x6724xf32>
    %slice3A_172 = vector.extract_strided_slice %mul3A_147 {offsets = [0, 1], sizes = [1, 6724], strides = [1, 1]} : vector<1x6890xf32> to vector<1x6724xf32>
    %add3A_173 = arith.addf %add3A_170, %slice3A_172 : vector<1x6724xf32>
    %slice3A_174 = vector.extract_strided_slice %mul3A_167 {offsets = [0, 2], sizes = [16, 6724], strides = [1, 1]} : vector<16x6890xf32> to vector<16x6724xf32>
    %slice3A_175 = vector.extract_strided_slice %mul3A_147 {offsets = [0, 2], sizes = [1, 6724], strides = [1, 1]} : vector<1x6890xf32> to vector<1x6724xf32>
    %add3A_176 = arith.addf %add3A_173, %slice3A_175 : vector<1x6724xf32>
    %slice3A_177 = vector.extract_strided_slice %mul3A_167 {offsets = [0, 82], sizes = [16, 6724], strides = [1, 1]} : vector<16x6890xf32> to vector<16x6724xf32>
    %slice3A_178 = vector.extract_strided_slice %mul3A_147 {offsets = [0, 82], sizes = [1, 6724], strides = [1, 1]} : vector<1x6890xf32> to vector<1x6724xf32>
    %add3A_179 = arith.addf %add3A_176, %slice3A_178 : vector<1x6724xf32>
    %slice3A_180 = vector.extract_strided_slice %mul3A_167 {offsets = [0, 83], sizes = [16, 6724], strides = [1, 1]} : vector<16x6890xf32> to vector<16x6724xf32>
    %slice3A_181 = vector.extract_strided_slice %mul3A_147 {offsets = [0, 83], sizes = [1, 6724], strides = [1, 1]} : vector<1x6890xf32> to vector<1x6724xf32>
    %add3A_182 = arith.addf %add3A_179, %slice3A_181 : vector<1x6724xf32>
    %slice3A_183 = vector.extract_strided_slice %mul3A_167 {offsets = [0, 84], sizes = [16, 6724], strides = [1, 1]} : vector<16x6890xf32> to vector<16x6724xf32>
    %slice3A_184 = vector.extract_strided_slice %mul3A_147 {offsets = [0, 84], sizes = [1, 6724], strides = [1, 1]} : vector<1x6890xf32> to vector<1x6724xf32>
    %add3A_185 = arith.addf %add3A_182, %slice3A_184 : vector<1x6724xf32>
    %slice3A_186 = vector.extract_strided_slice %mul3A_167 {offsets = [0, 164], sizes = [16, 6724], strides = [1, 1]} : vector<16x6890xf32> to vector<16x6724xf32>
    %slice3A_187 = vector.extract_strided_slice %mul3A_147 {offsets = [0, 164], sizes = [1, 6724], strides = [1, 1]} : vector<1x6890xf32> to vector<1x6724xf32>
    %add3A_188 = arith.addf %add3A_185, %slice3A_187 : vector<1x6724xf32>
    %slice3A_189 = vector.extract_strided_slice %mul3A_167 {offsets = [0, 165], sizes = [16, 6724], strides = [1, 1]} : vector<16x6890xf32> to vector<16x6724xf32>
    %slice3A_190 = vector.extract_strided_slice %mul3A_147 {offsets = [0, 165], sizes = [1, 6724], strides = [1, 1]} : vector<1x6890xf32> to vector<1x6724xf32>
    %add3A_191 = arith.addf %add3A_188, %slice3A_190 : vector<1x6724xf32>
    %slice3A_192 = vector.extract_strided_slice %mul3A_167 {offsets = [0, 166], sizes = [16, 6724], strides = [1, 1]} : vector<16x6890xf32> to vector<16x6724xf32>
    %slice3A_193 = vector.extract_strided_slice %mul3A_147 {offsets = [0, 166], sizes = [1, 6724], strides = [1, 1]} : vector<1x6890xf32> to vector<1x6724xf32>
    %add3A_194 = arith.addf %add3A_191, %slice3A_193 : vector<1x6724xf32>
    %concatenate3A = tpu.concatenate %slice3A, %slice3A_35, %slice3A_38, %slice3A_41, %slice3A_44, %slice3A_47, %slice3A_50, %slice3A_53, %slice3A_56, %slice3A_100, %slice3A_103, %slice3A_106, %slice3A_109, %slice3A_112, %slice3A_115, %slice3A_118, %slice3A_121, %slice3A_124, %slice3A_168, %slice3A_171, %slice3A_174, %slice3A_177, %slice3A_180, %slice3A_183, %slice3A_186, %slice3A_189, %slice3A_192 in 0 : vector<16x6724xf32>, vector<16x6724xf32>, vector<16x6724xf32>, vector<16x6724xf32>, vector<16x6724xf32>, vector<16x6724xf32>, vector<16x6724xf32>, vector<16x6724xf32>, vector<16x6724xf32>, vector<16x6724xf32>, vector<16x6724xf32>, vector<16x6724xf32>, vector<16x6724xf32>, vector<16x6724xf32>, vector<16x6724xf32>, vector<16x6724xf32>, vector<16x6724xf32>, vector<16x6724xf32>, vector<16x6724xf32>, vector<16x6724xf32>, vector<16x6724xf32>, vector<16x6724xf32>, vector<16x6724xf32>, vector<16x6724xf32>, vector<16x6724xf32>, vector<16x6724xf32>, vector<16x6724xf32> -> vector<432x6724xf32>
    %get3A_195 = arith.constant 0 : index
    %get3A_196 = arith.constant 0 : index
    %get3A_197 = vector.load %arg10[%get3A_195, %get3A_196] : memref<16x432xf32, #tpu.memory_space<vmem>>, vector<16x432xf32>
    %dot_general3A = arith.constant dense<0.000000e+00> : vector<16x6724xf32>
    %dot_general3A_198 = tpu.matmul %get3A_197, %concatenate3A, %dot_general3A {dimension_numbers = #tpu.dot_dimension_numbers<[1], [0], [0], [1], [0, 0, 1, 1], [], []>, transpose_lhs_hint = false} : vector<16x432xf32>, vector<432x6724xf32>, vector<16x6724xf32> -> vector<16x6724xf32>
    %gt3A = arith.constant 5.000000e-01 : f32
    %gt3A_199 = vector.broadcast %gt3A : f32 to vector<1x6724xf32>
    %gt3A_200 = arith.cmpf ogt, %add3A_194, %gt3A_199 : vector<1x6724xf32>
    %convert_element_type3A = arith.extui %gt3A_200 : vector<1x6724xi1> to vector<1x6724xi32>
    %convert_element_type3A_201 = arith.sitofp %convert_element_type3A : vector<1x6724xi32> to vector<1x6724xf32>
    %get3A_202 = arith.constant 0 : index
    %get3A_203 = arith.constant 0 : index
    %get3A_204 = vector.load %arg9[%get3A_202, %get3A_203] : memref<1x6890xf32, #tpu.memory_space<vmem>>, vector<1x6890xf32>
    %slice3A_205 = vector.extract_strided_slice %get3A_204 {offsets = [0, 83], sizes = [1, 6724], strides = [1, 1]} : vector<1x6890xf32> to vector<1x6724xf32>
    %mul3A_206 = arith.mulf %convert_element_type3A_201, %slice3A_205 : vector<1x6724xf32>
    %broadcast_in_dim3A_207 = arith.constant 0.000000e+00 : f32
    %broadcast_in_dim3A_208 = vector.broadcast %broadcast_in_dim3A_207 : f32 to vector<1x83xf32>
    %concatenate3A_209 = tpu.concatenate %broadcast_in_dim3A_208, %mul3A_206, %broadcast_in_dim3A_208 in 1 : vector<1x83xf32>, vector<1x6724xf32>, vector<1x83xf32> -> vector<1x6890xf32>
    %broadcast_in_dim3A_210 = arith.constant 0.000000e+00 : f32
    %broadcast_in_dim3A_211 = vector.broadcast %broadcast_in_dim3A_210 : f32 to vector<16x83xf32>
    %concatenate3A_212 = tpu.concatenate %broadcast_in_dim3A_211, %dot_general3A_198, %broadcast_in_dim3A_211 in 1 : vector<16x83xf32>, vector<16x6724xf32>, vector<16x83xf32> -> vector<16x6890xf32>
    %swap3A = arith.constant 0 : index
    %swap3A_213 = arith.constant 0 : index
    %swap3A_214 = arith.constant 0 : index
    %swap3A_215 = vector.load %arg11[%swap3A, %swap3A_213, %swap3A_214] : memref<1x16x6890xf32, #tpu.memory_space<vmem>>, vector<1x16x6890xf32>
    %swap3A_216 = vector.shape_cast %swap3A_215 : vector<1x16x6890xf32> to vector<16x6890xf32>
    %swap3A_217 = vector.shape_cast %concatenate3A_212 : vector<16x6890xf32> to vector<1x16x6890xf32>
    tpu.vector_store %arg11[%swap3A, %swap3A_213, %swap3A_214], %swap3A_217 {strides = array<i32>} : memref<1x16x6890xf32, #tpu.memory_space<vmem>>, vector<1x16x6890xf32>,
    %swap3A_218 = arith.constant 0 : index
    %swap3A_219 = arith.constant 0 : index
    %swap3A_220 = arith.constant 0 : index
    %swap3A_221 = vector.load %arg12[%swap3A_218, %swap3A_219, %swap3A_220] : memref<1x1x6890xf32, #tpu.memory_space<vmem>>, vector<1x1x6890xf32>
    %swap3A_222 = vector.shape_cast %swap3A_221 : vector<1x1x6890xf32> to vector<1x6890xf32>
    %swap3A_223 = vector.shape_cast %concatenate3A_209 : vector<1x6890xf32> to vector<1x1x6890xf32>
    tpu.vector_store %arg12[%swap3A_218, %swap3A_219, %swap3A_220], %swap3A_223 {strides = array<i32>} : memref<1x1x6890xf32, #tpu.memory_space<vmem>>, vector<1x1x6890xf32>,
    %mul3A_224 = vector.broadcast %mul3A_206 : vector<1x6724xf32> to vector<16x6724xf32>
    %mul3A_225 = arith.mulf %dot_general3A_198, %mul3A_224 : vector<16x6724xf32>
    %reduce_sum3A = arith.constant dense<0.000000e+00> : vector<16xf32>
    %reduce_sum3A_226 = vector.multi_reduction <add>, %mul3A_225, %reduce_sum3A [1] : vector<16x6724xf32> to vector<16xf32>
    %broadcast_in_dim3A_227 = vector.shape_cast %reduce_sum3A_226 : vector<16xf32> to vector<16x1xf32>
    %mul3A_228 = arith.mulf %dot_general3A_198, %dot_general3A_198 : vector<16x6724xf32>
    %mul3A_229 = vector.broadcast %mul3A_206 : vector<1x6724xf32> to vector<16x6724xf32>
    %mul3A_230 = arith.mulf %mul3A_228, %mul3A_229 : vector<16x6724xf32>
    %reduce_sum3A_231 = arith.constant dense<0.000000e+00> : vector<16xf32>
    %reduce_sum3A_232 = vector.multi_reduction <add>, %mul3A_230, %reduce_sum3A_231 [1] : vector<16x6724xf32> to vector<16xf32>
    %broadcast_in_dim3A_233 = vector.shape_cast %reduce_sum3A_232 : vector<16xf32> to vector<16x1xf32>
    %broadcast_in_dim3A_234 = arith.constant 0.000000e+00 : f32
    %broadcast_in_dim3A_235 = vector.broadcast %broadcast_in_dim3A_234 : f32 to vector<16x1xf32>
    %reduce_sum3A_236 = vector.shape_cast %mul3A_206 : vector<1x6724xf32> to vector<1x1x6724xf32>
    %reduce_sum3A_237 = arith.constant dense<0.000000e+00> : vector<1xf32>
    %reduce_sum3A_238 = vector.multi_reduction <add>, %reduce_sum3A_236, %reduce_sum3A_237 [1, 2] : vector<1x1x6724xf32> to vector<1xf32>
    %reduce_sum3A_239 = vector.shape_cast %reduce_sum3A_238 : vector<1xf32> to vector<1x1x1xf32>
    %reduce_sum3A_240 = vector.extract %reduce_sum3A_239[0, 0, 0] : f32 from vector<1x1x1xf32>
    %add3A_241 = vector.broadcast %reduce_sum3A_240 : f32 to vector<16x1xf32>
    %add3A_242 = arith.addf %broadcast_in_dim3A_235, %add3A_241 : vector<16x1xf32>
    %broadcast_in_dim3A_243 = arith.constant 0.000000e+00 : f32
    %broadcast_in_dim3A_244 = vector.broadcast %broadcast_in_dim3A_243 : f32 to vector<16x5xf32>
    %concatenate3A_245 = tpu.concatenate %broadcast_in_dim3A_227, %broadcast_in_dim3A_233, %add3A_242, %broadcast_in_dim3A_244 in 1 : vector<16x1xf32>, vector<16x1xf32>, vector<16x1xf32>, vector<16x5xf32> -> vector<16x8xf32>
    %broadcast_in_dim3A_246 = arith.constant 0.000000e+00 : f32
    %broadcast_in_dim3A_247 = vector.broadcast %broadcast_in_dim3A_246 : f32 to vector<112x8xf32>
    %concatenate3A_248 = tpu.concatenate %concatenate3A_245, %broadcast_in_dim3A_247 in 0 : vector<16x8xf32>, vector<112x8xf32> -> vector<128x8xf32>
    %eq3A = arith.constant 0 : i32
    %eq3A_249 = arith.cmpi eq, %arg0, %eq3A : i32
    %convert_element_type3A_250 = arith.extui %eq3A_249 : i1 to i32
    %cond3A = arith.constant 0 : i32
    %cond3A_251 = arith.cmpi ne, %convert_element_type3A_250, %cond3A : i32
    scf.if %cond3A_251 {
      %swap3A_256 = arith.constant 0 : index
      %swap3A_257 = arith.constant 0 : index
      %swap3A_258 = vector.load %arg13[%swap3A_256, %swap3A_257] : memref<128x8xf32, #tpu.memory_space<vmem>>, vector<128x8xf32>
      tpu.vector_store %arg13[%swap3A_256, %swap3A_257], %concatenate3A_248 {strides = array<i32>} : memref<128x8xf32, #tpu.memory_space<vmem>>, vector<128x8xf32>,
    } else {
    }
    %ne3A = arith.constant 0 : i32
    %ne3A_252 = arith.cmpi ne, %arg0, %ne3A : i32
    %convert_element_type3A_253 = arith.extui %ne3A_252 : i1 to i32
    %cond3A_254 = arith.constant 0 : i32
    %cond3A_255 = arith.cmpi ne, %convert_element_type3A_253, %cond3A_254 : i32
    scf.if %cond3A_255 {
      %get3A_256 = arith.constant 0 : index
      %get3A_257 = arith.constant 0 : index
      %get3A_258 = vector.load %arg13[%get3A_256, %get3A_257] : memref<128x8xf32, #tpu.memory_space<vmem>>, vector<128x8xf32>
      %add3A_259 = arith.addf %get3A_258, %concatenate3A_248 : vector<128x8xf32>
      %swap3A_260 = arith.constant 0 : index
      %swap3A_261 = arith.constant 0 : index
      %swap3A_262 = vector.load %arg13[%swap3A_260, %swap3A_261] : memref<128x8xf32, #tpu.memory_space<vmem>>, vector<128x8xf32>
      tpu.vector_store %arg13[%swap3A_260, %swap3A_261], %add3A_259 {strides = array<i32>} : memref<128x8xf32, #tpu.memory_space<vmem>>, vector<128x8xf32>,
    } else {
    }
    return
  }
  func.func @transform_0(%arg0: i32) -> (i32, i32, i32) {
    %mul3A = arith.constant 1 : i32
    %mul3A_0 = arith.muli %mul3A, %arg0 : i32
    %add3A = arith.constant -1 : i32
    %add3A_1 = arith.addi %mul3A_0, %add3A : i32
    %add3A_2 = arith.constant 0 : i32
    %add3A_3 = arith.addi %add3A_1, %add3A_2 : i32
    %jit3A = arith.constant 0 : i32
    %jit3A_4 = arith.constant 40 : i32
    %max3A = arith.maxsi %jit3A, %add3A_3 : i32
    %min3A = arith.minsi %jit3A_4, %max3A : i32
    %c0_i32 = arith.constant 0 : i32
    %c0_i32_5 = arith.constant 0 : i32
    %c0_i32_6 = arith.constant 0 : i32
    return %min3A, %c0_i32, %c0_i32_5 : i32, i32, i32
  }
  func.func @transform_1(%arg0: i32) -> (i32, i32, i32) {
    %mul3A = arith.constant 1 : i32
    %mul3A_0 = arith.muli %mul3A, %arg0 : i32
    %add3A = arith.constant -1 : i32
    %add3A_1 = arith.addi %mul3A_0, %add3A : i32
    %add3A_2 = arith.constant 1 : i32
    %add3A_3 = arith.addi %add3A_1, %add3A_2 : i32
    %jit3A = arith.constant 0 : i32
    %jit3A_4 = arith.constant 40 : i32
    %max3A = arith.maxsi %jit3A, %add3A_3 : i32
    %min3A = arith.minsi %jit3A_4, %max3A : i32
    %c0_i32 = arith.constant 0 : i32
    %c0_i32_5 = arith.constant 0 : i32
    %c0_i32_6 = arith.constant 0 : i32
    return %min3A, %c0_i32, %c0_i32_5 : i32, i32, i32
  }
  func.func @transform_2(%arg0: i32) -> (i32, i32, i32) {
    %mul3A = arith.constant 1 : i32
    %mul3A_0 = arith.muli %mul3A, %arg0 : i32
    %add3A = arith.constant -1 : i32
    %add3A_1 = arith.addi %mul3A_0, %add3A : i32
    %add3A_2 = arith.constant 2 : i32
    %add3A_3 = arith.addi %add3A_1, %add3A_2 : i32
    %jit3A = arith.constant 0 : i32
    %jit3A_4 = arith.constant 40 : i32
    %max3A = arith.maxsi %jit3A, %add3A_3 : i32
    %min3A = arith.minsi %jit3A_4, %max3A : i32
    %c0_i32 = arith.constant 0 : i32
    %c0_i32_5 = arith.constant 0 : i32
    %c0_i32_6 = arith.constant 0 : i32
    return %min3A, %c0_i32, %c0_i32_5 : i32, i32, i32
  }
  func.func @transform_3(%arg0: i32) -> (i32, i32, i32) {
    %mul3A = arith.constant 1 : i32
    %mul3A_0 = arith.muli %mul3A, %arg0 : i32
    %add3A = arith.constant -1 : i32
    %add3A_1 = arith.addi %mul3A_0, %add3A : i32
    %add3A_2 = arith.constant 0 : i32
    %add3A_3 = arith.addi %add3A_1, %add3A_2 : i32
    %jit3A = arith.constant 0 : i32
    %jit3A_4 = arith.constant 40 : i32
    %max3A = arith.maxsi %jit3A, %add3A_3 : i32
    %min3A = arith.minsi %jit3A_4, %max3A : i32
    %c0_i32 = arith.constant 0 : i32
    %c0_i32_5 = arith.constant 0 : i32
    %c0_i32_6 = arith.constant 0 : i32
    return %min3A, %c0_i32, %c0_i32_5 : i32, i32, i32
  }
  func.func @transform_4(%arg0: i32) -> (i32, i32, i32) {
    %mul3A = arith.constant 1 : i32
    %mul3A_0 = arith.muli %mul3A, %arg0 : i32
    %add3A = arith.constant -1 : i32
    %add3A_1 = arith.addi %mul3A_0, %add3A : i32
    %add3A_2 = arith.constant 1 : i32
    %add3A_3 = arith.addi %add3A_1, %add3A_2 : i32
    %jit3A = arith.constant 0 : i32
    %jit3A_4 = arith.constant 40 : i32
    %max3A = arith.maxsi %jit3A, %add3A_3 : i32
    %min3A = arith.minsi %jit3A_4, %max3A : i32
    %c0_i32 = arith.constant 0 : i32
    %c0_i32_5 = arith.constant 0 : i32
    %c0_i32_6 = arith.constant 0 : i32
    return %min3A, %c0_i32, %c0_i32_5 : i32, i32, i32
  }
  func.func @transform_5(%arg0: i32) -> (i32, i32, i32) {
    %mul3A = arith.constant 1 : i32
    %mul3A_0 = arith.muli %mul3A, %arg0 : i32
    %add3A = arith.constant -1 : i32
    %add3A_1 = arith.addi %mul3A_0, %add3A : i32
    %add3A_2 = arith.constant 2 : i32
    %add3A_3 = arith.addi %add3A_1, %add3A_2 : i32
    %jit3A = arith.constant 0 : i32
    %jit3A_4 = arith.constant 40 : i32
    %max3A = arith.maxsi %jit3A, %add3A_3 : i32
    %min3A = arith.minsi %jit3A_4, %max3A : i32
    %c0_i32 = arith.constant 0 : i32
    %c0_i32_5 = arith.constant 0 : i32
    %c0_i32_6 = arith.constant 0 : i32
    return %min3A, %c0_i32, %c0_i32_5 : i32, i32, i32
  }
  func.func @transform_6(%arg0: i32) -> (i32, i32) {
    %c0_i32 = arith.constant 0 : i32
    %c0_i32_0 = arith.constant 0 : i32
    %c0_i32_1 = arith.constant 0 : i32
    return %c0_i32, %c0_i32_0 : i32, i32
  }
  func.func @transform_7(%arg0: i32) -> (i32, i32) {
    %c0_i32 = arith.constant 0 : i32
    %c0_i32_0 = arith.constant 0 : i32
    %c0_i32_1 = arith.constant 0 : i32
    return %c0_i32, %c0_i32_0 : i32, i32
  }
  func.func @transform_8(%arg0: i32) -> (i32, i32) {
    %c0_i32 = arith.constant 0 : i32
    %c0_i32_0 = arith.constant 0 : i32
    %c0_i32_1 = arith.constant 0 : i32
    return %c0_i32, %c0_i32_0 : i32, i32
  }
  func.func @transform_9(%arg0: i32) -> (i32, i32) {
    %c0_i32 = arith.constant 0 : i32
    %c0_i32_0 = arith.constant 0 : i32
    %c0_i32_1 = arith.constant 0 : i32
    return %c0_i32, %c0_i32_0 : i32, i32
  }
  func.func @transform_10(%arg0: i32) -> (i32, i32, i32) {
    %c0_i32 = arith.constant 0 : i32
    %c0_i32_0 = arith.constant 0 : i32
    %c0_i32_1 = arith.constant 0 : i32
    return %arg0, %c0_i32, %c0_i32_0 : i32, i32, i32
  }
  func.func @transform_11(%arg0: i32) -> (i32, i32, i32) {
    %c0_i32 = arith.constant 0 : i32
    %c0_i32_0 = arith.constant 0 : i32
    %c0_i32_1 = arith.constant 0 : i32
    return %arg0, %c0_i32, %c0_i32_0 : i32, i32, i32
  }
  func.func @transform_12(%arg0: i32) -> (i32, i32) {
    %c0_i32 = arith.constant 0 : i32
    %c0_i32_0 = arith.constant 0 : i32
    %c0_i32_1 = arith.constant 0 : i32
    return %c0_i32, %c0_i32_0 : i32, i32
  }
}

module attributes {stable_mosaic.version = 14 : i64} {
  func.func @body(%arg0: i32, %arg1: memref<1x16x6890xf32, #tpu.memory_space<vmem>>, %arg2: memref<1x16x6890xf32, #tpu.memory_space<vmem>>, %arg3: memref<1x16x6890xf32, #tpu.memory_space<vmem>>, %arg4: memref<1x1x6890xf32, #tpu.memory_space<vmem>>, %arg5: memref<1x1x6890xf32, #tpu.memory_space<vmem>>, %arg6: memref<1x1x6890xf32, #tpu.memory_space<vmem>>, %arg7: memref<16x1xf32, #tpu.memory_space<vmem>>, %arg8: memref<16x1xf32, #tpu.memory_space<vmem>>, %arg9: memref<1x6890xf32, #tpu.memory_space<vmem>>, %arg10: memref<32x432xf32, #tpu.memory_space<vmem>>, %arg11: memref<1x32x6890xf32, #tpu.memory_space<vmem>>, %arg12: memref<1x1x6890xf32, #tpu.memory_space<vmem>>, %arg13: memref<128x8xf32, #tpu.memory_space<vmem>>) attributes {dimension_semantics = [#tpu.dimension_semantics<arbitrary>], iteration_bounds = array<i64: 21>, scalar_prefetch = 0 : i64, scratch_operands = 0 : i64, tpu.core_type = #tpu.core_type<tc>, window_params = [{transform_indices = @transform_0, window_bounds = array<i64: 1, 16, 6890>}, {transform_indices = @transform_1, window_bounds = array<i64: 1, 16, 6890>}, {transform_indices = @transform_2, window_bounds = array<i64: 1, 16, 6890>}, {transform_indices = @transform_3, window_bounds = array<i64: 1, 1, 6890>}, {transform_indices = @transform_4, window_bounds = array<i64: 1, 1, 6890>}, {transform_indices = @transform_5, window_bounds = array<i64: 1, 1, 6890>}, {pipeline_mode = #tpu.pipeline_mode<synchronous>, transform_indices = @transform_6, window_bounds = array<i64: 16, 1>}, {pipeline_mode = #tpu.pipeline_mode<synchronous>, transform_indices = @transform_7, window_bounds = array<i64: 16, 1>}, {pipeline_mode = #tpu.pipeline_mode<synchronous>, transform_indices = @transform_8, window_bounds = array<i64: 1, 6890>}, {pipeline_mode = #tpu.pipeline_mode<synchronous>, transform_indices = @transform_9, window_bounds = array<i64: 32, 432>}, {transform_indices = @transform_10, window_bounds = array<i64: 1, 32, 6890>}, {transform_indices = @transform_11, window_bounds = array<i64: 1, 1, 6890>}, {pipeline_mode = #tpu.pipeline_mode<synchronous>, transform_indices = @transform_12, window_bounds = array<i64: 128, 8>}]} {
    %broadcast_in_dim3A = arith.constant 0.000000e+00 : f32
    %broadcast_in_dim3A_0 = vector.broadcast %broadcast_in_dim3A : f32 to vector<1x6724xf32>
    %mul3A = arith.constant 2 : i32
    %mul3A_1 = arith.muli %mul3A, %arg0 : i32
    %add3A = arith.constant -1 : i32
    %add3A_2 = arith.addi %mul3A_1, %add3A : i32
    %add3A_3 = arith.constant 0 : i32
    %add3A_4 = arith.addi %add3A_2, %add3A_3 : i32
    %ge3A = arith.constant 0 : i32
    %ge3A_5 = arith.cmpi sge, %add3A_4, %ge3A : i32
    %lt3A = arith.constant 41 : i32
    %lt3A_6 = arith.cmpi slt, %add3A_4, %lt3A : i32
    %and3A = arith.andi %ge3A_5, %lt3A_6 : i1
    %jit3A = arith.constant 1.000000e+00 : f32
    %jit3A_7 = arith.constant 0.000000e+00 : f32
    %select_n3A = arith.select %and3A, %jit3A, %jit3A_7 : f32
    %get3A = arith.constant 0 : index
    %get3A_8 = arith.constant 0 : index
    %get3A_9 = arith.constant 0 : index
    %get3A_10 = vector.load %arg4[%get3A, %get3A_8, %get3A_9] : memref<1x1x6890xf32, #tpu.memory_space<vmem>>, vector<1x1x6890xf32>
    %get3A_11 = vector.shape_cast %get3A_10 : vector<1x1x6890xf32> to vector<1x6890xf32>
    %mul3A_12 = vector.broadcast %select_n3A : f32 to vector<1x6890xf32>
    %mul3A_13 = arith.mulf %get3A_11, %mul3A_12 : vector<1x6890xf32>
    %get3A_14 = arith.constant 0 : index
    %get3A_15 = arith.constant 0 : index
    %get3A_16 = arith.constant 0 : index
    %get3A_17 = vector.load %arg1[%get3A_14, %get3A_15, %get3A_16] : memref<1x16x6890xf32, #tpu.memory_space<vmem>>, vector<1x16x6890xf32>
    %get3A_18 = vector.shape_cast %get3A_17 : vector<1x16x6890xf32> to vector<16x6890xf32>
    %get3A_19 = arith.constant 0 : index
    %get3A_20 = arith.constant 0 : index
    %get3A_21 = vector.load %arg7[%get3A_19, %get3A_20] : memref<16x1xf32, #tpu.memory_space<vmem>>, vector<16x1xf32>
    %mul3A_22 = vector.broadcast %get3A_21 : vector<16x1xf32> to vector<16x6890xf32>
    %mul3A_23 = arith.mulf %get3A_18, %mul3A_22 : vector<16x6890xf32>
    %get3A_24 = arith.constant 0 : index
    %get3A_25 = arith.constant 0 : index
    %get3A_26 = vector.load %arg8[%get3A_24, %get3A_25] : memref<16x1xf32, #tpu.memory_space<vmem>>, vector<16x1xf32>
    %add3A_27 = vector.broadcast %get3A_26 : vector<16x1xf32> to vector<16x6890xf32>
    %add3A_28 = arith.addf %mul3A_23, %add3A_27 : vector<16x6890xf32>
    %max3A = arith.constant 0.000000e+00 : f32
    %max3A_29 = vector.broadcast %max3A : f32 to vector<16x6890xf32>
    %max3A_30 = arith.maximumf %add3A_28, %max3A_29 : vector<16x6890xf32>
    %mul3A_31 = vector.broadcast %mul3A_13 : vector<1x6890xf32> to vector<16x6890xf32>
    %mul3A_32 = arith.mulf %max3A_30, %mul3A_31 : vector<16x6890xf32>
    %slice3A = vector.extract_strided_slice %mul3A_32 {offsets = [0, 0], sizes = [16, 6724], strides = [1, 1]} : vector<16x6890xf32> to vector<16x6724xf32>
    %slice3A_33 = vector.extract_strided_slice %mul3A_13 {offsets = [0, 0], sizes = [1, 6724], strides = [1, 1]} : vector<1x6890xf32> to vector<1x6724xf32>
    %add3A_34 = arith.addf %broadcast_in_dim3A_0, %slice3A_33 : vector<1x6724xf32>
    %slice3A_35 = vector.extract_strided_slice %mul3A_32 {offsets = [0, 1], sizes = [16, 6724], strides = [1, 1]} : vector<16x6890xf32> to vector<16x6724xf32>
    %slice3A_36 = vector.extract_strided_slice %mul3A_13 {offsets = [0, 1], sizes = [1, 6724], strides = [1, 1]} : vector<1x6890xf32> to vector<1x6724xf32>
    %add3A_37 = arith.addf %add3A_34, %slice3A_36 : vector<1x6724xf32>
    %slice3A_38 = vector.extract_strided_slice %mul3A_32 {offsets = [0, 2], sizes = [16, 6724], strides = [1, 1]} : vector<16x6890xf32> to vector<16x6724xf32>
    %slice3A_39 = vector.extract_strided_slice %mul3A_13 {offsets = [0, 2], sizes = [1, 6724], strides = [1, 1]} : vector<1x6890xf32> to vector<1x6724xf32>
    %add3A_40 = arith.addf %add3A_37, %slice3A_39 : vector<1x6724xf32>
    %slice3A_41 = vector.extract_strided_slice %mul3A_32 {offsets = [0, 82], sizes = [16, 6724], strides = [1, 1]} : vector<16x6890xf32> to vector<16x6724xf32>
    %slice3A_42 = vector.extract_strided_slice %mul3A_13 {offsets = [0, 82], sizes = [1, 6724], strides = [1, 1]} : vector<1x6890xf32> to vector<1x6724xf32>
    %add3A_43 = arith.addf %add3A_40, %slice3A_42 : vector<1x6724xf32>
    %slice3A_44 = vector.extract_strided_slice %mul3A_32 {offsets = [0, 83], sizes = [16, 6724], strides = [1, 1]} : vector<16x6890xf32> to vector<16x6724xf32>
    %slice3A_45 = vector.extract_strided_slice %mul3A_13 {offsets = [0, 83], sizes = [1, 6724], strides = [1, 1]} : vector<1x6890xf32> to vector<1x6724xf32>
    %add3A_46 = arith.addf %add3A_43, %slice3A_45 : vector<1x6724xf32>
    %slice3A_47 = vector.extract_strided_slice %mul3A_32 {offsets = [0, 84], sizes = [16, 6724], strides = [1, 1]} : vector<16x6890xf32> to vector<16x6724xf32>
    %slice3A_48 = vector.extract_strided_slice %mul3A_13 {offsets = [0, 84], sizes = [1, 6724], strides = [1, 1]} : vector<1x6890xf32> to vector<1x6724xf32>
    %add3A_49 = arith.addf %add3A_46, %slice3A_48 : vector<1x6724xf32>
    %slice3A_50 = vector.extract_strided_slice %mul3A_32 {offsets = [0, 164], sizes = [16, 6724], strides = [1, 1]} : vector<16x6890xf32> to vector<16x6724xf32>
    %slice3A_51 = vector.extract_strided_slice %mul3A_13 {offsets = [0, 164], sizes = [1, 6724], strides = [1, 1]} : vector<1x6890xf32> to vector<1x6724xf32>
    %add3A_52 = arith.addf %add3A_49, %slice3A_51 : vector<1x6724xf32>
    %slice3A_53 = vector.extract_strided_slice %mul3A_32 {offsets = [0, 165], sizes = [16, 6724], strides = [1, 1]} : vector<16x6890xf32> to vector<16x6724xf32>
    %slice3A_54 = vector.extract_strided_slice %mul3A_13 {offsets = [0, 165], sizes = [1, 6724], strides = [1, 1]} : vector<1x6890xf32> to vector<1x6724xf32>
    %add3A_55 = arith.addf %add3A_52, %slice3A_54 : vector<1x6724xf32>
    %slice3A_56 = vector.extract_strided_slice %mul3A_32 {offsets = [0, 166], sizes = [16, 6724], strides = [1, 1]} : vector<16x6890xf32> to vector<16x6724xf32>
    %slice3A_57 = vector.extract_strided_slice %mul3A_13 {offsets = [0, 166], sizes = [1, 6724], strides = [1, 1]} : vector<1x6890xf32> to vector<1x6724xf32>
    %add3A_58 = arith.addf %add3A_55, %slice3A_57 : vector<1x6724xf32>
    %mul3A_59 = arith.constant 2 : i32
    %mul3A_60 = arith.muli %mul3A_59, %arg0 : i32
    %add3A_61 = arith.constant -1 : i32
    %add3A_62 = arith.addi %mul3A_60, %add3A_61 : i32
    %add3A_63 = arith.constant 1 : i32
    %add3A_64 = arith.addi %add3A_62, %add3A_63 : i32
    %ge3A_65 = arith.constant 0 : i32
    %ge3A_66 = arith.cmpi sge, %add3A_64, %ge3A_65 : i32
    %lt3A_67 = arith.constant 41 : i32
    %lt3A_68 = arith.cmpi slt, %add3A_64, %lt3A_67 : i32
    %and3A_69 = arith.andi %ge3A_66, %lt3A_68 : i1
    %jit3A_70 = arith.constant 1.000000e+00 : f32
    %jit3A_71 = arith.constant 0.000000e+00 : f32
    %select_n3A_72 = arith.select %and3A_69, %jit3A_70, %jit3A_71 : f32
    %get3A_73 = arith.constant 0 : index
    %get3A_74 = arith.constant 0 : index
    %get3A_75 = arith.constant 0 : index
    %get3A_76 = vector.load %arg5[%get3A_73, %get3A_74, %get3A_75] : memref<1x1x6890xf32, #tpu.memory_space<vmem>>, vector<1x1x6890xf32>
    %get3A_77 = vector.shape_cast %get3A_76 : vector<1x1x6890xf32> to vector<1x6890xf32>
    %mul3A_78 = vector.broadcast %select_n3A_72 : f32 to vector<1x6890xf32>
    %mul3A_79 = arith.mulf %get3A_77, %mul3A_78 : vector<1x6890xf32>
    %get3A_80 = arith.constant 0 : index
    %get3A_81 = arith.constant 0 : index
    %get3A_82 = arith.constant 0 : index
    %get3A_83 = vector.load %arg2[%get3A_80, %get3A_81, %get3A_82] : memref<1x16x6890xf32, #tpu.memory_space<vmem>>, vector<1x16x6890xf32>
    %get3A_84 = vector.shape_cast %get3A_83 : vector<1x16x6890xf32> to vector<16x6890xf32>
    %get3A_85 = arith.constant 0 : index
    %get3A_86 = arith.constant 0 : index
    %get3A_87 = vector.load %arg7[%get3A_85, %get3A_86] : memref<16x1xf32, #tpu.memory_space<vmem>>, vector<16x1xf32>
    %mul3A_88 = vector.broadcast %get3A_87 : vector<16x1xf32> to vector<16x6890xf32>
    %mul3A_89 = arith.mulf %get3A_84, %mul3A_88 : vector<16x6890xf32>
    %get3A_90 = arith.constant 0 : index
    %get3A_91 = arith.constant 0 : index
    %get3A_92 = vector.load %arg8[%get3A_90, %get3A_91] : memref<16x1xf32, #tpu.memory_space<vmem>>, vector<16x1xf32>
    %add3A_93 = vector.broadcast %get3A_92 : vector<16x1xf32> to vector<16x6890xf32>
    %add3A_94 = arith.addf %mul3A_89, %add3A_93 : vector<16x6890xf32>
    %max3A_95 = arith.constant 0.000000e+00 : f32
    %max3A_96 = vector.broadcast %max3A_95 : f32 to vector<16x6890xf32>
    %max3A_97 = arith.maximumf %add3A_94, %max3A_96 : vector<16x6890xf32>
    %mul3A_98 = vector.broadcast %mul3A_79 : vector<1x6890xf32> to vector<16x6890xf32>
    %mul3A_99 = arith.mulf %max3A_97, %mul3A_98 : vector<16x6890xf32>
    %slice3A_100 = vector.extract_strided_slice %mul3A_99 {offsets = [0, 0], sizes = [16, 6724], strides = [1, 1]} : vector<16x6890xf32> to vector<16x6724xf32>
    %slice3A_101 = vector.extract_strided_slice %mul3A_79 {offsets = [0, 0], sizes = [1, 6724], strides = [1, 1]} : vector<1x6890xf32> to vector<1x6724xf32>
    %add3A_102 = arith.addf %add3A_58, %slice3A_101 : vector<1x6724xf32>
    %slice3A_103 = vector.extract_strided_slice %mul3A_99 {offsets = [0, 1], sizes = [16, 6724], strides = [1, 1]} : vector<16x6890xf32> to vector<16x6724xf32>
    %slice3A_104 = vector.extract_strided_slice %mul3A_79 {offsets = [0, 1], sizes = [1, 6724], strides = [1, 1]} : vector<1x6890xf32> to vector<1x6724xf32>
    %add3A_105 = arith.addf %add3A_102, %slice3A_104 : vector<1x6724xf32>
    %slice3A_106 = vector.extract_strided_slice %mul3A_99 {offsets = [0, 2], sizes = [16, 6724], strides = [1, 1]} : vector<16x6890xf32> to vector<16x6724xf32>
    %slice3A_107 = vector.extract_strided_slice %mul3A_79 {offsets = [0, 2], sizes = [1, 6724], strides = [1, 1]} : vector<1x6890xf32> to vector<1x6724xf32>
    %add3A_108 = arith.addf %add3A_105, %slice3A_107 : vector<1x6724xf32>
    %slice3A_109 = vector.extract_strided_slice %mul3A_99 {offsets = [0, 82], sizes = [16, 6724], strides = [1, 1]} : vector<16x6890xf32> to vector<16x6724xf32>
    %slice3A_110 = vector.extract_strided_slice %mul3A_79 {offsets = [0, 82], sizes = [1, 6724], strides = [1, 1]} : vector<1x6890xf32> to vector<1x6724xf32>
    %add3A_111 = arith.addf %add3A_108, %slice3A_110 : vector<1x6724xf32>
    %slice3A_112 = vector.extract_strided_slice %mul3A_99 {offsets = [0, 83], sizes = [16, 6724], strides = [1, 1]} : vector<16x6890xf32> to vector<16x6724xf32>
    %slice3A_113 = vector.extract_strided_slice %mul3A_79 {offsets = [0, 83], sizes = [1, 6724], strides = [1, 1]} : vector<1x6890xf32> to vector<1x6724xf32>
    %add3A_114 = arith.addf %add3A_111, %slice3A_113 : vector<1x6724xf32>
    %slice3A_115 = vector.extract_strided_slice %mul3A_99 {offsets = [0, 84], sizes = [16, 6724], strides = [1, 1]} : vector<16x6890xf32> to vector<16x6724xf32>
    %slice3A_116 = vector.extract_strided_slice %mul3A_79 {offsets = [0, 84], sizes = [1, 6724], strides = [1, 1]} : vector<1x6890xf32> to vector<1x6724xf32>
    %add3A_117 = arith.addf %add3A_114, %slice3A_116 : vector<1x6724xf32>
    %slice3A_118 = vector.extract_strided_slice %mul3A_99 {offsets = [0, 164], sizes = [16, 6724], strides = [1, 1]} : vector<16x6890xf32> to vector<16x6724xf32>
    %slice3A_119 = vector.extract_strided_slice %mul3A_79 {offsets = [0, 164], sizes = [1, 6724], strides = [1, 1]} : vector<1x6890xf32> to vector<1x6724xf32>
    %add3A_120 = arith.addf %add3A_117, %slice3A_119 : vector<1x6724xf32>
    %slice3A_121 = vector.extract_strided_slice %mul3A_99 {offsets = [0, 165], sizes = [16, 6724], strides = [1, 1]} : vector<16x6890xf32> to vector<16x6724xf32>
    %slice3A_122 = vector.extract_strided_slice %mul3A_79 {offsets = [0, 165], sizes = [1, 6724], strides = [1, 1]} : vector<1x6890xf32> to vector<1x6724xf32>
    %add3A_123 = arith.addf %add3A_120, %slice3A_122 : vector<1x6724xf32>
    %slice3A_124 = vector.extract_strided_slice %mul3A_99 {offsets = [0, 166], sizes = [16, 6724], strides = [1, 1]} : vector<16x6890xf32> to vector<16x6724xf32>
    %slice3A_125 = vector.extract_strided_slice %mul3A_79 {offsets = [0, 166], sizes = [1, 6724], strides = [1, 1]} : vector<1x6890xf32> to vector<1x6724xf32>
    %add3A_126 = arith.addf %add3A_123, %slice3A_125 : vector<1x6724xf32>
    %mul3A_127 = arith.constant 2 : i32
    %mul3A_128 = arith.muli %mul3A_127, %arg0 : i32
    %add3A_129 = arith.constant -1 : i32
    %add3A_130 = arith.addi %mul3A_128, %add3A_129 : i32
    %add3A_131 = arith.constant 2 : i32
    %add3A_132 = arith.addi %add3A_130, %add3A_131 : i32
    %ge3A_133 = arith.constant 0 : i32
    %ge3A_134 = arith.cmpi sge, %add3A_132, %ge3A_133 : i32
    %lt3A_135 = arith.constant 41 : i32
    %lt3A_136 = arith.cmpi slt, %add3A_132, %lt3A_135 : i32
    %and3A_137 = arith.andi %ge3A_134, %lt3A_136 : i1
    %jit3A_138 = arith.constant 1.000000e+00 : f32
    %jit3A_139 = arith.constant 0.000000e+00 : f32
    %select_n3A_140 = arith.select %and3A_137, %jit3A_138, %jit3A_139 : f32
    %get3A_141 = arith.constant 0 : index
    %get3A_142 = arith.constant 0 : index
    %get3A_143 = arith.constant 0 : index
    %get3A_144 = vector.load %arg6[%get3A_141, %get3A_142, %get3A_143] : memref<1x1x6890xf32, #tpu.memory_space<vmem>>, vector<1x1x6890xf32>
    %get3A_145 = vector.shape_cast %get3A_144 : vector<1x1x6890xf32> to vector<1x6890xf32>
    %mul3A_146 = vector.broadcast %select_n3A_140 : f32 to vector<1x6890xf32>
    %mul3A_147 = arith.mulf %get3A_145, %mul3A_146 : vector<1x6890xf32>
    %get3A_148 = arith.constant 0 : index
    %get3A_149 = arith.constant 0 : index
    %get3A_150 = arith.constant 0 : index
    %get3A_151 = vector.load %arg3[%get3A_148, %get3A_149, %get3A_150] : memref<1x16x6890xf32, #tpu.memory_space<vmem>>, vector<1x16x6890xf32>
    %get3A_152 = vector.shape_cast %get3A_151 : vector<1x16x6890xf32> to vector<16x6890xf32>
    %get3A_153 = arith.constant 0 : index
    %get3A_154 = arith.constant 0 : index
    %get3A_155 = vector.load %arg7[%get3A_153, %get3A_154] : memref<16x1xf32, #tpu.memory_space<vmem>>, vector<16x1xf32>
    %mul3A_156 = vector.broadcast %get3A_155 : vector<16x1xf32> to vector<16x6890xf32>
    %mul3A_157 = arith.mulf %get3A_152, %mul3A_156 : vector<16x6890xf32>
    %get3A_158 = arith.constant 0 : index
    %get3A_159 = arith.constant 0 : index
    %get3A_160 = vector.load %arg8[%get3A_158, %get3A_159] : memref<16x1xf32, #tpu.memory_space<vmem>>, vector<16x1xf32>
    %add3A_161 = vector.broadcast %get3A_160 : vector<16x1xf32> to vector<16x6890xf32>
    %add3A_162 = arith.addf %mul3A_157, %add3A_161 : vector<16x6890xf32>
    %max3A_163 = arith.constant 0.000000e+00 : f32
    %max3A_164 = vector.broadcast %max3A_163 : f32 to vector<16x6890xf32>
    %max3A_165 = arith.maximumf %add3A_162, %max3A_164 : vector<16x6890xf32>
    %mul3A_166 = vector.broadcast %mul3A_147 : vector<1x6890xf32> to vector<16x6890xf32>
    %mul3A_167 = arith.mulf %max3A_165, %mul3A_166 : vector<16x6890xf32>
    %slice3A_168 = vector.extract_strided_slice %mul3A_167 {offsets = [0, 0], sizes = [16, 6724], strides = [1, 1]} : vector<16x6890xf32> to vector<16x6724xf32>
    %slice3A_169 = vector.extract_strided_slice %mul3A_147 {offsets = [0, 0], sizes = [1, 6724], strides = [1, 1]} : vector<1x6890xf32> to vector<1x6724xf32>
    %add3A_170 = arith.addf %add3A_126, %slice3A_169 : vector<1x6724xf32>
    %slice3A_171 = vector.extract_strided_slice %mul3A_167 {offsets = [0, 1], sizes = [16, 6724], strides = [1, 1]} : vector<16x6890xf32> to vector<16x6724xf32>
    %slice3A_172 = vector.extract_strided_slice %mul3A_147 {offsets = [0, 1], sizes = [1, 6724], strides = [1, 1]} : vector<1x6890xf32> to vector<1x6724xf32>
    %add3A_173 = arith.addf %add3A_170, %slice3A_172 : vector<1x6724xf32>
    %slice3A_174 = vector.extract_strided_slice %mul3A_167 {offsets = [0, 2], sizes = [16, 6724], strides = [1, 1]} : vector<16x6890xf32> to vector<16x6724xf32>
    %slice3A_175 = vector.extract_strided_slice %mul3A_147 {offsets = [0, 2], sizes = [1, 6724], strides = [1, 1]} : vector<1x6890xf32> to vector<1x6724xf32>
    %add3A_176 = arith.addf %add3A_173, %slice3A_175 : vector<1x6724xf32>
    %slice3A_177 = vector.extract_strided_slice %mul3A_167 {offsets = [0, 82], sizes = [16, 6724], strides = [1, 1]} : vector<16x6890xf32> to vector<16x6724xf32>
    %slice3A_178 = vector.extract_strided_slice %mul3A_147 {offsets = [0, 82], sizes = [1, 6724], strides = [1, 1]} : vector<1x6890xf32> to vector<1x6724xf32>
    %add3A_179 = arith.addf %add3A_176, %slice3A_178 : vector<1x6724xf32>
    %slice3A_180 = vector.extract_strided_slice %mul3A_167 {offsets = [0, 83], sizes = [16, 6724], strides = [1, 1]} : vector<16x6890xf32> to vector<16x6724xf32>
    %slice3A_181 = vector.extract_strided_slice %mul3A_147 {offsets = [0, 83], sizes = [1, 6724], strides = [1, 1]} : vector<1x6890xf32> to vector<1x6724xf32>
    %add3A_182 = arith.addf %add3A_179, %slice3A_181 : vector<1x6724xf32>
    %slice3A_183 = vector.extract_strided_slice %mul3A_167 {offsets = [0, 84], sizes = [16, 6724], strides = [1, 1]} : vector<16x6890xf32> to vector<16x6724xf32>
    %slice3A_184 = vector.extract_strided_slice %mul3A_147 {offsets = [0, 84], sizes = [1, 6724], strides = [1, 1]} : vector<1x6890xf32> to vector<1x6724xf32>
    %add3A_185 = arith.addf %add3A_182, %slice3A_184 : vector<1x6724xf32>
    %slice3A_186 = vector.extract_strided_slice %mul3A_167 {offsets = [0, 164], sizes = [16, 6724], strides = [1, 1]} : vector<16x6890xf32> to vector<16x6724xf32>
    %slice3A_187 = vector.extract_strided_slice %mul3A_147 {offsets = [0, 164], sizes = [1, 6724], strides = [1, 1]} : vector<1x6890xf32> to vector<1x6724xf32>
    %add3A_188 = arith.addf %add3A_185, %slice3A_187 : vector<1x6724xf32>
    %slice3A_189 = vector.extract_strided_slice %mul3A_167 {offsets = [0, 165], sizes = [16, 6724], strides = [1, 1]} : vector<16x6890xf32> to vector<16x6724xf32>
    %slice3A_190 = vector.extract_strided_slice %mul3A_147 {offsets = [0, 165], sizes = [1, 6724], strides = [1, 1]} : vector<1x6890xf32> to vector<1x6724xf32>
    %add3A_191 = arith.addf %add3A_188, %slice3A_190 : vector<1x6724xf32>
    %slice3A_192 = vector.extract_strided_slice %mul3A_167 {offsets = [0, 166], sizes = [16, 6724], strides = [1, 1]} : vector<16x6890xf32> to vector<16x6724xf32>
    %slice3A_193 = vector.extract_strided_slice %mul3A_147 {offsets = [0, 166], sizes = [1, 6724], strides = [1, 1]} : vector<1x6890xf32> to vector<1x6724xf32>
    %add3A_194 = arith.addf %add3A_191, %slice3A_193 : vector<1x6724xf32>
    %concatenate3A = tpu.concatenate %slice3A, %slice3A_35, %slice3A_38, %slice3A_41, %slice3A_44, %slice3A_47, %slice3A_50, %slice3A_53, %slice3A_56, %slice3A_100, %slice3A_103, %slice3A_106, %slice3A_109, %slice3A_112, %slice3A_115, %slice3A_118, %slice3A_121, %slice3A_124, %slice3A_168, %slice3A_171, %slice3A_174, %slice3A_177, %slice3A_180, %slice3A_183, %slice3A_186, %slice3A_189, %slice3A_192 in 0 : vector<16x6724xf32>, vector<16x6724xf32>, vector<16x6724xf32>, vector<16x6724xf32>, vector<16x6724xf32>, vector<16x6724xf32>, vector<16x6724xf32>, vector<16x6724xf32>, vector<16x6724xf32>, vector<16x6724xf32>, vector<16x6724xf32>, vector<16x6724xf32>, vector<16x6724xf32>, vector<16x6724xf32>, vector<16x6724xf32>, vector<16x6724xf32>, vector<16x6724xf32>, vector<16x6724xf32>, vector<16x6724xf32>, vector<16x6724xf32>, vector<16x6724xf32>, vector<16x6724xf32>, vector<16x6724xf32>, vector<16x6724xf32>, vector<16x6724xf32>, vector<16x6724xf32>, vector<16x6724xf32> -> vector<432x6724xf32>
    %get3A_195 = arith.constant 0 : index
    %get3A_196 = arith.constant 0 : index
    %get3A_197 = vector.load %arg10[%get3A_195, %get3A_196] : memref<32x432xf32, #tpu.memory_space<vmem>>, vector<32x432xf32>
    %dot_general3A = arith.constant dense<0.000000e+00> : vector<32x6724xf32>
    %dot_general3A_198 = tpu.matmul %get3A_197, %concatenate3A, %dot_general3A {dimension_numbers = #tpu.dot_dimension_numbers<[1], [0], [0], [1], [0, 0, 1, 1], [], []>, transpose_lhs_hint = false} : vector<32x432xf32>, vector<432x6724xf32>, vector<32x6724xf32> -> vector<32x6724xf32>
    %gt3A = arith.constant 5.000000e-01 : f32
    %gt3A_199 = vector.broadcast %gt3A : f32 to vector<1x6724xf32>
    %gt3A_200 = arith.cmpf ogt, %add3A_194, %gt3A_199 : vector<1x6724xf32>
    %convert_element_type3A = arith.extui %gt3A_200 : vector<1x6724xi1> to vector<1x6724xi32>
    %convert_element_type3A_201 = arith.sitofp %convert_element_type3A : vector<1x6724xi32> to vector<1x6724xf32>
    %get3A_202 = arith.constant 0 : index
    %get3A_203 = arith.constant 0 : index
    %get3A_204 = vector.load %arg9[%get3A_202, %get3A_203] : memref<1x6890xf32, #tpu.memory_space<vmem>>, vector<1x6890xf32>
    %slice3A_205 = vector.extract_strided_slice %get3A_204 {offsets = [0, 83], sizes = [1, 6724], strides = [1, 1]} : vector<1x6890xf32> to vector<1x6724xf32>
    %mul3A_206 = arith.mulf %convert_element_type3A_201, %slice3A_205 : vector<1x6724xf32>
    %broadcast_in_dim3A_207 = arith.constant 0.000000e+00 : f32
    %broadcast_in_dim3A_208 = vector.broadcast %broadcast_in_dim3A_207 : f32 to vector<1x83xf32>
    %concatenate3A_209 = tpu.concatenate %broadcast_in_dim3A_208, %mul3A_206, %broadcast_in_dim3A_208 in 1 : vector<1x83xf32>, vector<1x6724xf32>, vector<1x83xf32> -> vector<1x6890xf32>
    %broadcast_in_dim3A_210 = arith.constant 0.000000e+00 : f32
    %broadcast_in_dim3A_211 = vector.broadcast %broadcast_in_dim3A_210 : f32 to vector<32x83xf32>
    %concatenate3A_212 = tpu.concatenate %broadcast_in_dim3A_211, %dot_general3A_198, %broadcast_in_dim3A_211 in 1 : vector<32x83xf32>, vector<32x6724xf32>, vector<32x83xf32> -> vector<32x6890xf32>
    %swap3A = arith.constant 0 : index
    %swap3A_213 = arith.constant 0 : index
    %swap3A_214 = arith.constant 0 : index
    %swap3A_215 = vector.load %arg11[%swap3A, %swap3A_213, %swap3A_214] : memref<1x32x6890xf32, #tpu.memory_space<vmem>>, vector<1x32x6890xf32>
    %swap3A_216 = vector.shape_cast %swap3A_215 : vector<1x32x6890xf32> to vector<32x6890xf32>
    %swap3A_217 = vector.shape_cast %concatenate3A_212 : vector<32x6890xf32> to vector<1x32x6890xf32>
    tpu.vector_store %arg11[%swap3A, %swap3A_213, %swap3A_214], %swap3A_217 {strides = array<i32>} : memref<1x32x6890xf32, #tpu.memory_space<vmem>>, vector<1x32x6890xf32>,
    %swap3A_218 = arith.constant 0 : index
    %swap3A_219 = arith.constant 0 : index
    %swap3A_220 = arith.constant 0 : index
    %swap3A_221 = vector.load %arg12[%swap3A_218, %swap3A_219, %swap3A_220] : memref<1x1x6890xf32, #tpu.memory_space<vmem>>, vector<1x1x6890xf32>
    %swap3A_222 = vector.shape_cast %swap3A_221 : vector<1x1x6890xf32> to vector<1x6890xf32>
    %swap3A_223 = vector.shape_cast %concatenate3A_209 : vector<1x6890xf32> to vector<1x1x6890xf32>
    tpu.vector_store %arg12[%swap3A_218, %swap3A_219, %swap3A_220], %swap3A_223 {strides = array<i32>} : memref<1x1x6890xf32, #tpu.memory_space<vmem>>, vector<1x1x6890xf32>,
    %mul3A_224 = vector.broadcast %mul3A_206 : vector<1x6724xf32> to vector<32x6724xf32>
    %mul3A_225 = arith.mulf %dot_general3A_198, %mul3A_224 : vector<32x6724xf32>
    %reduce_sum3A = arith.constant dense<0.000000e+00> : vector<32xf32>
    %reduce_sum3A_226 = vector.multi_reduction <add>, %mul3A_225, %reduce_sum3A [1] : vector<32x6724xf32> to vector<32xf32>
    %broadcast_in_dim3A_227 = vector.shape_cast %reduce_sum3A_226 : vector<32xf32> to vector<32x1xf32>
    %mul3A_228 = arith.mulf %dot_general3A_198, %dot_general3A_198 : vector<32x6724xf32>
    %mul3A_229 = vector.broadcast %mul3A_206 : vector<1x6724xf32> to vector<32x6724xf32>
    %mul3A_230 = arith.mulf %mul3A_228, %mul3A_229 : vector<32x6724xf32>
    %reduce_sum3A_231 = arith.constant dense<0.000000e+00> : vector<32xf32>
    %reduce_sum3A_232 = vector.multi_reduction <add>, %mul3A_230, %reduce_sum3A_231 [1] : vector<32x6724xf32> to vector<32xf32>
    %broadcast_in_dim3A_233 = vector.shape_cast %reduce_sum3A_232 : vector<32xf32> to vector<32x1xf32>
    %broadcast_in_dim3A_234 = arith.constant 0.000000e+00 : f32
    %broadcast_in_dim3A_235 = vector.broadcast %broadcast_in_dim3A_234 : f32 to vector<32x1xf32>
    %reduce_sum3A_236 = vector.shape_cast %mul3A_206 : vector<1x6724xf32> to vector<1x1x6724xf32>
    %reduce_sum3A_237 = arith.constant dense<0.000000e+00> : vector<1xf32>
    %reduce_sum3A_238 = vector.multi_reduction <add>, %reduce_sum3A_236, %reduce_sum3A_237 [1, 2] : vector<1x1x6724xf32> to vector<1xf32>
    %reduce_sum3A_239 = vector.shape_cast %reduce_sum3A_238 : vector<1xf32> to vector<1x1x1xf32>
    %reduce_sum3A_240 = vector.extract %reduce_sum3A_239[0, 0, 0] : f32 from vector<1x1x1xf32>
    %add3A_241 = vector.broadcast %reduce_sum3A_240 : f32 to vector<32x1xf32>
    %add3A_242 = arith.addf %broadcast_in_dim3A_235, %add3A_241 : vector<32x1xf32>
    %broadcast_in_dim3A_243 = arith.constant 0.000000e+00 : f32
    %broadcast_in_dim3A_244 = vector.broadcast %broadcast_in_dim3A_243 : f32 to vector<32x5xf32>
    %concatenate3A_245 = tpu.concatenate %broadcast_in_dim3A_227, %broadcast_in_dim3A_233, %add3A_242, %broadcast_in_dim3A_244 in 1 : vector<32x1xf32>, vector<32x1xf32>, vector<32x1xf32>, vector<32x5xf32> -> vector<32x8xf32>
    %broadcast_in_dim3A_246 = arith.constant 0.000000e+00 : f32
    %broadcast_in_dim3A_247 = vector.broadcast %broadcast_in_dim3A_246 : f32 to vector<96x8xf32>
    %concatenate3A_248 = tpu.concatenate %concatenate3A_245, %broadcast_in_dim3A_247 in 0 : vector<32x8xf32>, vector<96x8xf32> -> vector<128x8xf32>
    %eq3A = arith.constant 0 : i32
    %eq3A_249 = arith.cmpi eq, %arg0, %eq3A : i32
    %convert_element_type3A_250 = arith.extui %eq3A_249 : i1 to i32
    %cond3A = arith.constant 0 : i32
    %cond3A_251 = arith.cmpi ne, %convert_element_type3A_250, %cond3A : i32
    scf.if %cond3A_251 {
      %swap3A_256 = arith.constant 0 : index
      %swap3A_257 = arith.constant 0 : index
      %swap3A_258 = vector.load %arg13[%swap3A_256, %swap3A_257] : memref<128x8xf32, #tpu.memory_space<vmem>>, vector<128x8xf32>
      tpu.vector_store %arg13[%swap3A_256, %swap3A_257], %concatenate3A_248 {strides = array<i32>} : memref<128x8xf32, #tpu.memory_space<vmem>>, vector<128x8xf32>,
    } else {
    }
    %ne3A = arith.constant 0 : i32
    %ne3A_252 = arith.cmpi ne, %arg0, %ne3A : i32
    %convert_element_type3A_253 = arith.extui %ne3A_252 : i1 to i32
    %cond3A_254 = arith.constant 0 : i32
    %cond3A_255 = arith.cmpi ne, %convert_element_type3A_253, %cond3A_254 : i32
    scf.if %cond3A_255 {
      %get3A_256 = arith.constant 0 : index
      %get3A_257 = arith.constant 0 : index
      %get3A_258 = vector.load %arg13[%get3A_256, %get3A_257] : memref<128x8xf32, #tpu.memory_space<vmem>>, vector<128x8xf32>
      %add3A_259 = arith.addf %get3A_258, %concatenate3A_248 : vector<128x8xf32>
      %swap3A_260 = arith.constant 0 : index
      %swap3A_261 = arith.constant 0 : index
      %swap3A_262 = vector.load %arg13[%swap3A_260, %swap3A_261] : memref<128x8xf32, #tpu.memory_space<vmem>>, vector<128x8xf32>
      tpu.vector_store %arg13[%swap3A_260, %swap3A_261], %add3A_259 {strides = array<i32>} : memref<128x8xf32, #tpu.memory_space<vmem>>, vector<128x8xf32>,
    } else {
    }
    return
  }
  func.func @transform_0(%arg0: i32) -> (i32, i32, i32) {
    %mul3A = arith.constant 2 : i32
    %mul3A_0 = arith.muli %mul3A, %arg0 : i32
    %add3A = arith.constant -1 : i32
    %add3A_1 = arith.addi %mul3A_0, %add3A : i32
    %add3A_2 = arith.constant 0 : i32
    %add3A_3 = arith.addi %add3A_1, %add3A_2 : i32
    %jit3A = arith.constant 0 : i32
    %jit3A_4 = arith.constant 40 : i32
    %max3A = arith.maxsi %jit3A, %add3A_3 : i32
    %min3A = arith.minsi %jit3A_4, %max3A : i32
    %c0_i32 = arith.constant 0 : i32
    %c0_i32_5 = arith.constant 0 : i32
    %c0_i32_6 = arith.constant 0 : i32
    return %min3A, %c0_i32, %c0_i32_5 : i32, i32, i32
  }
  func.func @transform_1(%arg0: i32) -> (i32, i32, i32) {
    %mul3A = arith.constant 2 : i32
    %mul3A_0 = arith.muli %mul3A, %arg0 : i32
    %add3A = arith.constant -1 : i32
    %add3A_1 = arith.addi %mul3A_0, %add3A : i32
    %add3A_2 = arith.constant 1 : i32
    %add3A_3 = arith.addi %add3A_1, %add3A_2 : i32
    %jit3A = arith.constant 0 : i32
    %jit3A_4 = arith.constant 40 : i32
    %max3A = arith.maxsi %jit3A, %add3A_3 : i32
    %min3A = arith.minsi %jit3A_4, %max3A : i32
    %c0_i32 = arith.constant 0 : i32
    %c0_i32_5 = arith.constant 0 : i32
    %c0_i32_6 = arith.constant 0 : i32
    return %min3A, %c0_i32, %c0_i32_5 : i32, i32, i32
  }
  func.func @transform_2(%arg0: i32) -> (i32, i32, i32) {
    %mul3A = arith.constant 2 : i32
    %mul3A_0 = arith.muli %mul3A, %arg0 : i32
    %add3A = arith.constant -1 : i32
    %add3A_1 = arith.addi %mul3A_0, %add3A : i32
    %add3A_2 = arith.constant 2 : i32
    %add3A_3 = arith.addi %add3A_1, %add3A_2 : i32
    %jit3A = arith.constant 0 : i32
    %jit3A_4 = arith.constant 40 : i32
    %max3A = arith.maxsi %jit3A, %add3A_3 : i32
    %min3A = arith.minsi %jit3A_4, %max3A : i32
    %c0_i32 = arith.constant 0 : i32
    %c0_i32_5 = arith.constant 0 : i32
    %c0_i32_6 = arith.constant 0 : i32
    return %min3A, %c0_i32, %c0_i32_5 : i32, i32, i32
  }
  func.func @transform_3(%arg0: i32) -> (i32, i32, i32) {
    %mul3A = arith.constant 2 : i32
    %mul3A_0 = arith.muli %mul3A, %arg0 : i32
    %add3A = arith.constant -1 : i32
    %add3A_1 = arith.addi %mul3A_0, %add3A : i32
    %add3A_2 = arith.constant 0 : i32
    %add3A_3 = arith.addi %add3A_1, %add3A_2 : i32
    %jit3A = arith.constant 0 : i32
    %jit3A_4 = arith.constant 40 : i32
    %max3A = arith.maxsi %jit3A, %add3A_3 : i32
    %min3A = arith.minsi %jit3A_4, %max3A : i32
    %c0_i32 = arith.constant 0 : i32
    %c0_i32_5 = arith.constant 0 : i32
    %c0_i32_6 = arith.constant 0 : i32
    return %min3A, %c0_i32, %c0_i32_5 : i32, i32, i32
  }
  func.func @transform_4(%arg0: i32) -> (i32, i32, i32) {
    %mul3A = arith.constant 2 : i32
    %mul3A_0 = arith.muli %mul3A, %arg0 : i32
    %add3A = arith.constant -1 : i32
    %add3A_1 = arith.addi %mul3A_0, %add3A : i32
    %add3A_2 = arith.constant 1 : i32
    %add3A_3 = arith.addi %add3A_1, %add3A_2 : i32
    %jit3A = arith.constant 0 : i32
    %jit3A_4 = arith.constant 40 : i32
    %max3A = arith.maxsi %jit3A, %add3A_3 : i32
    %min3A = arith.minsi %jit3A_4, %max3A : i32
    %c0_i32 = arith.constant 0 : i32
    %c0_i32_5 = arith.constant 0 : i32
    %c0_i32_6 = arith.constant 0 : i32
    return %min3A, %c0_i32, %c0_i32_5 : i32, i32, i32
  }
  func.func @transform_5(%arg0: i32) -> (i32, i32, i32) {
    %mul3A = arith.constant 2 : i32
    %mul3A_0 = arith.muli %mul3A, %arg0 : i32
    %add3A = arith.constant -1 : i32
    %add3A_1 = arith.addi %mul3A_0, %add3A : i32
    %add3A_2 = arith.constant 2 : i32
    %add3A_3 = arith.addi %add3A_1, %add3A_2 : i32
    %jit3A = arith.constant 0 : i32
    %jit3A_4 = arith.constant 40 : i32
    %max3A = arith.maxsi %jit3A, %add3A_3 : i32
    %min3A = arith.minsi %jit3A_4, %max3A : i32
    %c0_i32 = arith.constant 0 : i32
    %c0_i32_5 = arith.constant 0 : i32
    %c0_i32_6 = arith.constant 0 : i32
    return %min3A, %c0_i32, %c0_i32_5 : i32, i32, i32
  }
  func.func @transform_6(%arg0: i32) -> (i32, i32) {
    %c0_i32 = arith.constant 0 : i32
    %c0_i32_0 = arith.constant 0 : i32
    %c0_i32_1 = arith.constant 0 : i32
    return %c0_i32, %c0_i32_0 : i32, i32
  }
  func.func @transform_7(%arg0: i32) -> (i32, i32) {
    %c0_i32 = arith.constant 0 : i32
    %c0_i32_0 = arith.constant 0 : i32
    %c0_i32_1 = arith.constant 0 : i32
    return %c0_i32, %c0_i32_0 : i32, i32
  }
  func.func @transform_8(%arg0: i32) -> (i32, i32) {
    %c0_i32 = arith.constant 0 : i32
    %c0_i32_0 = arith.constant 0 : i32
    %c0_i32_1 = arith.constant 0 : i32
    return %c0_i32, %c0_i32_0 : i32, i32
  }
  func.func @transform_9(%arg0: i32) -> (i32, i32) {
    %c0_i32 = arith.constant 0 : i32
    %c0_i32_0 = arith.constant 0 : i32
    %c0_i32_1 = arith.constant 0 : i32
    return %c0_i32, %c0_i32_0 : i32, i32
  }
  func.func @transform_10(%arg0: i32) -> (i32, i32, i32) {
    %c0_i32 = arith.constant 0 : i32
    %c0_i32_0 = arith.constant 0 : i32
    %c0_i32_1 = arith.constant 0 : i32
    return %arg0, %c0_i32, %c0_i32_0 : i32, i32, i32
  }
  func.func @transform_11(%arg0: i32) -> (i32, i32, i32) {
    %c0_i32 = arith.constant 0 : i32
    %c0_i32_0 = arith.constant 0 : i32
    %c0_i32_1 = arith.constant 0 : i32
    return %arg0, %c0_i32, %c0_i32_0 : i32, i32, i32
  }
  func.func @transform_12(%arg0: i32) -> (i32, i32) {
    %c0_i32 = arith.constant 0 : i32
    %c0_i32_0 = arith.constant 0 : i32
    %c0_i32_1 = arith.constant 0 : i32
    return %c0_i32, %c0_i32_0 : i32, i32
  }
}

module attributes {stable_mosaic.version = 14 : i64} {
  func.func @body(%arg0: i32, %arg1: memref<1x32x1850xf32, #tpu.memory_space<vmem>>, %arg2: memref<1x32x1850xf32, #tpu.memory_space<vmem>>, %arg3: memref<1x32x1850xf32, #tpu.memory_space<vmem>>, %arg4: memref<1x1x1850xf32, #tpu.memory_space<vmem>>, %arg5: memref<1x1x1850xf32, #tpu.memory_space<vmem>>, %arg6: memref<1x1x1850xf32, #tpu.memory_space<vmem>>, %arg7: memref<32x1xf32, #tpu.memory_space<vmem>>, %arg8: memref<32x1xf32, #tpu.memory_space<vmem>>, %arg9: memref<32x864xf32, #tpu.memory_space<vmem>>, %arg10: memref<1x32x1850xf32, #tpu.memory_space<vmem>>, %arg11: memref<1x1x1850xf32, #tpu.memory_space<vmem>>, %arg12: memref<128x8xf32, #tpu.memory_space<vmem>>) attributes {dimension_semantics = [#tpu.dimension_semantics<arbitrary>], iteration_bounds = array<i64: 21>, scalar_prefetch = 0 : i64, scratch_operands = 0 : i64, tpu.core_type = #tpu.core_type<tc>, window_params = [{transform_indices = @transform_0, window_bounds = array<i64: 1, 32, 1850>}, {transform_indices = @transform_1, window_bounds = array<i64: 1, 32, 1850>}, {transform_indices = @transform_2, window_bounds = array<i64: 1, 32, 1850>}, {transform_indices = @transform_3, window_bounds = array<i64: 1, 1, 1850>}, {transform_indices = @transform_4, window_bounds = array<i64: 1, 1, 1850>}, {transform_indices = @transform_5, window_bounds = array<i64: 1, 1, 1850>}, {pipeline_mode = #tpu.pipeline_mode<synchronous>, transform_indices = @transform_6, window_bounds = array<i64: 32, 1>}, {pipeline_mode = #tpu.pipeline_mode<synchronous>, transform_indices = @transform_7, window_bounds = array<i64: 32, 1>}, {pipeline_mode = #tpu.pipeline_mode<synchronous>, transform_indices = @transform_8, window_bounds = array<i64: 32, 864>}, {transform_indices = @transform_9, window_bounds = array<i64: 1, 32, 1850>}, {transform_indices = @transform_10, window_bounds = array<i64: 1, 1, 1850>}, {pipeline_mode = #tpu.pipeline_mode<synchronous>, transform_indices = @transform_11, window_bounds = array<i64: 128, 8>}]} {
    %mul3A = arith.constant 1 : i32
    %mul3A_0 = arith.muli %mul3A, %arg0 : i32
    %add3A = arith.constant -1 : i32
    %add3A_1 = arith.addi %mul3A_0, %add3A : i32
    %add3A_2 = arith.constant 0 : i32
    %add3A_3 = arith.addi %add3A_1, %add3A_2 : i32
    %ge3A = arith.constant 0 : i32
    %ge3A_4 = arith.cmpi sge, %add3A_3, %ge3A : i32
    %lt3A = arith.constant 21 : i32
    %lt3A_5 = arith.cmpi slt, %add3A_3, %lt3A : i32
    %and3A = arith.andi %ge3A_4, %lt3A_5 : i1
    %jit3A = arith.constant 1.000000e+00 : f32
    %jit3A_6 = arith.constant 0.000000e+00 : f32
    %select_n3A = arith.select %and3A, %jit3A, %jit3A_6 : f32
    %get3A = arith.constant 0 : index
    %get3A_7 = arith.constant 0 : index
    %get3A_8 = arith.constant 0 : index
    %get3A_9 = vector.load %arg4[%get3A, %get3A_7, %get3A_8] : memref<1x1x1850xf32, #tpu.memory_space<vmem>>, vector<1x1x1850xf32>
    %get3A_10 = vector.shape_cast %get3A_9 : vector<1x1x1850xf32> to vector<1x1850xf32>
    %mul3A_11 = vector.broadcast %select_n3A : f32 to vector<1x1850xf32>
    %mul3A_12 = arith.mulf %get3A_10, %mul3A_11 : vector<1x1850xf32>
    %get3A_13 = arith.constant 0 : index
    %get3A_14 = arith.constant 0 : index
    %get3A_15 = arith.constant 0 : index
    %get3A_16 = vector.load %arg1[%get3A_13, %get3A_14, %get3A_15] : memref<1x32x1850xf32, #tpu.memory_space<vmem>>, vector<1x32x1850xf32>
    %get3A_17 = vector.shape_cast %get3A_16 : vector<1x32x1850xf32> to vector<32x1850xf32>
    %get3A_18 = arith.constant 0 : index
    %get3A_19 = arith.constant 0 : index
    %get3A_20 = vector.load %arg7[%get3A_18, %get3A_19] : memref<32x1xf32, #tpu.memory_space<vmem>>, vector<32x1xf32>
    %mul3A_21 = vector.broadcast %get3A_20 : vector<32x1xf32> to vector<32x1850xf32>
    %mul3A_22 = arith.mulf %get3A_17, %mul3A_21 : vector<32x1850xf32>
    %get3A_23 = arith.constant 0 : index
    %get3A_24 = arith.constant 0 : index
    %get3A_25 = vector.load %arg8[%get3A_23, %get3A_24] : memref<32x1xf32, #tpu.memory_space<vmem>>, vector<32x1xf32>
    %add3A_26 = vector.broadcast %get3A_25 : vector<32x1xf32> to vector<32x1850xf32>
    %add3A_27 = arith.addf %mul3A_22, %add3A_26 : vector<32x1850xf32>
    %max3A = arith.constant 0.000000e+00 : f32
    %max3A_28 = vector.broadcast %max3A : f32 to vector<32x1850xf32>
    %max3A_29 = arith.maximumf %add3A_27, %max3A_28 : vector<32x1850xf32>
    %mul3A_30 = vector.broadcast %mul3A_12 : vector<1x1850xf32> to vector<32x1850xf32>
    %mul3A_31 = arith.mulf %max3A_29, %mul3A_30 : vector<32x1850xf32>
    %slice3A = vector.extract_strided_slice %mul3A_31 {offsets = [0, 0], sizes = [32, 1764], strides = [1, 1]} : vector<32x1850xf32> to vector<32x1764xf32>
    %slice3A_32 = vector.extract_strided_slice %mul3A_31 {offsets = [0, 1], sizes = [32, 1764], strides = [1, 1]} : vector<32x1850xf32> to vector<32x1764xf32>
    %slice3A_33 = vector.extract_strided_slice %mul3A_31 {offsets = [0, 2], sizes = [32, 1764], strides = [1, 1]} : vector<32x1850xf32> to vector<32x1764xf32>
    %slice3A_34 = vector.extract_strided_slice %mul3A_31 {offsets = [0, 42], sizes = [32, 1764], strides = [1, 1]} : vector<32x1850xf32> to vector<32x1764xf32>
    %slice3A_35 = vector.extract_strided_slice %mul3A_31 {offsets = [0, 43], sizes = [32, 1764], strides = [1, 1]} : vector<32x1850xf32> to vector<32x1764xf32>
    %slice3A_36 = vector.extract_strided_slice %mul3A_31 {offsets = [0, 44], sizes = [32, 1764], strides = [1, 1]} : vector<32x1850xf32> to vector<32x1764xf32>
    %slice3A_37 = vector.extract_strided_slice %mul3A_31 {offsets = [0, 84], sizes = [32, 1764], strides = [1, 1]} : vector<32x1850xf32> to vector<32x1764xf32>
    %slice3A_38 = vector.extract_strided_slice %mul3A_31 {offsets = [0, 85], sizes = [32, 1764], strides = [1, 1]} : vector<32x1850xf32> to vector<32x1764xf32>
    %slice3A_39 = vector.extract_strided_slice %mul3A_31 {offsets = [0, 86], sizes = [32, 1764], strides = [1, 1]} : vector<32x1850xf32> to vector<32x1764xf32>
    %mul3A_40 = arith.constant 1 : i32
    %mul3A_41 = arith.muli %mul3A_40, %arg0 : i32
    %add3A_42 = arith.constant -1 : i32
    %add3A_43 = arith.addi %mul3A_41, %add3A_42 : i32
    %add3A_44 = arith.constant 1 : i32
    %add3A_45 = arith.addi %add3A_43, %add3A_44 : i32
    %ge3A_46 = arith.constant 0 : i32
    %ge3A_47 = arith.cmpi sge, %add3A_45, %ge3A_46 : i32
    %lt3A_48 = arith.constant 21 : i32
    %lt3A_49 = arith.cmpi slt, %add3A_45, %lt3A_48 : i32
    %and3A_50 = arith.andi %ge3A_47, %lt3A_49 : i1
    %jit3A_51 = arith.constant 1.000000e+00 : f32
    %jit3A_52 = arith.constant 0.000000e+00 : f32
    %select_n3A_53 = arith.select %and3A_50, %jit3A_51, %jit3A_52 : f32
    %get3A_54 = arith.constant 0 : index
    %get3A_55 = arith.constant 0 : index
    %get3A_56 = arith.constant 0 : index
    %get3A_57 = vector.load %arg5[%get3A_54, %get3A_55, %get3A_56] : memref<1x1x1850xf32, #tpu.memory_space<vmem>>, vector<1x1x1850xf32>
    %get3A_58 = vector.shape_cast %get3A_57 : vector<1x1x1850xf32> to vector<1x1850xf32>
    %mul3A_59 = vector.broadcast %select_n3A_53 : f32 to vector<1x1850xf32>
    %mul3A_60 = arith.mulf %get3A_58, %mul3A_59 : vector<1x1850xf32>
    %get3A_61 = arith.constant 0 : index
    %get3A_62 = arith.constant 0 : index
    %get3A_63 = arith.constant 0 : index
    %get3A_64 = vector.load %arg5[%get3A_61, %get3A_62, %get3A_63] : memref<1x1x1850xf32, #tpu.memory_space<vmem>>, vector<1x1x1850xf32>
    %get3A_65 = vector.shape_cast %get3A_64 : vector<1x1x1850xf32> to vector<1x1850xf32>
    %get3A_66 = arith.constant 0 : index
    %get3A_67 = arith.constant 0 : index
    %get3A_68 = arith.constant 0 : index
    %get3A_69 = vector.load %arg2[%get3A_66, %get3A_67, %get3A_68] : memref<1x32x1850xf32, #tpu.memory_space<vmem>>, vector<1x32x1850xf32>
    %get3A_70 = vector.shape_cast %get3A_69 : vector<1x32x1850xf32> to vector<32x1850xf32>
    %get3A_71 = arith.constant 0 : index
    %get3A_72 = arith.constant 0 : index
    %get3A_73 = vector.load %arg7[%get3A_71, %get3A_72] : memref<32x1xf32, #tpu.memory_space<vmem>>, vector<32x1xf32>
    %mul3A_74 = vector.broadcast %get3A_73 : vector<32x1xf32> to vector<32x1850xf32>
    %mul3A_75 = arith.mulf %get3A_70, %mul3A_74 : vector<32x1850xf32>
    %get3A_76 = arith.constant 0 : index
    %get3A_77 = arith.constant 0 : index
    %get3A_78 = vector.load %arg8[%get3A_76, %get3A_77] : memref<32x1xf32, #tpu.memory_space<vmem>>, vector<32x1xf32>
    %add3A_79 = vector.broadcast %get3A_78 : vector<32x1xf32> to vector<32x1850xf32>
    %add3A_80 = arith.addf %mul3A_75, %add3A_79 : vector<32x1850xf32>
    %max3A_81 = arith.constant 0.000000e+00 : f32
    %max3A_82 = vector.broadcast %max3A_81 : f32 to vector<32x1850xf32>
    %max3A_83 = arith.maximumf %add3A_80, %max3A_82 : vector<32x1850xf32>
    %mul3A_84 = vector.broadcast %mul3A_60 : vector<1x1850xf32> to vector<32x1850xf32>
    %mul3A_85 = arith.mulf %max3A_83, %mul3A_84 : vector<32x1850xf32>
    %slice3A_86 = vector.extract_strided_slice %mul3A_85 {offsets = [0, 0], sizes = [32, 1764], strides = [1, 1]} : vector<32x1850xf32> to vector<32x1764xf32>
    %slice3A_87 = vector.extract_strided_slice %mul3A_85 {offsets = [0, 1], sizes = [32, 1764], strides = [1, 1]} : vector<32x1850xf32> to vector<32x1764xf32>
    %slice3A_88 = vector.extract_strided_slice %mul3A_85 {offsets = [0, 2], sizes = [32, 1764], strides = [1, 1]} : vector<32x1850xf32> to vector<32x1764xf32>
    %slice3A_89 = vector.extract_strided_slice %mul3A_85 {offsets = [0, 42], sizes = [32, 1764], strides = [1, 1]} : vector<32x1850xf32> to vector<32x1764xf32>
    %slice3A_90 = vector.extract_strided_slice %mul3A_85 {offsets = [0, 43], sizes = [32, 1764], strides = [1, 1]} : vector<32x1850xf32> to vector<32x1764xf32>
    %slice3A_91 = vector.extract_strided_slice %mul3A_85 {offsets = [0, 44], sizes = [32, 1764], strides = [1, 1]} : vector<32x1850xf32> to vector<32x1764xf32>
    %slice3A_92 = vector.extract_strided_slice %mul3A_85 {offsets = [0, 84], sizes = [32, 1764], strides = [1, 1]} : vector<32x1850xf32> to vector<32x1764xf32>
    %slice3A_93 = vector.extract_strided_slice %mul3A_85 {offsets = [0, 85], sizes = [32, 1764], strides = [1, 1]} : vector<32x1850xf32> to vector<32x1764xf32>
    %slice3A_94 = vector.extract_strided_slice %mul3A_85 {offsets = [0, 86], sizes = [32, 1764], strides = [1, 1]} : vector<32x1850xf32> to vector<32x1764xf32>
    %mul3A_95 = arith.constant 1 : i32
    %mul3A_96 = arith.muli %mul3A_95, %arg0 : i32
    %add3A_97 = arith.constant -1 : i32
    %add3A_98 = arith.addi %mul3A_96, %add3A_97 : i32
    %add3A_99 = arith.constant 2 : i32
    %add3A_100 = arith.addi %add3A_98, %add3A_99 : i32
    %ge3A_101 = arith.constant 0 : i32
    %ge3A_102 = arith.cmpi sge, %add3A_100, %ge3A_101 : i32
    %lt3A_103 = arith.constant 21 : i32
    %lt3A_104 = arith.cmpi slt, %add3A_100, %lt3A_103 : i32
    %and3A_105 = arith.andi %ge3A_102, %lt3A_104 : i1
    %jit3A_106 = arith.constant 1.000000e+00 : f32
    %jit3A_107 = arith.constant 0.000000e+00 : f32
    %select_n3A_108 = arith.select %and3A_105, %jit3A_106, %jit3A_107 : f32
    %get3A_109 = arith.constant 0 : index
    %get3A_110 = arith.constant 0 : index
    %get3A_111 = arith.constant 0 : index
    %get3A_112 = vector.load %arg6[%get3A_109, %get3A_110, %get3A_111] : memref<1x1x1850xf32, #tpu.memory_space<vmem>>, vector<1x1x1850xf32>
    %get3A_113 = vector.shape_cast %get3A_112 : vector<1x1x1850xf32> to vector<1x1850xf32>
    %mul3A_114 = vector.broadcast %select_n3A_108 : f32 to vector<1x1850xf32>
    %mul3A_115 = arith.mulf %get3A_113, %mul3A_114 : vector<1x1850xf32>
    %get3A_116 = arith.constant 0 : index
    %get3A_117 = arith.constant 0 : index
    %get3A_118 = arith.constant 0 : index
    %get3A_119 = vector.load %arg3[%get3A_116, %get3A_117, %get3A_118] : memref<1x32x1850xf32, #tpu.memory_space<vmem>>, vector<1x32x1850xf32>
    %get3A_120 = vector.shape_cast %get3A_119 : vector<1x32x1850xf32> to vector<32x1850xf32>
    %get3A_121 = arith.constant 0 : index
    %get3A_122 = arith.constant 0 : index
    %get3A_123 = vector.load %arg7[%get3A_121, %get3A_122] : memref<32x1xf32, #tpu.memory_space<vmem>>, vector<32x1xf32>
    %mul3A_124 = vector.broadcast %get3A_123 : vector<32x1xf32> to vector<32x1850xf32>
    %mul3A_125 = arith.mulf %get3A_120, %mul3A_124 : vector<32x1850xf32>
    %get3A_126 = arith.constant 0 : index
    %get3A_127 = arith.constant 0 : index
    %get3A_128 = vector.load %arg8[%get3A_126, %get3A_127] : memref<32x1xf32, #tpu.memory_space<vmem>>, vector<32x1xf32>
    %add3A_129 = vector.broadcast %get3A_128 : vector<32x1xf32> to vector<32x1850xf32>
    %add3A_130 = arith.addf %mul3A_125, %add3A_129 : vector<32x1850xf32>
    %max3A_131 = arith.constant 0.000000e+00 : f32
    %max3A_132 = vector.broadcast %max3A_131 : f32 to vector<32x1850xf32>
    %max3A_133 = arith.maximumf %add3A_130, %max3A_132 : vector<32x1850xf32>
    %mul3A_134 = vector.broadcast %mul3A_115 : vector<1x1850xf32> to vector<32x1850xf32>
    %mul3A_135 = arith.mulf %max3A_133, %mul3A_134 : vector<32x1850xf32>
    %slice3A_136 = vector.extract_strided_slice %mul3A_135 {offsets = [0, 0], sizes = [32, 1764], strides = [1, 1]} : vector<32x1850xf32> to vector<32x1764xf32>
    %slice3A_137 = vector.extract_strided_slice %mul3A_135 {offsets = [0, 1], sizes = [32, 1764], strides = [1, 1]} : vector<32x1850xf32> to vector<32x1764xf32>
    %slice3A_138 = vector.extract_strided_slice %mul3A_135 {offsets = [0, 2], sizes = [32, 1764], strides = [1, 1]} : vector<32x1850xf32> to vector<32x1764xf32>
    %slice3A_139 = vector.extract_strided_slice %mul3A_135 {offsets = [0, 42], sizes = [32, 1764], strides = [1, 1]} : vector<32x1850xf32> to vector<32x1764xf32>
    %slice3A_140 = vector.extract_strided_slice %mul3A_135 {offsets = [0, 43], sizes = [32, 1764], strides = [1, 1]} : vector<32x1850xf32> to vector<32x1764xf32>
    %slice3A_141 = vector.extract_strided_slice %mul3A_135 {offsets = [0, 44], sizes = [32, 1764], strides = [1, 1]} : vector<32x1850xf32> to vector<32x1764xf32>
    %slice3A_142 = vector.extract_strided_slice %mul3A_135 {offsets = [0, 84], sizes = [32, 1764], strides = [1, 1]} : vector<32x1850xf32> to vector<32x1764xf32>
    %slice3A_143 = vector.extract_strided_slice %mul3A_135 {offsets = [0, 85], sizes = [32, 1764], strides = [1, 1]} : vector<32x1850xf32> to vector<32x1764xf32>
    %slice3A_144 = vector.extract_strided_slice %mul3A_135 {offsets = [0, 86], sizes = [32, 1764], strides = [1, 1]} : vector<32x1850xf32> to vector<32x1764xf32>
    %concatenate3A = tpu.concatenate %slice3A, %slice3A_32, %slice3A_33, %slice3A_34, %slice3A_35, %slice3A_36, %slice3A_37, %slice3A_38, %slice3A_39, %slice3A_86, %slice3A_87, %slice3A_88, %slice3A_89, %slice3A_90, %slice3A_91, %slice3A_92, %slice3A_93, %slice3A_94, %slice3A_136, %slice3A_137, %slice3A_138, %slice3A_139, %slice3A_140, %slice3A_141, %slice3A_142, %slice3A_143, %slice3A_144 in 0 : vector<32x1764xf32>, vector<32x1764xf32>, vector<32x1764xf32>, vector<32x1764xf32>, vector<32x1764xf32>, vector<32x1764xf32>, vector<32x1764xf32>, vector<32x1764xf32>, vector<32x1764xf32>, vector<32x1764xf32>, vector<32x1764xf32>, vector<32x1764xf32>, vector<32x1764xf32>, vector<32x1764xf32>, vector<32x1764xf32>, vector<32x1764xf32>, vector<32x1764xf32>, vector<32x1764xf32>, vector<32x1764xf32>, vector<32x1764xf32>, vector<32x1764xf32>, vector<32x1764xf32>, vector<32x1764xf32>, vector<32x1764xf32>, vector<32x1764xf32>, vector<32x1764xf32>, vector<32x1764xf32> -> vector<864x1764xf32>
    %get3A_145 = arith.constant 0 : index
    %get3A_146 = arith.constant 0 : index
    %get3A_147 = vector.load %arg9[%get3A_145, %get3A_146] : memref<32x864xf32, #tpu.memory_space<vmem>>, vector<32x864xf32>
    %dot_general3A = arith.constant dense<0.000000e+00> : vector<32x1764xf32>
    %dot_general3A_148 = tpu.matmul %get3A_147, %concatenate3A, %dot_general3A {dimension_numbers = #tpu.dot_dimension_numbers<[1], [0], [0], [1], [0, 0, 1, 1], [], []>, transpose_lhs_hint = false} : vector<32x864xf32>, vector<864x1764xf32>, vector<32x1764xf32> -> vector<32x1764xf32>
    %slice3A_149 = vector.extract_strided_slice %get3A_65 {offsets = [0, 43], sizes = [1, 1764], strides = [1, 1]} : vector<1x1850xf32> to vector<1x1764xf32>
    %broadcast_in_dim3A = arith.constant 0.000000e+00 : f32
    %broadcast_in_dim3A_150 = vector.broadcast %broadcast_in_dim3A : f32 to vector<32x43xf32>
    %concatenate3A_151 = tpu.concatenate %broadcast_in_dim3A_150, %dot_general3A_148, %broadcast_in_dim3A_150 in 1 : vector<32x43xf32>, vector<32x1764xf32>, vector<32x43xf32> -> vector<32x1850xf32>
    %swap3A = arith.constant 0 : index
    %swap3A_152 = arith.constant 0 : index
    %swap3A_153 = arith.constant 0 : index
    %swap3A_154 = vector.load %arg10[%swap3A, %swap3A_152, %swap3A_153] : memref<1x32x1850xf32, #tpu.memory_space<vmem>>, vector<1x32x1850xf32>
    %swap3A_155 = vector.shape_cast %swap3A_154 : vector<1x32x1850xf32> to vector<32x1850xf32>
    %swap3A_156 = vector.shape_cast %concatenate3A_151 : vector<32x1850xf32> to vector<1x32x1850xf32>
    tpu.vector_store %arg10[%swap3A, %swap3A_152, %swap3A_153], %swap3A_156 {strides = array<i32>} : memref<1x32x1850xf32, #tpu.memory_space<vmem>>, vector<1x32x1850xf32>,
    %swap3A_157 = arith.constant 0 : index
    %swap3A_158 = arith.constant 0 : index
    %swap3A_159 = arith.constant 0 : index
    %swap3A_160 = vector.load %arg11[%swap3A_157, %swap3A_158, %swap3A_159] : memref<1x1x1850xf32, #tpu.memory_space<vmem>>, vector<1x1x1850xf32>
    %swap3A_161 = vector.shape_cast %swap3A_160 : vector<1x1x1850xf32> to vector<1x1850xf32>
    %swap3A_162 = vector.shape_cast %get3A_65 : vector<1x1850xf32> to vector<1x1x1850xf32>
    tpu.vector_store %arg11[%swap3A_157, %swap3A_158, %swap3A_159], %swap3A_162 {strides = array<i32>} : memref<1x1x1850xf32, #tpu.memory_space<vmem>>, vector<1x1x1850xf32>,
    %mul3A_163 = vector.broadcast %slice3A_149 : vector<1x1764xf32> to vector<32x1764xf32>
    %mul3A_164 = arith.mulf %dot_general3A_148, %mul3A_163 : vector<32x1764xf32>
    %reduce_sum3A = arith.constant dense<0.000000e+00> : vector<32xf32>
    %reduce_sum3A_165 = vector.multi_reduction <add>, %mul3A_164, %reduce_sum3A [1] : vector<32x1764xf32> to vector<32xf32>
    %broadcast_in_dim3A_166 = vector.shape_cast %reduce_sum3A_165 : vector<32xf32> to vector<32x1xf32>
    %mul3A_167 = arith.mulf %dot_general3A_148, %dot_general3A_148 : vector<32x1764xf32>
    %mul3A_168 = vector.broadcast %slice3A_149 : vector<1x1764xf32> to vector<32x1764xf32>
    %mul3A_169 = arith.mulf %mul3A_167, %mul3A_168 : vector<32x1764xf32>
    %reduce_sum3A_170 = arith.constant dense<0.000000e+00> : vector<32xf32>
    %reduce_sum3A_171 = vector.multi_reduction <add>, %mul3A_169, %reduce_sum3A_170 [1] : vector<32x1764xf32> to vector<32xf32>
    %broadcast_in_dim3A_172 = vector.shape_cast %reduce_sum3A_171 : vector<32xf32> to vector<32x1xf32>
    %broadcast_in_dim3A_173 = arith.constant 0.000000e+00 : f32
    %broadcast_in_dim3A_174 = vector.broadcast %broadcast_in_dim3A_173 : f32 to vector<32x1xf32>
    %reduce_sum3A_175 = vector.shape_cast %slice3A_149 : vector<1x1764xf32> to vector<1x1x1764xf32>
    %reduce_sum3A_176 = arith.constant dense<0.000000e+00> : vector<1xf32>
    %reduce_sum3A_177 = vector.multi_reduction <add>, %reduce_sum3A_175, %reduce_sum3A_176 [1, 2] : vector<1x1x1764xf32> to vector<1xf32>
    %reduce_sum3A_178 = vector.shape_cast %reduce_sum3A_177 : vector<1xf32> to vector<1x1x1xf32>
    %reduce_sum3A_179 = vector.extract %reduce_sum3A_178[0, 0, 0] : f32 from vector<1x1x1xf32>
    %add3A_180 = vector.broadcast %reduce_sum3A_179 : f32 to vector<32x1xf32>
    %add3A_181 = arith.addf %broadcast_in_dim3A_174, %add3A_180 : vector<32x1xf32>
    %broadcast_in_dim3A_182 = arith.constant 0.000000e+00 : f32
    %broadcast_in_dim3A_183 = vector.broadcast %broadcast_in_dim3A_182 : f32 to vector<32x5xf32>
    %concatenate3A_184 = tpu.concatenate %broadcast_in_dim3A_166, %broadcast_in_dim3A_172, %add3A_181, %broadcast_in_dim3A_183 in 1 : vector<32x1xf32>, vector<32x1xf32>, vector<32x1xf32>, vector<32x5xf32> -> vector<32x8xf32>
    %broadcast_in_dim3A_185 = arith.constant 0.000000e+00 : f32
    %broadcast_in_dim3A_186 = vector.broadcast %broadcast_in_dim3A_185 : f32 to vector<96x8xf32>
    %concatenate3A_187 = tpu.concatenate %concatenate3A_184, %broadcast_in_dim3A_186 in 0 : vector<32x8xf32>, vector<96x8xf32> -> vector<128x8xf32>
    %eq3A = arith.constant 0 : i32
    %eq3A_188 = arith.cmpi eq, %arg0, %eq3A : i32
    %convert_element_type3A = arith.extui %eq3A_188 : i1 to i32
    %cond3A = arith.constant 0 : i32
    %cond3A_189 = arith.cmpi ne, %convert_element_type3A, %cond3A : i32
    scf.if %cond3A_189 {
      %swap3A_194 = arith.constant 0 : index
      %swap3A_195 = arith.constant 0 : index
      %swap3A_196 = vector.load %arg12[%swap3A_194, %swap3A_195] : memref<128x8xf32, #tpu.memory_space<vmem>>, vector<128x8xf32>
      tpu.vector_store %arg12[%swap3A_194, %swap3A_195], %concatenate3A_187 {strides = array<i32>} : memref<128x8xf32, #tpu.memory_space<vmem>>, vector<128x8xf32>,
    } else {
    }
    %ne3A = arith.constant 0 : i32
    %ne3A_190 = arith.cmpi ne, %arg0, %ne3A : i32
    %convert_element_type3A_191 = arith.extui %ne3A_190 : i1 to i32
    %cond3A_192 = arith.constant 0 : i32
    %cond3A_193 = arith.cmpi ne, %convert_element_type3A_191, %cond3A_192 : i32
    scf.if %cond3A_193 {
      %get3A_194 = arith.constant 0 : index
      %get3A_195 = arith.constant 0 : index
      %get3A_196 = vector.load %arg12[%get3A_194, %get3A_195] : memref<128x8xf32, #tpu.memory_space<vmem>>, vector<128x8xf32>
      %add3A_197 = arith.addf %get3A_196, %concatenate3A_187 : vector<128x8xf32>
      %swap3A_198 = arith.constant 0 : index
      %swap3A_199 = arith.constant 0 : index
      %swap3A_200 = vector.load %arg12[%swap3A_198, %swap3A_199] : memref<128x8xf32, #tpu.memory_space<vmem>>, vector<128x8xf32>
      tpu.vector_store %arg12[%swap3A_198, %swap3A_199], %add3A_197 {strides = array<i32>} : memref<128x8xf32, #tpu.memory_space<vmem>>, vector<128x8xf32>,
    } else {
    }
    return
  }
  func.func @transform_0(%arg0: i32) -> (i32, i32, i32) {
    %mul3A = arith.constant 1 : i32
    %mul3A_0 = arith.muli %mul3A, %arg0 : i32
    %add3A = arith.constant -1 : i32
    %add3A_1 = arith.addi %mul3A_0, %add3A : i32
    %add3A_2 = arith.constant 0 : i32
    %add3A_3 = arith.addi %add3A_1, %add3A_2 : i32
    %jit3A = arith.constant 0 : i32
    %jit3A_4 = arith.constant 20 : i32
    %max3A = arith.maxsi %jit3A, %add3A_3 : i32
    %min3A = arith.minsi %jit3A_4, %max3A : i32
    %c0_i32 = arith.constant 0 : i32
    %c0_i32_5 = arith.constant 0 : i32
    %c0_i32_6 = arith.constant 0 : i32
    return %min3A, %c0_i32, %c0_i32_5 : i32, i32, i32
  }
  func.func @transform_1(%arg0: i32) -> (i32, i32, i32) {
    %mul3A = arith.constant 1 : i32
    %mul3A_0 = arith.muli %mul3A, %arg0 : i32
    %add3A = arith.constant -1 : i32
    %add3A_1 = arith.addi %mul3A_0, %add3A : i32
    %add3A_2 = arith.constant 1 : i32
    %add3A_3 = arith.addi %add3A_1, %add3A_2 : i32
    %jit3A = arith.constant 0 : i32
    %jit3A_4 = arith.constant 20 : i32
    %max3A = arith.maxsi %jit3A, %add3A_3 : i32
    %min3A = arith.minsi %jit3A_4, %max3A : i32
    %c0_i32 = arith.constant 0 : i32
    %c0_i32_5 = arith.constant 0 : i32
    %c0_i32_6 = arith.constant 0 : i32
    return %min3A, %c0_i32, %c0_i32_5 : i32, i32, i32
  }
  func.func @transform_2(%arg0: i32) -> (i32, i32, i32) {
    %mul3A = arith.constant 1 : i32
    %mul3A_0 = arith.muli %mul3A, %arg0 : i32
    %add3A = arith.constant -1 : i32
    %add3A_1 = arith.addi %mul3A_0, %add3A : i32
    %add3A_2 = arith.constant 2 : i32
    %add3A_3 = arith.addi %add3A_1, %add3A_2 : i32
    %jit3A = arith.constant 0 : i32
    %jit3A_4 = arith.constant 20 : i32
    %max3A = arith.maxsi %jit3A, %add3A_3 : i32
    %min3A = arith.minsi %jit3A_4, %max3A : i32
    %c0_i32 = arith.constant 0 : i32
    %c0_i32_5 = arith.constant 0 : i32
    %c0_i32_6 = arith.constant 0 : i32
    return %min3A, %c0_i32, %c0_i32_5 : i32, i32, i32
  }
  func.func @transform_3(%arg0: i32) -> (i32, i32, i32) {
    %mul3A = arith.constant 1 : i32
    %mul3A_0 = arith.muli %mul3A, %arg0 : i32
    %add3A = arith.constant -1 : i32
    %add3A_1 = arith.addi %mul3A_0, %add3A : i32
    %add3A_2 = arith.constant 0 : i32
    %add3A_3 = arith.addi %add3A_1, %add3A_2 : i32
    %jit3A = arith.constant 0 : i32
    %jit3A_4 = arith.constant 20 : i32
    %max3A = arith.maxsi %jit3A, %add3A_3 : i32
    %min3A = arith.minsi %jit3A_4, %max3A : i32
    %c0_i32 = arith.constant 0 : i32
    %c0_i32_5 = arith.constant 0 : i32
    %c0_i32_6 = arith.constant 0 : i32
    return %min3A, %c0_i32, %c0_i32_5 : i32, i32, i32
  }
  func.func @transform_4(%arg0: i32) -> (i32, i32, i32) {
    %mul3A = arith.constant 1 : i32
    %mul3A_0 = arith.muli %mul3A, %arg0 : i32
    %add3A = arith.constant -1 : i32
    %add3A_1 = arith.addi %mul3A_0, %add3A : i32
    %add3A_2 = arith.constant 1 : i32
    %add3A_3 = arith.addi %add3A_1, %add3A_2 : i32
    %jit3A = arith.constant 0 : i32
    %jit3A_4 = arith.constant 20 : i32
    %max3A = arith.maxsi %jit3A, %add3A_3 : i32
    %min3A = arith.minsi %jit3A_4, %max3A : i32
    %c0_i32 = arith.constant 0 : i32
    %c0_i32_5 = arith.constant 0 : i32
    %c0_i32_6 = arith.constant 0 : i32
    return %min3A, %c0_i32, %c0_i32_5 : i32, i32, i32
  }
  func.func @transform_5(%arg0: i32) -> (i32, i32, i32) {
    %mul3A = arith.constant 1 : i32
    %mul3A_0 = arith.muli %mul3A, %arg0 : i32
    %add3A = arith.constant -1 : i32
    %add3A_1 = arith.addi %mul3A_0, %add3A : i32
    %add3A_2 = arith.constant 2 : i32
    %add3A_3 = arith.addi %add3A_1, %add3A_2 : i32
    %jit3A = arith.constant 0 : i32
    %jit3A_4 = arith.constant 20 : i32
    %max3A = arith.maxsi %jit3A, %add3A_3 : i32
    %min3A = arith.minsi %jit3A_4, %max3A : i32
    %c0_i32 = arith.constant 0 : i32
    %c0_i32_5 = arith.constant 0 : i32
    %c0_i32_6 = arith.constant 0 : i32
    return %min3A, %c0_i32, %c0_i32_5 : i32, i32, i32
  }
  func.func @transform_6(%arg0: i32) -> (i32, i32) {
    %c0_i32 = arith.constant 0 : i32
    %c0_i32_0 = arith.constant 0 : i32
    %c0_i32_1 = arith.constant 0 : i32
    return %c0_i32, %c0_i32_0 : i32, i32
  }
  func.func @transform_7(%arg0: i32) -> (i32, i32) {
    %c0_i32 = arith.constant 0 : i32
    %c0_i32_0 = arith.constant 0 : i32
    %c0_i32_1 = arith.constant 0 : i32
    return %c0_i32, %c0_i32_0 : i32, i32
  }
  func.func @transform_8(%arg0: i32) -> (i32, i32) {
    %c0_i32 = arith.constant 0 : i32
    %c0_i32_0 = arith.constant 0 : i32
    %c0_i32_1 = arith.constant 0 : i32
    return %c0_i32, %c0_i32_0 : i32, i32
  }
  func.func @transform_9(%arg0: i32) -> (i32, i32, i32) {
    %c0_i32 = arith.constant 0 : i32
    %c0_i32_0 = arith.constant 0 : i32
    %c0_i32_1 = arith.constant 0 : i32
    return %arg0, %c0_i32, %c0_i32_0 : i32, i32, i32
  }
  func.func @transform_10(%arg0: i32) -> (i32, i32, i32) {
    %c0_i32 = arith.constant 0 : i32
    %c0_i32_0 = arith.constant 0 : i32
    %c0_i32_1 = arith.constant 0 : i32
    return %arg0, %c0_i32, %c0_i32_0 : i32, i32, i32
  }
  func.func @transform_11(%arg0: i32) -> (i32, i32) {
    %c0_i32 = arith.constant 0 : i32
    %c0_i32_0 = arith.constant 0 : i32
    %c0_i32_1 = arith.constant 0 : i32
    return %c0_i32, %c0_i32_0 : i32, i32
  }
}

module attributes {stable_mosaic.version = 14 : i64} {
  func.func @body(%arg0: i32, %arg1: memref<1x32x1850xf32, #tpu.memory_space<vmem>>, %arg2: memref<1x32x1850xf32, #tpu.memory_space<vmem>>, %arg3: memref<1x32x1850xf32, #tpu.memory_space<vmem>>, %arg4: memref<1x1x1850xf32, #tpu.memory_space<vmem>>, %arg5: memref<1x1x1850xf32, #tpu.memory_space<vmem>>, %arg6: memref<1x1x1850xf32, #tpu.memory_space<vmem>>, %arg7: memref<32x1xf32, #tpu.memory_space<vmem>>, %arg8: memref<32x1xf32, #tpu.memory_space<vmem>>, %arg9: memref<1x1850xf32, #tpu.memory_space<vmem>>, %arg10: memref<32x864xf32, #tpu.memory_space<vmem>>, %arg11: memref<1x32x1850xf32, #tpu.memory_space<vmem>>, %arg12: memref<1x1x1850xf32, #tpu.memory_space<vmem>>, %arg13: memref<128x8xf32, #tpu.memory_space<vmem>>) attributes {dimension_semantics = [#tpu.dimension_semantics<arbitrary>], iteration_bounds = array<i64: 21>, scalar_prefetch = 0 : i64, scratch_operands = 0 : i64, tpu.core_type = #tpu.core_type<tc>, window_params = [{transform_indices = @transform_0, window_bounds = array<i64: 1, 32, 1850>}, {transform_indices = @transform_1, window_bounds = array<i64: 1, 32, 1850>}, {transform_indices = @transform_2, window_bounds = array<i64: 1, 32, 1850>}, {transform_indices = @transform_3, window_bounds = array<i64: 1, 1, 1850>}, {transform_indices = @transform_4, window_bounds = array<i64: 1, 1, 1850>}, {transform_indices = @transform_5, window_bounds = array<i64: 1, 1, 1850>}, {pipeline_mode = #tpu.pipeline_mode<synchronous>, transform_indices = @transform_6, window_bounds = array<i64: 32, 1>}, {pipeline_mode = #tpu.pipeline_mode<synchronous>, transform_indices = @transform_7, window_bounds = array<i64: 32, 1>}, {pipeline_mode = #tpu.pipeline_mode<synchronous>, transform_indices = @transform_8, window_bounds = array<i64: 1, 1850>}, {pipeline_mode = #tpu.pipeline_mode<synchronous>, transform_indices = @transform_9, window_bounds = array<i64: 32, 864>}, {transform_indices = @transform_10, window_bounds = array<i64: 1, 32, 1850>}, {transform_indices = @transform_11, window_bounds = array<i64: 1, 1, 1850>}, {pipeline_mode = #tpu.pipeline_mode<synchronous>, transform_indices = @transform_12, window_bounds = array<i64: 128, 8>}]} {
    %broadcast_in_dim3A = arith.constant 0.000000e+00 : f32
    %broadcast_in_dim3A_0 = vector.broadcast %broadcast_in_dim3A : f32 to vector<1x1764xf32>
    %mul3A = arith.constant 1 : i32
    %mul3A_1 = arith.muli %mul3A, %arg0 : i32
    %add3A = arith.constant -1 : i32
    %add3A_2 = arith.addi %mul3A_1, %add3A : i32
    %add3A_3 = arith.constant 0 : i32
    %add3A_4 = arith.addi %add3A_2, %add3A_3 : i32
    %ge3A = arith.constant 0 : i32
    %ge3A_5 = arith.cmpi sge, %add3A_4, %ge3A : i32
    %lt3A = arith.constant 21 : i32
    %lt3A_6 = arith.cmpi slt, %add3A_4, %lt3A : i32
    %and3A = arith.andi %ge3A_5, %lt3A_6 : i1
    %jit3A = arith.constant 1.000000e+00 : f32
    %jit3A_7 = arith.constant 0.000000e+00 : f32
    %select_n3A = arith.select %and3A, %jit3A, %jit3A_7 : f32
    %get3A = arith.constant 0 : index
    %get3A_8 = arith.constant 0 : index
    %get3A_9 = arith.constant 0 : index
    %get3A_10 = vector.load %arg4[%get3A, %get3A_8, %get3A_9] : memref<1x1x1850xf32, #tpu.memory_space<vmem>>, vector<1x1x1850xf32>
    %get3A_11 = vector.shape_cast %get3A_10 : vector<1x1x1850xf32> to vector<1x1850xf32>
    %mul3A_12 = vector.broadcast %select_n3A : f32 to vector<1x1850xf32>
    %mul3A_13 = arith.mulf %get3A_11, %mul3A_12 : vector<1x1850xf32>
    %get3A_14 = arith.constant 0 : index
    %get3A_15 = arith.constant 0 : index
    %get3A_16 = arith.constant 0 : index
    %get3A_17 = vector.load %arg1[%get3A_14, %get3A_15, %get3A_16] : memref<1x32x1850xf32, #tpu.memory_space<vmem>>, vector<1x32x1850xf32>
    %get3A_18 = vector.shape_cast %get3A_17 : vector<1x32x1850xf32> to vector<32x1850xf32>
    %get3A_19 = arith.constant 0 : index
    %get3A_20 = arith.constant 0 : index
    %get3A_21 = vector.load %arg7[%get3A_19, %get3A_20] : memref<32x1xf32, #tpu.memory_space<vmem>>, vector<32x1xf32>
    %mul3A_22 = vector.broadcast %get3A_21 : vector<32x1xf32> to vector<32x1850xf32>
    %mul3A_23 = arith.mulf %get3A_18, %mul3A_22 : vector<32x1850xf32>
    %get3A_24 = arith.constant 0 : index
    %get3A_25 = arith.constant 0 : index
    %get3A_26 = vector.load %arg8[%get3A_24, %get3A_25] : memref<32x1xf32, #tpu.memory_space<vmem>>, vector<32x1xf32>
    %add3A_27 = vector.broadcast %get3A_26 : vector<32x1xf32> to vector<32x1850xf32>
    %add3A_28 = arith.addf %mul3A_23, %add3A_27 : vector<32x1850xf32>
    %max3A = arith.constant 0.000000e+00 : f32
    %max3A_29 = vector.broadcast %max3A : f32 to vector<32x1850xf32>
    %max3A_30 = arith.maximumf %add3A_28, %max3A_29 : vector<32x1850xf32>
    %mul3A_31 = vector.broadcast %mul3A_13 : vector<1x1850xf32> to vector<32x1850xf32>
    %mul3A_32 = arith.mulf %max3A_30, %mul3A_31 : vector<32x1850xf32>
    %slice3A = vector.extract_strided_slice %mul3A_32 {offsets = [0, 0], sizes = [32, 1764], strides = [1, 1]} : vector<32x1850xf32> to vector<32x1764xf32>
    %slice3A_33 = vector.extract_strided_slice %mul3A_13 {offsets = [0, 0], sizes = [1, 1764], strides = [1, 1]} : vector<1x1850xf32> to vector<1x1764xf32>
    %add3A_34 = arith.addf %broadcast_in_dim3A_0, %slice3A_33 : vector<1x1764xf32>
    %slice3A_35 = vector.extract_strided_slice %mul3A_32 {offsets = [0, 1], sizes = [32, 1764], strides = [1, 1]} : vector<32x1850xf32> to vector<32x1764xf32>
    %slice3A_36 = vector.extract_strided_slice %mul3A_13 {offsets = [0, 1], sizes = [1, 1764], strides = [1, 1]} : vector<1x1850xf32> to vector<1x1764xf32>
    %add3A_37 = arith.addf %add3A_34, %slice3A_36 : vector<1x1764xf32>
    %slice3A_38 = vector.extract_strided_slice %mul3A_32 {offsets = [0, 2], sizes = [32, 1764], strides = [1, 1]} : vector<32x1850xf32> to vector<32x1764xf32>
    %slice3A_39 = vector.extract_strided_slice %mul3A_13 {offsets = [0, 2], sizes = [1, 1764], strides = [1, 1]} : vector<1x1850xf32> to vector<1x1764xf32>
    %add3A_40 = arith.addf %add3A_37, %slice3A_39 : vector<1x1764xf32>
    %slice3A_41 = vector.extract_strided_slice %mul3A_32 {offsets = [0, 42], sizes = [32, 1764], strides = [1, 1]} : vector<32x1850xf32> to vector<32x1764xf32>
    %slice3A_42 = vector.extract_strided_slice %mul3A_13 {offsets = [0, 42], sizes = [1, 1764], strides = [1, 1]} : vector<1x1850xf32> to vector<1x1764xf32>
    %add3A_43 = arith.addf %add3A_40, %slice3A_42 : vector<1x1764xf32>
    %slice3A_44 = vector.extract_strided_slice %mul3A_32 {offsets = [0, 43], sizes = [32, 1764], strides = [1, 1]} : vector<32x1850xf32> to vector<32x1764xf32>
    %slice3A_45 = vector.extract_strided_slice %mul3A_13 {offsets = [0, 43], sizes = [1, 1764], strides = [1, 1]} : vector<1x1850xf32> to vector<1x1764xf32>
    %add3A_46 = arith.addf %add3A_43, %slice3A_45 : vector<1x1764xf32>
    %slice3A_47 = vector.extract_strided_slice %mul3A_32 {offsets = [0, 44], sizes = [32, 1764], strides = [1, 1]} : vector<32x1850xf32> to vector<32x1764xf32>
    %slice3A_48 = vector.extract_strided_slice %mul3A_13 {offsets = [0, 44], sizes = [1, 1764], strides = [1, 1]} : vector<1x1850xf32> to vector<1x1764xf32>
    %add3A_49 = arith.addf %add3A_46, %slice3A_48 : vector<1x1764xf32>
    %slice3A_50 = vector.extract_strided_slice %mul3A_32 {offsets = [0, 84], sizes = [32, 1764], strides = [1, 1]} : vector<32x1850xf32> to vector<32x1764xf32>
    %slice3A_51 = vector.extract_strided_slice %mul3A_13 {offsets = [0, 84], sizes = [1, 1764], strides = [1, 1]} : vector<1x1850xf32> to vector<1x1764xf32>
    %add3A_52 = arith.addf %add3A_49, %slice3A_51 : vector<1x1764xf32>
    %slice3A_53 = vector.extract_strided_slice %mul3A_32 {offsets = [0, 85], sizes = [32, 1764], strides = [1, 1]} : vector<32x1850xf32> to vector<32x1764xf32>
    %slice3A_54 = vector.extract_strided_slice %mul3A_13 {offsets = [0, 85], sizes = [1, 1764], strides = [1, 1]} : vector<1x1850xf32> to vector<1x1764xf32>
    %add3A_55 = arith.addf %add3A_52, %slice3A_54 : vector<1x1764xf32>
    %slice3A_56 = vector.extract_strided_slice %mul3A_32 {offsets = [0, 86], sizes = [32, 1764], strides = [1, 1]} : vector<32x1850xf32> to vector<32x1764xf32>
    %slice3A_57 = vector.extract_strided_slice %mul3A_13 {offsets = [0, 86], sizes = [1, 1764], strides = [1, 1]} : vector<1x1850xf32> to vector<1x1764xf32>
    %add3A_58 = arith.addf %add3A_55, %slice3A_57 : vector<1x1764xf32>
    %mul3A_59 = arith.constant 1 : i32
    %mul3A_60 = arith.muli %mul3A_59, %arg0 : i32
    %add3A_61 = arith.constant -1 : i32
    %add3A_62 = arith.addi %mul3A_60, %add3A_61 : i32
    %add3A_63 = arith.constant 1 : i32
    %add3A_64 = arith.addi %add3A_62, %add3A_63 : i32
    %ge3A_65 = arith.constant 0 : i32
    %ge3A_66 = arith.cmpi sge, %add3A_64, %ge3A_65 : i32
    %lt3A_67 = arith.constant 21 : i32
    %lt3A_68 = arith.cmpi slt, %add3A_64, %lt3A_67 : i32
    %and3A_69 = arith.andi %ge3A_66, %lt3A_68 : i1
    %jit3A_70 = arith.constant 1.000000e+00 : f32
    %jit3A_71 = arith.constant 0.000000e+00 : f32
    %select_n3A_72 = arith.select %and3A_69, %jit3A_70, %jit3A_71 : f32
    %get3A_73 = arith.constant 0 : index
    %get3A_74 = arith.constant 0 : index
    %get3A_75 = arith.constant 0 : index
    %get3A_76 = vector.load %arg5[%get3A_73, %get3A_74, %get3A_75] : memref<1x1x1850xf32, #tpu.memory_space<vmem>>, vector<1x1x1850xf32>
    %get3A_77 = vector.shape_cast %get3A_76 : vector<1x1x1850xf32> to vector<1x1850xf32>
    %mul3A_78 = vector.broadcast %select_n3A_72 : f32 to vector<1x1850xf32>
    %mul3A_79 = arith.mulf %get3A_77, %mul3A_78 : vector<1x1850xf32>
    %get3A_80 = arith.constant 0 : index
    %get3A_81 = arith.constant 0 : index
    %get3A_82 = arith.constant 0 : index
    %get3A_83 = vector.load %arg2[%get3A_80, %get3A_81, %get3A_82] : memref<1x32x1850xf32, #tpu.memory_space<vmem>>, vector<1x32x1850xf32>
    %get3A_84 = vector.shape_cast %get3A_83 : vector<1x32x1850xf32> to vector<32x1850xf32>
    %get3A_85 = arith.constant 0 : index
    %get3A_86 = arith.constant 0 : index
    %get3A_87 = vector.load %arg7[%get3A_85, %get3A_86] : memref<32x1xf32, #tpu.memory_space<vmem>>, vector<32x1xf32>
    %mul3A_88 = vector.broadcast %get3A_87 : vector<32x1xf32> to vector<32x1850xf32>
    %mul3A_89 = arith.mulf %get3A_84, %mul3A_88 : vector<32x1850xf32>
    %get3A_90 = arith.constant 0 : index
    %get3A_91 = arith.constant 0 : index
    %get3A_92 = vector.load %arg8[%get3A_90, %get3A_91] : memref<32x1xf32, #tpu.memory_space<vmem>>, vector<32x1xf32>
    %add3A_93 = vector.broadcast %get3A_92 : vector<32x1xf32> to vector<32x1850xf32>
    %add3A_94 = arith.addf %mul3A_89, %add3A_93 : vector<32x1850xf32>
    %max3A_95 = arith.constant 0.000000e+00 : f32
    %max3A_96 = vector.broadcast %max3A_95 : f32 to vector<32x1850xf32>
    %max3A_97 = arith.maximumf %add3A_94, %max3A_96 : vector<32x1850xf32>
    %mul3A_98 = vector.broadcast %mul3A_79 : vector<1x1850xf32> to vector<32x1850xf32>
    %mul3A_99 = arith.mulf %max3A_97, %mul3A_98 : vector<32x1850xf32>
    %slice3A_100 = vector.extract_strided_slice %mul3A_99 {offsets = [0, 0], sizes = [32, 1764], strides = [1, 1]} : vector<32x1850xf32> to vector<32x1764xf32>
    %slice3A_101 = vector.extract_strided_slice %mul3A_79 {offsets = [0, 0], sizes = [1, 1764], strides = [1, 1]} : vector<1x1850xf32> to vector<1x1764xf32>
    %add3A_102 = arith.addf %add3A_58, %slice3A_101 : vector<1x1764xf32>
    %slice3A_103 = vector.extract_strided_slice %mul3A_99 {offsets = [0, 1], sizes = [32, 1764], strides = [1, 1]} : vector<32x1850xf32> to vector<32x1764xf32>
    %slice3A_104 = vector.extract_strided_slice %mul3A_79 {offsets = [0, 1], sizes = [1, 1764], strides = [1, 1]} : vector<1x1850xf32> to vector<1x1764xf32>
    %add3A_105 = arith.addf %add3A_102, %slice3A_104 : vector<1x1764xf32>
    %slice3A_106 = vector.extract_strided_slice %mul3A_99 {offsets = [0, 2], sizes = [32, 1764], strides = [1, 1]} : vector<32x1850xf32> to vector<32x1764xf32>
    %slice3A_107 = vector.extract_strided_slice %mul3A_79 {offsets = [0, 2], sizes = [1, 1764], strides = [1, 1]} : vector<1x1850xf32> to vector<1x1764xf32>
    %add3A_108 = arith.addf %add3A_105, %slice3A_107 : vector<1x1764xf32>
    %slice3A_109 = vector.extract_strided_slice %mul3A_99 {offsets = [0, 42], sizes = [32, 1764], strides = [1, 1]} : vector<32x1850xf32> to vector<32x1764xf32>
    %slice3A_110 = vector.extract_strided_slice %mul3A_79 {offsets = [0, 42], sizes = [1, 1764], strides = [1, 1]} : vector<1x1850xf32> to vector<1x1764xf32>
    %add3A_111 = arith.addf %add3A_108, %slice3A_110 : vector<1x1764xf32>
    %slice3A_112 = vector.extract_strided_slice %mul3A_99 {offsets = [0, 43], sizes = [32, 1764], strides = [1, 1]} : vector<32x1850xf32> to vector<32x1764xf32>
    %slice3A_113 = vector.extract_strided_slice %mul3A_79 {offsets = [0, 43], sizes = [1, 1764], strides = [1, 1]} : vector<1x1850xf32> to vector<1x1764xf32>
    %add3A_114 = arith.addf %add3A_111, %slice3A_113 : vector<1x1764xf32>
    %slice3A_115 = vector.extract_strided_slice %mul3A_99 {offsets = [0, 44], sizes = [32, 1764], strides = [1, 1]} : vector<32x1850xf32> to vector<32x1764xf32>
    %slice3A_116 = vector.extract_strided_slice %mul3A_79 {offsets = [0, 44], sizes = [1, 1764], strides = [1, 1]} : vector<1x1850xf32> to vector<1x1764xf32>
    %add3A_117 = arith.addf %add3A_114, %slice3A_116 : vector<1x1764xf32>
    %slice3A_118 = vector.extract_strided_slice %mul3A_99 {offsets = [0, 84], sizes = [32, 1764], strides = [1, 1]} : vector<32x1850xf32> to vector<32x1764xf32>
    %slice3A_119 = vector.extract_strided_slice %mul3A_79 {offsets = [0, 84], sizes = [1, 1764], strides = [1, 1]} : vector<1x1850xf32> to vector<1x1764xf32>
    %add3A_120 = arith.addf %add3A_117, %slice3A_119 : vector<1x1764xf32>
    %slice3A_121 = vector.extract_strided_slice %mul3A_99 {offsets = [0, 85], sizes = [32, 1764], strides = [1, 1]} : vector<32x1850xf32> to vector<32x1764xf32>
    %slice3A_122 = vector.extract_strided_slice %mul3A_79 {offsets = [0, 85], sizes = [1, 1764], strides = [1, 1]} : vector<1x1850xf32> to vector<1x1764xf32>
    %add3A_123 = arith.addf %add3A_120, %slice3A_122 : vector<1x1764xf32>
    %slice3A_124 = vector.extract_strided_slice %mul3A_99 {offsets = [0, 86], sizes = [32, 1764], strides = [1, 1]} : vector<32x1850xf32> to vector<32x1764xf32>
    %slice3A_125 = vector.extract_strided_slice %mul3A_79 {offsets = [0, 86], sizes = [1, 1764], strides = [1, 1]} : vector<1x1850xf32> to vector<1x1764xf32>
    %add3A_126 = arith.addf %add3A_123, %slice3A_125 : vector<1x1764xf32>
    %mul3A_127 = arith.constant 1 : i32
    %mul3A_128 = arith.muli %mul3A_127, %arg0 : i32
    %add3A_129 = arith.constant -1 : i32
    %add3A_130 = arith.addi %mul3A_128, %add3A_129 : i32
    %add3A_131 = arith.constant 2 : i32
    %add3A_132 = arith.addi %add3A_130, %add3A_131 : i32
    %ge3A_133 = arith.constant 0 : i32
    %ge3A_134 = arith.cmpi sge, %add3A_132, %ge3A_133 : i32
    %lt3A_135 = arith.constant 21 : i32
    %lt3A_136 = arith.cmpi slt, %add3A_132, %lt3A_135 : i32
    %and3A_137 = arith.andi %ge3A_134, %lt3A_136 : i1
    %jit3A_138 = arith.constant 1.000000e+00 : f32
    %jit3A_139 = arith.constant 0.000000e+00 : f32
    %select_n3A_140 = arith.select %and3A_137, %jit3A_138, %jit3A_139 : f32
    %get3A_141 = arith.constant 0 : index
    %get3A_142 = arith.constant 0 : index
    %get3A_143 = arith.constant 0 : index
    %get3A_144 = vector.load %arg6[%get3A_141, %get3A_142, %get3A_143] : memref<1x1x1850xf32, #tpu.memory_space<vmem>>, vector<1x1x1850xf32>
    %get3A_145 = vector.shape_cast %get3A_144 : vector<1x1x1850xf32> to vector<1x1850xf32>
    %mul3A_146 = vector.broadcast %select_n3A_140 : f32 to vector<1x1850xf32>
    %mul3A_147 = arith.mulf %get3A_145, %mul3A_146 : vector<1x1850xf32>
    %get3A_148 = arith.constant 0 : index
    %get3A_149 = arith.constant 0 : index
    %get3A_150 = arith.constant 0 : index
    %get3A_151 = vector.load %arg3[%get3A_148, %get3A_149, %get3A_150] : memref<1x32x1850xf32, #tpu.memory_space<vmem>>, vector<1x32x1850xf32>
    %get3A_152 = vector.shape_cast %get3A_151 : vector<1x32x1850xf32> to vector<32x1850xf32>
    %get3A_153 = arith.constant 0 : index
    %get3A_154 = arith.constant 0 : index
    %get3A_155 = vector.load %arg7[%get3A_153, %get3A_154] : memref<32x1xf32, #tpu.memory_space<vmem>>, vector<32x1xf32>
    %mul3A_156 = vector.broadcast %get3A_155 : vector<32x1xf32> to vector<32x1850xf32>
    %mul3A_157 = arith.mulf %get3A_152, %mul3A_156 : vector<32x1850xf32>
    %get3A_158 = arith.constant 0 : index
    %get3A_159 = arith.constant 0 : index
    %get3A_160 = vector.load %arg8[%get3A_158, %get3A_159] : memref<32x1xf32, #tpu.memory_space<vmem>>, vector<32x1xf32>
    %add3A_161 = vector.broadcast %get3A_160 : vector<32x1xf32> to vector<32x1850xf32>
    %add3A_162 = arith.addf %mul3A_157, %add3A_161 : vector<32x1850xf32>
    %max3A_163 = arith.constant 0.000000e+00 : f32
    %max3A_164 = vector.broadcast %max3A_163 : f32 to vector<32x1850xf32>
    %max3A_165 = arith.maximumf %add3A_162, %max3A_164 : vector<32x1850xf32>
    %mul3A_166 = vector.broadcast %mul3A_147 : vector<1x1850xf32> to vector<32x1850xf32>
    %mul3A_167 = arith.mulf %max3A_165, %mul3A_166 : vector<32x1850xf32>
    %slice3A_168 = vector.extract_strided_slice %mul3A_167 {offsets = [0, 0], sizes = [32, 1764], strides = [1, 1]} : vector<32x1850xf32> to vector<32x1764xf32>
    %slice3A_169 = vector.extract_strided_slice %mul3A_147 {offsets = [0, 0], sizes = [1, 1764], strides = [1, 1]} : vector<1x1850xf32> to vector<1x1764xf32>
    %add3A_170 = arith.addf %add3A_126, %slice3A_169 : vector<1x1764xf32>
    %slice3A_171 = vector.extract_strided_slice %mul3A_167 {offsets = [0, 1], sizes = [32, 1764], strides = [1, 1]} : vector<32x1850xf32> to vector<32x1764xf32>
    %slice3A_172 = vector.extract_strided_slice %mul3A_147 {offsets = [0, 1], sizes = [1, 1764], strides = [1, 1]} : vector<1x1850xf32> to vector<1x1764xf32>
    %add3A_173 = arith.addf %add3A_170, %slice3A_172 : vector<1x1764xf32>
    %slice3A_174 = vector.extract_strided_slice %mul3A_167 {offsets = [0, 2], sizes = [32, 1764], strides = [1, 1]} : vector<32x1850xf32> to vector<32x1764xf32>
    %slice3A_175 = vector.extract_strided_slice %mul3A_147 {offsets = [0, 2], sizes = [1, 1764], strides = [1, 1]} : vector<1x1850xf32> to vector<1x1764xf32>
    %add3A_176 = arith.addf %add3A_173, %slice3A_175 : vector<1x1764xf32>
    %slice3A_177 = vector.extract_strided_slice %mul3A_167 {offsets = [0, 42], sizes = [32, 1764], strides = [1, 1]} : vector<32x1850xf32> to vector<32x1764xf32>
    %slice3A_178 = vector.extract_strided_slice %mul3A_147 {offsets = [0, 42], sizes = [1, 1764], strides = [1, 1]} : vector<1x1850xf32> to vector<1x1764xf32>
    %add3A_179 = arith.addf %add3A_176, %slice3A_178 : vector<1x1764xf32>
    %slice3A_180 = vector.extract_strided_slice %mul3A_167 {offsets = [0, 43], sizes = [32, 1764], strides = [1, 1]} : vector<32x1850xf32> to vector<32x1764xf32>
    %slice3A_181 = vector.extract_strided_slice %mul3A_147 {offsets = [0, 43], sizes = [1, 1764], strides = [1, 1]} : vector<1x1850xf32> to vector<1x1764xf32>
    %add3A_182 = arith.addf %add3A_179, %slice3A_181 : vector<1x1764xf32>
    %slice3A_183 = vector.extract_strided_slice %mul3A_167 {offsets = [0, 44], sizes = [32, 1764], strides = [1, 1]} : vector<32x1850xf32> to vector<32x1764xf32>
    %slice3A_184 = vector.extract_strided_slice %mul3A_147 {offsets = [0, 44], sizes = [1, 1764], strides = [1, 1]} : vector<1x1850xf32> to vector<1x1764xf32>
    %add3A_185 = arith.addf %add3A_182, %slice3A_184 : vector<1x1764xf32>
    %slice3A_186 = vector.extract_strided_slice %mul3A_167 {offsets = [0, 84], sizes = [32, 1764], strides = [1, 1]} : vector<32x1850xf32> to vector<32x1764xf32>
    %slice3A_187 = vector.extract_strided_slice %mul3A_147 {offsets = [0, 84], sizes = [1, 1764], strides = [1, 1]} : vector<1x1850xf32> to vector<1x1764xf32>
    %add3A_188 = arith.addf %add3A_185, %slice3A_187 : vector<1x1764xf32>
    %slice3A_189 = vector.extract_strided_slice %mul3A_167 {offsets = [0, 85], sizes = [32, 1764], strides = [1, 1]} : vector<32x1850xf32> to vector<32x1764xf32>
    %slice3A_190 = vector.extract_strided_slice %mul3A_147 {offsets = [0, 85], sizes = [1, 1764], strides = [1, 1]} : vector<1x1850xf32> to vector<1x1764xf32>
    %add3A_191 = arith.addf %add3A_188, %slice3A_190 : vector<1x1764xf32>
    %slice3A_192 = vector.extract_strided_slice %mul3A_167 {offsets = [0, 86], sizes = [32, 1764], strides = [1, 1]} : vector<32x1850xf32> to vector<32x1764xf32>
    %slice3A_193 = vector.extract_strided_slice %mul3A_147 {offsets = [0, 86], sizes = [1, 1764], strides = [1, 1]} : vector<1x1850xf32> to vector<1x1764xf32>
    %add3A_194 = arith.addf %add3A_191, %slice3A_193 : vector<1x1764xf32>
    %concatenate3A = tpu.concatenate %slice3A, %slice3A_35, %slice3A_38, %slice3A_41, %slice3A_44, %slice3A_47, %slice3A_50, %slice3A_53, %slice3A_56, %slice3A_100, %slice3A_103, %slice3A_106, %slice3A_109, %slice3A_112, %slice3A_115, %slice3A_118, %slice3A_121, %slice3A_124, %slice3A_168, %slice3A_171, %slice3A_174, %slice3A_177, %slice3A_180, %slice3A_183, %slice3A_186, %slice3A_189, %slice3A_192 in 0 : vector<32x1764xf32>, vector<32x1764xf32>, vector<32x1764xf32>, vector<32x1764xf32>, vector<32x1764xf32>, vector<32x1764xf32>, vector<32x1764xf32>, vector<32x1764xf32>, vector<32x1764xf32>, vector<32x1764xf32>, vector<32x1764xf32>, vector<32x1764xf32>, vector<32x1764xf32>, vector<32x1764xf32>, vector<32x1764xf32>, vector<32x1764xf32>, vector<32x1764xf32>, vector<32x1764xf32>, vector<32x1764xf32>, vector<32x1764xf32>, vector<32x1764xf32>, vector<32x1764xf32>, vector<32x1764xf32>, vector<32x1764xf32>, vector<32x1764xf32>, vector<32x1764xf32>, vector<32x1764xf32> -> vector<864x1764xf32>
    %get3A_195 = arith.constant 0 : index
    %get3A_196 = arith.constant 0 : index
    %get3A_197 = vector.load %arg10[%get3A_195, %get3A_196] : memref<32x864xf32, #tpu.memory_space<vmem>>, vector<32x864xf32>
    %dot_general3A = arith.constant dense<0.000000e+00> : vector<32x1764xf32>
    %dot_general3A_198 = tpu.matmul %get3A_197, %concatenate3A, %dot_general3A {dimension_numbers = #tpu.dot_dimension_numbers<[1], [0], [0], [1], [0, 0, 1, 1], [], []>, transpose_lhs_hint = false} : vector<32x864xf32>, vector<864x1764xf32>, vector<32x1764xf32> -> vector<32x1764xf32>
    %gt3A = arith.constant 5.000000e-01 : f32
    %gt3A_199 = vector.broadcast %gt3A : f32 to vector<1x1764xf32>
    %gt3A_200 = arith.cmpf ogt, %add3A_194, %gt3A_199 : vector<1x1764xf32>
    %convert_element_type3A = arith.extui %gt3A_200 : vector<1x1764xi1> to vector<1x1764xi32>
    %convert_element_type3A_201 = arith.sitofp %convert_element_type3A : vector<1x1764xi32> to vector<1x1764xf32>
    %get3A_202 = arith.constant 0 : index
    %get3A_203 = arith.constant 0 : index
    %get3A_204 = vector.load %arg9[%get3A_202, %get3A_203] : memref<1x1850xf32, #tpu.memory_space<vmem>>, vector<1x1850xf32>
    %slice3A_205 = vector.extract_strided_slice %get3A_204 {offsets = [0, 43], sizes = [1, 1764], strides = [1, 1]} : vector<1x1850xf32> to vector<1x1764xf32>
    %mul3A_206 = arith.mulf %convert_element_type3A_201, %slice3A_205 : vector<1x1764xf32>
    %broadcast_in_dim3A_207 = arith.constant 0.000000e+00 : f32
    %broadcast_in_dim3A_208 = vector.broadcast %broadcast_in_dim3A_207 : f32 to vector<1x43xf32>
    %concatenate3A_209 = tpu.concatenate %broadcast_in_dim3A_208, %mul3A_206, %broadcast_in_dim3A_208 in 1 : vector<1x43xf32>, vector<1x1764xf32>, vector<1x43xf32> -> vector<1x1850xf32>
    %broadcast_in_dim3A_210 = arith.constant 0.000000e+00 : f32
    %broadcast_in_dim3A_211 = vector.broadcast %broadcast_in_dim3A_210 : f32 to vector<32x43xf32>
    %concatenate3A_212 = tpu.concatenate %broadcast_in_dim3A_211, %dot_general3A_198, %broadcast_in_dim3A_211 in 1 : vector<32x43xf32>, vector<32x1764xf32>, vector<32x43xf32> -> vector<32x1850xf32>
    %swap3A = arith.constant 0 : index
    %swap3A_213 = arith.constant 0 : index
    %swap3A_214 = arith.constant 0 : index
    %swap3A_215 = vector.load %arg11[%swap3A, %swap3A_213, %swap3A_214] : memref<1x32x1850xf32, #tpu.memory_space<vmem>>, vector<1x32x1850xf32>
    %swap3A_216 = vector.shape_cast %swap3A_215 : vector<1x32x1850xf32> to vector<32x1850xf32>
    %swap3A_217 = vector.shape_cast %concatenate3A_212 : vector<32x1850xf32> to vector<1x32x1850xf32>
    tpu.vector_store %arg11[%swap3A, %swap3A_213, %swap3A_214], %swap3A_217 {strides = array<i32>} : memref<1x32x1850xf32, #tpu.memory_space<vmem>>, vector<1x32x1850xf32>,
    %swap3A_218 = arith.constant 0 : index
    %swap3A_219 = arith.constant 0 : index
    %swap3A_220 = arith.constant 0 : index
    %swap3A_221 = vector.load %arg12[%swap3A_218, %swap3A_219, %swap3A_220] : memref<1x1x1850xf32, #tpu.memory_space<vmem>>, vector<1x1x1850xf32>
    %swap3A_222 = vector.shape_cast %swap3A_221 : vector<1x1x1850xf32> to vector<1x1850xf32>
    %swap3A_223 = vector.shape_cast %concatenate3A_209 : vector<1x1850xf32> to vector<1x1x1850xf32>
    tpu.vector_store %arg12[%swap3A_218, %swap3A_219, %swap3A_220], %swap3A_223 {strides = array<i32>} : memref<1x1x1850xf32, #tpu.memory_space<vmem>>, vector<1x1x1850xf32>,
    %mul3A_224 = vector.broadcast %mul3A_206 : vector<1x1764xf32> to vector<32x1764xf32>
    %mul3A_225 = arith.mulf %dot_general3A_198, %mul3A_224 : vector<32x1764xf32>
    %reduce_sum3A = arith.constant dense<0.000000e+00> : vector<32xf32>
    %reduce_sum3A_226 = vector.multi_reduction <add>, %mul3A_225, %reduce_sum3A [1] : vector<32x1764xf32> to vector<32xf32>
    %broadcast_in_dim3A_227 = vector.shape_cast %reduce_sum3A_226 : vector<32xf32> to vector<32x1xf32>
    %mul3A_228 = arith.mulf %dot_general3A_198, %dot_general3A_198 : vector<32x1764xf32>
    %mul3A_229 = vector.broadcast %mul3A_206 : vector<1x1764xf32> to vector<32x1764xf32>
    %mul3A_230 = arith.mulf %mul3A_228, %mul3A_229 : vector<32x1764xf32>
    %reduce_sum3A_231 = arith.constant dense<0.000000e+00> : vector<32xf32>
    %reduce_sum3A_232 = vector.multi_reduction <add>, %mul3A_230, %reduce_sum3A_231 [1] : vector<32x1764xf32> to vector<32xf32>
    %broadcast_in_dim3A_233 = vector.shape_cast %reduce_sum3A_232 : vector<32xf32> to vector<32x1xf32>
    %broadcast_in_dim3A_234 = arith.constant 0.000000e+00 : f32
    %broadcast_in_dim3A_235 = vector.broadcast %broadcast_in_dim3A_234 : f32 to vector<32x1xf32>
    %reduce_sum3A_236 = vector.shape_cast %mul3A_206 : vector<1x1764xf32> to vector<1x1x1764xf32>
    %reduce_sum3A_237 = arith.constant dense<0.000000e+00> : vector<1xf32>
    %reduce_sum3A_238 = vector.multi_reduction <add>, %reduce_sum3A_236, %reduce_sum3A_237 [1, 2] : vector<1x1x1764xf32> to vector<1xf32>
    %reduce_sum3A_239 = vector.shape_cast %reduce_sum3A_238 : vector<1xf32> to vector<1x1x1xf32>
    %reduce_sum3A_240 = vector.extract %reduce_sum3A_239[0, 0, 0] : f32 from vector<1x1x1xf32>
    %add3A_241 = vector.broadcast %reduce_sum3A_240 : f32 to vector<32x1xf32>
    %add3A_242 = arith.addf %broadcast_in_dim3A_235, %add3A_241 : vector<32x1xf32>
    %broadcast_in_dim3A_243 = arith.constant 0.000000e+00 : f32
    %broadcast_in_dim3A_244 = vector.broadcast %broadcast_in_dim3A_243 : f32 to vector<32x5xf32>
    %concatenate3A_245 = tpu.concatenate %broadcast_in_dim3A_227, %broadcast_in_dim3A_233, %add3A_242, %broadcast_in_dim3A_244 in 1 : vector<32x1xf32>, vector<32x1xf32>, vector<32x1xf32>, vector<32x5xf32> -> vector<32x8xf32>
    %broadcast_in_dim3A_246 = arith.constant 0.000000e+00 : f32
    %broadcast_in_dim3A_247 = vector.broadcast %broadcast_in_dim3A_246 : f32 to vector<96x8xf32>
    %concatenate3A_248 = tpu.concatenate %concatenate3A_245, %broadcast_in_dim3A_247 in 0 : vector<32x8xf32>, vector<96x8xf32> -> vector<128x8xf32>
    %eq3A = arith.constant 0 : i32
    %eq3A_249 = arith.cmpi eq, %arg0, %eq3A : i32
    %convert_element_type3A_250 = arith.extui %eq3A_249 : i1 to i32
    %cond3A = arith.constant 0 : i32
    %cond3A_251 = arith.cmpi ne, %convert_element_type3A_250, %cond3A : i32
    scf.if %cond3A_251 {
      %swap3A_256 = arith.constant 0 : index
      %swap3A_257 = arith.constant 0 : index
      %swap3A_258 = vector.load %arg13[%swap3A_256, %swap3A_257] : memref<128x8xf32, #tpu.memory_space<vmem>>, vector<128x8xf32>
      tpu.vector_store %arg13[%swap3A_256, %swap3A_257], %concatenate3A_248 {strides = array<i32>} : memref<128x8xf32, #tpu.memory_space<vmem>>, vector<128x8xf32>,
    } else {
    }
    %ne3A = arith.constant 0 : i32
    %ne3A_252 = arith.cmpi ne, %arg0, %ne3A : i32
    %convert_element_type3A_253 = arith.extui %ne3A_252 : i1 to i32
    %cond3A_254 = arith.constant 0 : i32
    %cond3A_255 = arith.cmpi ne, %convert_element_type3A_253, %cond3A_254 : i32
    scf.if %cond3A_255 {
      %get3A_256 = arith.constant 0 : index
      %get3A_257 = arith.constant 0 : index
      %get3A_258 = vector.load %arg13[%get3A_256, %get3A_257] : memref<128x8xf32, #tpu.memory_space<vmem>>, vector<128x8xf32>
      %add3A_259 = arith.addf %get3A_258, %concatenate3A_248 : vector<128x8xf32>
      %swap3A_260 = arith.constant 0 : index
      %swap3A_261 = arith.constant 0 : index
      %swap3A_262 = vector.load %arg13[%swap3A_260, %swap3A_261] : memref<128x8xf32, #tpu.memory_space<vmem>>, vector<128x8xf32>
      tpu.vector_store %arg13[%swap3A_260, %swap3A_261], %add3A_259 {strides = array<i32>} : memref<128x8xf32, #tpu.memory_space<vmem>>, vector<128x8xf32>,
    } else {
    }
    return
  }
  func.func @transform_0(%arg0: i32) -> (i32, i32, i32) {
    %mul3A = arith.constant 1 : i32
    %mul3A_0 = arith.muli %mul3A, %arg0 : i32
    %add3A = arith.constant -1 : i32
    %add3A_1 = arith.addi %mul3A_0, %add3A : i32
    %add3A_2 = arith.constant 0 : i32
    %add3A_3 = arith.addi %add3A_1, %add3A_2 : i32
    %jit3A = arith.constant 0 : i32
    %jit3A_4 = arith.constant 20 : i32
    %max3A = arith.maxsi %jit3A, %add3A_3 : i32
    %min3A = arith.minsi %jit3A_4, %max3A : i32
    %c0_i32 = arith.constant 0 : i32
    %c0_i32_5 = arith.constant 0 : i32
    %c0_i32_6 = arith.constant 0 : i32
    return %min3A, %c0_i32, %c0_i32_5 : i32, i32, i32
  }
  func.func @transform_1(%arg0: i32) -> (i32, i32, i32) {
    %mul3A = arith.constant 1 : i32
    %mul3A_0 = arith.muli %mul3A, %arg0 : i32
    %add3A = arith.constant -1 : i32
    %add3A_1 = arith.addi %mul3A_0, %add3A : i32
    %add3A_2 = arith.constant 1 : i32
    %add3A_3 = arith.addi %add3A_1, %add3A_2 : i32
    %jit3A = arith.constant 0 : i32
    %jit3A_4 = arith.constant 20 : i32
    %max3A = arith.maxsi %jit3A, %add3A_3 : i32
    %min3A = arith.minsi %jit3A_4, %max3A : i32
    %c0_i32 = arith.constant 0 : i32
    %c0_i32_5 = arith.constant 0 : i32
    %c0_i32_6 = arith.constant 0 : i32
    return %min3A, %c0_i32, %c0_i32_5 : i32, i32, i32
  }
  func.func @transform_2(%arg0: i32) -> (i32, i32, i32) {
    %mul3A = arith.constant 1 : i32
    %mul3A_0 = arith.muli %mul3A, %arg0 : i32
    %add3A = arith.constant -1 : i32
    %add3A_1 = arith.addi %mul3A_0, %add3A : i32
    %add3A_2 = arith.constant 2 : i32
    %add3A_3 = arith.addi %add3A_1, %add3A_2 : i32
    %jit3A = arith.constant 0 : i32
    %jit3A_4 = arith.constant 20 : i32
    %max3A = arith.maxsi %jit3A, %add3A_3 : i32
    %min3A = arith.minsi %jit3A_4, %max3A : i32
    %c0_i32 = arith.constant 0 : i32
    %c0_i32_5 = arith.constant 0 : i32
    %c0_i32_6 = arith.constant 0 : i32
    return %min3A, %c0_i32, %c0_i32_5 : i32, i32, i32
  }
  func.func @transform_3(%arg0: i32) -> (i32, i32, i32) {
    %mul3A = arith.constant 1 : i32
    %mul3A_0 = arith.muli %mul3A, %arg0 : i32
    %add3A = arith.constant -1 : i32
    %add3A_1 = arith.addi %mul3A_0, %add3A : i32
    %add3A_2 = arith.constant 0 : i32
    %add3A_3 = arith.addi %add3A_1, %add3A_2 : i32
    %jit3A = arith.constant 0 : i32
    %jit3A_4 = arith.constant 20 : i32
    %max3A = arith.maxsi %jit3A, %add3A_3 : i32
    %min3A = arith.minsi %jit3A_4, %max3A : i32
    %c0_i32 = arith.constant 0 : i32
    %c0_i32_5 = arith.constant 0 : i32
    %c0_i32_6 = arith.constant 0 : i32
    return %min3A, %c0_i32, %c0_i32_5 : i32, i32, i32
  }
  func.func @transform_4(%arg0: i32) -> (i32, i32, i32) {
    %mul3A = arith.constant 1 : i32
    %mul3A_0 = arith.muli %mul3A, %arg0 : i32
    %add3A = arith.constant -1 : i32
    %add3A_1 = arith.addi %mul3A_0, %add3A : i32
    %add3A_2 = arith.constant 1 : i32
    %add3A_3 = arith.addi %add3A_1, %add3A_2 : i32
    %jit3A = arith.constant 0 : i32
    %jit3A_4 = arith.constant 20 : i32
    %max3A = arith.maxsi %jit3A, %add3A_3 : i32
    %min3A = arith.minsi %jit3A_4, %max3A : i32
    %c0_i32 = arith.constant 0 : i32
    %c0_i32_5 = arith.constant 0 : i32
    %c0_i32_6 = arith.constant 0 : i32
    return %min3A, %c0_i32, %c0_i32_5 : i32, i32, i32
  }
  func.func @transform_5(%arg0: i32) -> (i32, i32, i32) {
    %mul3A = arith.constant 1 : i32
    %mul3A_0 = arith.muli %mul3A, %arg0 : i32
    %add3A = arith.constant -1 : i32
    %add3A_1 = arith.addi %mul3A_0, %add3A : i32
    %add3A_2 = arith.constant 2 : i32
    %add3A_3 = arith.addi %add3A_1, %add3A_2 : i32
    %jit3A = arith.constant 0 : i32
    %jit3A_4 = arith.constant 20 : i32
    %max3A = arith.maxsi %jit3A, %add3A_3 : i32
    %min3A = arith.minsi %jit3A_4, %max3A : i32
    %c0_i32 = arith.constant 0 : i32
    %c0_i32_5 = arith.constant 0 : i32
    %c0_i32_6 = arith.constant 0 : i32
    return %min3A, %c0_i32, %c0_i32_5 : i32, i32, i32
  }
  func.func @transform_6(%arg0: i32) -> (i32, i32) {
    %c0_i32 = arith.constant 0 : i32
    %c0_i32_0 = arith.constant 0 : i32
    %c0_i32_1 = arith.constant 0 : i32
    return %c0_i32, %c0_i32_0 : i32, i32
  }
  func.func @transform_7(%arg0: i32) -> (i32, i32) {
    %c0_i32 = arith.constant 0 : i32
    %c0_i32_0 = arith.constant 0 : i32
    %c0_i32_1 = arith.constant 0 : i32
    return %c0_i32, %c0_i32_0 : i32, i32
  }
  func.func @transform_8(%arg0: i32) -> (i32, i32) {
    %c0_i32 = arith.constant 0 : i32
    %c0_i32_0 = arith.constant 0 : i32
    %c0_i32_1 = arith.constant 0 : i32
    return %c0_i32, %c0_i32_0 : i32, i32
  }
  func.func @transform_9(%arg0: i32) -> (i32, i32) {
    %c0_i32 = arith.constant 0 : i32
    %c0_i32_0 = arith.constant 0 : i32
    %c0_i32_1 = arith.constant 0 : i32
    return %c0_i32, %c0_i32_0 : i32, i32
  }
  func.func @transform_10(%arg0: i32) -> (i32, i32, i32) {
    %c0_i32 = arith.constant 0 : i32
    %c0_i32_0 = arith.constant 0 : i32
    %c0_i32_1 = arith.constant 0 : i32
    return %arg0, %c0_i32, %c0_i32_0 : i32, i32, i32
  }
  func.func @transform_11(%arg0: i32) -> (i32, i32, i32) {
    %c0_i32 = arith.constant 0 : i32
    %c0_i32_0 = arith.constant 0 : i32
    %c0_i32_1 = arith.constant 0 : i32
    return %arg0, %c0_i32, %c0_i32_0 : i32, i32, i32
  }
  func.func @transform_12(%arg0: i32) -> (i32, i32) {
    %c0_i32 = arith.constant 0 : i32
    %c0_i32_0 = arith.constant 0 : i32
    %c0_i32_1 = arith.constant 0 : i32
    return %c0_i32, %c0_i32_0 : i32, i32
  }
}

module attributes {stable_mosaic.version = 14 : i64} {
  func.func @body(%arg0: i32, %arg1: memref<1x32x1850xf32, #tpu.memory_space<vmem>>, %arg2: memref<1x32x1850xf32, #tpu.memory_space<vmem>>, %arg3: memref<1x32x1850xf32, #tpu.memory_space<vmem>>, %arg4: memref<1x1x1850xf32, #tpu.memory_space<vmem>>, %arg5: memref<1x1x1850xf32, #tpu.memory_space<vmem>>, %arg6: memref<1x1x1850xf32, #tpu.memory_space<vmem>>, %arg7: memref<32x1xf32, #tpu.memory_space<vmem>>, %arg8: memref<32x1xf32, #tpu.memory_space<vmem>>, %arg9: memref<1x1850xf32, #tpu.memory_space<vmem>>, %arg10: memref<64x864xf32, #tpu.memory_space<vmem>>, %arg11: memref<1x64x1850xf32, #tpu.memory_space<vmem>>, %arg12: memref<1x1x1850xf32, #tpu.memory_space<vmem>>, %arg13: memref<128x8xf32, #tpu.memory_space<vmem>>) attributes {dimension_semantics = [#tpu.dimension_semantics<arbitrary>], iteration_bounds = array<i64: 11>, scalar_prefetch = 0 : i64, scratch_operands = 0 : i64, tpu.core_type = #tpu.core_type<tc>, window_params = [{transform_indices = @transform_0, window_bounds = array<i64: 1, 32, 1850>}, {transform_indices = @transform_1, window_bounds = array<i64: 1, 32, 1850>}, {transform_indices = @transform_2, window_bounds = array<i64: 1, 32, 1850>}, {transform_indices = @transform_3, window_bounds = array<i64: 1, 1, 1850>}, {transform_indices = @transform_4, window_bounds = array<i64: 1, 1, 1850>}, {transform_indices = @transform_5, window_bounds = array<i64: 1, 1, 1850>}, {pipeline_mode = #tpu.pipeline_mode<synchronous>, transform_indices = @transform_6, window_bounds = array<i64: 32, 1>}, {pipeline_mode = #tpu.pipeline_mode<synchronous>, transform_indices = @transform_7, window_bounds = array<i64: 32, 1>}, {pipeline_mode = #tpu.pipeline_mode<synchronous>, transform_indices = @transform_8, window_bounds = array<i64: 1, 1850>}, {pipeline_mode = #tpu.pipeline_mode<synchronous>, transform_indices = @transform_9, window_bounds = array<i64: 64, 864>}, {transform_indices = @transform_10, window_bounds = array<i64: 1, 64, 1850>}, {transform_indices = @transform_11, window_bounds = array<i64: 1, 1, 1850>}, {pipeline_mode = #tpu.pipeline_mode<synchronous>, transform_indices = @transform_12, window_bounds = array<i64: 128, 8>}]} {
    %broadcast_in_dim3A = arith.constant 0.000000e+00 : f32
    %broadcast_in_dim3A_0 = vector.broadcast %broadcast_in_dim3A : f32 to vector<1x1764xf32>
    %mul3A = arith.constant 2 : i32
    %mul3A_1 = arith.muli %mul3A, %arg0 : i32
    %add3A = arith.constant -1 : i32
    %add3A_2 = arith.addi %mul3A_1, %add3A : i32
    %add3A_3 = arith.constant 0 : i32
    %add3A_4 = arith.addi %add3A_2, %add3A_3 : i32
    %ge3A = arith.constant 0 : i32
    %ge3A_5 = arith.cmpi sge, %add3A_4, %ge3A : i32
    %lt3A = arith.constant 21 : i32
    %lt3A_6 = arith.cmpi slt, %add3A_4, %lt3A : i32
    %and3A = arith.andi %ge3A_5, %lt3A_6 : i1
    %jit3A = arith.constant 1.000000e+00 : f32
    %jit3A_7 = arith.constant 0.000000e+00 : f32
    %select_n3A = arith.select %and3A, %jit3A, %jit3A_7 : f32
    %get3A = arith.constant 0 : index
    %get3A_8 = arith.constant 0 : index
    %get3A_9 = arith.constant 0 : index
    %get3A_10 = vector.load %arg4[%get3A, %get3A_8, %get3A_9] : memref<1x1x1850xf32, #tpu.memory_space<vmem>>, vector<1x1x1850xf32>
    %get3A_11 = vector.shape_cast %get3A_10 : vector<1x1x1850xf32> to vector<1x1850xf32>
    %mul3A_12 = vector.broadcast %select_n3A : f32 to vector<1x1850xf32>
    %mul3A_13 = arith.mulf %get3A_11, %mul3A_12 : vector<1x1850xf32>
    %get3A_14 = arith.constant 0 : index
    %get3A_15 = arith.constant 0 : index
    %get3A_16 = arith.constant 0 : index
    %get3A_17 = vector.load %arg1[%get3A_14, %get3A_15, %get3A_16] : memref<1x32x1850xf32, #tpu.memory_space<vmem>>, vector<1x32x1850xf32>
    %get3A_18 = vector.shape_cast %get3A_17 : vector<1x32x1850xf32> to vector<32x1850xf32>
    %get3A_19 = arith.constant 0 : index
    %get3A_20 = arith.constant 0 : index
    %get3A_21 = vector.load %arg7[%get3A_19, %get3A_20] : memref<32x1xf32, #tpu.memory_space<vmem>>, vector<32x1xf32>
    %mul3A_22 = vector.broadcast %get3A_21 : vector<32x1xf32> to vector<32x1850xf32>
    %mul3A_23 = arith.mulf %get3A_18, %mul3A_22 : vector<32x1850xf32>
    %get3A_24 = arith.constant 0 : index
    %get3A_25 = arith.constant 0 : index
    %get3A_26 = vector.load %arg8[%get3A_24, %get3A_25] : memref<32x1xf32, #tpu.memory_space<vmem>>, vector<32x1xf32>
    %add3A_27 = vector.broadcast %get3A_26 : vector<32x1xf32> to vector<32x1850xf32>
    %add3A_28 = arith.addf %mul3A_23, %add3A_27 : vector<32x1850xf32>
    %max3A = arith.constant 0.000000e+00 : f32
    %max3A_29 = vector.broadcast %max3A : f32 to vector<32x1850xf32>
    %max3A_30 = arith.maximumf %add3A_28, %max3A_29 : vector<32x1850xf32>
    %mul3A_31 = vector.broadcast %mul3A_13 : vector<1x1850xf32> to vector<32x1850xf32>
    %mul3A_32 = arith.mulf %max3A_30, %mul3A_31 : vector<32x1850xf32>
    %slice3A = vector.extract_strided_slice %mul3A_32 {offsets = [0, 0], sizes = [32, 1764], strides = [1, 1]} : vector<32x1850xf32> to vector<32x1764xf32>
    %slice3A_33 = vector.extract_strided_slice %mul3A_13 {offsets = [0, 0], sizes = [1, 1764], strides = [1, 1]} : vector<1x1850xf32> to vector<1x1764xf32>
    %add3A_34 = arith.addf %broadcast_in_dim3A_0, %slice3A_33 : vector<1x1764xf32>
    %slice3A_35 = vector.extract_strided_slice %mul3A_32 {offsets = [0, 1], sizes = [32, 1764], strides = [1, 1]} : vector<32x1850xf32> to vector<32x1764xf32>
    %slice3A_36 = vector.extract_strided_slice %mul3A_13 {offsets = [0, 1], sizes = [1, 1764], strides = [1, 1]} : vector<1x1850xf32> to vector<1x1764xf32>
    %add3A_37 = arith.addf %add3A_34, %slice3A_36 : vector<1x1764xf32>
    %slice3A_38 = vector.extract_strided_slice %mul3A_32 {offsets = [0, 2], sizes = [32, 1764], strides = [1, 1]} : vector<32x1850xf32> to vector<32x1764xf32>
    %slice3A_39 = vector.extract_strided_slice %mul3A_13 {offsets = [0, 2], sizes = [1, 1764], strides = [1, 1]} : vector<1x1850xf32> to vector<1x1764xf32>
    %add3A_40 = arith.addf %add3A_37, %slice3A_39 : vector<1x1764xf32>
    %slice3A_41 = vector.extract_strided_slice %mul3A_32 {offsets = [0, 42], sizes = [32, 1764], strides = [1, 1]} : vector<32x1850xf32> to vector<32x1764xf32>
    %slice3A_42 = vector.extract_strided_slice %mul3A_13 {offsets = [0, 42], sizes = [1, 1764], strides = [1, 1]} : vector<1x1850xf32> to vector<1x1764xf32>
    %add3A_43 = arith.addf %add3A_40, %slice3A_42 : vector<1x1764xf32>
    %slice3A_44 = vector.extract_strided_slice %mul3A_32 {offsets = [0, 43], sizes = [32, 1764], strides = [1, 1]} : vector<32x1850xf32> to vector<32x1764xf32>
    %slice3A_45 = vector.extract_strided_slice %mul3A_13 {offsets = [0, 43], sizes = [1, 1764], strides = [1, 1]} : vector<1x1850xf32> to vector<1x1764xf32>
    %add3A_46 = arith.addf %add3A_43, %slice3A_45 : vector<1x1764xf32>
    %slice3A_47 = vector.extract_strided_slice %mul3A_32 {offsets = [0, 44], sizes = [32, 1764], strides = [1, 1]} : vector<32x1850xf32> to vector<32x1764xf32>
    %slice3A_48 = vector.extract_strided_slice %mul3A_13 {offsets = [0, 44], sizes = [1, 1764], strides = [1, 1]} : vector<1x1850xf32> to vector<1x1764xf32>
    %add3A_49 = arith.addf %add3A_46, %slice3A_48 : vector<1x1764xf32>
    %slice3A_50 = vector.extract_strided_slice %mul3A_32 {offsets = [0, 84], sizes = [32, 1764], strides = [1, 1]} : vector<32x1850xf32> to vector<32x1764xf32>
    %slice3A_51 = vector.extract_strided_slice %mul3A_13 {offsets = [0, 84], sizes = [1, 1764], strides = [1, 1]} : vector<1x1850xf32> to vector<1x1764xf32>
    %add3A_52 = arith.addf %add3A_49, %slice3A_51 : vector<1x1764xf32>
    %slice3A_53 = vector.extract_strided_slice %mul3A_32 {offsets = [0, 85], sizes = [32, 1764], strides = [1, 1]} : vector<32x1850xf32> to vector<32x1764xf32>
    %slice3A_54 = vector.extract_strided_slice %mul3A_13 {offsets = [0, 85], sizes = [1, 1764], strides = [1, 1]} : vector<1x1850xf32> to vector<1x1764xf32>
    %add3A_55 = arith.addf %add3A_52, %slice3A_54 : vector<1x1764xf32>
    %slice3A_56 = vector.extract_strided_slice %mul3A_32 {offsets = [0, 86], sizes = [32, 1764], strides = [1, 1]} : vector<32x1850xf32> to vector<32x1764xf32>
    %slice3A_57 = vector.extract_strided_slice %mul3A_13 {offsets = [0, 86], sizes = [1, 1764], strides = [1, 1]} : vector<1x1850xf32> to vector<1x1764xf32>
    %add3A_58 = arith.addf %add3A_55, %slice3A_57 : vector<1x1764xf32>
    %mul3A_59 = arith.constant 2 : i32
    %mul3A_60 = arith.muli %mul3A_59, %arg0 : i32
    %add3A_61 = arith.constant -1 : i32
    %add3A_62 = arith.addi %mul3A_60, %add3A_61 : i32
    %add3A_63 = arith.constant 1 : i32
    %add3A_64 = arith.addi %add3A_62, %add3A_63 : i32
    %ge3A_65 = arith.constant 0 : i32
    %ge3A_66 = arith.cmpi sge, %add3A_64, %ge3A_65 : i32
    %lt3A_67 = arith.constant 21 : i32
    %lt3A_68 = arith.cmpi slt, %add3A_64, %lt3A_67 : i32
    %and3A_69 = arith.andi %ge3A_66, %lt3A_68 : i1
    %jit3A_70 = arith.constant 1.000000e+00 : f32
    %jit3A_71 = arith.constant 0.000000e+00 : f32
    %select_n3A_72 = arith.select %and3A_69, %jit3A_70, %jit3A_71 : f32
    %get3A_73 = arith.constant 0 : index
    %get3A_74 = arith.constant 0 : index
    %get3A_75 = arith.constant 0 : index
    %get3A_76 = vector.load %arg5[%get3A_73, %get3A_74, %get3A_75] : memref<1x1x1850xf32, #tpu.memory_space<vmem>>, vector<1x1x1850xf32>
    %get3A_77 = vector.shape_cast %get3A_76 : vector<1x1x1850xf32> to vector<1x1850xf32>
    %mul3A_78 = vector.broadcast %select_n3A_72 : f32 to vector<1x1850xf32>
    %mul3A_79 = arith.mulf %get3A_77, %mul3A_78 : vector<1x1850xf32>
    %get3A_80 = arith.constant 0 : index
    %get3A_81 = arith.constant 0 : index
    %get3A_82 = arith.constant 0 : index
    %get3A_83 = vector.load %arg2[%get3A_80, %get3A_81, %get3A_82] : memref<1x32x1850xf32, #tpu.memory_space<vmem>>, vector<1x32x1850xf32>
    %get3A_84 = vector.shape_cast %get3A_83 : vector<1x32x1850xf32> to vector<32x1850xf32>
    %get3A_85 = arith.constant 0 : index
    %get3A_86 = arith.constant 0 : index
    %get3A_87 = vector.load %arg7[%get3A_85, %get3A_86] : memref<32x1xf32, #tpu.memory_space<vmem>>, vector<32x1xf32>
    %mul3A_88 = vector.broadcast %get3A_87 : vector<32x1xf32> to vector<32x1850xf32>
    %mul3A_89 = arith.mulf %get3A_84, %mul3A_88 : vector<32x1850xf32>
    %get3A_90 = arith.constant 0 : index
    %get3A_91 = arith.constant 0 : index
    %get3A_92 = vector.load %arg8[%get3A_90, %get3A_91] : memref<32x1xf32, #tpu.memory_space<vmem>>, vector<32x1xf32>
    %add3A_93 = vector.broadcast %get3A_92 : vector<32x1xf32> to vector<32x1850xf32>
    %add3A_94 = arith.addf %mul3A_89, %add3A_93 : vector<32x1850xf32>
    %max3A_95 = arith.constant 0.000000e+00 : f32
    %max3A_96 = vector.broadcast %max3A_95 : f32 to vector<32x1850xf32>
    %max3A_97 = arith.maximumf %add3A_94, %max3A_96 : vector<32x1850xf32>
    %mul3A_98 = vector.broadcast %mul3A_79 : vector<1x1850xf32> to vector<32x1850xf32>
    %mul3A_99 = arith.mulf %max3A_97, %mul3A_98 : vector<32x1850xf32>
    %slice3A_100 = vector.extract_strided_slice %mul3A_99 {offsets = [0, 0], sizes = [32, 1764], strides = [1, 1]} : vector<32x1850xf32> to vector<32x1764xf32>
    %slice3A_101 = vector.extract_strided_slice %mul3A_79 {offsets = [0, 0], sizes = [1, 1764], strides = [1, 1]} : vector<1x1850xf32> to vector<1x1764xf32>
    %add3A_102 = arith.addf %add3A_58, %slice3A_101 : vector<1x1764xf32>
    %slice3A_103 = vector.extract_strided_slice %mul3A_99 {offsets = [0, 1], sizes = [32, 1764], strides = [1, 1]} : vector<32x1850xf32> to vector<32x1764xf32>
    %slice3A_104 = vector.extract_strided_slice %mul3A_79 {offsets = [0, 1], sizes = [1, 1764], strides = [1, 1]} : vector<1x1850xf32> to vector<1x1764xf32>
    %add3A_105 = arith.addf %add3A_102, %slice3A_104 : vector<1x1764xf32>
    %slice3A_106 = vector.extract_strided_slice %mul3A_99 {offsets = [0, 2], sizes = [32, 1764], strides = [1, 1]} : vector<32x1850xf32> to vector<32x1764xf32>
    %slice3A_107 = vector.extract_strided_slice %mul3A_79 {offsets = [0, 2], sizes = [1, 1764], strides = [1, 1]} : vector<1x1850xf32> to vector<1x1764xf32>
    %add3A_108 = arith.addf %add3A_105, %slice3A_107 : vector<1x1764xf32>
    %slice3A_109 = vector.extract_strided_slice %mul3A_99 {offsets = [0, 42], sizes = [32, 1764], strides = [1, 1]} : vector<32x1850xf32> to vector<32x1764xf32>
    %slice3A_110 = vector.extract_strided_slice %mul3A_79 {offsets = [0, 42], sizes = [1, 1764], strides = [1, 1]} : vector<1x1850xf32> to vector<1x1764xf32>
    %add3A_111 = arith.addf %add3A_108, %slice3A_110 : vector<1x1764xf32>
    %slice3A_112 = vector.extract_strided_slice %mul3A_99 {offsets = [0, 43], sizes = [32, 1764], strides = [1, 1]} : vector<32x1850xf32> to vector<32x1764xf32>
    %slice3A_113 = vector.extract_strided_slice %mul3A_79 {offsets = [0, 43], sizes = [1, 1764], strides = [1, 1]} : vector<1x1850xf32> to vector<1x1764xf32>
    %add3A_114 = arith.addf %add3A_111, %slice3A_113 : vector<1x1764xf32>
    %slice3A_115 = vector.extract_strided_slice %mul3A_99 {offsets = [0, 44], sizes = [32, 1764], strides = [1, 1]} : vector<32x1850xf32> to vector<32x1764xf32>
    %slice3A_116 = vector.extract_strided_slice %mul3A_79 {offsets = [0, 44], sizes = [1, 1764], strides = [1, 1]} : vector<1x1850xf32> to vector<1x1764xf32>
    %add3A_117 = arith.addf %add3A_114, %slice3A_116 : vector<1x1764xf32>
    %slice3A_118 = vector.extract_strided_slice %mul3A_99 {offsets = [0, 84], sizes = [32, 1764], strides = [1, 1]} : vector<32x1850xf32> to vector<32x1764xf32>
    %slice3A_119 = vector.extract_strided_slice %mul3A_79 {offsets = [0, 84], sizes = [1, 1764], strides = [1, 1]} : vector<1x1850xf32> to vector<1x1764xf32>
    %add3A_120 = arith.addf %add3A_117, %slice3A_119 : vector<1x1764xf32>
    %slice3A_121 = vector.extract_strided_slice %mul3A_99 {offsets = [0, 85], sizes = [32, 1764], strides = [1, 1]} : vector<32x1850xf32> to vector<32x1764xf32>
    %slice3A_122 = vector.extract_strided_slice %mul3A_79 {offsets = [0, 85], sizes = [1, 1764], strides = [1, 1]} : vector<1x1850xf32> to vector<1x1764xf32>
    %add3A_123 = arith.addf %add3A_120, %slice3A_122 : vector<1x1764xf32>
    %slice3A_124 = vector.extract_strided_slice %mul3A_99 {offsets = [0, 86], sizes = [32, 1764], strides = [1, 1]} : vector<32x1850xf32> to vector<32x1764xf32>
    %slice3A_125 = vector.extract_strided_slice %mul3A_79 {offsets = [0, 86], sizes = [1, 1764], strides = [1, 1]} : vector<1x1850xf32> to vector<1x1764xf32>
    %add3A_126 = arith.addf %add3A_123, %slice3A_125 : vector<1x1764xf32>
    %mul3A_127 = arith.constant 2 : i32
    %mul3A_128 = arith.muli %mul3A_127, %arg0 : i32
    %add3A_129 = arith.constant -1 : i32
    %add3A_130 = arith.addi %mul3A_128, %add3A_129 : i32
    %add3A_131 = arith.constant 2 : i32
    %add3A_132 = arith.addi %add3A_130, %add3A_131 : i32
    %ge3A_133 = arith.constant 0 : i32
    %ge3A_134 = arith.cmpi sge, %add3A_132, %ge3A_133 : i32
    %lt3A_135 = arith.constant 21 : i32
    %lt3A_136 = arith.cmpi slt, %add3A_132, %lt3A_135 : i32
    %and3A_137 = arith.andi %ge3A_134, %lt3A_136 : i1
    %jit3A_138 = arith.constant 1.000000e+00 : f32
    %jit3A_139 = arith.constant 0.000000e+00 : f32
    %select_n3A_140 = arith.select %and3A_137, %jit3A_138, %jit3A_139 : f32
    %get3A_141 = arith.constant 0 : index
    %get3A_142 = arith.constant 0 : index
    %get3A_143 = arith.constant 0 : index
    %get3A_144 = vector.load %arg6[%get3A_141, %get3A_142, %get3A_143] : memref<1x1x1850xf32, #tpu.memory_space<vmem>>, vector<1x1x1850xf32>
    %get3A_145 = vector.shape_cast %get3A_144 : vector<1x1x1850xf32> to vector<1x1850xf32>
    %mul3A_146 = vector.broadcast %select_n3A_140 : f32 to vector<1x1850xf32>
    %mul3A_147 = arith.mulf %get3A_145, %mul3A_146 : vector<1x1850xf32>
    %get3A_148 = arith.constant 0 : index
    %get3A_149 = arith.constant 0 : index
    %get3A_150 = arith.constant 0 : index
    %get3A_151 = vector.load %arg3[%get3A_148, %get3A_149, %get3A_150] : memref<1x32x1850xf32, #tpu.memory_space<vmem>>, vector<1x32x1850xf32>
    %get3A_152 = vector.shape_cast %get3A_151 : vector<1x32x1850xf32> to vector<32x1850xf32>
    %get3A_153 = arith.constant 0 : index
    %get3A_154 = arith.constant 0 : index
    %get3A_155 = vector.load %arg7[%get3A_153, %get3A_154] : memref<32x1xf32, #tpu.memory_space<vmem>>, vector<32x1xf32>
    %mul3A_156 = vector.broadcast %get3A_155 : vector<32x1xf32> to vector<32x1850xf32>
    %mul3A_157 = arith.mulf %get3A_152, %mul3A_156 : vector<32x1850xf32>
    %get3A_158 = arith.constant 0 : index
    %get3A_159 = arith.constant 0 : index
    %get3A_160 = vector.load %arg8[%get3A_158, %get3A_159] : memref<32x1xf32, #tpu.memory_space<vmem>>, vector<32x1xf32>
    %add3A_161 = vector.broadcast %get3A_160 : vector<32x1xf32> to vector<32x1850xf32>
    %add3A_162 = arith.addf %mul3A_157, %add3A_161 : vector<32x1850xf32>
    %max3A_163 = arith.constant 0.000000e+00 : f32
    %max3A_164 = vector.broadcast %max3A_163 : f32 to vector<32x1850xf32>
    %max3A_165 = arith.maximumf %add3A_162, %max3A_164 : vector<32x1850xf32>
    %mul3A_166 = vector.broadcast %mul3A_147 : vector<1x1850xf32> to vector<32x1850xf32>
    %mul3A_167 = arith.mulf %max3A_165, %mul3A_166 : vector<32x1850xf32>
    %slice3A_168 = vector.extract_strided_slice %mul3A_167 {offsets = [0, 0], sizes = [32, 1764], strides = [1, 1]} : vector<32x1850xf32> to vector<32x1764xf32>
    %slice3A_169 = vector.extract_strided_slice %mul3A_147 {offsets = [0, 0], sizes = [1, 1764], strides = [1, 1]} : vector<1x1850xf32> to vector<1x1764xf32>
    %add3A_170 = arith.addf %add3A_126, %slice3A_169 : vector<1x1764xf32>
    %slice3A_171 = vector.extract_strided_slice %mul3A_167 {offsets = [0, 1], sizes = [32, 1764], strides = [1, 1]} : vector<32x1850xf32> to vector<32x1764xf32>
    %slice3A_172 = vector.extract_strided_slice %mul3A_147 {offsets = [0, 1], sizes = [1, 1764], strides = [1, 1]} : vector<1x1850xf32> to vector<1x1764xf32>
    %add3A_173 = arith.addf %add3A_170, %slice3A_172 : vector<1x1764xf32>
    %slice3A_174 = vector.extract_strided_slice %mul3A_167 {offsets = [0, 2], sizes = [32, 1764], strides = [1, 1]} : vector<32x1850xf32> to vector<32x1764xf32>
    %slice3A_175 = vector.extract_strided_slice %mul3A_147 {offsets = [0, 2], sizes = [1, 1764], strides = [1, 1]} : vector<1x1850xf32> to vector<1x1764xf32>
    %add3A_176 = arith.addf %add3A_173, %slice3A_175 : vector<1x1764xf32>
    %slice3A_177 = vector.extract_strided_slice %mul3A_167 {offsets = [0, 42], sizes = [32, 1764], strides = [1, 1]} : vector<32x1850xf32> to vector<32x1764xf32>
    %slice3A_178 = vector.extract_strided_slice %mul3A_147 {offsets = [0, 42], sizes = [1, 1764], strides = [1, 1]} : vector<1x1850xf32> to vector<1x1764xf32>
    %add3A_179 = arith.addf %add3A_176, %slice3A_178 : vector<1x1764xf32>
    %slice3A_180 = vector.extract_strided_slice %mul3A_167 {offsets = [0, 43], sizes = [32, 1764], strides = [1, 1]} : vector<32x1850xf32> to vector<32x1764xf32>
    %slice3A_181 = vector.extract_strided_slice %mul3A_147 {offsets = [0, 43], sizes = [1, 1764], strides = [1, 1]} : vector<1x1850xf32> to vector<1x1764xf32>
    %add3A_182 = arith.addf %add3A_179, %slice3A_181 : vector<1x1764xf32>
    %slice3A_183 = vector.extract_strided_slice %mul3A_167 {offsets = [0, 44], sizes = [32, 1764], strides = [1, 1]} : vector<32x1850xf32> to vector<32x1764xf32>
    %slice3A_184 = vector.extract_strided_slice %mul3A_147 {offsets = [0, 44], sizes = [1, 1764], strides = [1, 1]} : vector<1x1850xf32> to vector<1x1764xf32>
    %add3A_185 = arith.addf %add3A_182, %slice3A_184 : vector<1x1764xf32>
    %slice3A_186 = vector.extract_strided_slice %mul3A_167 {offsets = [0, 84], sizes = [32, 1764], strides = [1, 1]} : vector<32x1850xf32> to vector<32x1764xf32>
    %slice3A_187 = vector.extract_strided_slice %mul3A_147 {offsets = [0, 84], sizes = [1, 1764], strides = [1, 1]} : vector<1x1850xf32> to vector<1x1764xf32>
    %add3A_188 = arith.addf %add3A_185, %slice3A_187 : vector<1x1764xf32>
    %slice3A_189 = vector.extract_strided_slice %mul3A_167 {offsets = [0, 85], sizes = [32, 1764], strides = [1, 1]} : vector<32x1850xf32> to vector<32x1764xf32>
    %slice3A_190 = vector.extract_strided_slice %mul3A_147 {offsets = [0, 85], sizes = [1, 1764], strides = [1, 1]} : vector<1x1850xf32> to vector<1x1764xf32>
    %add3A_191 = arith.addf %add3A_188, %slice3A_190 : vector<1x1764xf32>
    %slice3A_192 = vector.extract_strided_slice %mul3A_167 {offsets = [0, 86], sizes = [32, 1764], strides = [1, 1]} : vector<32x1850xf32> to vector<32x1764xf32>
    %slice3A_193 = vector.extract_strided_slice %mul3A_147 {offsets = [0, 86], sizes = [1, 1764], strides = [1, 1]} : vector<1x1850xf32> to vector<1x1764xf32>
    %add3A_194 = arith.addf %add3A_191, %slice3A_193 : vector<1x1764xf32>
    %concatenate3A = tpu.concatenate %slice3A, %slice3A_35, %slice3A_38, %slice3A_41, %slice3A_44, %slice3A_47, %slice3A_50, %slice3A_53, %slice3A_56, %slice3A_100, %slice3A_103, %slice3A_106, %slice3A_109, %slice3A_112, %slice3A_115, %slice3A_118, %slice3A_121, %slice3A_124, %slice3A_168, %slice3A_171, %slice3A_174, %slice3A_177, %slice3A_180, %slice3A_183, %slice3A_186, %slice3A_189, %slice3A_192 in 0 : vector<32x1764xf32>, vector<32x1764xf32>, vector<32x1764xf32>, vector<32x1764xf32>, vector<32x1764xf32>, vector<32x1764xf32>, vector<32x1764xf32>, vector<32x1764xf32>, vector<32x1764xf32>, vector<32x1764xf32>, vector<32x1764xf32>, vector<32x1764xf32>, vector<32x1764xf32>, vector<32x1764xf32>, vector<32x1764xf32>, vector<32x1764xf32>, vector<32x1764xf32>, vector<32x1764xf32>, vector<32x1764xf32>, vector<32x1764xf32>, vector<32x1764xf32>, vector<32x1764xf32>, vector<32x1764xf32>, vector<32x1764xf32>, vector<32x1764xf32>, vector<32x1764xf32>, vector<32x1764xf32> -> vector<864x1764xf32>
    %get3A_195 = arith.constant 0 : index
    %get3A_196 = arith.constant 0 : index
    %get3A_197 = vector.load %arg10[%get3A_195, %get3A_196] : memref<64x864xf32, #tpu.memory_space<vmem>>, vector<64x864xf32>
    %dot_general3A = arith.constant dense<0.000000e+00> : vector<64x1764xf32>
    %dot_general3A_198 = tpu.matmul %get3A_197, %concatenate3A, %dot_general3A {dimension_numbers = #tpu.dot_dimension_numbers<[1], [0], [0], [1], [0, 0, 1, 1], [], []>, transpose_lhs_hint = false} : vector<64x864xf32>, vector<864x1764xf32>, vector<64x1764xf32> -> vector<64x1764xf32>
    %gt3A = arith.constant 5.000000e-01 : f32
    %gt3A_199 = vector.broadcast %gt3A : f32 to vector<1x1764xf32>
    %gt3A_200 = arith.cmpf ogt, %add3A_194, %gt3A_199 : vector<1x1764xf32>
    %convert_element_type3A = arith.extui %gt3A_200 : vector<1x1764xi1> to vector<1x1764xi32>
    %convert_element_type3A_201 = arith.sitofp %convert_element_type3A : vector<1x1764xi32> to vector<1x1764xf32>
    %get3A_202 = arith.constant 0 : index
    %get3A_203 = arith.constant 0 : index
    %get3A_204 = vector.load %arg9[%get3A_202, %get3A_203] : memref<1x1850xf32, #tpu.memory_space<vmem>>, vector<1x1850xf32>
    %slice3A_205 = vector.extract_strided_slice %get3A_204 {offsets = [0, 43], sizes = [1, 1764], strides = [1, 1]} : vector<1x1850xf32> to vector<1x1764xf32>
    %mul3A_206 = arith.mulf %convert_element_type3A_201, %slice3A_205 : vector<1x1764xf32>
    %broadcast_in_dim3A_207 = arith.constant 0.000000e+00 : f32
    %broadcast_in_dim3A_208 = vector.broadcast %broadcast_in_dim3A_207 : f32 to vector<1x43xf32>
    %concatenate3A_209 = tpu.concatenate %broadcast_in_dim3A_208, %mul3A_206, %broadcast_in_dim3A_208 in 1 : vector<1x43xf32>, vector<1x1764xf32>, vector<1x43xf32> -> vector<1x1850xf32>
    %broadcast_in_dim3A_210 = arith.constant 0.000000e+00 : f32
    %broadcast_in_dim3A_211 = vector.broadcast %broadcast_in_dim3A_210 : f32 to vector<64x43xf32>
    %concatenate3A_212 = tpu.concatenate %broadcast_in_dim3A_211, %dot_general3A_198, %broadcast_in_dim3A_211 in 1 : vector<64x43xf32>, vector<64x1764xf32>, vector<64x43xf32> -> vector<64x1850xf32>
    %swap3A = arith.constant 0 : index
    %swap3A_213 = arith.constant 0 : index
    %swap3A_214 = arith.constant 0 : index
    %swap3A_215 = vector.load %arg11[%swap3A, %swap3A_213, %swap3A_214] : memref<1x64x1850xf32, #tpu.memory_space<vmem>>, vector<1x64x1850xf32>
    %swap3A_216 = vector.shape_cast %swap3A_215 : vector<1x64x1850xf32> to vector<64x1850xf32>
    %swap3A_217 = vector.shape_cast %concatenate3A_212 : vector<64x1850xf32> to vector<1x64x1850xf32>
    tpu.vector_store %arg11[%swap3A, %swap3A_213, %swap3A_214], %swap3A_217 {strides = array<i32>} : memref<1x64x1850xf32, #tpu.memory_space<vmem>>, vector<1x64x1850xf32>,
    %swap3A_218 = arith.constant 0 : index
    %swap3A_219 = arith.constant 0 : index
    %swap3A_220 = arith.constant 0 : index
    %swap3A_221 = vector.load %arg12[%swap3A_218, %swap3A_219, %swap3A_220] : memref<1x1x1850xf32, #tpu.memory_space<vmem>>, vector<1x1x1850xf32>
    %swap3A_222 = vector.shape_cast %swap3A_221 : vector<1x1x1850xf32> to vector<1x1850xf32>
    %swap3A_223 = vector.shape_cast %concatenate3A_209 : vector<1x1850xf32> to vector<1x1x1850xf32>
    tpu.vector_store %arg12[%swap3A_218, %swap3A_219, %swap3A_220], %swap3A_223 {strides = array<i32>} : memref<1x1x1850xf32, #tpu.memory_space<vmem>>, vector<1x1x1850xf32>,
    %mul3A_224 = vector.broadcast %mul3A_206 : vector<1x1764xf32> to vector<64x1764xf32>
    %mul3A_225 = arith.mulf %dot_general3A_198, %mul3A_224 : vector<64x1764xf32>
    %reduce_sum3A = arith.constant dense<0.000000e+00> : vector<64xf32>
    %reduce_sum3A_226 = vector.multi_reduction <add>, %mul3A_225, %reduce_sum3A [1] : vector<64x1764xf32> to vector<64xf32>
    %broadcast_in_dim3A_227 = vector.shape_cast %reduce_sum3A_226 : vector<64xf32> to vector<64x1xf32>
    %mul3A_228 = arith.mulf %dot_general3A_198, %dot_general3A_198 : vector<64x1764xf32>
    %mul3A_229 = vector.broadcast %mul3A_206 : vector<1x1764xf32> to vector<64x1764xf32>
    %mul3A_230 = arith.mulf %mul3A_228, %mul3A_229 : vector<64x1764xf32>
    %reduce_sum3A_231 = arith.constant dense<0.000000e+00> : vector<64xf32>
    %reduce_sum3A_232 = vector.multi_reduction <add>, %mul3A_230, %reduce_sum3A_231 [1] : vector<64x1764xf32> to vector<64xf32>
    %broadcast_in_dim3A_233 = vector.shape_cast %reduce_sum3A_232 : vector<64xf32> to vector<64x1xf32>
    %broadcast_in_dim3A_234 = arith.constant 0.000000e+00 : f32
    %broadcast_in_dim3A_235 = vector.broadcast %broadcast_in_dim3A_234 : f32 to vector<64x1xf32>
    %reduce_sum3A_236 = vector.shape_cast %mul3A_206 : vector<1x1764xf32> to vector<1x1x1764xf32>
    %reduce_sum3A_237 = arith.constant dense<0.000000e+00> : vector<1xf32>
    %reduce_sum3A_238 = vector.multi_reduction <add>, %reduce_sum3A_236, %reduce_sum3A_237 [1, 2] : vector<1x1x1764xf32> to vector<1xf32>
    %reduce_sum3A_239 = vector.shape_cast %reduce_sum3A_238 : vector<1xf32> to vector<1x1x1xf32>
    %reduce_sum3A_240 = vector.extract %reduce_sum3A_239[0, 0, 0] : f32 from vector<1x1x1xf32>
    %add3A_241 = vector.broadcast %reduce_sum3A_240 : f32 to vector<64x1xf32>
    %add3A_242 = arith.addf %broadcast_in_dim3A_235, %add3A_241 : vector<64x1xf32>
    %broadcast_in_dim3A_243 = arith.constant 0.000000e+00 : f32
    %broadcast_in_dim3A_244 = vector.broadcast %broadcast_in_dim3A_243 : f32 to vector<64x5xf32>
    %concatenate3A_245 = tpu.concatenate %broadcast_in_dim3A_227, %broadcast_in_dim3A_233, %add3A_242, %broadcast_in_dim3A_244 in 1 : vector<64x1xf32>, vector<64x1xf32>, vector<64x1xf32>, vector<64x5xf32> -> vector<64x8xf32>
    %broadcast_in_dim3A_246 = arith.constant 0.000000e+00 : f32
    %broadcast_in_dim3A_247 = vector.broadcast %broadcast_in_dim3A_246 : f32 to vector<64x8xf32>
    %concatenate3A_248 = tpu.concatenate %concatenate3A_245, %broadcast_in_dim3A_247 in 0 : vector<64x8xf32>, vector<64x8xf32> -> vector<128x8xf32>
    %eq3A = arith.constant 0 : i32
    %eq3A_249 = arith.cmpi eq, %arg0, %eq3A : i32
    %convert_element_type3A_250 = arith.extui %eq3A_249 : i1 to i32
    %cond3A = arith.constant 0 : i32
    %cond3A_251 = arith.cmpi ne, %convert_element_type3A_250, %cond3A : i32
    scf.if %cond3A_251 {
      %swap3A_256 = arith.constant 0 : index
      %swap3A_257 = arith.constant 0 : index
      %swap3A_258 = vector.load %arg13[%swap3A_256, %swap3A_257] : memref<128x8xf32, #tpu.memory_space<vmem>>, vector<128x8xf32>
      tpu.vector_store %arg13[%swap3A_256, %swap3A_257], %concatenate3A_248 {strides = array<i32>} : memref<128x8xf32, #tpu.memory_space<vmem>>, vector<128x8xf32>,
    } else {
    }
    %ne3A = arith.constant 0 : i32
    %ne3A_252 = arith.cmpi ne, %arg0, %ne3A : i32
    %convert_element_type3A_253 = arith.extui %ne3A_252 : i1 to i32
    %cond3A_254 = arith.constant 0 : i32
    %cond3A_255 = arith.cmpi ne, %convert_element_type3A_253, %cond3A_254 : i32
    scf.if %cond3A_255 {
      %get3A_256 = arith.constant 0 : index
      %get3A_257 = arith.constant 0 : index
      %get3A_258 = vector.load %arg13[%get3A_256, %get3A_257] : memref<128x8xf32, #tpu.memory_space<vmem>>, vector<128x8xf32>
      %add3A_259 = arith.addf %get3A_258, %concatenate3A_248 : vector<128x8xf32>
      %swap3A_260 = arith.constant 0 : index
      %swap3A_261 = arith.constant 0 : index
      %swap3A_262 = vector.load %arg13[%swap3A_260, %swap3A_261] : memref<128x8xf32, #tpu.memory_space<vmem>>, vector<128x8xf32>
      tpu.vector_store %arg13[%swap3A_260, %swap3A_261], %add3A_259 {strides = array<i32>} : memref<128x8xf32, #tpu.memory_space<vmem>>, vector<128x8xf32>,
    } else {
    }
    return
  }
  func.func @transform_0(%arg0: i32) -> (i32, i32, i32) {
    %mul3A = arith.constant 2 : i32
    %mul3A_0 = arith.muli %mul3A, %arg0 : i32
    %add3A = arith.constant -1 : i32
    %add3A_1 = arith.addi %mul3A_0, %add3A : i32
    %add3A_2 = arith.constant 0 : i32
    %add3A_3 = arith.addi %add3A_1, %add3A_2 : i32
    %jit3A = arith.constant 0 : i32
    %jit3A_4 = arith.constant 20 : i32
    %max3A = arith.maxsi %jit3A, %add3A_3 : i32
    %min3A = arith.minsi %jit3A_4, %max3A : i32
    %c0_i32 = arith.constant 0 : i32
    %c0_i32_5 = arith.constant 0 : i32
    %c0_i32_6 = arith.constant 0 : i32
    return %min3A, %c0_i32, %c0_i32_5 : i32, i32, i32
  }
  func.func @transform_1(%arg0: i32) -> (i32, i32, i32) {
    %mul3A = arith.constant 2 : i32
    %mul3A_0 = arith.muli %mul3A, %arg0 : i32
    %add3A = arith.constant -1 : i32
    %add3A_1 = arith.addi %mul3A_0, %add3A : i32
    %add3A_2 = arith.constant 1 : i32
    %add3A_3 = arith.addi %add3A_1, %add3A_2 : i32
    %jit3A = arith.constant 0 : i32
    %jit3A_4 = arith.constant 20 : i32
    %max3A = arith.maxsi %jit3A, %add3A_3 : i32
    %min3A = arith.minsi %jit3A_4, %max3A : i32
    %c0_i32 = arith.constant 0 : i32
    %c0_i32_5 = arith.constant 0 : i32
    %c0_i32_6 = arith.constant 0 : i32
    return %min3A, %c0_i32, %c0_i32_5 : i32, i32, i32
  }
  func.func @transform_2(%arg0: i32) -> (i32, i32, i32) {
    %mul3A = arith.constant 2 : i32
    %mul3A_0 = arith.muli %mul3A, %arg0 : i32
    %add3A = arith.constant -1 : i32
    %add3A_1 = arith.addi %mul3A_0, %add3A : i32
    %add3A_2 = arith.constant 2 : i32
    %add3A_3 = arith.addi %add3A_1, %add3A_2 : i32
    %jit3A = arith.constant 0 : i32
    %jit3A_4 = arith.constant 20 : i32
    %max3A = arith.maxsi %jit3A, %add3A_3 : i32
    %min3A = arith.minsi %jit3A_4, %max3A : i32
    %c0_i32 = arith.constant 0 : i32
    %c0_i32_5 = arith.constant 0 : i32
    %c0_i32_6 = arith.constant 0 : i32
    return %min3A, %c0_i32, %c0_i32_5 : i32, i32, i32
  }
  func.func @transform_3(%arg0: i32) -> (i32, i32, i32) {
    %mul3A = arith.constant 2 : i32
    %mul3A_0 = arith.muli %mul3A, %arg0 : i32
    %add3A = arith.constant -1 : i32
    %add3A_1 = arith.addi %mul3A_0, %add3A : i32
    %add3A_2 = arith.constant 0 : i32
    %add3A_3 = arith.addi %add3A_1, %add3A_2 : i32
    %jit3A = arith.constant 0 : i32
    %jit3A_4 = arith.constant 20 : i32
    %max3A = arith.maxsi %jit3A, %add3A_3 : i32
    %min3A = arith.minsi %jit3A_4, %max3A : i32
    %c0_i32 = arith.constant 0 : i32
    %c0_i32_5 = arith.constant 0 : i32
    %c0_i32_6 = arith.constant 0 : i32
    return %min3A, %c0_i32, %c0_i32_5 : i32, i32, i32
  }
  func.func @transform_4(%arg0: i32) -> (i32, i32, i32) {
    %mul3A = arith.constant 2 : i32
    %mul3A_0 = arith.muli %mul3A, %arg0 : i32
    %add3A = arith.constant -1 : i32
    %add3A_1 = arith.addi %mul3A_0, %add3A : i32
    %add3A_2 = arith.constant 1 : i32
    %add3A_3 = arith.addi %add3A_1, %add3A_2 : i32
    %jit3A = arith.constant 0 : i32
    %jit3A_4 = arith.constant 20 : i32
    %max3A = arith.maxsi %jit3A, %add3A_3 : i32
    %min3A = arith.minsi %jit3A_4, %max3A : i32
    %c0_i32 = arith.constant 0 : i32
    %c0_i32_5 = arith.constant 0 : i32
    %c0_i32_6 = arith.constant 0 : i32
    return %min3A, %c0_i32, %c0_i32_5 : i32, i32, i32
  }
  func.func @transform_5(%arg0: i32) -> (i32, i32, i32) {
    %mul3A = arith.constant 2 : i32
    %mul3A_0 = arith.muli %mul3A, %arg0 : i32
    %add3A = arith.constant -1 : i32
    %add3A_1 = arith.addi %mul3A_0, %add3A : i32
    %add3A_2 = arith.constant 2 : i32
    %add3A_3 = arith.addi %add3A_1, %add3A_2 : i32
    %jit3A = arith.constant 0 : i32
    %jit3A_4 = arith.constant 20 : i32
    %max3A = arith.maxsi %jit3A, %add3A_3 : i32
    %min3A = arith.minsi %jit3A_4, %max3A : i32
    %c0_i32 = arith.constant 0 : i32
    %c0_i32_5 = arith.constant 0 : i32
    %c0_i32_6 = arith.constant 0 : i32
    return %min3A, %c0_i32, %c0_i32_5 : i32, i32, i32
  }
  func.func @transform_6(%arg0: i32) -> (i32, i32) {
    %c0_i32 = arith.constant 0 : i32
    %c0_i32_0 = arith.constant 0 : i32
    %c0_i32_1 = arith.constant 0 : i32
    return %c0_i32, %c0_i32_0 : i32, i32
  }
  func.func @transform_7(%arg0: i32) -> (i32, i32) {
    %c0_i32 = arith.constant 0 : i32
    %c0_i32_0 = arith.constant 0 : i32
    %c0_i32_1 = arith.constant 0 : i32
    return %c0_i32, %c0_i32_0 : i32, i32
  }
  func.func @transform_8(%arg0: i32) -> (i32, i32) {
    %c0_i32 = arith.constant 0 : i32
    %c0_i32_0 = arith.constant 0 : i32
    %c0_i32_1 = arith.constant 0 : i32
    return %c0_i32, %c0_i32_0 : i32, i32
  }
  func.func @transform_9(%arg0: i32) -> (i32, i32) {
    %c0_i32 = arith.constant 0 : i32
    %c0_i32_0 = arith.constant 0 : i32
    %c0_i32_1 = arith.constant 0 : i32
    return %c0_i32, %c0_i32_0 : i32, i32
  }
  func.func @transform_10(%arg0: i32) -> (i32, i32, i32) {
    %c0_i32 = arith.constant 0 : i32
    %c0_i32_0 = arith.constant 0 : i32
    %c0_i32_1 = arith.constant 0 : i32
    return %arg0, %c0_i32, %c0_i32_0 : i32, i32, i32
  }
  func.func @transform_11(%arg0: i32) -> (i32, i32, i32) {
    %c0_i32 = arith.constant 0 : i32
    %c0_i32_0 = arith.constant 0 : i32
    %c0_i32_1 = arith.constant 0 : i32
    return %arg0, %c0_i32, %c0_i32_0 : i32, i32, i32
  }
  func.func @transform_12(%arg0: i32) -> (i32, i32) {
    %c0_i32 = arith.constant 0 : i32
    %c0_i32_0 = arith.constant 0 : i32
    %c0_i32_1 = arith.constant 0 : i32
    return %c0_i32, %c0_i32_0 : i32, i32
  }
}

module attributes {stable_mosaic.version = 14 : i64} {
  func.func @body(%arg0: i32, %arg1: memref<1x64x530xf32, #tpu.memory_space<vmem>>, %arg2: memref<1x64x530xf32, #tpu.memory_space<vmem>>, %arg3: memref<1x64x530xf32, #tpu.memory_space<vmem>>, %arg4: memref<1x1x530xf32, #tpu.memory_space<vmem>>, %arg5: memref<1x1x530xf32, #tpu.memory_space<vmem>>, %arg6: memref<1x1x530xf32, #tpu.memory_space<vmem>>, %arg7: memref<64x1xf32, #tpu.memory_space<vmem>>, %arg8: memref<64x1xf32, #tpu.memory_space<vmem>>, %arg9: memref<64x1728xf32, #tpu.memory_space<vmem>>, %arg10: memref<1x64x530xf32, #tpu.memory_space<vmem>>, %arg11: memref<1x1x530xf32, #tpu.memory_space<vmem>>, %arg12: memref<128x8xf32, #tpu.memory_space<vmem>>) attributes {dimension_semantics = [#tpu.dimension_semantics<arbitrary>], iteration_bounds = array<i64: 11>, scalar_prefetch = 0 : i64, scratch_operands = 0 : i64, tpu.core_type = #tpu.core_type<tc>, window_params = [{transform_indices = @transform_0, window_bounds = array<i64: 1, 64, 530>}, {transform_indices = @transform_1, window_bounds = array<i64: 1, 64, 530>}, {transform_indices = @transform_2, window_bounds = array<i64: 1, 64, 530>}, {transform_indices = @transform_3, window_bounds = array<i64: 1, 1, 530>}, {transform_indices = @transform_4, window_bounds = array<i64: 1, 1, 530>}, {transform_indices = @transform_5, window_bounds = array<i64: 1, 1, 530>}, {pipeline_mode = #tpu.pipeline_mode<synchronous>, transform_indices = @transform_6, window_bounds = array<i64: 64, 1>}, {pipeline_mode = #tpu.pipeline_mode<synchronous>, transform_indices = @transform_7, window_bounds = array<i64: 64, 1>}, {pipeline_mode = #tpu.pipeline_mode<synchronous>, transform_indices = @transform_8, window_bounds = array<i64: 64, 1728>}, {transform_indices = @transform_9, window_bounds = array<i64: 1, 64, 530>}, {transform_indices = @transform_10, window_bounds = array<i64: 1, 1, 530>}, {pipeline_mode = #tpu.pipeline_mode<synchronous>, transform_indices = @transform_11, window_bounds = array<i64: 128, 8>}]} {
    %mul3A = arith.constant 1 : i32
    %mul3A_0 = arith.muli %mul3A, %arg0 : i32
    %add3A = arith.constant -1 : i32
    %add3A_1 = arith.addi %mul3A_0, %add3A : i32
    %add3A_2 = arith.constant 0 : i32
    %add3A_3 = arith.addi %add3A_1, %add3A_2 : i32
    %ge3A = arith.constant 0 : i32
    %ge3A_4 = arith.cmpi sge, %add3A_3, %ge3A : i32
    %lt3A = arith.constant 11 : i32
    %lt3A_5 = arith.cmpi slt, %add3A_3, %lt3A : i32
    %and3A = arith.andi %ge3A_4, %lt3A_5 : i1
    %jit3A = arith.constant 1.000000e+00 : f32
    %jit3A_6 = arith.constant 0.000000e+00 : f32
    %select_n3A = arith.select %and3A, %jit3A, %jit3A_6 : f32
    %get3A = arith.constant 0 : index
    %get3A_7 = arith.constant 0 : index
    %get3A_8 = arith.constant 0 : index
    %get3A_9 = vector.load %arg4[%get3A, %get3A_7, %get3A_8] : memref<1x1x530xf32, #tpu.memory_space<vmem>>, vector<1x1x530xf32>
    %get3A_10 = vector.shape_cast %get3A_9 : vector<1x1x530xf32> to vector<1x530xf32>
    %mul3A_11 = vector.broadcast %select_n3A : f32 to vector<1x530xf32>
    %mul3A_12 = arith.mulf %get3A_10, %mul3A_11 : vector<1x530xf32>
    %get3A_13 = arith.constant 0 : index
    %get3A_14 = arith.constant 0 : index
    %get3A_15 = arith.constant 0 : index
    %get3A_16 = vector.load %arg1[%get3A_13, %get3A_14, %get3A_15] : memref<1x64x530xf32, #tpu.memory_space<vmem>>, vector<1x64x530xf32>
    %get3A_17 = vector.shape_cast %get3A_16 : vector<1x64x530xf32> to vector<64x530xf32>
    %get3A_18 = arith.constant 0 : index
    %get3A_19 = arith.constant 0 : index
    %get3A_20 = vector.load %arg7[%get3A_18, %get3A_19] : memref<64x1xf32, #tpu.memory_space<vmem>>, vector<64x1xf32>
    %mul3A_21 = vector.broadcast %get3A_20 : vector<64x1xf32> to vector<64x530xf32>
    %mul3A_22 = arith.mulf %get3A_17, %mul3A_21 : vector<64x530xf32>
    %get3A_23 = arith.constant 0 : index
    %get3A_24 = arith.constant 0 : index
    %get3A_25 = vector.load %arg8[%get3A_23, %get3A_24] : memref<64x1xf32, #tpu.memory_space<vmem>>, vector<64x1xf32>
    %add3A_26 = vector.broadcast %get3A_25 : vector<64x1xf32> to vector<64x530xf32>
    %add3A_27 = arith.addf %mul3A_22, %add3A_26 : vector<64x530xf32>
    %max3A = arith.constant 0.000000e+00 : f32
    %max3A_28 = vector.broadcast %max3A : f32 to vector<64x530xf32>
    %max3A_29 = arith.maximumf %add3A_27, %max3A_28 : vector<64x530xf32>
    %mul3A_30 = vector.broadcast %mul3A_12 : vector<1x530xf32> to vector<64x530xf32>
    %mul3A_31 = arith.mulf %max3A_29, %mul3A_30 : vector<64x530xf32>
    %slice3A = vector.extract_strided_slice %mul3A_31 {offsets = [0, 0], sizes = [64, 484], strides = [1, 1]} : vector<64x530xf32> to vector<64x484xf32>
    %slice3A_32 = vector.extract_strided_slice %mul3A_31 {offsets = [0, 1], sizes = [64, 484], strides = [1, 1]} : vector<64x530xf32> to vector<64x484xf32>
    %slice3A_33 = vector.extract_strided_slice %mul3A_31 {offsets = [0, 2], sizes = [64, 484], strides = [1, 1]} : vector<64x530xf32> to vector<64x484xf32>
    %slice3A_34 = vector.extract_strided_slice %mul3A_31 {offsets = [0, 22], sizes = [64, 484], strides = [1, 1]} : vector<64x530xf32> to vector<64x484xf32>
    %slice3A_35 = vector.extract_strided_slice %mul3A_31 {offsets = [0, 23], sizes = [64, 484], strides = [1, 1]} : vector<64x530xf32> to vector<64x484xf32>
    %slice3A_36 = vector.extract_strided_slice %mul3A_31 {offsets = [0, 24], sizes = [64, 484], strides = [1, 1]} : vector<64x530xf32> to vector<64x484xf32>
    %slice3A_37 = vector.extract_strided_slice %mul3A_31 {offsets = [0, 44], sizes = [64, 484], strides = [1, 1]} : vector<64x530xf32> to vector<64x484xf32>
    %slice3A_38 = vector.extract_strided_slice %mul3A_31 {offsets = [0, 45], sizes = [64, 484], strides = [1, 1]} : vector<64x530xf32> to vector<64x484xf32>
    %slice3A_39 = vector.extract_strided_slice %mul3A_31 {offsets = [0, 46], sizes = [64, 484], strides = [1, 1]} : vector<64x530xf32> to vector<64x484xf32>
    %mul3A_40 = arith.constant 1 : i32
    %mul3A_41 = arith.muli %mul3A_40, %arg0 : i32
    %add3A_42 = arith.constant -1 : i32
    %add3A_43 = arith.addi %mul3A_41, %add3A_42 : i32
    %add3A_44 = arith.constant 1 : i32
    %add3A_45 = arith.addi %add3A_43, %add3A_44 : i32
    %ge3A_46 = arith.constant 0 : i32
    %ge3A_47 = arith.cmpi sge, %add3A_45, %ge3A_46 : i32
    %lt3A_48 = arith.constant 11 : i32
    %lt3A_49 = arith.cmpi slt, %add3A_45, %lt3A_48 : i32
    %and3A_50 = arith.andi %ge3A_47, %lt3A_49 : i1
    %jit3A_51 = arith.constant 1.000000e+00 : f32
    %jit3A_52 = arith.constant 0.000000e+00 : f32
    %select_n3A_53 = arith.select %and3A_50, %jit3A_51, %jit3A_52 : f32
    %get3A_54 = arith.constant 0 : index
    %get3A_55 = arith.constant 0 : index
    %get3A_56 = arith.constant 0 : index
    %get3A_57 = vector.load %arg5[%get3A_54, %get3A_55, %get3A_56] : memref<1x1x530xf32, #tpu.memory_space<vmem>>, vector<1x1x530xf32>
    %get3A_58 = vector.shape_cast %get3A_57 : vector<1x1x530xf32> to vector<1x530xf32>
    %mul3A_59 = vector.broadcast %select_n3A_53 : f32 to vector<1x530xf32>
    %mul3A_60 = arith.mulf %get3A_58, %mul3A_59 : vector<1x530xf32>
    %get3A_61 = arith.constant 0 : index
    %get3A_62 = arith.constant 0 : index
    %get3A_63 = arith.constant 0 : index
    %get3A_64 = vector.load %arg5[%get3A_61, %get3A_62, %get3A_63] : memref<1x1x530xf32, #tpu.memory_space<vmem>>, vector<1x1x530xf32>
    %get3A_65 = vector.shape_cast %get3A_64 : vector<1x1x530xf32> to vector<1x530xf32>
    %get3A_66 = arith.constant 0 : index
    %get3A_67 = arith.constant 0 : index
    %get3A_68 = arith.constant 0 : index
    %get3A_69 = vector.load %arg2[%get3A_66, %get3A_67, %get3A_68] : memref<1x64x530xf32, #tpu.memory_space<vmem>>, vector<1x64x530xf32>
    %get3A_70 = vector.shape_cast %get3A_69 : vector<1x64x530xf32> to vector<64x530xf32>
    %get3A_71 = arith.constant 0 : index
    %get3A_72 = arith.constant 0 : index
    %get3A_73 = vector.load %arg7[%get3A_71, %get3A_72] : memref<64x1xf32, #tpu.memory_space<vmem>>, vector<64x1xf32>
    %mul3A_74 = vector.broadcast %get3A_73 : vector<64x1xf32> to vector<64x530xf32>
    %mul3A_75 = arith.mulf %get3A_70, %mul3A_74 : vector<64x530xf32>
    %get3A_76 = arith.constant 0 : index
    %get3A_77 = arith.constant 0 : index
    %get3A_78 = vector.load %arg8[%get3A_76, %get3A_77] : memref<64x1xf32, #tpu.memory_space<vmem>>, vector<64x1xf32>
    %add3A_79 = vector.broadcast %get3A_78 : vector<64x1xf32> to vector<64x530xf32>
    %add3A_80 = arith.addf %mul3A_75, %add3A_79 : vector<64x530xf32>
    %max3A_81 = arith.constant 0.000000e+00 : f32
    %max3A_82 = vector.broadcast %max3A_81 : f32 to vector<64x530xf32>
    %max3A_83 = arith.maximumf %add3A_80, %max3A_82 : vector<64x530xf32>
    %mul3A_84 = vector.broadcast %mul3A_60 : vector<1x530xf32> to vector<64x530xf32>
    %mul3A_85 = arith.mulf %max3A_83, %mul3A_84 : vector<64x530xf32>
    %slice3A_86 = vector.extract_strided_slice %mul3A_85 {offsets = [0, 0], sizes = [64, 484], strides = [1, 1]} : vector<64x530xf32> to vector<64x484xf32>
    %slice3A_87 = vector.extract_strided_slice %mul3A_85 {offsets = [0, 1], sizes = [64, 484], strides = [1, 1]} : vector<64x530xf32> to vector<64x484xf32>
    %slice3A_88 = vector.extract_strided_slice %mul3A_85 {offsets = [0, 2], sizes = [64, 484], strides = [1, 1]} : vector<64x530xf32> to vector<64x484xf32>
    %slice3A_89 = vector.extract_strided_slice %mul3A_85 {offsets = [0, 22], sizes = [64, 484], strides = [1, 1]} : vector<64x530xf32> to vector<64x484xf32>
    %slice3A_90 = vector.extract_strided_slice %mul3A_85 {offsets = [0, 23], sizes = [64, 484], strides = [1, 1]} : vector<64x530xf32> to vector<64x484xf32>
    %slice3A_91 = vector.extract_strided_slice %mul3A_85 {offsets = [0, 24], sizes = [64, 484], strides = [1, 1]} : vector<64x530xf32> to vector<64x484xf32>
    %slice3A_92 = vector.extract_strided_slice %mul3A_85 {offsets = [0, 44], sizes = [64, 484], strides = [1, 1]} : vector<64x530xf32> to vector<64x484xf32>
    %slice3A_93 = vector.extract_strided_slice %mul3A_85 {offsets = [0, 45], sizes = [64, 484], strides = [1, 1]} : vector<64x530xf32> to vector<64x484xf32>
    %slice3A_94 = vector.extract_strided_slice %mul3A_85 {offsets = [0, 46], sizes = [64, 484], strides = [1, 1]} : vector<64x530xf32> to vector<64x484xf32>
    %mul3A_95 = arith.constant 1 : i32
    %mul3A_96 = arith.muli %mul3A_95, %arg0 : i32
    %add3A_97 = arith.constant -1 : i32
    %add3A_98 = arith.addi %mul3A_96, %add3A_97 : i32
    %add3A_99 = arith.constant 2 : i32
    %add3A_100 = arith.addi %add3A_98, %add3A_99 : i32
    %ge3A_101 = arith.constant 0 : i32
    %ge3A_102 = arith.cmpi sge, %add3A_100, %ge3A_101 : i32
    %lt3A_103 = arith.constant 11 : i32
    %lt3A_104 = arith.cmpi slt, %add3A_100, %lt3A_103 : i32
    %and3A_105 = arith.andi %ge3A_102, %lt3A_104 : i1
    %jit3A_106 = arith.constant 1.000000e+00 : f32
    %jit3A_107 = arith.constant 0.000000e+00 : f32
    %select_n3A_108 = arith.select %and3A_105, %jit3A_106, %jit3A_107 : f32
    %get3A_109 = arith.constant 0 : index
    %get3A_110 = arith.constant 0 : index
    %get3A_111 = arith.constant 0 : index
    %get3A_112 = vector.load %arg6[%get3A_109, %get3A_110, %get3A_111] : memref<1x1x530xf32, #tpu.memory_space<vmem>>, vector<1x1x530xf32>
    %get3A_113 = vector.shape_cast %get3A_112 : vector<1x1x530xf32> to vector<1x530xf32>
    %mul3A_114 = vector.broadcast %select_n3A_108 : f32 to vector<1x530xf32>
    %mul3A_115 = arith.mulf %get3A_113, %mul3A_114 : vector<1x530xf32>
    %get3A_116 = arith.constant 0 : index
    %get3A_117 = arith.constant 0 : index
    %get3A_118 = arith.constant 0 : index
    %get3A_119 = vector.load %arg3[%get3A_116, %get3A_117, %get3A_118] : memref<1x64x530xf32, #tpu.memory_space<vmem>>, vector<1x64x530xf32>
    %get3A_120 = vector.shape_cast %get3A_119 : vector<1x64x530xf32> to vector<64x530xf32>
    %get3A_121 = arith.constant 0 : index
    %get3A_122 = arith.constant 0 : index
    %get3A_123 = vector.load %arg7[%get3A_121, %get3A_122] : memref<64x1xf32, #tpu.memory_space<vmem>>, vector<64x1xf32>
    %mul3A_124 = vector.broadcast %get3A_123 : vector<64x1xf32> to vector<64x530xf32>
    %mul3A_125 = arith.mulf %get3A_120, %mul3A_124 : vector<64x530xf32>
    %get3A_126 = arith.constant 0 : index
    %get3A_127 = arith.constant 0 : index
    %get3A_128 = vector.load %arg8[%get3A_126, %get3A_127] : memref<64x1xf32, #tpu.memory_space<vmem>>, vector<64x1xf32>
    %add3A_129 = vector.broadcast %get3A_128 : vector<64x1xf32> to vector<64x530xf32>
    %add3A_130 = arith.addf %mul3A_125, %add3A_129 : vector<64x530xf32>
    %max3A_131 = arith.constant 0.000000e+00 : f32
    %max3A_132 = vector.broadcast %max3A_131 : f32 to vector<64x530xf32>
    %max3A_133 = arith.maximumf %add3A_130, %max3A_132 : vector<64x530xf32>
    %mul3A_134 = vector.broadcast %mul3A_115 : vector<1x530xf32> to vector<64x530xf32>
    %mul3A_135 = arith.mulf %max3A_133, %mul3A_134 : vector<64x530xf32>
    %slice3A_136 = vector.extract_strided_slice %mul3A_135 {offsets = [0, 0], sizes = [64, 484], strides = [1, 1]} : vector<64x530xf32> to vector<64x484xf32>
    %slice3A_137 = vector.extract_strided_slice %mul3A_135 {offsets = [0, 1], sizes = [64, 484], strides = [1, 1]} : vector<64x530xf32> to vector<64x484xf32>
    %slice3A_138 = vector.extract_strided_slice %mul3A_135 {offsets = [0, 2], sizes = [64, 484], strides = [1, 1]} : vector<64x530xf32> to vector<64x484xf32>
    %slice3A_139 = vector.extract_strided_slice %mul3A_135 {offsets = [0, 22], sizes = [64, 484], strides = [1, 1]} : vector<64x530xf32> to vector<64x484xf32>
    %slice3A_140 = vector.extract_strided_slice %mul3A_135 {offsets = [0, 23], sizes = [64, 484], strides = [1, 1]} : vector<64x530xf32> to vector<64x484xf32>
    %slice3A_141 = vector.extract_strided_slice %mul3A_135 {offsets = [0, 24], sizes = [64, 484], strides = [1, 1]} : vector<64x530xf32> to vector<64x484xf32>
    %slice3A_142 = vector.extract_strided_slice %mul3A_135 {offsets = [0, 44], sizes = [64, 484], strides = [1, 1]} : vector<64x530xf32> to vector<64x484xf32>
    %slice3A_143 = vector.extract_strided_slice %mul3A_135 {offsets = [0, 45], sizes = [64, 484], strides = [1, 1]} : vector<64x530xf32> to vector<64x484xf32>
    %slice3A_144 = vector.extract_strided_slice %mul3A_135 {offsets = [0, 46], sizes = [64, 484], strides = [1, 1]} : vector<64x530xf32> to vector<64x484xf32>
    %concatenate3A = tpu.concatenate %slice3A, %slice3A_32, %slice3A_33, %slice3A_34, %slice3A_35, %slice3A_36, %slice3A_37, %slice3A_38, %slice3A_39, %slice3A_86, %slice3A_87, %slice3A_88, %slice3A_89, %slice3A_90, %slice3A_91, %slice3A_92, %slice3A_93, %slice3A_94, %slice3A_136, %slice3A_137, %slice3A_138, %slice3A_139, %slice3A_140, %slice3A_141, %slice3A_142, %slice3A_143, %slice3A_144 in 0 : vector<64x484xf32>, vector<64x484xf32>, vector<64x484xf32>, vector<64x484xf32>, vector<64x484xf32>, vector<64x484xf32>, vector<64x484xf32>, vector<64x484xf32>, vector<64x484xf32>, vector<64x484xf32>, vector<64x484xf32>, vector<64x484xf32>, vector<64x484xf32>, vector<64x484xf32>, vector<64x484xf32>, vector<64x484xf32>, vector<64x484xf32>, vector<64x484xf32>, vector<64x484xf32>, vector<64x484xf32>, vector<64x484xf32>, vector<64x484xf32>, vector<64x484xf32>, vector<64x484xf32>, vector<64x484xf32>, vector<64x484xf32>, vector<64x484xf32> -> vector<1728x484xf32>
    %get3A_145 = arith.constant 0 : index
    %get3A_146 = arith.constant 0 : index
    %get3A_147 = vector.load %arg9[%get3A_145, %get3A_146] : memref<64x1728xf32, #tpu.memory_space<vmem>>, vector<64x1728xf32>
    %dot_general3A = arith.constant dense<0.000000e+00> : vector<64x484xf32>
    %dot_general3A_148 = tpu.matmul %get3A_147, %concatenate3A, %dot_general3A {dimension_numbers = #tpu.dot_dimension_numbers<[1], [0], [0], [1], [0, 0, 1, 1], [], []>, transpose_lhs_hint = false} : vector<64x1728xf32>, vector<1728x484xf32>, vector<64x484xf32> -> vector<64x484xf32>
    %slice3A_149 = vector.extract_strided_slice %get3A_65 {offsets = [0, 23], sizes = [1, 484], strides = [1, 1]} : vector<1x530xf32> to vector<1x484xf32>
    %broadcast_in_dim3A = arith.constant 0.000000e+00 : f32
    %broadcast_in_dim3A_150 = vector.broadcast %broadcast_in_dim3A : f32 to vector<64x23xf32>
    %concatenate3A_151 = tpu.concatenate %broadcast_in_dim3A_150, %dot_general3A_148, %broadcast_in_dim3A_150 in 1 : vector<64x23xf32>, vector<64x484xf32>, vector<64x23xf32> -> vector<64x530xf32>
    %swap3A = arith.constant 0 : index
    %swap3A_152 = arith.constant 0 : index
    %swap3A_153 = arith.constant 0 : index
    %swap3A_154 = vector.load %arg10[%swap3A, %swap3A_152, %swap3A_153] : memref<1x64x530xf32, #tpu.memory_space<vmem>>, vector<1x64x530xf32>
    %swap3A_155 = vector.shape_cast %swap3A_154 : vector<1x64x530xf32> to vector<64x530xf32>
    %swap3A_156 = vector.shape_cast %concatenate3A_151 : vector<64x530xf32> to vector<1x64x530xf32>
    tpu.vector_store %arg10[%swap3A, %swap3A_152, %swap3A_153], %swap3A_156 {strides = array<i32>} : memref<1x64x530xf32, #tpu.memory_space<vmem>>, vector<1x64x530xf32>,
    %swap3A_157 = arith.constant 0 : index
    %swap3A_158 = arith.constant 0 : index
    %swap3A_159 = arith.constant 0 : index
    %swap3A_160 = vector.load %arg11[%swap3A_157, %swap3A_158, %swap3A_159] : memref<1x1x530xf32, #tpu.memory_space<vmem>>, vector<1x1x530xf32>
    %swap3A_161 = vector.shape_cast %swap3A_160 : vector<1x1x530xf32> to vector<1x530xf32>
    %swap3A_162 = vector.shape_cast %get3A_65 : vector<1x530xf32> to vector<1x1x530xf32>
    tpu.vector_store %arg11[%swap3A_157, %swap3A_158, %swap3A_159], %swap3A_162 {strides = array<i32>} : memref<1x1x530xf32, #tpu.memory_space<vmem>>, vector<1x1x530xf32>,
    %mul3A_163 = vector.broadcast %slice3A_149 : vector<1x484xf32> to vector<64x484xf32>
    %mul3A_164 = arith.mulf %dot_general3A_148, %mul3A_163 : vector<64x484xf32>
    %reduce_sum3A = arith.constant dense<0.000000e+00> : vector<64xf32>
    %reduce_sum3A_165 = vector.multi_reduction <add>, %mul3A_164, %reduce_sum3A [1] : vector<64x484xf32> to vector<64xf32>
    %broadcast_in_dim3A_166 = vector.shape_cast %reduce_sum3A_165 : vector<64xf32> to vector<64x1xf32>
    %mul3A_167 = arith.mulf %dot_general3A_148, %dot_general3A_148 : vector<64x484xf32>
    %mul3A_168 = vector.broadcast %slice3A_149 : vector<1x484xf32> to vector<64x484xf32>
    %mul3A_169 = arith.mulf %mul3A_167, %mul3A_168 : vector<64x484xf32>
    %reduce_sum3A_170 = arith.constant dense<0.000000e+00> : vector<64xf32>
    %reduce_sum3A_171 = vector.multi_reduction <add>, %mul3A_169, %reduce_sum3A_170 [1] : vector<64x484xf32> to vector<64xf32>
    %broadcast_in_dim3A_172 = vector.shape_cast %reduce_sum3A_171 : vector<64xf32> to vector<64x1xf32>
    %broadcast_in_dim3A_173 = arith.constant 0.000000e+00 : f32
    %broadcast_in_dim3A_174 = vector.broadcast %broadcast_in_dim3A_173 : f32 to vector<64x1xf32>
    %reduce_sum3A_175 = vector.shape_cast %slice3A_149 : vector<1x484xf32> to vector<1x1x484xf32>
    %reduce_sum3A_176 = arith.constant dense<0.000000e+00> : vector<1xf32>
    %reduce_sum3A_177 = vector.multi_reduction <add>, %reduce_sum3A_175, %reduce_sum3A_176 [1, 2] : vector<1x1x484xf32> to vector<1xf32>
    %reduce_sum3A_178 = vector.shape_cast %reduce_sum3A_177 : vector<1xf32> to vector<1x1x1xf32>
    %reduce_sum3A_179 = vector.extract %reduce_sum3A_178[0, 0, 0] : f32 from vector<1x1x1xf32>
    %add3A_180 = vector.broadcast %reduce_sum3A_179 : f32 to vector<64x1xf32>
    %add3A_181 = arith.addf %broadcast_in_dim3A_174, %add3A_180 : vector<64x1xf32>
    %broadcast_in_dim3A_182 = arith.constant 0.000000e+00 : f32
    %broadcast_in_dim3A_183 = vector.broadcast %broadcast_in_dim3A_182 : f32 to vector<64x5xf32>
    %concatenate3A_184 = tpu.concatenate %broadcast_in_dim3A_166, %broadcast_in_dim3A_172, %add3A_181, %broadcast_in_dim3A_183 in 1 : vector<64x1xf32>, vector<64x1xf32>, vector<64x1xf32>, vector<64x5xf32> -> vector<64x8xf32>
    %broadcast_in_dim3A_185 = arith.constant 0.000000e+00 : f32
    %broadcast_in_dim3A_186 = vector.broadcast %broadcast_in_dim3A_185 : f32 to vector<64x8xf32>
    %concatenate3A_187 = tpu.concatenate %concatenate3A_184, %broadcast_in_dim3A_186 in 0 : vector<64x8xf32>, vector<64x8xf32> -> vector<128x8xf32>
    %eq3A = arith.constant 0 : i32
    %eq3A_188 = arith.cmpi eq, %arg0, %eq3A : i32
    %convert_element_type3A = arith.extui %eq3A_188 : i1 to i32
    %cond3A = arith.constant 0 : i32
    %cond3A_189 = arith.cmpi ne, %convert_element_type3A, %cond3A : i32
    scf.if %cond3A_189 {
      %swap3A_194 = arith.constant 0 : index
      %swap3A_195 = arith.constant 0 : index
      %swap3A_196 = vector.load %arg12[%swap3A_194, %swap3A_195] : memref<128x8xf32, #tpu.memory_space<vmem>>, vector<128x8xf32>
      tpu.vector_store %arg12[%swap3A_194, %swap3A_195], %concatenate3A_187 {strides = array<i32>} : memref<128x8xf32, #tpu.memory_space<vmem>>, vector<128x8xf32>,
    } else {
    }
    %ne3A = arith.constant 0 : i32
    %ne3A_190 = arith.cmpi ne, %arg0, %ne3A : i32
    %convert_element_type3A_191 = arith.extui %ne3A_190 : i1 to i32
    %cond3A_192 = arith.constant 0 : i32
    %cond3A_193 = arith.cmpi ne, %convert_element_type3A_191, %cond3A_192 : i32
    scf.if %cond3A_193 {
      %get3A_194 = arith.constant 0 : index
      %get3A_195 = arith.constant 0 : index
      %get3A_196 = vector.load %arg12[%get3A_194, %get3A_195] : memref<128x8xf32, #tpu.memory_space<vmem>>, vector<128x8xf32>
      %add3A_197 = arith.addf %get3A_196, %concatenate3A_187 : vector<128x8xf32>
      %swap3A_198 = arith.constant 0 : index
      %swap3A_199 = arith.constant 0 : index
      %swap3A_200 = vector.load %arg12[%swap3A_198, %swap3A_199] : memref<128x8xf32, #tpu.memory_space<vmem>>, vector<128x8xf32>
      tpu.vector_store %arg12[%swap3A_198, %swap3A_199], %add3A_197 {strides = array<i32>} : memref<128x8xf32, #tpu.memory_space<vmem>>, vector<128x8xf32>,
    } else {
    }
    return
  }
  func.func @transform_0(%arg0: i32) -> (i32, i32, i32) {
    %mul3A = arith.constant 1 : i32
    %mul3A_0 = arith.muli %mul3A, %arg0 : i32
    %add3A = arith.constant -1 : i32
    %add3A_1 = arith.addi %mul3A_0, %add3A : i32
    %add3A_2 = arith.constant 0 : i32
    %add3A_3 = arith.addi %add3A_1, %add3A_2 : i32
    %jit3A = arith.constant 0 : i32
    %jit3A_4 = arith.constant 10 : i32
    %max3A = arith.maxsi %jit3A, %add3A_3 : i32
    %min3A = arith.minsi %jit3A_4, %max3A : i32
    %c0_i32 = arith.constant 0 : i32
    %c0_i32_5 = arith.constant 0 : i32
    %c0_i32_6 = arith.constant 0 : i32
    return %min3A, %c0_i32, %c0_i32_5 : i32, i32, i32
  }
  func.func @transform_1(%arg0: i32) -> (i32, i32, i32) {
    %mul3A = arith.constant 1 : i32
    %mul3A_0 = arith.muli %mul3A, %arg0 : i32
    %add3A = arith.constant -1 : i32
    %add3A_1 = arith.addi %mul3A_0, %add3A : i32
    %add3A_2 = arith.constant 1 : i32
    %add3A_3 = arith.addi %add3A_1, %add3A_2 : i32
    %jit3A = arith.constant 0 : i32
    %jit3A_4 = arith.constant 10 : i32
    %max3A = arith.maxsi %jit3A, %add3A_3 : i32
    %min3A = arith.minsi %jit3A_4, %max3A : i32
    %c0_i32 = arith.constant 0 : i32
    %c0_i32_5 = arith.constant 0 : i32
    %c0_i32_6 = arith.constant 0 : i32
    return %min3A, %c0_i32, %c0_i32_5 : i32, i32, i32
  }
  func.func @transform_2(%arg0: i32) -> (i32, i32, i32) {
    %mul3A = arith.constant 1 : i32
    %mul3A_0 = arith.muli %mul3A, %arg0 : i32
    %add3A = arith.constant -1 : i32
    %add3A_1 = arith.addi %mul3A_0, %add3A : i32
    %add3A_2 = arith.constant 2 : i32
    %add3A_3 = arith.addi %add3A_1, %add3A_2 : i32
    %jit3A = arith.constant 0 : i32
    %jit3A_4 = arith.constant 10 : i32
    %max3A = arith.maxsi %jit3A, %add3A_3 : i32
    %min3A = arith.minsi %jit3A_4, %max3A : i32
    %c0_i32 = arith.constant 0 : i32
    %c0_i32_5 = arith.constant 0 : i32
    %c0_i32_6 = arith.constant 0 : i32
    return %min3A, %c0_i32, %c0_i32_5 : i32, i32, i32
  }
  func.func @transform_3(%arg0: i32) -> (i32, i32, i32) {
    %mul3A = arith.constant 1 : i32
    %mul3A_0 = arith.muli %mul3A, %arg0 : i32
    %add3A = arith.constant -1 : i32
    %add3A_1 = arith.addi %mul3A_0, %add3A : i32
    %add3A_2 = arith.constant 0 : i32
    %add3A_3 = arith.addi %add3A_1, %add3A_2 : i32
    %jit3A = arith.constant 0 : i32
    %jit3A_4 = arith.constant 10 : i32
    %max3A = arith.maxsi %jit3A, %add3A_3 : i32
    %min3A = arith.minsi %jit3A_4, %max3A : i32
    %c0_i32 = arith.constant 0 : i32
    %c0_i32_5 = arith.constant 0 : i32
    %c0_i32_6 = arith.constant 0 : i32
    return %min3A, %c0_i32, %c0_i32_5 : i32, i32, i32
  }
  func.func @transform_4(%arg0: i32) -> (i32, i32, i32) {
    %mul3A = arith.constant 1 : i32
    %mul3A_0 = arith.muli %mul3A, %arg0 : i32
    %add3A = arith.constant -1 : i32
    %add3A_1 = arith.addi %mul3A_0, %add3A : i32
    %add3A_2 = arith.constant 1 : i32
    %add3A_3 = arith.addi %add3A_1, %add3A_2 : i32
    %jit3A = arith.constant 0 : i32
    %jit3A_4 = arith.constant 10 : i32
    %max3A = arith.maxsi %jit3A, %add3A_3 : i32
    %min3A = arith.minsi %jit3A_4, %max3A : i32
    %c0_i32 = arith.constant 0 : i32
    %c0_i32_5 = arith.constant 0 : i32
    %c0_i32_6 = arith.constant 0 : i32
    return %min3A, %c0_i32, %c0_i32_5 : i32, i32, i32
  }
  func.func @transform_5(%arg0: i32) -> (i32, i32, i32) {
    %mul3A = arith.constant 1 : i32
    %mul3A_0 = arith.muli %mul3A, %arg0 : i32
    %add3A = arith.constant -1 : i32
    %add3A_1 = arith.addi %mul3A_0, %add3A : i32
    %add3A_2 = arith.constant 2 : i32
    %add3A_3 = arith.addi %add3A_1, %add3A_2 : i32
    %jit3A = arith.constant 0 : i32
    %jit3A_4 = arith.constant 10 : i32
    %max3A = arith.maxsi %jit3A, %add3A_3 : i32
    %min3A = arith.minsi %jit3A_4, %max3A : i32
    %c0_i32 = arith.constant 0 : i32
    %c0_i32_5 = arith.constant 0 : i32
    %c0_i32_6 = arith.constant 0 : i32
    return %min3A, %c0_i32, %c0_i32_5 : i32, i32, i32
  }
  func.func @transform_6(%arg0: i32) -> (i32, i32) {
    %c0_i32 = arith.constant 0 : i32
    %c0_i32_0 = arith.constant 0 : i32
    %c0_i32_1 = arith.constant 0 : i32
    return %c0_i32, %c0_i32_0 : i32, i32
  }
  func.func @transform_7(%arg0: i32) -> (i32, i32) {
    %c0_i32 = arith.constant 0 : i32
    %c0_i32_0 = arith.constant 0 : i32
    %c0_i32_1 = arith.constant 0 : i32
    return %c0_i32, %c0_i32_0 : i32, i32
  }
  func.func @transform_8(%arg0: i32) -> (i32, i32) {
    %c0_i32 = arith.constant 0 : i32
    %c0_i32_0 = arith.constant 0 : i32
    %c0_i32_1 = arith.constant 0 : i32
    return %c0_i32, %c0_i32_0 : i32, i32
  }
  func.func @transform_9(%arg0: i32) -> (i32, i32, i32) {
    %c0_i32 = arith.constant 0 : i32
    %c0_i32_0 = arith.constant 0 : i32
    %c0_i32_1 = arith.constant 0 : i32
    return %arg0, %c0_i32, %c0_i32_0 : i32, i32, i32
  }
  func.func @transform_10(%arg0: i32) -> (i32, i32, i32) {
    %c0_i32 = arith.constant 0 : i32
    %c0_i32_0 = arith.constant 0 : i32
    %c0_i32_1 = arith.constant 0 : i32
    return %arg0, %c0_i32, %c0_i32_0 : i32, i32, i32
  }
  func.func @transform_11(%arg0: i32) -> (i32, i32) {
    %c0_i32 = arith.constant 0 : i32
    %c0_i32_0 = arith.constant 0 : i32
    %c0_i32_1 = arith.constant 0 : i32
    return %c0_i32, %c0_i32_0 : i32, i32
  }
}

module attributes {stable_mosaic.version = 14 : i64} {
  func.func @body(%arg0: i32, %arg1: memref<1x64x530xf32, #tpu.memory_space<vmem>>, %arg2: memref<1x64x530xf32, #tpu.memory_space<vmem>>, %arg3: memref<1x64x530xf32, #tpu.memory_space<vmem>>, %arg4: memref<1x1x530xf32, #tpu.memory_space<vmem>>, %arg5: memref<1x1x530xf32, #tpu.memory_space<vmem>>, %arg6: memref<1x1x530xf32, #tpu.memory_space<vmem>>, %arg7: memref<64x1xf32, #tpu.memory_space<vmem>>, %arg8: memref<64x1xf32, #tpu.memory_space<vmem>>, %arg9: memref<1x530xf32, #tpu.memory_space<vmem>>, %arg10: memref<64x1728xf32, #tpu.memory_space<vmem>>, %arg11: memref<1x64x530xf32, #tpu.memory_space<vmem>>, %arg12: memref<1x1x530xf32, #tpu.memory_space<vmem>>, %arg13: memref<128x8xf32, #tpu.memory_space<vmem>>) attributes {dimension_semantics = [#tpu.dimension_semantics<arbitrary>], iteration_bounds = array<i64: 5>, scalar_prefetch = 0 : i64, scratch_operands = 0 : i64, tpu.core_type = #tpu.core_type<tc>, window_params = [{transform_indices = @transform_0, window_bounds = array<i64: 1, 64, 530>}, {transform_indices = @transform_1, window_bounds = array<i64: 1, 64, 530>}, {transform_indices = @transform_2, window_bounds = array<i64: 1, 64, 530>}, {transform_indices = @transform_3, window_bounds = array<i64: 1, 1, 530>}, {transform_indices = @transform_4, window_bounds = array<i64: 1, 1, 530>}, {transform_indices = @transform_5, window_bounds = array<i64: 1, 1, 530>}, {pipeline_mode = #tpu.pipeline_mode<synchronous>, transform_indices = @transform_6, window_bounds = array<i64: 64, 1>}, {pipeline_mode = #tpu.pipeline_mode<synchronous>, transform_indices = @transform_7, window_bounds = array<i64: 64, 1>}, {pipeline_mode = #tpu.pipeline_mode<synchronous>, transform_indices = @transform_8, window_bounds = array<i64: 1, 530>}, {pipeline_mode = #tpu.pipeline_mode<synchronous>, transform_indices = @transform_9, window_bounds = array<i64: 64, 1728>}, {transform_indices = @transform_10, window_bounds = array<i64: 1, 64, 530>}, {transform_indices = @transform_11, window_bounds = array<i64: 1, 1, 530>}, {pipeline_mode = #tpu.pipeline_mode<synchronous>, transform_indices = @transform_12, window_bounds = array<i64: 128, 8>}]} {
    %broadcast_in_dim3A = arith.constant 0.000000e+00 : f32
    %broadcast_in_dim3A_0 = vector.broadcast %broadcast_in_dim3A : f32 to vector<1x484xf32>
    %mul3A = arith.constant 2 : i32
    %mul3A_1 = arith.muli %mul3A, %arg0 : i32
    %add3A = arith.constant 0 : i32
    %add3A_2 = arith.addi %mul3A_1, %add3A : i32
    %add3A_3 = arith.constant 0 : i32
    %add3A_4 = arith.addi %add3A_2, %add3A_3 : i32
    %ge3A = arith.constant 0 : i32
    %ge3A_5 = arith.cmpi sge, %add3A_4, %ge3A : i32
    %lt3A = arith.constant 11 : i32
    %lt3A_6 = arith.cmpi slt, %add3A_4, %lt3A : i32
    %and3A = arith.andi %ge3A_5, %lt3A_6 : i1
    %jit3A = arith.constant 1.000000e+00 : f32
    %jit3A_7 = arith.constant 0.000000e+00 : f32
    %select_n3A = arith.select %and3A, %jit3A, %jit3A_7 : f32
    %get3A = arith.constant 0 : index
    %get3A_8 = arith.constant 0 : index
    %get3A_9 = arith.constant 0 : index
    %get3A_10 = vector.load %arg4[%get3A, %get3A_8, %get3A_9] : memref<1x1x530xf32, #tpu.memory_space<vmem>>, vector<1x1x530xf32>
    %get3A_11 = vector.shape_cast %get3A_10 : vector<1x1x530xf32> to vector<1x530xf32>
    %mul3A_12 = vector.broadcast %select_n3A : f32 to vector<1x530xf32>
    %mul3A_13 = arith.mulf %get3A_11, %mul3A_12 : vector<1x530xf32>
    %get3A_14 = arith.constant 0 : index
    %get3A_15 = arith.constant 0 : index
    %get3A_16 = arith.constant 0 : index
    %get3A_17 = vector.load %arg1[%get3A_14, %get3A_15, %get3A_16] : memref<1x64x530xf32, #tpu.memory_space<vmem>>, vector<1x64x530xf32>
    %get3A_18 = vector.shape_cast %get3A_17 : vector<1x64x530xf32> to vector<64x530xf32>
    %get3A_19 = arith.constant 0 : index
    %get3A_20 = arith.constant 0 : index
    %get3A_21 = vector.load %arg7[%get3A_19, %get3A_20] : memref<64x1xf32, #tpu.memory_space<vmem>>, vector<64x1xf32>
    %mul3A_22 = vector.broadcast %get3A_21 : vector<64x1xf32> to vector<64x530xf32>
    %mul3A_23 = arith.mulf %get3A_18, %mul3A_22 : vector<64x530xf32>
    %get3A_24 = arith.constant 0 : index
    %get3A_25 = arith.constant 0 : index
    %get3A_26 = vector.load %arg8[%get3A_24, %get3A_25] : memref<64x1xf32, #tpu.memory_space<vmem>>, vector<64x1xf32>
    %add3A_27 = vector.broadcast %get3A_26 : vector<64x1xf32> to vector<64x530xf32>
    %add3A_28 = arith.addf %mul3A_23, %add3A_27 : vector<64x530xf32>
    %max3A = arith.constant 0.000000e+00 : f32
    %max3A_29 = vector.broadcast %max3A : f32 to vector<64x530xf32>
    %max3A_30 = arith.maximumf %add3A_28, %max3A_29 : vector<64x530xf32>
    %mul3A_31 = vector.broadcast %mul3A_13 : vector<1x530xf32> to vector<64x530xf32>
    %mul3A_32 = arith.mulf %max3A_30, %mul3A_31 : vector<64x530xf32>
    %slice3A = vector.extract_strided_slice %mul3A_32 {offsets = [0, 0], sizes = [64, 484], strides = [1, 1]} : vector<64x530xf32> to vector<64x484xf32>
    %slice3A_33 = vector.extract_strided_slice %mul3A_13 {offsets = [0, 0], sizes = [1, 484], strides = [1, 1]} : vector<1x530xf32> to vector<1x484xf32>
    %add3A_34 = arith.addf %broadcast_in_dim3A_0, %slice3A_33 : vector<1x484xf32>
    %slice3A_35 = vector.extract_strided_slice %mul3A_32 {offsets = [0, 1], sizes = [64, 484], strides = [1, 1]} : vector<64x530xf32> to vector<64x484xf32>
    %slice3A_36 = vector.extract_strided_slice %mul3A_13 {offsets = [0, 1], sizes = [1, 484], strides = [1, 1]} : vector<1x530xf32> to vector<1x484xf32>
    %add3A_37 = arith.addf %add3A_34, %slice3A_36 : vector<1x484xf32>
    %slice3A_38 = vector.extract_strided_slice %mul3A_32 {offsets = [0, 2], sizes = [64, 484], strides = [1, 1]} : vector<64x530xf32> to vector<64x484xf32>
    %slice3A_39 = vector.extract_strided_slice %mul3A_13 {offsets = [0, 2], sizes = [1, 484], strides = [1, 1]} : vector<1x530xf32> to vector<1x484xf32>
    %add3A_40 = arith.addf %add3A_37, %slice3A_39 : vector<1x484xf32>
    %slice3A_41 = vector.extract_strided_slice %mul3A_32 {offsets = [0, 22], sizes = [64, 484], strides = [1, 1]} : vector<64x530xf32> to vector<64x484xf32>
    %slice3A_42 = vector.extract_strided_slice %mul3A_13 {offsets = [0, 22], sizes = [1, 484], strides = [1, 1]} : vector<1x530xf32> to vector<1x484xf32>
    %add3A_43 = arith.addf %add3A_40, %slice3A_42 : vector<1x484xf32>
    %slice3A_44 = vector.extract_strided_slice %mul3A_32 {offsets = [0, 23], sizes = [64, 484], strides = [1, 1]} : vector<64x530xf32> to vector<64x484xf32>
    %slice3A_45 = vector.extract_strided_slice %mul3A_13 {offsets = [0, 23], sizes = [1, 484], strides = [1, 1]} : vector<1x530xf32> to vector<1x484xf32>
    %add3A_46 = arith.addf %add3A_43, %slice3A_45 : vector<1x484xf32>
    %slice3A_47 = vector.extract_strided_slice %mul3A_32 {offsets = [0, 24], sizes = [64, 484], strides = [1, 1]} : vector<64x530xf32> to vector<64x484xf32>
    %slice3A_48 = vector.extract_strided_slice %mul3A_13 {offsets = [0, 24], sizes = [1, 484], strides = [1, 1]} : vector<1x530xf32> to vector<1x484xf32>
    %add3A_49 = arith.addf %add3A_46, %slice3A_48 : vector<1x484xf32>
    %slice3A_50 = vector.extract_strided_slice %mul3A_32 {offsets = [0, 44], sizes = [64, 484], strides = [1, 1]} : vector<64x530xf32> to vector<64x484xf32>
    %slice3A_51 = vector.extract_strided_slice %mul3A_13 {offsets = [0, 44], sizes = [1, 484], strides = [1, 1]} : vector<1x530xf32> to vector<1x484xf32>
    %add3A_52 = arith.addf %add3A_49, %slice3A_51 : vector<1x484xf32>
    %slice3A_53 = vector.extract_strided_slice %mul3A_32 {offsets = [0, 45], sizes = [64, 484], strides = [1, 1]} : vector<64x530xf32> to vector<64x484xf32>
    %slice3A_54 = vector.extract_strided_slice %mul3A_13 {offsets = [0, 45], sizes = [1, 484], strides = [1, 1]} : vector<1x530xf32> to vector<1x484xf32>
    %add3A_55 = arith.addf %add3A_52, %slice3A_54 : vector<1x484xf32>
    %slice3A_56 = vector.extract_strided_slice %mul3A_32 {offsets = [0, 46], sizes = [64, 484], strides = [1, 1]} : vector<64x530xf32> to vector<64x484xf32>
    %slice3A_57 = vector.extract_strided_slice %mul3A_13 {offsets = [0, 46], sizes = [1, 484], strides = [1, 1]} : vector<1x530xf32> to vector<1x484xf32>
    %add3A_58 = arith.addf %add3A_55, %slice3A_57 : vector<1x484xf32>
    %mul3A_59 = arith.constant 2 : i32
    %mul3A_60 = arith.muli %mul3A_59, %arg0 : i32
    %add3A_61 = arith.constant 0 : i32
    %add3A_62 = arith.addi %mul3A_60, %add3A_61 : i32
    %add3A_63 = arith.constant 1 : i32
    %add3A_64 = arith.addi %add3A_62, %add3A_63 : i32
    %ge3A_65 = arith.constant 0 : i32
    %ge3A_66 = arith.cmpi sge, %add3A_64, %ge3A_65 : i32
    %lt3A_67 = arith.constant 11 : i32
    %lt3A_68 = arith.cmpi slt, %add3A_64, %lt3A_67 : i32
    %and3A_69 = arith.andi %ge3A_66, %lt3A_68 : i1
    %jit3A_70 = arith.constant 1.000000e+00 : f32
    %jit3A_71 = arith.constant 0.000000e+00 : f32
    %select_n3A_72 = arith.select %and3A_69, %jit3A_70, %jit3A_71 : f32
    %get3A_73 = arith.constant 0 : index
    %get3A_74 = arith.constant 0 : index
    %get3A_75 = arith.constant 0 : index
    %get3A_76 = vector.load %arg5[%get3A_73, %get3A_74, %get3A_75] : memref<1x1x530xf32, #tpu.memory_space<vmem>>, vector<1x1x530xf32>
    %get3A_77 = vector.shape_cast %get3A_76 : vector<1x1x530xf32> to vector<1x530xf32>
    %mul3A_78 = vector.broadcast %select_n3A_72 : f32 to vector<1x530xf32>
    %mul3A_79 = arith.mulf %get3A_77, %mul3A_78 : vector<1x530xf32>
    %get3A_80 = arith.constant 0 : index
    %get3A_81 = arith.constant 0 : index
    %get3A_82 = arith.constant 0 : index
    %get3A_83 = vector.load %arg2[%get3A_80, %get3A_81, %get3A_82] : memref<1x64x530xf32, #tpu.memory_space<vmem>>, vector<1x64x530xf32>
    %get3A_84 = vector.shape_cast %get3A_83 : vector<1x64x530xf32> to vector<64x530xf32>
    %get3A_85 = arith.constant 0 : index
    %get3A_86 = arith.constant 0 : index
    %get3A_87 = vector.load %arg7[%get3A_85, %get3A_86] : memref<64x1xf32, #tpu.memory_space<vmem>>, vector<64x1xf32>
    %mul3A_88 = vector.broadcast %get3A_87 : vector<64x1xf32> to vector<64x530xf32>
    %mul3A_89 = arith.mulf %get3A_84, %mul3A_88 : vector<64x530xf32>
    %get3A_90 = arith.constant 0 : index
    %get3A_91 = arith.constant 0 : index
    %get3A_92 = vector.load %arg8[%get3A_90, %get3A_91] : memref<64x1xf32, #tpu.memory_space<vmem>>, vector<64x1xf32>
    %add3A_93 = vector.broadcast %get3A_92 : vector<64x1xf32> to vector<64x530xf32>
    %add3A_94 = arith.addf %mul3A_89, %add3A_93 : vector<64x530xf32>
    %max3A_95 = arith.constant 0.000000e+00 : f32
    %max3A_96 = vector.broadcast %max3A_95 : f32 to vector<64x530xf32>
    %max3A_97 = arith.maximumf %add3A_94, %max3A_96 : vector<64x530xf32>
    %mul3A_98 = vector.broadcast %mul3A_79 : vector<1x530xf32> to vector<64x530xf32>
    %mul3A_99 = arith.mulf %max3A_97, %mul3A_98 : vector<64x530xf32>
    %slice3A_100 = vector.extract_strided_slice %mul3A_99 {offsets = [0, 0], sizes = [64, 484], strides = [1, 1]} : vector<64x530xf32> to vector<64x484xf32>
    %slice3A_101 = vector.extract_strided_slice %mul3A_79 {offsets = [0, 0], sizes = [1, 484], strides = [1, 1]} : vector<1x530xf32> to vector<1x484xf32>
    %add3A_102 = arith.addf %add3A_58, %slice3A_101 : vector<1x484xf32>
    %slice3A_103 = vector.extract_strided_slice %mul3A_99 {offsets = [0, 1], sizes = [64, 484], strides = [1, 1]} : vector<64x530xf32> to vector<64x484xf32>
    %slice3A_104 = vector.extract_strided_slice %mul3A_79 {offsets = [0, 1], sizes = [1, 484], strides = [1, 1]} : vector<1x530xf32> to vector<1x484xf32>
    %add3A_105 = arith.addf %add3A_102, %slice3A_104 : vector<1x484xf32>
    %slice3A_106 = vector.extract_strided_slice %mul3A_99 {offsets = [0, 2], sizes = [64, 484], strides = [1, 1]} : vector<64x530xf32> to vector<64x484xf32>
    %slice3A_107 = vector.extract_strided_slice %mul3A_79 {offsets = [0, 2], sizes = [1, 484], strides = [1, 1]} : vector<1x530xf32> to vector<1x484xf32>
    %add3A_108 = arith.addf %add3A_105, %slice3A_107 : vector<1x484xf32>
    %slice3A_109 = vector.extract_strided_slice %mul3A_99 {offsets = [0, 22], sizes = [64, 484], strides = [1, 1]} : vector<64x530xf32> to vector<64x484xf32>
    %slice3A_110 = vector.extract_strided_slice %mul3A_79 {offsets = [0, 22], sizes = [1, 484], strides = [1, 1]} : vector<1x530xf32> to vector<1x484xf32>
    %add3A_111 = arith.addf %add3A_108, %slice3A_110 : vector<1x484xf32>
    %slice3A_112 = vector.extract_strided_slice %mul3A_99 {offsets = [0, 23], sizes = [64, 484], strides = [1, 1]} : vector<64x530xf32> to vector<64x484xf32>
    %slice3A_113 = vector.extract_strided_slice %mul3A_79 {offsets = [0, 23], sizes = [1, 484], strides = [1, 1]} : vector<1x530xf32> to vector<1x484xf32>
    %add3A_114 = arith.addf %add3A_111, %slice3A_113 : vector<1x484xf32>
    %slice3A_115 = vector.extract_strided_slice %mul3A_99 {offsets = [0, 24], sizes = [64, 484], strides = [1, 1]} : vector<64x530xf32> to vector<64x484xf32>
    %slice3A_116 = vector.extract_strided_slice %mul3A_79 {offsets = [0, 24], sizes = [1, 484], strides = [1, 1]} : vector<1x530xf32> to vector<1x484xf32>
    %add3A_117 = arith.addf %add3A_114, %slice3A_116 : vector<1x484xf32>
    %slice3A_118 = vector.extract_strided_slice %mul3A_99 {offsets = [0, 44], sizes = [64, 484], strides = [1, 1]} : vector<64x530xf32> to vector<64x484xf32>
    %slice3A_119 = vector.extract_strided_slice %mul3A_79 {offsets = [0, 44], sizes = [1, 484], strides = [1, 1]} : vector<1x530xf32> to vector<1x484xf32>
    %add3A_120 = arith.addf %add3A_117, %slice3A_119 : vector<1x484xf32>
    %slice3A_121 = vector.extract_strided_slice %mul3A_99 {offsets = [0, 45], sizes = [64, 484], strides = [1, 1]} : vector<64x530xf32> to vector<64x484xf32>
    %slice3A_122 = vector.extract_strided_slice %mul3A_79 {offsets = [0, 45], sizes = [1, 484], strides = [1, 1]} : vector<1x530xf32> to vector<1x484xf32>
    %add3A_123 = arith.addf %add3A_120, %slice3A_122 : vector<1x484xf32>
    %slice3A_124 = vector.extract_strided_slice %mul3A_99 {offsets = [0, 46], sizes = [64, 484], strides = [1, 1]} : vector<64x530xf32> to vector<64x484xf32>
    %slice3A_125 = vector.extract_strided_slice %mul3A_79 {offsets = [0, 46], sizes = [1, 484], strides = [1, 1]} : vector<1x530xf32> to vector<1x484xf32>
    %add3A_126 = arith.addf %add3A_123, %slice3A_125 : vector<1x484xf32>
    %mul3A_127 = arith.constant 2 : i32
    %mul3A_128 = arith.muli %mul3A_127, %arg0 : i32
    %add3A_129 = arith.constant 0 : i32
    %add3A_130 = arith.addi %mul3A_128, %add3A_129 : i32
    %add3A_131 = arith.constant 2 : i32
    %add3A_132 = arith.addi %add3A_130, %add3A_131 : i32
    %ge3A_133 = arith.constant 0 : i32
    %ge3A_134 = arith.cmpi sge, %add3A_132, %ge3A_133 : i32
    %lt3A_135 = arith.constant 11 : i32
    %lt3A_136 = arith.cmpi slt, %add3A_132, %lt3A_135 : i32
    %and3A_137 = arith.andi %ge3A_134, %lt3A_136 : i1
    %jit3A_138 = arith.constant 1.000000e+00 : f32
    %jit3A_139 = arith.constant 0.000000e+00 : f32
    %select_n3A_140 = arith.select %and3A_137, %jit3A_138, %jit3A_139 : f32
    %get3A_141 = arith.constant 0 : index
    %get3A_142 = arith.constant 0 : index
    %get3A_143 = arith.constant 0 : index
    %get3A_144 = vector.load %arg6[%get3A_141, %get3A_142, %get3A_143] : memref<1x1x530xf32, #tpu.memory_space<vmem>>, vector<1x1x530xf32>
    %get3A_145 = vector.shape_cast %get3A_144 : vector<1x1x530xf32> to vector<1x530xf32>
    %mul3A_146 = vector.broadcast %select_n3A_140 : f32 to vector<1x530xf32>
    %mul3A_147 = arith.mulf %get3A_145, %mul3A_146 : vector<1x530xf32>
    %get3A_148 = arith.constant 0 : index
    %get3A_149 = arith.constant 0 : index
    %get3A_150 = arith.constant 0 : index
    %get3A_151 = vector.load %arg3[%get3A_148, %get3A_149, %get3A_150] : memref<1x64x530xf32, #tpu.memory_space<vmem>>, vector<1x64x530xf32>
    %get3A_152 = vector.shape_cast %get3A_151 : vector<1x64x530xf32> to vector<64x530xf32>
    %get3A_153 = arith.constant 0 : index
    %get3A_154 = arith.constant 0 : index
    %get3A_155 = vector.load %arg7[%get3A_153, %get3A_154] : memref<64x1xf32, #tpu.memory_space<vmem>>, vector<64x1xf32>
    %mul3A_156 = vector.broadcast %get3A_155 : vector<64x1xf32> to vector<64x530xf32>
    %mul3A_157 = arith.mulf %get3A_152, %mul3A_156 : vector<64x530xf32>
    %get3A_158 = arith.constant 0 : index
    %get3A_159 = arith.constant 0 : index
    %get3A_160 = vector.load %arg8[%get3A_158, %get3A_159] : memref<64x1xf32, #tpu.memory_space<vmem>>, vector<64x1xf32>
    %add3A_161 = vector.broadcast %get3A_160 : vector<64x1xf32> to vector<64x530xf32>
    %add3A_162 = arith.addf %mul3A_157, %add3A_161 : vector<64x530xf32>
    %max3A_163 = arith.constant 0.000000e+00 : f32
    %max3A_164 = vector.broadcast %max3A_163 : f32 to vector<64x530xf32>
    %max3A_165 = arith.maximumf %add3A_162, %max3A_164 : vector<64x530xf32>
    %mul3A_166 = vector.broadcast %mul3A_147 : vector<1x530xf32> to vector<64x530xf32>
    %mul3A_167 = arith.mulf %max3A_165, %mul3A_166 : vector<64x530xf32>
    %slice3A_168 = vector.extract_strided_slice %mul3A_167 {offsets = [0, 0], sizes = [64, 484], strides = [1, 1]} : vector<64x530xf32> to vector<64x484xf32>
    %slice3A_169 = vector.extract_strided_slice %mul3A_147 {offsets = [0, 0], sizes = [1, 484], strides = [1, 1]} : vector<1x530xf32> to vector<1x484xf32>
    %add3A_170 = arith.addf %add3A_126, %slice3A_169 : vector<1x484xf32>
    %slice3A_171 = vector.extract_strided_slice %mul3A_167 {offsets = [0, 1], sizes = [64, 484], strides = [1, 1]} : vector<64x530xf32> to vector<64x484xf32>
    %slice3A_172 = vector.extract_strided_slice %mul3A_147 {offsets = [0, 1], sizes = [1, 484], strides = [1, 1]} : vector<1x530xf32> to vector<1x484xf32>
    %add3A_173 = arith.addf %add3A_170, %slice3A_172 : vector<1x484xf32>
    %slice3A_174 = vector.extract_strided_slice %mul3A_167 {offsets = [0, 2], sizes = [64, 484], strides = [1, 1]} : vector<64x530xf32> to vector<64x484xf32>
    %slice3A_175 = vector.extract_strided_slice %mul3A_147 {offsets = [0, 2], sizes = [1, 484], strides = [1, 1]} : vector<1x530xf32> to vector<1x484xf32>
    %add3A_176 = arith.addf %add3A_173, %slice3A_175 : vector<1x484xf32>
    %slice3A_177 = vector.extract_strided_slice %mul3A_167 {offsets = [0, 22], sizes = [64, 484], strides = [1, 1]} : vector<64x530xf32> to vector<64x484xf32>
    %slice3A_178 = vector.extract_strided_slice %mul3A_147 {offsets = [0, 22], sizes = [1, 484], strides = [1, 1]} : vector<1x530xf32> to vector<1x484xf32>
    %add3A_179 = arith.addf %add3A_176, %slice3A_178 : vector<1x484xf32>
    %slice3A_180 = vector.extract_strided_slice %mul3A_167 {offsets = [0, 23], sizes = [64, 484], strides = [1, 1]} : vector<64x530xf32> to vector<64x484xf32>
    %slice3A_181 = vector.extract_strided_slice %mul3A_147 {offsets = [0, 23], sizes = [1, 484], strides = [1, 1]} : vector<1x530xf32> to vector<1x484xf32>
    %add3A_182 = arith.addf %add3A_179, %slice3A_181 : vector<1x484xf32>
    %slice3A_183 = vector.extract_strided_slice %mul3A_167 {offsets = [0, 24], sizes = [64, 484], strides = [1, 1]} : vector<64x530xf32> to vector<64x484xf32>
    %slice3A_184 = vector.extract_strided_slice %mul3A_147 {offsets = [0, 24], sizes = [1, 484], strides = [1, 1]} : vector<1x530xf32> to vector<1x484xf32>
    %add3A_185 = arith.addf %add3A_182, %slice3A_184 : vector<1x484xf32>
    %slice3A_186 = vector.extract_strided_slice %mul3A_167 {offsets = [0, 44], sizes = [64, 484], strides = [1, 1]} : vector<64x530xf32> to vector<64x484xf32>
    %slice3A_187 = vector.extract_strided_slice %mul3A_147 {offsets = [0, 44], sizes = [1, 484], strides = [1, 1]} : vector<1x530xf32> to vector<1x484xf32>
    %add3A_188 = arith.addf %add3A_185, %slice3A_187 : vector<1x484xf32>
    %slice3A_189 = vector.extract_strided_slice %mul3A_167 {offsets = [0, 45], sizes = [64, 484], strides = [1, 1]} : vector<64x530xf32> to vector<64x484xf32>
    %slice3A_190 = vector.extract_strided_slice %mul3A_147 {offsets = [0, 45], sizes = [1, 484], strides = [1, 1]} : vector<1x530xf32> to vector<1x484xf32>
    %add3A_191 = arith.addf %add3A_188, %slice3A_190 : vector<1x484xf32>
    %slice3A_192 = vector.extract_strided_slice %mul3A_167 {offsets = [0, 46], sizes = [64, 484], strides = [1, 1]} : vector<64x530xf32> to vector<64x484xf32>
    %slice3A_193 = vector.extract_strided_slice %mul3A_147 {offsets = [0, 46], sizes = [1, 484], strides = [1, 1]} : vector<1x530xf32> to vector<1x484xf32>
    %add3A_194 = arith.addf %add3A_191, %slice3A_193 : vector<1x484xf32>
    %concatenate3A = tpu.concatenate %slice3A, %slice3A_35, %slice3A_38, %slice3A_41, %slice3A_44, %slice3A_47, %slice3A_50, %slice3A_53, %slice3A_56, %slice3A_100, %slice3A_103, %slice3A_106, %slice3A_109, %slice3A_112, %slice3A_115, %slice3A_118, %slice3A_121, %slice3A_124, %slice3A_168, %slice3A_171, %slice3A_174, %slice3A_177, %slice3A_180, %slice3A_183, %slice3A_186, %slice3A_189, %slice3A_192 in 0 : vector<64x484xf32>, vector<64x484xf32>, vector<64x484xf32>, vector<64x484xf32>, vector<64x484xf32>, vector<64x484xf32>, vector<64x484xf32>, vector<64x484xf32>, vector<64x484xf32>, vector<64x484xf32>, vector<64x484xf32>, vector<64x484xf32>, vector<64x484xf32>, vector<64x484xf32>, vector<64x484xf32>, vector<64x484xf32>, vector<64x484xf32>, vector<64x484xf32>, vector<64x484xf32>, vector<64x484xf32>, vector<64x484xf32>, vector<64x484xf32>, vector<64x484xf32>, vector<64x484xf32>, vector<64x484xf32>, vector<64x484xf32>, vector<64x484xf32> -> vector<1728x484xf32>
    %get3A_195 = arith.constant 0 : index
    %get3A_196 = arith.constant 0 : index
    %get3A_197 = vector.load %arg10[%get3A_195, %get3A_196] : memref<64x1728xf32, #tpu.memory_space<vmem>>, vector<64x1728xf32>
    %dot_general3A = arith.constant dense<0.000000e+00> : vector<64x484xf32>
    %dot_general3A_198 = tpu.matmul %get3A_197, %concatenate3A, %dot_general3A {dimension_numbers = #tpu.dot_dimension_numbers<[1], [0], [0], [1], [0, 0, 1, 1], [], []>, transpose_lhs_hint = false} : vector<64x1728xf32>, vector<1728x484xf32>, vector<64x484xf32> -> vector<64x484xf32>
    %gt3A = arith.constant 5.000000e-01 : f32
    %gt3A_199 = vector.broadcast %gt3A : f32 to vector<1x484xf32>
    %gt3A_200 = arith.cmpf ogt, %add3A_194, %gt3A_199 : vector<1x484xf32>
    %convert_element_type3A = arith.extui %gt3A_200 : vector<1x484xi1> to vector<1x484xi32>
    %convert_element_type3A_201 = arith.sitofp %convert_element_type3A : vector<1x484xi32> to vector<1x484xf32>
    %get3A_202 = arith.constant 0 : index
    %get3A_203 = arith.constant 0 : index
    %get3A_204 = vector.load %arg9[%get3A_202, %get3A_203] : memref<1x530xf32, #tpu.memory_space<vmem>>, vector<1x530xf32>
    %slice3A_205 = vector.extract_strided_slice %get3A_204 {offsets = [0, 23], sizes = [1, 484], strides = [1, 1]} : vector<1x530xf32> to vector<1x484xf32>
    %mul3A_206 = arith.mulf %convert_element_type3A_201, %slice3A_205 : vector<1x484xf32>
    %broadcast_in_dim3A_207 = arith.constant 0.000000e+00 : f32
    %broadcast_in_dim3A_208 = vector.broadcast %broadcast_in_dim3A_207 : f32 to vector<1x23xf32>
    %concatenate3A_209 = tpu.concatenate %broadcast_in_dim3A_208, %mul3A_206, %broadcast_in_dim3A_208 in 1 : vector<1x23xf32>, vector<1x484xf32>, vector<1x23xf32> -> vector<1x530xf32>
    %broadcast_in_dim3A_210 = arith.constant 0.000000e+00 : f32
    %broadcast_in_dim3A_211 = vector.broadcast %broadcast_in_dim3A_210 : f32 to vector<64x23xf32>
    %concatenate3A_212 = tpu.concatenate %broadcast_in_dim3A_211, %dot_general3A_198, %broadcast_in_dim3A_211 in 1 : vector<64x23xf32>, vector<64x484xf32>, vector<64x23xf32> -> vector<64x530xf32>
    %swap3A = arith.constant 0 : index
    %swap3A_213 = arith.constant 0 : index
    %swap3A_214 = arith.constant 0 : index
    %swap3A_215 = vector.load %arg11[%swap3A, %swap3A_213, %swap3A_214] : memref<1x64x530xf32, #tpu.memory_space<vmem>>, vector<1x64x530xf32>
    %swap3A_216 = vector.shape_cast %swap3A_215 : vector<1x64x530xf32> to vector<64x530xf32>
    %swap3A_217 = vector.shape_cast %concatenate3A_212 : vector<64x530xf32> to vector<1x64x530xf32>
    tpu.vector_store %arg11[%swap3A, %swap3A_213, %swap3A_214], %swap3A_217 {strides = array<i32>} : memref<1x64x530xf32, #tpu.memory_space<vmem>>, vector<1x64x530xf32>,
    %swap3A_218 = arith.constant 0 : index
    %swap3A_219 = arith.constant 0 : index
    %swap3A_220 = arith.constant 0 : index
    %swap3A_221 = vector.load %arg12[%swap3A_218, %swap3A_219, %swap3A_220] : memref<1x1x530xf32, #tpu.memory_space<vmem>>, vector<1x1x530xf32>
    %swap3A_222 = vector.shape_cast %swap3A_221 : vector<1x1x530xf32> to vector<1x530xf32>
    %swap3A_223 = vector.shape_cast %concatenate3A_209 : vector<1x530xf32> to vector<1x1x530xf32>
    tpu.vector_store %arg12[%swap3A_218, %swap3A_219, %swap3A_220], %swap3A_223 {strides = array<i32>} : memref<1x1x530xf32, #tpu.memory_space<vmem>>, vector<1x1x530xf32>,
    %mul3A_224 = vector.broadcast %mul3A_206 : vector<1x484xf32> to vector<64x484xf32>
    %mul3A_225 = arith.mulf %dot_general3A_198, %mul3A_224 : vector<64x484xf32>
    %reduce_sum3A = arith.constant dense<0.000000e+00> : vector<64xf32>
    %reduce_sum3A_226 = vector.multi_reduction <add>, %mul3A_225, %reduce_sum3A [1] : vector<64x484xf32> to vector<64xf32>
    %broadcast_in_dim3A_227 = vector.shape_cast %reduce_sum3A_226 : vector<64xf32> to vector<64x1xf32>
    %mul3A_228 = arith.mulf %dot_general3A_198, %dot_general3A_198 : vector<64x484xf32>
    %mul3A_229 = vector.broadcast %mul3A_206 : vector<1x484xf32> to vector<64x484xf32>
    %mul3A_230 = arith.mulf %mul3A_228, %mul3A_229 : vector<64x484xf32>
    %reduce_sum3A_231 = arith.constant dense<0.000000e+00> : vector<64xf32>
    %reduce_sum3A_232 = vector.multi_reduction <add>, %mul3A_230, %reduce_sum3A_231 [1] : vector<64x484xf32> to vector<64xf32>
    %broadcast_in_dim3A_233 = vector.shape_cast %reduce_sum3A_232 : vector<64xf32> to vector<64x1xf32>
    %broadcast_in_dim3A_234 = arith.constant 0.000000e+00 : f32
    %broadcast_in_dim3A_235 = vector.broadcast %broadcast_in_dim3A_234 : f32 to vector<64x1xf32>
    %reduce_sum3A_236 = vector.shape_cast %mul3A_206 : vector<1x484xf32> to vector<1x1x484xf32>
    %reduce_sum3A_237 = arith.constant dense<0.000000e+00> : vector<1xf32>
    %reduce_sum3A_238 = vector.multi_reduction <add>, %reduce_sum3A_236, %reduce_sum3A_237 [1, 2] : vector<1x1x484xf32> to vector<1xf32>
    %reduce_sum3A_239 = vector.shape_cast %reduce_sum3A_238 : vector<1xf32> to vector<1x1x1xf32>
    %reduce_sum3A_240 = vector.extract %reduce_sum3A_239[0, 0, 0] : f32 from vector<1x1x1xf32>
    %add3A_241 = vector.broadcast %reduce_sum3A_240 : f32 to vector<64x1xf32>
    %add3A_242 = arith.addf %broadcast_in_dim3A_235, %add3A_241 : vector<64x1xf32>
    %broadcast_in_dim3A_243 = arith.constant 0.000000e+00 : f32
    %broadcast_in_dim3A_244 = vector.broadcast %broadcast_in_dim3A_243 : f32 to vector<64x5xf32>
    %concatenate3A_245 = tpu.concatenate %broadcast_in_dim3A_227, %broadcast_in_dim3A_233, %add3A_242, %broadcast_in_dim3A_244 in 1 : vector<64x1xf32>, vector<64x1xf32>, vector<64x1xf32>, vector<64x5xf32> -> vector<64x8xf32>
    %broadcast_in_dim3A_246 = arith.constant 0.000000e+00 : f32
    %broadcast_in_dim3A_247 = vector.broadcast %broadcast_in_dim3A_246 : f32 to vector<64x8xf32>
    %concatenate3A_248 = tpu.concatenate %concatenate3A_245, %broadcast_in_dim3A_247 in 0 : vector<64x8xf32>, vector<64x8xf32> -> vector<128x8xf32>
    %eq3A = arith.constant 0 : i32
    %eq3A_249 = arith.cmpi eq, %arg0, %eq3A : i32
    %convert_element_type3A_250 = arith.extui %eq3A_249 : i1 to i32
    %cond3A = arith.constant 0 : i32
    %cond3A_251 = arith.cmpi ne, %convert_element_type3A_250, %cond3A : i32
    scf.if %cond3A_251 {
      %swap3A_256 = arith.constant 0 : index
      %swap3A_257 = arith.constant 0 : index
      %swap3A_258 = vector.load %arg13[%swap3A_256, %swap3A_257] : memref<128x8xf32, #tpu.memory_space<vmem>>, vector<128x8xf32>
      tpu.vector_store %arg13[%swap3A_256, %swap3A_257], %concatenate3A_248 {strides = array<i32>} : memref<128x8xf32, #tpu.memory_space<vmem>>, vector<128x8xf32>,
    } else {
    }
    %ne3A = arith.constant 0 : i32
    %ne3A_252 = arith.cmpi ne, %arg0, %ne3A : i32
    %convert_element_type3A_253 = arith.extui %ne3A_252 : i1 to i32
    %cond3A_254 = arith.constant 0 : i32
    %cond3A_255 = arith.cmpi ne, %convert_element_type3A_253, %cond3A_254 : i32
    scf.if %cond3A_255 {
      %get3A_256 = arith.constant 0 : index
      %get3A_257 = arith.constant 0 : index
      %get3A_258 = vector.load %arg13[%get3A_256, %get3A_257] : memref<128x8xf32, #tpu.memory_space<vmem>>, vector<128x8xf32>
      %add3A_259 = arith.addf %get3A_258, %concatenate3A_248 : vector<128x8xf32>
      %swap3A_260 = arith.constant 0 : index
      %swap3A_261 = arith.constant 0 : index
      %swap3A_262 = vector.load %arg13[%swap3A_260, %swap3A_261] : memref<128x8xf32, #tpu.memory_space<vmem>>, vector<128x8xf32>
      tpu.vector_store %arg13[%swap3A_260, %swap3A_261], %add3A_259 {strides = array<i32>} : memref<128x8xf32, #tpu.memory_space<vmem>>, vector<128x8xf32>,
    } else {
    }
    return
  }
  func.func @transform_0(%arg0: i32) -> (i32, i32, i32) {
    %mul3A = arith.constant 2 : i32
    %mul3A_0 = arith.muli %mul3A, %arg0 : i32
    %add3A = arith.constant 0 : i32
    %add3A_1 = arith.addi %mul3A_0, %add3A : i32
    %add3A_2 = arith.constant 0 : i32
    %add3A_3 = arith.addi %add3A_1, %add3A_2 : i32
    %jit3A = arith.constant 0 : i32
    %jit3A_4 = arith.constant 10 : i32
    %max3A = arith.maxsi %jit3A, %add3A_3 : i32
    %min3A = arith.minsi %jit3A_4, %max3A : i32
    %c0_i32 = arith.constant 0 : i32
    %c0_i32_5 = arith.constant 0 : i32
    %c0_i32_6 = arith.constant 0 : i32
    return %min3A, %c0_i32, %c0_i32_5 : i32, i32, i32
  }
  func.func @transform_1(%arg0: i32) -> (i32, i32, i32) {
    %mul3A = arith.constant 2 : i32
    %mul3A_0 = arith.muli %mul3A, %arg0 : i32
    %add3A = arith.constant 0 : i32
    %add3A_1 = arith.addi %mul3A_0, %add3A : i32
    %add3A_2 = arith.constant 1 : i32
    %add3A_3 = arith.addi %add3A_1, %add3A_2 : i32
    %jit3A = arith.constant 0 : i32
    %jit3A_4 = arith.constant 10 : i32
    %max3A = arith.maxsi %jit3A, %add3A_3 : i32
    %min3A = arith.minsi %jit3A_4, %max3A : i32
    %c0_i32 = arith.constant 0 : i32
    %c0_i32_5 = arith.constant 0 : i32
    %c0_i32_6 = arith.constant 0 : i32
    return %min3A, %c0_i32, %c0_i32_5 : i32, i32, i32
  }
  func.func @transform_2(%arg0: i32) -> (i32, i32, i32) {
    %mul3A = arith.constant 2 : i32
    %mul3A_0 = arith.muli %mul3A, %arg0 : i32
    %add3A = arith.constant 0 : i32
    %add3A_1 = arith.addi %mul3A_0, %add3A : i32
    %add3A_2 = arith.constant 2 : i32
    %add3A_3 = arith.addi %add3A_1, %add3A_2 : i32
    %jit3A = arith.constant 0 : i32
    %jit3A_4 = arith.constant 10 : i32
    %max3A = arith.maxsi %jit3A, %add3A_3 : i32
    %min3A = arith.minsi %jit3A_4, %max3A : i32
    %c0_i32 = arith.constant 0 : i32
    %c0_i32_5 = arith.constant 0 : i32
    %c0_i32_6 = arith.constant 0 : i32
    return %min3A, %c0_i32, %c0_i32_5 : i32, i32, i32
  }
  func.func @transform_3(%arg0: i32) -> (i32, i32, i32) {
    %mul3A = arith.constant 2 : i32
    %mul3A_0 = arith.muli %mul3A, %arg0 : i32
    %add3A = arith.constant 0 : i32
    %add3A_1 = arith.addi %mul3A_0, %add3A : i32
    %add3A_2 = arith.constant 0 : i32
    %add3A_3 = arith.addi %add3A_1, %add3A_2 : i32
    %jit3A = arith.constant 0 : i32
    %jit3A_4 = arith.constant 10 : i32
    %max3A = arith.maxsi %jit3A, %add3A_3 : i32
    %min3A = arith.minsi %jit3A_4, %max3A : i32
    %c0_i32 = arith.constant 0 : i32
    %c0_i32_5 = arith.constant 0 : i32
    %c0_i32_6 = arith.constant 0 : i32
    return %min3A, %c0_i32, %c0_i32_5 : i32, i32, i32
  }
  func.func @transform_4(%arg0: i32) -> (i32, i32, i32) {
    %mul3A = arith.constant 2 : i32
    %mul3A_0 = arith.muli %mul3A, %arg0 : i32
    %add3A = arith.constant 0 : i32
    %add3A_1 = arith.addi %mul3A_0, %add3A : i32
    %add3A_2 = arith.constant 1 : i32
    %add3A_3 = arith.addi %add3A_1, %add3A_2 : i32
    %jit3A = arith.constant 0 : i32
    %jit3A_4 = arith.constant 10 : i32
    %max3A = arith.maxsi %jit3A, %add3A_3 : i32
    %min3A = arith.minsi %jit3A_4, %max3A : i32
    %c0_i32 = arith.constant 0 : i32
    %c0_i32_5 = arith.constant 0 : i32
    %c0_i32_6 = arith.constant 0 : i32
    return %min3A, %c0_i32, %c0_i32_5 : i32, i32, i32
  }
  func.func @transform_5(%arg0: i32) -> (i32, i32, i32) {
    %mul3A = arith.constant 2 : i32
    %mul3A_0 = arith.muli %mul3A, %arg0 : i32
    %add3A = arith.constant 0 : i32
    %add3A_1 = arith.addi %mul3A_0, %add3A : i32
    %add3A_2 = arith.constant 2 : i32
    %add3A_3 = arith.addi %add3A_1, %add3A_2 : i32
    %jit3A = arith.constant 0 : i32
    %jit3A_4 = arith.constant 10 : i32
    %max3A = arith.maxsi %jit3A, %add3A_3 : i32
    %min3A = arith.minsi %jit3A_4, %max3A : i32
    %c0_i32 = arith.constant 0 : i32
    %c0_i32_5 = arith.constant 0 : i32
    %c0_i32_6 = arith.constant 0 : i32
    return %min3A, %c0_i32, %c0_i32_5 : i32, i32, i32
  }
  func.func @transform_6(%arg0: i32) -> (i32, i32) {
    %c0_i32 = arith.constant 0 : i32
    %c0_i32_0 = arith.constant 0 : i32
    %c0_i32_1 = arith.constant 0 : i32
    return %c0_i32, %c0_i32_0 : i32, i32
  }
  func.func @transform_7(%arg0: i32) -> (i32, i32) {
    %c0_i32 = arith.constant 0 : i32
    %c0_i32_0 = arith.constant 0 : i32
    %c0_i32_1 = arith.constant 0 : i32
    return %c0_i32, %c0_i32_0 : i32, i32
  }
  func.func @transform_8(%arg0: i32) -> (i32, i32) {
    %c0_i32 = arith.constant 0 : i32
    %c0_i32_0 = arith.constant 0 : i32
    %c0_i32_1 = arith.constant 0 : i32
    return %c0_i32, %c0_i32_0 : i32, i32
  }
  func.func @transform_9(%arg0: i32) -> (i32, i32) {
    %c0_i32 = arith.constant 0 : i32
    %c0_i32_0 = arith.constant 0 : i32
    %c0_i32_1 = arith.constant 0 : i32
    return %c0_i32, %c0_i32_0 : i32, i32
  }
  func.func @transform_10(%arg0: i32) -> (i32, i32, i32) {
    %c0_i32 = arith.constant 0 : i32
    %c0_i32_0 = arith.constant 0 : i32
    %c0_i32_1 = arith.constant 0 : i32
    return %arg0, %c0_i32, %c0_i32_0 : i32, i32, i32
  }
  func.func @transform_11(%arg0: i32) -> (i32, i32, i32) {
    %c0_i32 = arith.constant 0 : i32
    %c0_i32_0 = arith.constant 0 : i32
    %c0_i32_1 = arith.constant 0 : i32
    return %arg0, %c0_i32, %c0_i32_0 : i32, i32, i32
  }
  func.func @transform_12(%arg0: i32) -> (i32, i32) {
    %c0_i32 = arith.constant 0 : i32
    %c0_i32_0 = arith.constant 0 : i32
    %c0_i32_1 = arith.constant 0 : i32
    return %c0_i32, %c0_i32_0 : i32, i32
  }
}

module attributes {stable_mosaic.version = 14 : i64} {
  func.func @body(%arg0: i32, %arg1: memref<1x64x170xf32, #tpu.memory_space<vmem>>, %arg2: memref<1x64x170xf32, #tpu.memory_space<vmem>>, %arg3: memref<1x64x170xf32, #tpu.memory_space<vmem>>, %arg4: memref<1x1x170xf32, #tpu.memory_space<vmem>>, %arg5: memref<1x1x170xf32, #tpu.memory_space<vmem>>, %arg6: memref<1x1x170xf32, #tpu.memory_space<vmem>>, %arg7: memref<64x1xf32, #tpu.memory_space<vmem>>, %arg8: memref<64x1xf32, #tpu.memory_space<vmem>>, %arg9: memref<64x1728xf32, #tpu.memory_space<vmem>>, %arg10: memref<1x64x170xf32, #tpu.memory_space<vmem>>, %arg11: memref<1x1x170xf32, #tpu.memory_space<vmem>>, %arg12: memref<128x8xf32, #tpu.memory_space<vmem>>) attributes {dimension_semantics = [#tpu.dimension_semantics<arbitrary>], iteration_bounds = array<i64: 5>, scalar_prefetch = 0 : i64, scratch_operands = 0 : i64, tpu.core_type = #tpu.core_type<tc>, window_params = [{transform_indices = @transform_0, window_bounds = array<i64: 1, 64, 170>}, {transform_indices = @transform_1, window_bounds = array<i64: 1, 64, 170>}, {transform_indices = @transform_2, window_bounds = array<i64: 1, 64, 170>}, {transform_indices = @transform_3, window_bounds = array<i64: 1, 1, 170>}, {transform_indices = @transform_4, window_bounds = array<i64: 1, 1, 170>}, {transform_indices = @transform_5, window_bounds = array<i64: 1, 1, 170>}, {pipeline_mode = #tpu.pipeline_mode<synchronous>, transform_indices = @transform_6, window_bounds = array<i64: 64, 1>}, {pipeline_mode = #tpu.pipeline_mode<synchronous>, transform_indices = @transform_7, window_bounds = array<i64: 64, 1>}, {pipeline_mode = #tpu.pipeline_mode<synchronous>, transform_indices = @transform_8, window_bounds = array<i64: 64, 1728>}, {transform_indices = @transform_9, window_bounds = array<i64: 1, 64, 170>}, {transform_indices = @transform_10, window_bounds = array<i64: 1, 1, 170>}, {pipeline_mode = #tpu.pipeline_mode<synchronous>, transform_indices = @transform_11, window_bounds = array<i64: 128, 8>}]} {
    %mul3A = arith.constant 1 : i32
    %mul3A_0 = arith.muli %mul3A, %arg0 : i32
    %add3A = arith.constant -1 : i32
    %add3A_1 = arith.addi %mul3A_0, %add3A : i32
    %add3A_2 = arith.constant 0 : i32
    %add3A_3 = arith.addi %add3A_1, %add3A_2 : i32
    %ge3A = arith.constant 0 : i32
    %ge3A_4 = arith.cmpi sge, %add3A_3, %ge3A : i32
    %lt3A = arith.constant 5 : i32
    %lt3A_5 = arith.cmpi slt, %add3A_3, %lt3A : i32
    %and3A = arith.andi %ge3A_4, %lt3A_5 : i1
    %jit3A = arith.constant 1.000000e+00 : f32
    %jit3A_6 = arith.constant 0.000000e+00 : f32
    %select_n3A = arith.select %and3A, %jit3A, %jit3A_6 : f32
    %get3A = arith.constant 0 : index
    %get3A_7 = arith.constant 0 : index
    %get3A_8 = arith.constant 0 : index
    %get3A_9 = vector.load %arg4[%get3A, %get3A_7, %get3A_8] : memref<1x1x170xf32, #tpu.memory_space<vmem>>, vector<1x1x170xf32>
    %get3A_10 = vector.shape_cast %get3A_9 : vector<1x1x170xf32> to vector<1x170xf32>
    %mul3A_11 = vector.broadcast %select_n3A : f32 to vector<1x170xf32>
    %mul3A_12 = arith.mulf %get3A_10, %mul3A_11 : vector<1x170xf32>
    %get3A_13 = arith.constant 0 : index
    %get3A_14 = arith.constant 0 : index
    %get3A_15 = arith.constant 0 : index
    %get3A_16 = vector.load %arg1[%get3A_13, %get3A_14, %get3A_15] : memref<1x64x170xf32, #tpu.memory_space<vmem>>, vector<1x64x170xf32>
    %get3A_17 = vector.shape_cast %get3A_16 : vector<1x64x170xf32> to vector<64x170xf32>
    %get3A_18 = arith.constant 0 : index
    %get3A_19 = arith.constant 0 : index
    %get3A_20 = vector.load %arg7[%get3A_18, %get3A_19] : memref<64x1xf32, #tpu.memory_space<vmem>>, vector<64x1xf32>
    %mul3A_21 = vector.broadcast %get3A_20 : vector<64x1xf32> to vector<64x170xf32>
    %mul3A_22 = arith.mulf %get3A_17, %mul3A_21 : vector<64x170xf32>
    %get3A_23 = arith.constant 0 : index
    %get3A_24 = arith.constant 0 : index
    %get3A_25 = vector.load %arg8[%get3A_23, %get3A_24] : memref<64x1xf32, #tpu.memory_space<vmem>>, vector<64x1xf32>
    %add3A_26 = vector.broadcast %get3A_25 : vector<64x1xf32> to vector<64x170xf32>
    %add3A_27 = arith.addf %mul3A_22, %add3A_26 : vector<64x170xf32>
    %max3A = arith.constant 0.000000e+00 : f32
    %max3A_28 = vector.broadcast %max3A : f32 to vector<64x170xf32>
    %max3A_29 = arith.maximumf %add3A_27, %max3A_28 : vector<64x170xf32>
    %mul3A_30 = vector.broadcast %mul3A_12 : vector<1x170xf32> to vector<64x170xf32>
    %mul3A_31 = arith.mulf %max3A_29, %mul3A_30 : vector<64x170xf32>
    %slice3A = vector.extract_strided_slice %mul3A_31 {offsets = [0, 0], sizes = [64, 144], strides = [1, 1]} : vector<64x170xf32> to vector<64x144xf32>
    %slice3A_32 = vector.extract_strided_slice %mul3A_31 {offsets = [0, 1], sizes = [64, 144], strides = [1, 1]} : vector<64x170xf32> to vector<64x144xf32>
    %slice3A_33 = vector.extract_strided_slice %mul3A_31 {offsets = [0, 2], sizes = [64, 144], strides = [1, 1]} : vector<64x170xf32> to vector<64x144xf32>
    %slice3A_34 = vector.extract_strided_slice %mul3A_31 {offsets = [0, 12], sizes = [64, 144], strides = [1, 1]} : vector<64x170xf32> to vector<64x144xf32>
    %slice3A_35 = vector.extract_strided_slice %mul3A_31 {offsets = [0, 13], sizes = [64, 144], strides = [1, 1]} : vector<64x170xf32> to vector<64x144xf32>
    %slice3A_36 = vector.extract_strided_slice %mul3A_31 {offsets = [0, 14], sizes = [64, 144], strides = [1, 1]} : vector<64x170xf32> to vector<64x144xf32>
    %slice3A_37 = vector.extract_strided_slice %mul3A_31 {offsets = [0, 24], sizes = [64, 144], strides = [1, 1]} : vector<64x170xf32> to vector<64x144xf32>
    %slice3A_38 = vector.extract_strided_slice %mul3A_31 {offsets = [0, 25], sizes = [64, 144], strides = [1, 1]} : vector<64x170xf32> to vector<64x144xf32>
    %slice3A_39 = vector.extract_strided_slice %mul3A_31 {offsets = [0, 26], sizes = [64, 144], strides = [1, 1]} : vector<64x170xf32> to vector<64x144xf32>
    %mul3A_40 = arith.constant 1 : i32
    %mul3A_41 = arith.muli %mul3A_40, %arg0 : i32
    %add3A_42 = arith.constant -1 : i32
    %add3A_43 = arith.addi %mul3A_41, %add3A_42 : i32
    %add3A_44 = arith.constant 1 : i32
    %add3A_45 = arith.addi %add3A_43, %add3A_44 : i32
    %ge3A_46 = arith.constant 0 : i32
    %ge3A_47 = arith.cmpi sge, %add3A_45, %ge3A_46 : i32
    %lt3A_48 = arith.constant 5 : i32
    %lt3A_49 = arith.cmpi slt, %add3A_45, %lt3A_48 : i32
    %and3A_50 = arith.andi %ge3A_47, %lt3A_49 : i1
    %jit3A_51 = arith.constant 1.000000e+00 : f32
    %jit3A_52 = arith.constant 0.000000e+00 : f32
    %select_n3A_53 = arith.select %and3A_50, %jit3A_51, %jit3A_52 : f32
    %get3A_54 = arith.constant 0 : index
    %get3A_55 = arith.constant 0 : index
    %get3A_56 = arith.constant 0 : index
    %get3A_57 = vector.load %arg5[%get3A_54, %get3A_55, %get3A_56] : memref<1x1x170xf32, #tpu.memory_space<vmem>>, vector<1x1x170xf32>
    %get3A_58 = vector.shape_cast %get3A_57 : vector<1x1x170xf32> to vector<1x170xf32>
    %mul3A_59 = vector.broadcast %select_n3A_53 : f32 to vector<1x170xf32>
    %mul3A_60 = arith.mulf %get3A_58, %mul3A_59 : vector<1x170xf32>
    %get3A_61 = arith.constant 0 : index
    %get3A_62 = arith.constant 0 : index
    %get3A_63 = arith.constant 0 : index
    %get3A_64 = vector.load %arg5[%get3A_61, %get3A_62, %get3A_63] : memref<1x1x170xf32, #tpu.memory_space<vmem>>, vector<1x1x170xf32>
    %get3A_65 = vector.shape_cast %get3A_64 : vector<1x1x170xf32> to vector<1x170xf32>
    %get3A_66 = arith.constant 0 : index
    %get3A_67 = arith.constant 0 : index
    %get3A_68 = arith.constant 0 : index
    %get3A_69 = vector.load %arg2[%get3A_66, %get3A_67, %get3A_68] : memref<1x64x170xf32, #tpu.memory_space<vmem>>, vector<1x64x170xf32>
    %get3A_70 = vector.shape_cast %get3A_69 : vector<1x64x170xf32> to vector<64x170xf32>
    %get3A_71 = arith.constant 0 : index
    %get3A_72 = arith.constant 0 : index
    %get3A_73 = vector.load %arg7[%get3A_71, %get3A_72] : memref<64x1xf32, #tpu.memory_space<vmem>>, vector<64x1xf32>
    %mul3A_74 = vector.broadcast %get3A_73 : vector<64x1xf32> to vector<64x170xf32>
    %mul3A_75 = arith.mulf %get3A_70, %mul3A_74 : vector<64x170xf32>
    %get3A_76 = arith.constant 0 : index
    %get3A_77 = arith.constant 0 : index
    %get3A_78 = vector.load %arg8[%get3A_76, %get3A_77] : memref<64x1xf32, #tpu.memory_space<vmem>>, vector<64x1xf32>
    %add3A_79 = vector.broadcast %get3A_78 : vector<64x1xf32> to vector<64x170xf32>
    %add3A_80 = arith.addf %mul3A_75, %add3A_79 : vector<64x170xf32>
    %max3A_81 = arith.constant 0.000000e+00 : f32
    %max3A_82 = vector.broadcast %max3A_81 : f32 to vector<64x170xf32>
    %max3A_83 = arith.maximumf %add3A_80, %max3A_82 : vector<64x170xf32>
    %mul3A_84 = vector.broadcast %mul3A_60 : vector<1x170xf32> to vector<64x170xf32>
    %mul3A_85 = arith.mulf %max3A_83, %mul3A_84 : vector<64x170xf32>
    %slice3A_86 = vector.extract_strided_slice %mul3A_85 {offsets = [0, 0], sizes = [64, 144], strides = [1, 1]} : vector<64x170xf32> to vector<64x144xf32>
    %slice3A_87 = vector.extract_strided_slice %mul3A_85 {offsets = [0, 1], sizes = [64, 144], strides = [1, 1]} : vector<64x170xf32> to vector<64x144xf32>
    %slice3A_88 = vector.extract_strided_slice %mul3A_85 {offsets = [0, 2], sizes = [64, 144], strides = [1, 1]} : vector<64x170xf32> to vector<64x144xf32>
    %slice3A_89 = vector.extract_strided_slice %mul3A_85 {offsets = [0, 12], sizes = [64, 144], strides = [1, 1]} : vector<64x170xf32> to vector<64x144xf32>
    %slice3A_90 = vector.extract_strided_slice %mul3A_85 {offsets = [0, 13], sizes = [64, 144], strides = [1, 1]} : vector<64x170xf32> to vector<64x144xf32>
    %slice3A_91 = vector.extract_strided_slice %mul3A_85 {offsets = [0, 14], sizes = [64, 144], strides = [1, 1]} : vector<64x170xf32> to vector<64x144xf32>
    %slice3A_92 = vector.extract_strided_slice %mul3A_85 {offsets = [0, 24], sizes = [64, 144], strides = [1, 1]} : vector<64x170xf32> to vector<64x144xf32>
    %slice3A_93 = vector.extract_strided_slice %mul3A_85 {offsets = [0, 25], sizes = [64, 144], strides = [1, 1]} : vector<64x170xf32> to vector<64x144xf32>
    %slice3A_94 = vector.extract_strided_slice %mul3A_85 {offsets = [0, 26], sizes = [64, 144], strides = [1, 1]} : vector<64x170xf32> to vector<64x144xf32>
    %mul3A_95 = arith.constant 1 : i32
    %mul3A_96 = arith.muli %mul3A_95, %arg0 : i32
    %add3A_97 = arith.constant -1 : i32
    %add3A_98 = arith.addi %mul3A_96, %add3A_97 : i32
    %add3A_99 = arith.constant 2 : i32
    %add3A_100 = arith.addi %add3A_98, %add3A_99 : i32
    %ge3A_101 = arith.constant 0 : i32
    %ge3A_102 = arith.cmpi sge, %add3A_100, %ge3A_101 : i32
    %lt3A_103 = arith.constant 5 : i32
    %lt3A_104 = arith.cmpi slt, %add3A_100, %lt3A_103 : i32
    %and3A_105 = arith.andi %ge3A_102, %lt3A_104 : i1
    %jit3A_106 = arith.constant 1.000000e+00 : f32
    %jit3A_107 = arith.constant 0.000000e+00 : f32
    %select_n3A_108 = arith.select %and3A_105, %jit3A_106, %jit3A_107 : f32
    %get3A_109 = arith.constant 0 : index
    %get3A_110 = arith.constant 0 : index
    %get3A_111 = arith.constant 0 : index
    %get3A_112 = vector.load %arg6[%get3A_109, %get3A_110, %get3A_111] : memref<1x1x170xf32, #tpu.memory_space<vmem>>, vector<1x1x170xf32>
    %get3A_113 = vector.shape_cast %get3A_112 : vector<1x1x170xf32> to vector<1x170xf32>
    %mul3A_114 = vector.broadcast %select_n3A_108 : f32 to vector<1x170xf32>
    %mul3A_115 = arith.mulf %get3A_113, %mul3A_114 : vector<1x170xf32>
    %get3A_116 = arith.constant 0 : index
    %get3A_117 = arith.constant 0 : index
    %get3A_118 = arith.constant 0 : index
    %get3A_119 = vector.load %arg3[%get3A_116, %get3A_117, %get3A_118] : memref<1x64x170xf32, #tpu.memory_space<vmem>>, vector<1x64x170xf32>
    %get3A_120 = vector.shape_cast %get3A_119 : vector<1x64x170xf32> to vector<64x170xf32>
    %get3A_121 = arith.constant 0 : index
    %get3A_122 = arith.constant 0 : index
    %get3A_123 = vector.load %arg7[%get3A_121, %get3A_122] : memref<64x1xf32, #tpu.memory_space<vmem>>, vector<64x1xf32>
    %mul3A_124 = vector.broadcast %get3A_123 : vector<64x1xf32> to vector<64x170xf32>
    %mul3A_125 = arith.mulf %get3A_120, %mul3A_124 : vector<64x170xf32>
    %get3A_126 = arith.constant 0 : index
    %get3A_127 = arith.constant 0 : index
    %get3A_128 = vector.load %arg8[%get3A_126, %get3A_127] : memref<64x1xf32, #tpu.memory_space<vmem>>, vector<64x1xf32>
    %add3A_129 = vector.broadcast %get3A_128 : vector<64x1xf32> to vector<64x170xf32>
    %add3A_130 = arith.addf %mul3A_125, %add3A_129 : vector<64x170xf32>
    %max3A_131 = arith.constant 0.000000e+00 : f32
    %max3A_132 = vector.broadcast %max3A_131 : f32 to vector<64x170xf32>
    %max3A_133 = arith.maximumf %add3A_130, %max3A_132 : vector<64x170xf32>
    %mul3A_134 = vector.broadcast %mul3A_115 : vector<1x170xf32> to vector<64x170xf32>
    %mul3A_135 = arith.mulf %max3A_133, %mul3A_134 : vector<64x170xf32>
    %slice3A_136 = vector.extract_strided_slice %mul3A_135 {offsets = [0, 0], sizes = [64, 144], strides = [1, 1]} : vector<64x170xf32> to vector<64x144xf32>
    %slice3A_137 = vector.extract_strided_slice %mul3A_135 {offsets = [0, 1], sizes = [64, 144], strides = [1, 1]} : vector<64x170xf32> to vector<64x144xf32>
    %slice3A_138 = vector.extract_strided_slice %mul3A_135 {offsets = [0, 2], sizes = [64, 144], strides = [1, 1]} : vector<64x170xf32> to vector<64x144xf32>
    %slice3A_139 = vector.extract_strided_slice %mul3A_135 {offsets = [0, 12], sizes = [64, 144], strides = [1, 1]} : vector<64x170xf32> to vector<64x144xf32>
    %slice3A_140 = vector.extract_strided_slice %mul3A_135 {offsets = [0, 13], sizes = [64, 144], strides = [1, 1]} : vector<64x170xf32> to vector<64x144xf32>
    %slice3A_141 = vector.extract_strided_slice %mul3A_135 {offsets = [0, 14], sizes = [64, 144], strides = [1, 1]} : vector<64x170xf32> to vector<64x144xf32>
    %slice3A_142 = vector.extract_strided_slice %mul3A_135 {offsets = [0, 24], sizes = [64, 144], strides = [1, 1]} : vector<64x170xf32> to vector<64x144xf32>
    %slice3A_143 = vector.extract_strided_slice %mul3A_135 {offsets = [0, 25], sizes = [64, 144], strides = [1, 1]} : vector<64x170xf32> to vector<64x144xf32>
    %slice3A_144 = vector.extract_strided_slice %mul3A_135 {offsets = [0, 26], sizes = [64, 144], strides = [1, 1]} : vector<64x170xf32> to vector<64x144xf32>
    %concatenate3A = tpu.concatenate %slice3A, %slice3A_32, %slice3A_33, %slice3A_34, %slice3A_35, %slice3A_36, %slice3A_37, %slice3A_38, %slice3A_39, %slice3A_86, %slice3A_87, %slice3A_88, %slice3A_89, %slice3A_90, %slice3A_91, %slice3A_92, %slice3A_93, %slice3A_94, %slice3A_136, %slice3A_137, %slice3A_138, %slice3A_139, %slice3A_140, %slice3A_141, %slice3A_142, %slice3A_143, %slice3A_144 in 0 : vector<64x144xf32>, vector<64x144xf32>, vector<64x144xf32>, vector<64x144xf32>, vector<64x144xf32>, vector<64x144xf32>, vector<64x144xf32>, vector<64x144xf32>, vector<64x144xf32>, vector<64x144xf32>, vector<64x144xf32>, vector<64x144xf32>, vector<64x144xf32>, vector<64x144xf32>, vector<64x144xf32>, vector<64x144xf32>, vector<64x144xf32>, vector<64x144xf32>, vector<64x144xf32>, vector<64x144xf32>, vector<64x144xf32>, vector<64x144xf32>, vector<64x144xf32>, vector<64x144xf32>, vector<64x144xf32>, vector<64x144xf32>, vector<64x144xf32> -> vector<1728x144xf32>
    %get3A_145 = arith.constant 0 : index
    %get3A_146 = arith.constant 0 : index
    %get3A_147 = vector.load %arg9[%get3A_145, %get3A_146] : memref<64x1728xf32, #tpu.memory_space<vmem>>, vector<64x1728xf32>
    %dot_general3A = arith.constant dense<0.000000e+00> : vector<64x144xf32>
    %dot_general3A_148 = tpu.matmul %get3A_147, %concatenate3A, %dot_general3A {dimension_numbers = #tpu.dot_dimension_numbers<[1], [0], [0], [1], [0, 0, 1, 1], [], []>, transpose_lhs_hint = false} : vector<64x1728xf32>, vector<1728x144xf32>, vector<64x144xf32> -> vector<64x144xf32>
    %slice3A_149 = vector.extract_strided_slice %get3A_65 {offsets = [0, 13], sizes = [1, 144], strides = [1, 1]} : vector<1x170xf32> to vector<1x144xf32>
    %broadcast_in_dim3A = arith.constant 0.000000e+00 : f32
    %broadcast_in_dim3A_150 = vector.broadcast %broadcast_in_dim3A : f32 to vector<64x13xf32>
    %concatenate3A_151 = tpu.concatenate %broadcast_in_dim3A_150, %dot_general3A_148, %broadcast_in_dim3A_150 in 1 : vector<64x13xf32>, vector<64x144xf32>, vector<64x13xf32> -> vector<64x170xf32>
    %swap3A = arith.constant 0 : index
    %swap3A_152 = arith.constant 0 : index
    %swap3A_153 = arith.constant 0 : index
    %swap3A_154 = vector.load %arg10[%swap3A, %swap3A_152, %swap3A_153] : memref<1x64x170xf32, #tpu.memory_space<vmem>>, vector<1x64x170xf32>
    %swap3A_155 = vector.shape_cast %swap3A_154 : vector<1x64x170xf32> to vector<64x170xf32>
    %swap3A_156 = vector.shape_cast %concatenate3A_151 : vector<64x170xf32> to vector<1x64x170xf32>
    tpu.vector_store %arg10[%swap3A, %swap3A_152, %swap3A_153], %swap3A_156 {strides = array<i32>} : memref<1x64x170xf32, #tpu.memory_space<vmem>>, vector<1x64x170xf32>,
    %swap3A_157 = arith.constant 0 : index
    %swap3A_158 = arith.constant 0 : index
    %swap3A_159 = arith.constant 0 : index
    %swap3A_160 = vector.load %arg11[%swap3A_157, %swap3A_158, %swap3A_159] : memref<1x1x170xf32, #tpu.memory_space<vmem>>, vector<1x1x170xf32>
    %swap3A_161 = vector.shape_cast %swap3A_160 : vector<1x1x170xf32> to vector<1x170xf32>
    %swap3A_162 = vector.shape_cast %get3A_65 : vector<1x170xf32> to vector<1x1x170xf32>
    tpu.vector_store %arg11[%swap3A_157, %swap3A_158, %swap3A_159], %swap3A_162 {strides = array<i32>} : memref<1x1x170xf32, #tpu.memory_space<vmem>>, vector<1x1x170xf32>,
    %mul3A_163 = vector.broadcast %slice3A_149 : vector<1x144xf32> to vector<64x144xf32>
    %mul3A_164 = arith.mulf %dot_general3A_148, %mul3A_163 : vector<64x144xf32>
    %reduce_sum3A = arith.constant dense<0.000000e+00> : vector<64xf32>
    %reduce_sum3A_165 = vector.multi_reduction <add>, %mul3A_164, %reduce_sum3A [1] : vector<64x144xf32> to vector<64xf32>
    %broadcast_in_dim3A_166 = vector.shape_cast %reduce_sum3A_165 : vector<64xf32> to vector<64x1xf32>
    %mul3A_167 = arith.mulf %dot_general3A_148, %dot_general3A_148 : vector<64x144xf32>
    %mul3A_168 = vector.broadcast %slice3A_149 : vector<1x144xf32> to vector<64x144xf32>
    %mul3A_169 = arith.mulf %mul3A_167, %mul3A_168 : vector<64x144xf32>
    %reduce_sum3A_170 = arith.constant dense<0.000000e+00> : vector<64xf32>
    %reduce_sum3A_171 = vector.multi_reduction <add>, %mul3A_169, %reduce_sum3A_170 [1] : vector<64x144xf32> to vector<64xf32>
    %broadcast_in_dim3A_172 = vector.shape_cast %reduce_sum3A_171 : vector<64xf32> to vector<64x1xf32>
    %broadcast_in_dim3A_173 = arith.constant 0.000000e+00 : f32
    %broadcast_in_dim3A_174 = vector.broadcast %broadcast_in_dim3A_173 : f32 to vector<64x1xf32>
    %reduce_sum3A_175 = vector.shape_cast %slice3A_149 : vector<1x144xf32> to vector<1x1x144xf32>
    %reduce_sum3A_176 = arith.constant dense<0.000000e+00> : vector<1xf32>
    %reduce_sum3A_177 = vector.multi_reduction <add>, %reduce_sum3A_175, %reduce_sum3A_176 [1, 2] : vector<1x1x144xf32> to vector<1xf32>
    %reduce_sum3A_178 = vector.shape_cast %reduce_sum3A_177 : vector<1xf32> to vector<1x1x1xf32>
    %reduce_sum3A_179 = vector.extract %reduce_sum3A_178[0, 0, 0] : f32 from vector<1x1x1xf32>
    %add3A_180 = vector.broadcast %reduce_sum3A_179 : f32 to vector<64x1xf32>
    %add3A_181 = arith.addf %broadcast_in_dim3A_174, %add3A_180 : vector<64x1xf32>
    %broadcast_in_dim3A_182 = arith.constant 0.000000e+00 : f32
    %broadcast_in_dim3A_183 = vector.broadcast %broadcast_in_dim3A_182 : f32 to vector<64x5xf32>
    %concatenate3A_184 = tpu.concatenate %broadcast_in_dim3A_166, %broadcast_in_dim3A_172, %add3A_181, %broadcast_in_dim3A_183 in 1 : vector<64x1xf32>, vector<64x1xf32>, vector<64x1xf32>, vector<64x5xf32> -> vector<64x8xf32>
    %broadcast_in_dim3A_185 = arith.constant 0.000000e+00 : f32
    %broadcast_in_dim3A_186 = vector.broadcast %broadcast_in_dim3A_185 : f32 to vector<64x8xf32>
    %concatenate3A_187 = tpu.concatenate %concatenate3A_184, %broadcast_in_dim3A_186 in 0 : vector<64x8xf32>, vector<64x8xf32> -> vector<128x8xf32>
    %eq3A = arith.constant 0 : i32
    %eq3A_188 = arith.cmpi eq, %arg0, %eq3A : i32
    %convert_element_type3A = arith.extui %eq3A_188 : i1 to i32
    %cond3A = arith.constant 0 : i32
    %cond3A_189 = arith.cmpi ne, %convert_element_type3A, %cond3A : i32
    scf.if %cond3A_189 {
      %swap3A_194 = arith.constant 0 : index
      %swap3A_195 = arith.constant 0 : index
      %swap3A_196 = vector.load %arg12[%swap3A_194, %swap3A_195] : memref<128x8xf32, #tpu.memory_space<vmem>>, vector<128x8xf32>
      tpu.vector_store %arg12[%swap3A_194, %swap3A_195], %concatenate3A_187 {strides = array<i32>} : memref<128x8xf32, #tpu.memory_space<vmem>>, vector<128x8xf32>,
    } else {
    }
    %ne3A = arith.constant 0 : i32
    %ne3A_190 = arith.cmpi ne, %arg0, %ne3A : i32
    %convert_element_type3A_191 = arith.extui %ne3A_190 : i1 to i32
    %cond3A_192 = arith.constant 0 : i32
    %cond3A_193 = arith.cmpi ne, %convert_element_type3A_191, %cond3A_192 : i32
    scf.if %cond3A_193 {
      %get3A_194 = arith.constant 0 : index
      %get3A_195 = arith.constant 0 : index
      %get3A_196 = vector.load %arg12[%get3A_194, %get3A_195] : memref<128x8xf32, #tpu.memory_space<vmem>>, vector<128x8xf32>
      %add3A_197 = arith.addf %get3A_196, %concatenate3A_187 : vector<128x8xf32>
      %swap3A_198 = arith.constant 0 : index
      %swap3A_199 = arith.constant 0 : index
      %swap3A_200 = vector.load %arg12[%swap3A_198, %swap3A_199] : memref<128x8xf32, #tpu.memory_space<vmem>>, vector<128x8xf32>
      tpu.vector_store %arg12[%swap3A_198, %swap3A_199], %add3A_197 {strides = array<i32>} : memref<128x8xf32, #tpu.memory_space<vmem>>, vector<128x8xf32>,
    } else {
    }
    return
  }
  func.func @transform_0(%arg0: i32) -> (i32, i32, i32) {
    %mul3A = arith.constant 1 : i32
    %mul3A_0 = arith.muli %mul3A, %arg0 : i32
    %add3A = arith.constant -1 : i32
    %add3A_1 = arith.addi %mul3A_0, %add3A : i32
    %add3A_2 = arith.constant 0 : i32
    %add3A_3 = arith.addi %add3A_1, %add3A_2 : i32
    %jit3A = arith.constant 0 : i32
    %jit3A_4 = arith.constant 4 : i32
    %max3A = arith.maxsi %jit3A, %add3A_3 : i32
    %min3A = arith.minsi %jit3A_4, %max3A : i32
    %c0_i32 = arith.constant 0 : i32
    %c0_i32_5 = arith.constant 0 : i32
    %c0_i32_6 = arith.constant 0 : i32
    return %min3A, %c0_i32, %c0_i32_5 : i32, i32, i32
  }
  func.func @transform_1(%arg0: i32) -> (i32, i32, i32) {
    %mul3A = arith.constant 1 : i32
    %mul3A_0 = arith.muli %mul3A, %arg0 : i32
    %add3A = arith.constant -1 : i32
    %add3A_1 = arith.addi %mul3A_0, %add3A : i32
    %add3A_2 = arith.constant 1 : i32
    %add3A_3 = arith.addi %add3A_1, %add3A_2 : i32
    %jit3A = arith.constant 0 : i32
    %jit3A_4 = arith.constant 4 : i32
    %max3A = arith.maxsi %jit3A, %add3A_3 : i32
    %min3A = arith.minsi %jit3A_4, %max3A : i32
    %c0_i32 = arith.constant 0 : i32
    %c0_i32_5 = arith.constant 0 : i32
    %c0_i32_6 = arith.constant 0 : i32
    return %min3A, %c0_i32, %c0_i32_5 : i32, i32, i32
  }
  func.func @transform_2(%arg0: i32) -> (i32, i32, i32) {
    %mul3A = arith.constant 1 : i32
    %mul3A_0 = arith.muli %mul3A, %arg0 : i32
    %add3A = arith.constant -1 : i32
    %add3A_1 = arith.addi %mul3A_0, %add3A : i32
    %add3A_2 = arith.constant 2 : i32
    %add3A_3 = arith.addi %add3A_1, %add3A_2 : i32
    %jit3A = arith.constant 0 : i32
    %jit3A_4 = arith.constant 4 : i32
    %max3A = arith.maxsi %jit3A, %add3A_3 : i32
    %min3A = arith.minsi %jit3A_4, %max3A : i32
    %c0_i32 = arith.constant 0 : i32
    %c0_i32_5 = arith.constant 0 : i32
    %c0_i32_6 = arith.constant 0 : i32
    return %min3A, %c0_i32, %c0_i32_5 : i32, i32, i32
  }
  func.func @transform_3(%arg0: i32) -> (i32, i32, i32) {
    %mul3A = arith.constant 1 : i32
    %mul3A_0 = arith.muli %mul3A, %arg0 : i32
    %add3A = arith.constant -1 : i32
    %add3A_1 = arith.addi %mul3A_0, %add3A : i32
    %add3A_2 = arith.constant 0 : i32
    %add3A_3 = arith.addi %add3A_1, %add3A_2 : i32
    %jit3A = arith.constant 0 : i32
    %jit3A_4 = arith.constant 4 : i32
    %max3A = arith.maxsi %jit3A, %add3A_3 : i32
    %min3A = arith.minsi %jit3A_4, %max3A : i32
    %c0_i32 = arith.constant 0 : i32
    %c0_i32_5 = arith.constant 0 : i32
    %c0_i32_6 = arith.constant 0 : i32
    return %min3A, %c0_i32, %c0_i32_5 : i32, i32, i32
  }
  func.func @transform_4(%arg0: i32) -> (i32, i32, i32) {
    %mul3A = arith.constant 1 : i32
    %mul3A_0 = arith.muli %mul3A, %arg0 : i32
    %add3A = arith.constant -1 : i32
    %add3A_1 = arith.addi %mul3A_0, %add3A : i32
    %add3A_2 = arith.constant 1 : i32
    %add3A_3 = arith.addi %add3A_1, %add3A_2 : i32
    %jit3A = arith.constant 0 : i32
    %jit3A_4 = arith.constant 4 : i32
    %max3A = arith.maxsi %jit3A, %add3A_3 : i32
    %min3A = arith.minsi %jit3A_4, %max3A : i32
    %c0_i32 = arith.constant 0 : i32
    %c0_i32_5 = arith.constant 0 : i32
    %c0_i32_6 = arith.constant 0 : i32
    return %min3A, %c0_i32, %c0_i32_5 : i32, i32, i32
  }
  func.func @transform_5(%arg0: i32) -> (i32, i32, i32) {
    %mul3A = arith.constant 1 : i32
    %mul3A_0 = arith.muli %mul3A, %arg0 : i32
    %add3A = arith.constant -1 : i32
    %add3A_1 = arith.addi %mul3A_0, %add3A : i32
    %add3A_2 = arith.constant 2 : i32
    %add3A_3 = arith.addi %add3A_1, %add3A_2 : i32
    %jit3A = arith.constant 0 : i32
    %jit3A_4 = arith.constant 4 : i32
    %max3A = arith.maxsi %jit3A, %add3A_3 : i32
    %min3A = arith.minsi %jit3A_4, %max3A : i32
    %c0_i32 = arith.constant 0 : i32
    %c0_i32_5 = arith.constant 0 : i32
    %c0_i32_6 = arith.constant 0 : i32
    return %min3A, %c0_i32, %c0_i32_5 : i32, i32, i32
  }
  func.func @transform_6(%arg0: i32) -> (i32, i32) {
    %c0_i32 = arith.constant 0 : i32
    %c0_i32_0 = arith.constant 0 : i32
    %c0_i32_1 = arith.constant 0 : i32
    return %c0_i32, %c0_i32_0 : i32, i32
  }
  func.func @transform_7(%arg0: i32) -> (i32, i32) {
    %c0_i32 = arith.constant 0 : i32
    %c0_i32_0 = arith.constant 0 : i32
    %c0_i32_1 = arith.constant 0 : i32
    return %c0_i32, %c0_i32_0 : i32, i32
  }
  func.func @transform_8(%arg0: i32) -> (i32, i32) {
    %c0_i32 = arith.constant 0 : i32
    %c0_i32_0 = arith.constant 0 : i32
    %c0_i32_1 = arith.constant 0 : i32
    return %c0_i32, %c0_i32_0 : i32, i32
  }
  func.func @transform_9(%arg0: i32) -> (i32, i32, i32) {
    %c0_i32 = arith.constant 0 : i32
    %c0_i32_0 = arith.constant 0 : i32
    %c0_i32_1 = arith.constant 0 : i32
    return %arg0, %c0_i32, %c0_i32_0 : i32, i32, i32
  }
  func.func @transform_10(%arg0: i32) -> (i32, i32, i32) {
    %c0_i32 = arith.constant 0 : i32
    %c0_i32_0 = arith.constant 0 : i32
    %c0_i32_1 = arith.constant 0 : i32
    return %arg0, %c0_i32, %c0_i32_0 : i32, i32, i32
  }
  func.func @transform_11(%arg0: i32) -> (i32, i32) {
    %c0_i32 = arith.constant 0 : i32
    %c0_i32_0 = arith.constant 0 : i32
    %c0_i32_1 = arith.constant 0 : i32
    return %c0_i32, %c0_i32_0 : i32, i32
  }
}

module attributes {stable_mosaic.version = 14 : i64} {
  func.func @body(%arg0: i32, %arg1: memref<1x64x170xf32, #tpu.memory_space<vmem>>, %arg2: memref<1x64x170xf32, #tpu.memory_space<vmem>>, %arg3: memref<1x64x170xf32, #tpu.memory_space<vmem>>, %arg4: memref<1x1x170xf32, #tpu.memory_space<vmem>>, %arg5: memref<1x1x170xf32, #tpu.memory_space<vmem>>, %arg6: memref<1x1x170xf32, #tpu.memory_space<vmem>>, %arg7: memref<64x1xf32, #tpu.memory_space<vmem>>, %arg8: memref<64x1xf32, #tpu.memory_space<vmem>>, %arg9: memref<1x170xf32, #tpu.memory_space<vmem>>, %arg10: memref<128x192xf32, #tpu.memory_space<vmem>>, %arg11: memref<1x128x170xf32, #tpu.memory_space<vmem>>, %arg12: memref<1x1x170xf32, #tpu.memory_space<vmem>>, %arg13: memref<128x8xf32, #tpu.memory_space<vmem>>) attributes {dimension_semantics = [#tpu.dimension_semantics<arbitrary>], iteration_bounds = array<i64: 2>, scalar_prefetch = 0 : i64, scratch_operands = 0 : i64, tpu.core_type = #tpu.core_type<tc>, window_params = [{transform_indices = @transform_0, window_bounds = array<i64: 1, 64, 170>}, {transform_indices = @transform_1, window_bounds = array<i64: 1, 64, 170>}, {transform_indices = @transform_2, window_bounds = array<i64: 1, 64, 170>}, {transform_indices = @transform_3, window_bounds = array<i64: 1, 1, 170>}, {transform_indices = @transform_4, window_bounds = array<i64: 1, 1, 170>}, {transform_indices = @transform_5, window_bounds = array<i64: 1, 1, 170>}, {pipeline_mode = #tpu.pipeline_mode<synchronous>, transform_indices = @transform_6, window_bounds = array<i64: 64, 1>}, {pipeline_mode = #tpu.pipeline_mode<synchronous>, transform_indices = @transform_7, window_bounds = array<i64: 64, 1>}, {pipeline_mode = #tpu.pipeline_mode<synchronous>, transform_indices = @transform_8, window_bounds = array<i64: 1, 170>}, {pipeline_mode = #tpu.pipeline_mode<synchronous>, transform_indices = @transform_9, window_bounds = array<i64: 128, 192>}, {transform_indices = @transform_10, window_bounds = array<i64: 1, 128, 170>}, {transform_indices = @transform_11, window_bounds = array<i64: 1, 1, 170>}, {pipeline_mode = #tpu.pipeline_mode<synchronous>, transform_indices = @transform_12, window_bounds = array<i64: 128, 8>}]} {
    %broadcast_in_dim3A = arith.constant 0.000000e+00 : f32
    %broadcast_in_dim3A_0 = vector.broadcast %broadcast_in_dim3A : f32 to vector<1x144xf32>
    %mul3A = arith.constant 2 : i32
    %mul3A_1 = arith.muli %mul3A, %arg0 : i32
    %add3A = arith.constant 0 : i32
    %add3A_2 = arith.addi %mul3A_1, %add3A : i32
    %add3A_3 = arith.constant 0 : i32
    %add3A_4 = arith.addi %add3A_2, %add3A_3 : i32
    %ge3A = arith.constant 0 : i32
    %ge3A_5 = arith.cmpi sge, %add3A_4, %ge3A : i32
    %lt3A = arith.constant 5 : i32
    %lt3A_6 = arith.cmpi slt, %add3A_4, %lt3A : i32
    %and3A = arith.andi %ge3A_5, %lt3A_6 : i1
    %jit3A = arith.constant 1.000000e+00 : f32
    %jit3A_7 = arith.constant 0.000000e+00 : f32
    %select_n3A = arith.select %and3A, %jit3A, %jit3A_7 : f32
    %get3A = arith.constant 0 : index
    %get3A_8 = arith.constant 0 : index
    %get3A_9 = arith.constant 0 : index
    %get3A_10 = vector.load %arg4[%get3A, %get3A_8, %get3A_9] : memref<1x1x170xf32, #tpu.memory_space<vmem>>, vector<1x1x170xf32>
    %get3A_11 = vector.shape_cast %get3A_10 : vector<1x1x170xf32> to vector<1x170xf32>
    %mul3A_12 = vector.broadcast %select_n3A : f32 to vector<1x170xf32>
    %mul3A_13 = arith.mulf %get3A_11, %mul3A_12 : vector<1x170xf32>
    %get3A_14 = arith.constant 0 : index
    %get3A_15 = arith.constant 0 : index
    %get3A_16 = arith.constant 0 : index
    %get3A_17 = vector.load %arg1[%get3A_14, %get3A_15, %get3A_16] : memref<1x64x170xf32, #tpu.memory_space<vmem>>, vector<1x64x170xf32>
    %get3A_18 = vector.shape_cast %get3A_17 : vector<1x64x170xf32> to vector<64x170xf32>
    %get3A_19 = arith.constant 0 : index
    %get3A_20 = arith.constant 0 : index
    %get3A_21 = vector.load %arg7[%get3A_19, %get3A_20] : memref<64x1xf32, #tpu.memory_space<vmem>>, vector<64x1xf32>
    %mul3A_22 = vector.broadcast %get3A_21 : vector<64x1xf32> to vector<64x170xf32>
    %mul3A_23 = arith.mulf %get3A_18, %mul3A_22 : vector<64x170xf32>
    %get3A_24 = arith.constant 0 : index
    %get3A_25 = arith.constant 0 : index
    %get3A_26 = vector.load %arg8[%get3A_24, %get3A_25] : memref<64x1xf32, #tpu.memory_space<vmem>>, vector<64x1xf32>
    %add3A_27 = vector.broadcast %get3A_26 : vector<64x1xf32> to vector<64x170xf32>
    %add3A_28 = arith.addf %mul3A_23, %add3A_27 : vector<64x170xf32>
    %max3A = arith.constant 0.000000e+00 : f32
    %max3A_29 = vector.broadcast %max3A : f32 to vector<64x170xf32>
    %max3A_30 = arith.maximumf %add3A_28, %max3A_29 : vector<64x170xf32>
    %mul3A_31 = vector.broadcast %mul3A_13 : vector<1x170xf32> to vector<64x170xf32>
    %mul3A_32 = arith.mulf %max3A_30, %mul3A_31 : vector<64x170xf32>
    %slice3A = vector.extract_strided_slice %mul3A_32 {offsets = [0, 13], sizes = [64, 144], strides = [1, 1]} : vector<64x170xf32> to vector<64x144xf32>
    %slice3A_33 = vector.extract_strided_slice %mul3A_13 {offsets = [0, 13], sizes = [1, 144], strides = [1, 1]} : vector<1x170xf32> to vector<1x144xf32>
    %add3A_34 = arith.addf %broadcast_in_dim3A_0, %slice3A_33 : vector<1x144xf32>
    %mul3A_35 = arith.constant 2 : i32
    %mul3A_36 = arith.muli %mul3A_35, %arg0 : i32
    %add3A_37 = arith.constant 0 : i32
    %add3A_38 = arith.addi %mul3A_36, %add3A_37 : i32
    %add3A_39 = arith.constant 1 : i32
    %add3A_40 = arith.addi %add3A_38, %add3A_39 : i32
    %ge3A_41 = arith.constant 0 : i32
    %ge3A_42 = arith.cmpi sge, %add3A_40, %ge3A_41 : i32
    %lt3A_43 = arith.constant 5 : i32
    %lt3A_44 = arith.cmpi slt, %add3A_40, %lt3A_43 : i32
    %and3A_45 = arith.andi %ge3A_42, %lt3A_44 : i1
    %jit3A_46 = arith.constant 1.000000e+00 : f32
    %jit3A_47 = arith.constant 0.000000e+00 : f32
    %select_n3A_48 = arith.select %and3A_45, %jit3A_46, %jit3A_47 : f32
    %get3A_49 = arith.constant 0 : index
    %get3A_50 = arith.constant 0 : index
    %get3A_51 = arith.constant 0 : index
    %get3A_52 = vector.load %arg5[%get3A_49, %get3A_50, %get3A_51] : memref<1x1x170xf32, #tpu.memory_space<vmem>>, vector<1x1x170xf32>
    %get3A_53 = vector.shape_cast %get3A_52 : vector<1x1x170xf32> to vector<1x170xf32>
    %mul3A_54 = vector.broadcast %select_n3A_48 : f32 to vector<1x170xf32>
    %mul3A_55 = arith.mulf %get3A_53, %mul3A_54 : vector<1x170xf32>
    %get3A_56 = arith.constant 0 : index
    %get3A_57 = arith.constant 0 : index
    %get3A_58 = arith.constant 0 : index
    %get3A_59 = vector.load %arg2[%get3A_56, %get3A_57, %get3A_58] : memref<1x64x170xf32, #tpu.memory_space<vmem>>, vector<1x64x170xf32>
    %get3A_60 = vector.shape_cast %get3A_59 : vector<1x64x170xf32> to vector<64x170xf32>
    %get3A_61 = arith.constant 0 : index
    %get3A_62 = arith.constant 0 : index
    %get3A_63 = vector.load %arg7[%get3A_61, %get3A_62] : memref<64x1xf32, #tpu.memory_space<vmem>>, vector<64x1xf32>
    %mul3A_64 = vector.broadcast %get3A_63 : vector<64x1xf32> to vector<64x170xf32>
    %mul3A_65 = arith.mulf %get3A_60, %mul3A_64 : vector<64x170xf32>
    %get3A_66 = arith.constant 0 : index
    %get3A_67 = arith.constant 0 : index
    %get3A_68 = vector.load %arg8[%get3A_66, %get3A_67] : memref<64x1xf32, #tpu.memory_space<vmem>>, vector<64x1xf32>
    %add3A_69 = vector.broadcast %get3A_68 : vector<64x1xf32> to vector<64x170xf32>
    %add3A_70 = arith.addf %mul3A_65, %add3A_69 : vector<64x170xf32>
    %max3A_71 = arith.constant 0.000000e+00 : f32
    %max3A_72 = vector.broadcast %max3A_71 : f32 to vector<64x170xf32>
    %max3A_73 = arith.maximumf %add3A_70, %max3A_72 : vector<64x170xf32>
    %mul3A_74 = vector.broadcast %mul3A_55 : vector<1x170xf32> to vector<64x170xf32>
    %mul3A_75 = arith.mulf %max3A_73, %mul3A_74 : vector<64x170xf32>
    %slice3A_76 = vector.extract_strided_slice %mul3A_75 {offsets = [0, 13], sizes = [64, 144], strides = [1, 1]} : vector<64x170xf32> to vector<64x144xf32>
    %slice3A_77 = vector.extract_strided_slice %mul3A_55 {offsets = [0, 13], sizes = [1, 144], strides = [1, 1]} : vector<1x170xf32> to vector<1x144xf32>
    %add3A_78 = arith.addf %add3A_34, %slice3A_77 : vector<1x144xf32>
    %mul3A_79 = arith.constant 2 : i32
    %mul3A_80 = arith.muli %mul3A_79, %arg0 : i32
    %add3A_81 = arith.constant 0 : i32
    %add3A_82 = arith.addi %mul3A_80, %add3A_81 : i32
    %add3A_83 = arith.constant 2 : i32
    %add3A_84 = arith.addi %add3A_82, %add3A_83 : i32
    %ge3A_85 = arith.constant 0 : i32
    %ge3A_86 = arith.cmpi sge, %add3A_84, %ge3A_85 : i32
    %lt3A_87 = arith.constant 5 : i32
    %lt3A_88 = arith.cmpi slt, %add3A_84, %lt3A_87 : i32
    %and3A_89 = arith.andi %ge3A_86, %lt3A_88 : i1
    %jit3A_90 = arith.constant 1.000000e+00 : f32
    %jit3A_91 = arith.constant 0.000000e+00 : f32
    %select_n3A_92 = arith.select %and3A_89, %jit3A_90, %jit3A_91 : f32
    %get3A_93 = arith.constant 0 : index
    %get3A_94 = arith.constant 0 : index
    %get3A_95 = arith.constant 0 : index
    %get3A_96 = vector.load %arg6[%get3A_93, %get3A_94, %get3A_95] : memref<1x1x170xf32, #tpu.memory_space<vmem>>, vector<1x1x170xf32>
    %get3A_97 = vector.shape_cast %get3A_96 : vector<1x1x170xf32> to vector<1x170xf32>
    %mul3A_98 = vector.broadcast %select_n3A_92 : f32 to vector<1x170xf32>
    %mul3A_99 = arith.mulf %get3A_97, %mul3A_98 : vector<1x170xf32>
    %get3A_100 = arith.constant 0 : index
    %get3A_101 = arith.constant 0 : index
    %get3A_102 = arith.constant 0 : index
    %get3A_103 = vector.load %arg3[%get3A_100, %get3A_101, %get3A_102] : memref<1x64x170xf32, #tpu.memory_space<vmem>>, vector<1x64x170xf32>
    %get3A_104 = vector.shape_cast %get3A_103 : vector<1x64x170xf32> to vector<64x170xf32>
    %get3A_105 = arith.constant 0 : index
    %get3A_106 = arith.constant 0 : index
    %get3A_107 = vector.load %arg7[%get3A_105, %get3A_106] : memref<64x1xf32, #tpu.memory_space<vmem>>, vector<64x1xf32>
    %mul3A_108 = vector.broadcast %get3A_107 : vector<64x1xf32> to vector<64x170xf32>
    %mul3A_109 = arith.mulf %get3A_104, %mul3A_108 : vector<64x170xf32>
    %get3A_110 = arith.constant 0 : index
    %get3A_111 = arith.constant 0 : index
    %get3A_112 = vector.load %arg8[%get3A_110, %get3A_111] : memref<64x1xf32, #tpu.memory_space<vmem>>, vector<64x1xf32>
    %add3A_113 = vector.broadcast %get3A_112 : vector<64x1xf32> to vector<64x170xf32>
    %add3A_114 = arith.addf %mul3A_109, %add3A_113 : vector<64x170xf32>
    %max3A_115 = arith.constant 0.000000e+00 : f32
    %max3A_116 = vector.broadcast %max3A_115 : f32 to vector<64x170xf32>
    %max3A_117 = arith.maximumf %add3A_114, %max3A_116 : vector<64x170xf32>
    %mul3A_118 = vector.broadcast %mul3A_99 : vector<1x170xf32> to vector<64x170xf32>
    %mul3A_119 = arith.mulf %max3A_117, %mul3A_118 : vector<64x170xf32>
    %slice3A_120 = vector.extract_strided_slice %mul3A_119 {offsets = [0, 13], sizes = [64, 144], strides = [1, 1]} : vector<64x170xf32> to vector<64x144xf32>
    %slice3A_121 = vector.extract_strided_slice %mul3A_99 {offsets = [0, 13], sizes = [1, 144], strides = [1, 1]} : vector<1x170xf32> to vector<1x144xf32>
    %add3A_122 = arith.addf %add3A_78, %slice3A_121 : vector<1x144xf32>
    %concatenate3A = tpu.concatenate %slice3A, %slice3A_76, %slice3A_120 in 0 : vector<64x144xf32>, vector<64x144xf32>, vector<64x144xf32> -> vector<192x144xf32>
    %get3A_123 = arith.constant 0 : index
    %get3A_124 = arith.constant 0 : index
    %get3A_125 = vector.load %arg10[%get3A_123, %get3A_124] : memref<128x192xf32, #tpu.memory_space<vmem>>, vector<128x192xf32>
    %dot_general3A = arith.constant dense<0.000000e+00> : vector<128x144xf32>
    %dot_general3A_126 = tpu.matmul %get3A_125, %concatenate3A, %dot_general3A {dimension_numbers = #tpu.dot_dimension_numbers<[1], [0], [0], [1], [0, 0, 1, 1], [], []>, transpose_lhs_hint = false} : vector<128x192xf32>, vector<192x144xf32>, vector<128x144xf32> -> vector<128x144xf32>
    %gt3A = arith.constant 5.000000e-01 : f32
    %gt3A_127 = vector.broadcast %gt3A : f32 to vector<1x144xf32>
    %gt3A_128 = arith.cmpf ogt, %add3A_122, %gt3A_127 : vector<1x144xf32>
    %convert_element_type3A = arith.extui %gt3A_128 : vector<1x144xi1> to vector<1x144xi32>
    %convert_element_type3A_129 = arith.sitofp %convert_element_type3A : vector<1x144xi32> to vector<1x144xf32>
    %get3A_130 = arith.constant 0 : index
    %get3A_131 = arith.constant 0 : index
    %get3A_132 = vector.load %arg9[%get3A_130, %get3A_131] : memref<1x170xf32, #tpu.memory_space<vmem>>, vector<1x170xf32>
    %slice3A_133 = vector.extract_strided_slice %get3A_132 {offsets = [0, 13], sizes = [1, 144], strides = [1, 1]} : vector<1x170xf32> to vector<1x144xf32>
    %mul3A_134 = arith.mulf %convert_element_type3A_129, %slice3A_133 : vector<1x144xf32>
    %broadcast_in_dim3A_135 = arith.constant 0.000000e+00 : f32
    %broadcast_in_dim3A_136 = vector.broadcast %broadcast_in_dim3A_135 : f32 to vector<1x13xf32>
    %concatenate3A_137 = tpu.concatenate %broadcast_in_dim3A_136, %mul3A_134, %broadcast_in_dim3A_136 in 1 : vector<1x13xf32>, vector<1x144xf32>, vector<1x13xf32> -> vector<1x170xf32>
    %broadcast_in_dim3A_138 = arith.constant 0.000000e+00 : f32
    %broadcast_in_dim3A_139 = vector.broadcast %broadcast_in_dim3A_138 : f32 to vector<128x13xf32>
    %concatenate3A_140 = tpu.concatenate %broadcast_in_dim3A_139, %dot_general3A_126, %broadcast_in_dim3A_139 in 1 : vector<128x13xf32>, vector<128x144xf32>, vector<128x13xf32> -> vector<128x170xf32>
    %swap3A = arith.constant 0 : index
    %swap3A_141 = arith.constant 0 : index
    %swap3A_142 = arith.constant 0 : index
    %swap3A_143 = vector.load %arg11[%swap3A, %swap3A_141, %swap3A_142] : memref<1x128x170xf32, #tpu.memory_space<vmem>>, vector<1x128x170xf32>
    %swap3A_144 = vector.shape_cast %swap3A_143 : vector<1x128x170xf32> to vector<128x170xf32>
    %swap3A_145 = vector.shape_cast %concatenate3A_140 : vector<128x170xf32> to vector<1x128x170xf32>
    tpu.vector_store %arg11[%swap3A, %swap3A_141, %swap3A_142], %swap3A_145 {strides = array<i32>} : memref<1x128x170xf32, #tpu.memory_space<vmem>>, vector<1x128x170xf32>,
    %swap3A_146 = arith.constant 0 : index
    %swap3A_147 = arith.constant 0 : index
    %swap3A_148 = arith.constant 0 : index
    %swap3A_149 = vector.load %arg12[%swap3A_146, %swap3A_147, %swap3A_148] : memref<1x1x170xf32, #tpu.memory_space<vmem>>, vector<1x1x170xf32>
    %swap3A_150 = vector.shape_cast %swap3A_149 : vector<1x1x170xf32> to vector<1x170xf32>
    %swap3A_151 = vector.shape_cast %concatenate3A_137 : vector<1x170xf32> to vector<1x1x170xf32>
    tpu.vector_store %arg12[%swap3A_146, %swap3A_147, %swap3A_148], %swap3A_151 {strides = array<i32>} : memref<1x1x170xf32, #tpu.memory_space<vmem>>, vector<1x1x170xf32>,
    %mul3A_152 = vector.broadcast %mul3A_134 : vector<1x144xf32> to vector<128x144xf32>
    %mul3A_153 = arith.mulf %dot_general3A_126, %mul3A_152 : vector<128x144xf32>
    %reduce_sum3A = arith.constant dense<0.000000e+00> : vector<128xf32>
    %reduce_sum3A_154 = vector.multi_reduction <add>, %mul3A_153, %reduce_sum3A [1] : vector<128x144xf32> to vector<128xf32>
    %broadcast_in_dim3A_155 = vector.shape_cast %reduce_sum3A_154 : vector<128xf32> to vector<128x1xf32>
    %mul3A_156 = arith.mulf %dot_general3A_126, %dot_general3A_126 : vector<128x144xf32>
    %mul3A_157 = vector.broadcast %mul3A_134 : vector<1x144xf32> to vector<128x144xf32>
    %mul3A_158 = arith.mulf %mul3A_156, %mul3A_157 : vector<128x144xf32>
    %reduce_sum3A_159 = arith.constant dense<0.000000e+00> : vector<128xf32>
    %reduce_sum3A_160 = vector.multi_reduction <add>, %mul3A_158, %reduce_sum3A_159 [1] : vector<128x144xf32> to vector<128xf32>
    %broadcast_in_dim3A_161 = vector.shape_cast %reduce_sum3A_160 : vector<128xf32> to vector<128x1xf32>
    %broadcast_in_dim3A_162 = arith.constant 0.000000e+00 : f32
    %broadcast_in_dim3A_163 = vector.broadcast %broadcast_in_dim3A_162 : f32 to vector<128x1xf32>
    %reduce_sum3A_164 = vector.shape_cast %mul3A_134 : vector<1x144xf32> to vector<1x1x144xf32>
    %reduce_sum3A_165 = arith.constant dense<0.000000e+00> : vector<1xf32>
    %reduce_sum3A_166 = vector.multi_reduction <add>, %reduce_sum3A_164, %reduce_sum3A_165 [1, 2] : vector<1x1x144xf32> to vector<1xf32>
    %reduce_sum3A_167 = vector.shape_cast %reduce_sum3A_166 : vector<1xf32> to vector<1x1x1xf32>
    %reduce_sum3A_168 = vector.extract %reduce_sum3A_167[0, 0, 0] : f32 from vector<1x1x1xf32>
    %add3A_169 = vector.broadcast %reduce_sum3A_168 : f32 to vector<128x1xf32>
    %add3A_170 = arith.addf %broadcast_in_dim3A_163, %add3A_169 : vector<128x1xf32>
    %broadcast_in_dim3A_171 = arith.constant 0.000000e+00 : f32
    %broadcast_in_dim3A_172 = vector.broadcast %broadcast_in_dim3A_171 : f32 to vector<128x5xf32>
    %concatenate3A_173 = tpu.concatenate %broadcast_in_dim3A_155, %broadcast_in_dim3A_161, %add3A_170, %broadcast_in_dim3A_172 in 1 : vector<128x1xf32>, vector<128x1xf32>, vector<128x1xf32>, vector<128x5xf32> -> vector<128x8xf32>
    %eq3A = arith.constant 0 : i32
    %eq3A_174 = arith.cmpi eq, %arg0, %eq3A : i32
    %convert_element_type3A_175 = arith.extui %eq3A_174 : i1 to i32
    %cond3A = arith.constant 0 : i32
    %cond3A_176 = arith.cmpi ne, %convert_element_type3A_175, %cond3A : i32
    scf.if %cond3A_176 {
      %swap3A_181 = arith.constant 0 : index
      %swap3A_182 = arith.constant 0 : index
      %swap3A_183 = vector.load %arg13[%swap3A_181, %swap3A_182] : memref<128x8xf32, #tpu.memory_space<vmem>>, vector<128x8xf32>
      tpu.vector_store %arg13[%swap3A_181, %swap3A_182], %concatenate3A_173 {strides = array<i32>} : memref<128x8xf32, #tpu.memory_space<vmem>>, vector<128x8xf32>,
    } else {
    }
    %ne3A = arith.constant 0 : i32
    %ne3A_177 = arith.cmpi ne, %arg0, %ne3A : i32
    %convert_element_type3A_178 = arith.extui %ne3A_177 : i1 to i32
    %cond3A_179 = arith.constant 0 : i32
    %cond3A_180 = arith.cmpi ne, %convert_element_type3A_178, %cond3A_179 : i32
    scf.if %cond3A_180 {
      %get3A_181 = arith.constant 0 : index
      %get3A_182 = arith.constant 0 : index
      %get3A_183 = vector.load %arg13[%get3A_181, %get3A_182] : memref<128x8xf32, #tpu.memory_space<vmem>>, vector<128x8xf32>
      %add3A_184 = arith.addf %get3A_183, %concatenate3A_173 : vector<128x8xf32>
      %swap3A_185 = arith.constant 0 : index
      %swap3A_186 = arith.constant 0 : index
      %swap3A_187 = vector.load %arg13[%swap3A_185, %swap3A_186] : memref<128x8xf32, #tpu.memory_space<vmem>>, vector<128x8xf32>
      tpu.vector_store %arg13[%swap3A_185, %swap3A_186], %add3A_184 {strides = array<i32>} : memref<128x8xf32, #tpu.memory_space<vmem>>, vector<128x8xf32>,
    } else {
    }
    return
  }
  func.func @transform_0(%arg0: i32) -> (i32, i32, i32) {
    %mul3A = arith.constant 2 : i32
    %mul3A_0 = arith.muli %mul3A, %arg0 : i32
    %add3A = arith.constant 0 : i32
    %add3A_1 = arith.addi %mul3A_0, %add3A : i32
    %add3A_2 = arith.constant 0 : i32
    %add3A_3 = arith.addi %add3A_1, %add3A_2 : i32
    %jit3A = arith.constant 0 : i32
    %jit3A_4 = arith.constant 4 : i32
    %max3A = arith.maxsi %jit3A, %add3A_3 : i32
    %min3A = arith.minsi %jit3A_4, %max3A : i32
    %c0_i32 = arith.constant 0 : i32
    %c0_i32_5 = arith.constant 0 : i32
    %c0_i32_6 = arith.constant 0 : i32
    return %min3A, %c0_i32, %c0_i32_5 : i32, i32, i32
  }
  func.func @transform_1(%arg0: i32) -> (i32, i32, i32) {
    %mul3A = arith.constant 2 : i32
    %mul3A_0 = arith.muli %mul3A, %arg0 : i32
    %add3A = arith.constant 0 : i32
    %add3A_1 = arith.addi %mul3A_0, %add3A : i32
    %add3A_2 = arith.constant 1 : i32
    %add3A_3 = arith.addi %add3A_1, %add3A_2 : i32
    %jit3A = arith.constant 0 : i32
    %jit3A_4 = arith.constant 4 : i32
    %max3A = arith.maxsi %jit3A, %add3A_3 : i32
    %min3A = arith.minsi %jit3A_4, %max3A : i32
    %c0_i32 = arith.constant 0 : i32
    %c0_i32_5 = arith.constant 0 : i32
    %c0_i32_6 = arith.constant 0 : i32
    return %min3A, %c0_i32, %c0_i32_5 : i32, i32, i32
  }
  func.func @transform_2(%arg0: i32) -> (i32, i32, i32) {
    %mul3A = arith.constant 2 : i32
    %mul3A_0 = arith.muli %mul3A, %arg0 : i32
    %add3A = arith.constant 0 : i32
    %add3A_1 = arith.addi %mul3A_0, %add3A : i32
    %add3A_2 = arith.constant 2 : i32
    %add3A_3 = arith.addi %add3A_1, %add3A_2 : i32
    %jit3A = arith.constant 0 : i32
    %jit3A_4 = arith.constant 4 : i32
    %max3A = arith.maxsi %jit3A, %add3A_3 : i32
    %min3A = arith.minsi %jit3A_4, %max3A : i32
    %c0_i32 = arith.constant 0 : i32
    %c0_i32_5 = arith.constant 0 : i32
    %c0_i32_6 = arith.constant 0 : i32
    return %min3A, %c0_i32, %c0_i32_5 : i32, i32, i32
  }
  func.func @transform_3(%arg0: i32) -> (i32, i32, i32) {
    %mul3A = arith.constant 2 : i32
    %mul3A_0 = arith.muli %mul3A, %arg0 : i32
    %add3A = arith.constant 0 : i32
    %add3A_1 = arith.addi %mul3A_0, %add3A : i32
    %add3A_2 = arith.constant 0 : i32
    %add3A_3 = arith.addi %add3A_1, %add3A_2 : i32
    %jit3A = arith.constant 0 : i32
    %jit3A_4 = arith.constant 4 : i32
    %max3A = arith.maxsi %jit3A, %add3A_3 : i32
    %min3A = arith.minsi %jit3A_4, %max3A : i32
    %c0_i32 = arith.constant 0 : i32
    %c0_i32_5 = arith.constant 0 : i32
    %c0_i32_6 = arith.constant 0 : i32
    return %min3A, %c0_i32, %c0_i32_5 : i32, i32, i32
  }
  func.func @transform_4(%arg0: i32) -> (i32, i32, i32) {
    %mul3A = arith.constant 2 : i32
    %mul3A_0 = arith.muli %mul3A, %arg0 : i32
    %add3A = arith.constant 0 : i32
    %add3A_1 = arith.addi %mul3A_0, %add3A : i32
    %add3A_2 = arith.constant 1 : i32
    %add3A_3 = arith.addi %add3A_1, %add3A_2 : i32
    %jit3A = arith.constant 0 : i32
    %jit3A_4 = arith.constant 4 : i32
    %max3A = arith.maxsi %jit3A, %add3A_3 : i32
    %min3A = arith.minsi %jit3A_4, %max3A : i32
    %c0_i32 = arith.constant 0 : i32
    %c0_i32_5 = arith.constant 0 : i32
    %c0_i32_6 = arith.constant 0 : i32
    return %min3A, %c0_i32, %c0_i32_5 : i32, i32, i32
  }
  func.func @transform_5(%arg0: i32) -> (i32, i32, i32) {
    %mul3A = arith.constant 2 : i32
    %mul3A_0 = arith.muli %mul3A, %arg0 : i32
    %add3A = arith.constant 0 : i32
    %add3A_1 = arith.addi %mul3A_0, %add3A : i32
    %add3A_2 = arith.constant 2 : i32
    %add3A_3 = arith.addi %add3A_1, %add3A_2 : i32
    %jit3A = arith.constant 0 : i32
    %jit3A_4 = arith.constant 4 : i32
    %max3A = arith.maxsi %jit3A, %add3A_3 : i32
    %min3A = arith.minsi %jit3A_4, %max3A : i32
    %c0_i32 = arith.constant 0 : i32
    %c0_i32_5 = arith.constant 0 : i32
    %c0_i32_6 = arith.constant 0 : i32
    return %min3A, %c0_i32, %c0_i32_5 : i32, i32, i32
  }
  func.func @transform_6(%arg0: i32) -> (i32, i32) {
    %c0_i32 = arith.constant 0 : i32
    %c0_i32_0 = arith.constant 0 : i32
    %c0_i32_1 = arith.constant 0 : i32
    return %c0_i32, %c0_i32_0 : i32, i32
  }
  func.func @transform_7(%arg0: i32) -> (i32, i32) {
    %c0_i32 = arith.constant 0 : i32
    %c0_i32_0 = arith.constant 0 : i32
    %c0_i32_1 = arith.constant 0 : i32
    return %c0_i32, %c0_i32_0 : i32, i32
  }
  func.func @transform_8(%arg0: i32) -> (i32, i32) {
    %c0_i32 = arith.constant 0 : i32
    %c0_i32_0 = arith.constant 0 : i32
    %c0_i32_1 = arith.constant 0 : i32
    return %c0_i32, %c0_i32_0 : i32, i32
  }
  func.func @transform_9(%arg0: i32) -> (i32, i32) {
    %c0_i32 = arith.constant 0 : i32
    %c0_i32_0 = arith.constant 0 : i32
    %c0_i32_1 = arith.constant 0 : i32
    return %c0_i32, %c0_i32_0 : i32, i32
  }
  func.func @transform_10(%arg0: i32) -> (i32, i32, i32) {
    %c0_i32 = arith.constant 0 : i32
    %c0_i32_0 = arith.constant 0 : i32
    %c0_i32_1 = arith.constant 0 : i32
    return %arg0, %c0_i32, %c0_i32_0 : i32, i32, i32
  }
  func.func @transform_11(%arg0: i32) -> (i32, i32, i32) {
    %c0_i32 = arith.constant 0 : i32
    %c0_i32_0 = arith.constant 0 : i32
    %c0_i32_1 = arith.constant 0 : i32
    return %arg0, %c0_i32, %c0_i32_0 : i32, i32, i32
  }
  func.func @transform_12(%arg0: i32) -> (i32, i32) {
    %c0_i32 = arith.constant 0 : i32
    %c0_i32_0 = arith.constant 0 : i32
    %c0_i32_1 = arith.constant 0 : i32
    return %c0_i32, %c0_i32_0 : i32, i32
  }
}

module attributes {stable_mosaic.version = 14 : i64} {
  func.func @body(%arg0: memref<2x128x170xf32, #tpu.memory_space<vmem>>, %arg1: memref<2x1x170xf32, #tpu.memory_space<vmem>>, %arg2: memref<128x1xf32, #tpu.memory_space<vmem>>, %arg3: memref<128x1xf32, #tpu.memory_space<vmem>>, %arg4: memref<2x128x170xf32, #tpu.memory_space<vmem>>) attributes {dimension_semantics = [], scalar_prefetch = 0 : i64, scratch_operands = 0 : i64, tpu.core_type = #tpu.core_type<tc>} {
    %get3A = arith.constant 0 : index
    %get3A_0 = arith.constant 0 : index
    %get3A_1 = arith.constant 0 : index
    %get3A_2 = vector.load %arg0[%get3A, %get3A_0, %get3A_1] : memref<2x128x170xf32, #tpu.memory_space<vmem>>, vector<2x128x170xf32>
    %get3A_3 = arith.constant 0 : index
    %get3A_4 = arith.constant 0 : index
    %get3A_5 = vector.load %arg2[%get3A_3, %get3A_4] : memref<128x1xf32, #tpu.memory_space<vmem>>, vector<128x1xf32>
    %broadcast_in_dim3A = vector.shape_cast %get3A_5 : vector<128x1xf32> to vector<1x128x1xf32>
    %mul3A = vector.broadcast %broadcast_in_dim3A : vector<1x128x1xf32> to vector<2x128x170xf32>
    %mul3A_6 = arith.mulf %get3A_2, %mul3A : vector<2x128x170xf32>
    %get3A_7 = arith.constant 0 : index
    %get3A_8 = arith.constant 0 : index
    %get3A_9 = vector.load %arg3[%get3A_7, %get3A_8] : memref<128x1xf32, #tpu.memory_space<vmem>>, vector<128x1xf32>
    %broadcast_in_dim3A_10 = vector.shape_cast %get3A_9 : vector<128x1xf32> to vector<1x128x1xf32>
    %add3A = vector.broadcast %broadcast_in_dim3A_10 : vector<1x128x1xf32> to vector<2x128x170xf32>
    %add3A_11 = arith.addf %mul3A_6, %add3A : vector<2x128x170xf32>
    %max3A = arith.constant 0.000000e+00 : f32
    %max3A_12 = vector.broadcast %max3A : f32 to vector<2x128x170xf32>
    %max3A_13 = arith.maximumf %add3A_11, %max3A_12 : vector<2x128x170xf32>
    %get3A_14 = arith.constant 0 : index
    %get3A_15 = arith.constant 0 : index
    %get3A_16 = arith.constant 0 : index
    %get3A_17 = vector.load %arg1[%get3A_14, %get3A_15, %get3A_16] : memref<2x1x170xf32, #tpu.memory_space<vmem>>, vector<2x1x170xf32>
    %mul3A_18 = vector.broadcast %get3A_17 : vector<2x1x170xf32> to vector<2x128x170xf32>
    %mul3A_19 = arith.mulf %max3A_13, %mul3A_18 : vector<2x128x170xf32>
    %swap3A = arith.constant 0 : index
    %swap3A_20 = arith.constant 0 : index
    %swap3A_21 = arith.constant 0 : index
    %swap3A_22 = vector.load %arg4[%swap3A, %swap3A_20, %swap3A_21] : memref<2x128x170xf32, #tpu.memory_space<vmem>>, vector<2x128x170xf32>
    tpu.vector_store %arg4[%swap3A, %swap3A_20, %swap3A_21], %mul3A_19 {strides = array<i32>} : memref<2x128x170xf32, #tpu.memory_space<vmem>>, vector<2x128x170xf32>,
    return
  }
}

</mosaic_0001>

<sc_bundles>
// kernel: kernel.16.cloned.1.call-start
scs
__scs_entry_jumppad:
0x0: {  	(pc) =	sbr.rel $0x88, $3  }
0x1: {  	(tag) =	ssettag $0x0;
	lr =	simm.s32 $0x1  }
0x2: {  	[smem:$0x3F7B] =	sst lr;
	_ =	strace $0xD0000000  }
0x3: {  	_ = 	snop  }
0x4: {  	_ = 	snop  }
0x5: {  	_ = 	snop  }
0x6: {  	_ = 	snop  }
0x7: {  	_ = 	snop  }
__scs_overlays_trampoline_lowered:
0x8: {  	[smem:$0x3F8A] =	sst s0  }
0x9: {  	[smem:$0x3F8B] =	sst s1  }
0xa: {  	[smem:$0x3F8C] =	sst s2  }
0xb: {  	[smem:$0x3F8D] =	sst s3  }
0xc: {  	[smem:$0x3F8E] =	sst s4  }
0xd: {  	[smem:$0x3F8F] =	sst s5  }
0xe: {  	[smem:$0x3F90] =	sst s6  }
0xf: {  	[smem:$0x3F91] =	sst s7  }
0x10: {  	[smem:$0x3F92] =	sst s8  }
0x11: {  	[smem:$0x3F93] =	sst s9;
	s0 =	simm.s32 @!p0 $0x0  }
0x12: {  	s1 =	sld [smem:$0x3F79];
	s0 =	simm.s32 @p0 $0x1  }
0x13: {  	[smem:$0x3F94] =	sst s0;
	s0 =	simm.s32 @!p1 $0x0  }
0x14: {  	s2 =	sld [smem:$0x3F78];
	s0 =	simm.s32 @p1 $0x1  }
0x15: {  	[smem:$0x3F95] =	sst s0;
	s0 =	simm.s32 @!p2 $0x0  }
0x16: {  	s3 =	sld [smem:$0x3FDB];
	s0 =	simm.s32 @p2 $0x1  }
0x17: {  	s4 =	simm.s32 $0x1BF5;
	[smem:$0x3F97] =	sst s0  }
0x18: {  	s0 =	sld [smem:$0x3F7A];
	_ =	swait.ge [sflag:s4], $0x0  }
0x19: {  	s7 =	sld [smem:$0x3F7B]  }
0x1a: {  	s8 =	sadd.s32 $0xFFFFE003, lr  }
0x1b: {  	s9 =	sadd.s32 $0xFFFFFEF7, lr;
	s5 =	simm.s32 $0xFFFFFFFF;
	p2 =	slt.u32 s8, $0xFFFFF086  }
0x1c: {  	p1 =	slt.u32 s9, $0xF7A;
	s5 =	simm.s32 @!p2 $0x0  }
0x1d: {  	s5 =	simm.s32 @p1 $0x1;
	p0 =	seq.s32 s7, s2  }
0x1e: {  	s7 =	smul.u32 @!p0 $0xF7A, s2;
	p2 =	seq.s32 @!p0 s5, $0x0  }
0x1f: {  	s9 =	smul.u32 $0xF7A, s1;
	s8 =	simm.s32 @!p0 $0x1BF5;
	p2 =	por !p2, p0  }
0x20: {  	[sflag:s8] =	ssyncset.s32 @!p0 $0xFFFFF086;
	s6 =	sadd.s32 @!p0 s3, s7;
	s7 =	simm.s32 @!p0 $0x108  }
0x21: {  	s3 =	sadd.s32 s3, s9;
	s6 =	sadd.s32 @!p0 $0x88, s6;
	s7 =	simm.s32 @p2 $0x1082  }
0x22: {  	[simem:s7], [sflag:s8] =	dma.local @!p0 [hbm:s6], $0xF7A  }
0x23: {  	s9 =	sor.u32 $0xD0000000, s2;
	s6 =	simm.s32 $0x108;
	_ =	swait.ge @!p0 [sflag:s8], $0x0  }
0x24: {  	s3 =	sadd.s32 $0x88, s3;
	s6 =	simm.s32 @!p1 $0x1082;
	[sflag:s4] =	ssyncset.s32 $0xFFFFF086  }
0x25: {  	[simem:s6], [sflag:s4] =	dma.local [hbm:s3], $0xF7A  }
0x26: {  	[smem:$0x3F7B] =	sst s1;
	(tag) =	ssettag s2;
	_ =	strace s9  }
0x27: {  	s1 =	sld [smem:$0x3F8B]  }
0x28: {  	s2 =	sld [smem:$0x3F8C]  }
0x29: {  	s4 =	sld [smem:$0x3F8E]  }
0x2a: {  	p0 =	seq.s32 s5, $0x0;
	s5 =	sld [smem:$0x3F8F]  }
0x2b: {  	s6 =	sld [smem:$0x3F90]  }
0x2c: {  	s7 =	sld [smem:$0x3F91]  }
0x2d: {  	s3 =	simm.s32 $0x108;
	s8 =	sld [smem:$0x3F92]  }
0x2e: {  	s3 =	simm.s32 @!p0 $0x1082;
	s9 =	sld [smem:$0x3F93]  }
0x2f: {  	lr =	sadd.s32 s0, s3;
	s0 =	sld [smem:$0x3F8A]  }
0x30: {  	s3 =	sld [smem:$0x3F8D]  }
0x31: {  	[smem:$0x3F96] =	sst s10  }
0x32: {  	s10 =	sld [smem:$0x3F94];
	_ =	sdelay $0x3  }
0x33: {  	p0 =	seq.s32 s10, $0x1;
	s10 =	sld [smem:$0x3F96];
	_ =	sdelay $0x3  }
0x34: {  	[smem:$0x3F96] =	sst s10  }
0x35: {  	s10 =	sld [smem:$0x3F95];
	_ =	sdelay $0x3  }
0x36: {  	p1 =	seq.s32 s10, $0x1;
	s10 =	sld [smem:$0x3F96];
	_ =	sdelay $0x3  }
0x37: {  	[smem:$0x3F96] =	sst s10  }
0x38: {  	s10 =	sld [smem:$0x3F97]  }
0x39: {  	_ = 	snop;
	(pc) =	sbr.ind lr, $3  }
0x3a: {  	_ = 	snop  }
0x3b: {  	_ = 	snop  }
0x3c: {  	p2 =	seq.s32 s10, $0x1;
	s10 =	sld [smem:$0x3F96]  }
0x3d: {  	_ =	shalt  }
0x3e: {  	_ =	shalt  }
0x3f: {  	_ =	shalt  }
0x40: {  	_ =	shalt  }
0x41: {  	_ =	shalt  }
0x42: {  	_ =	shalt  }
0x43: {  	_ =	shalt  }
0x44: {  	_ =	shalt  }
0x45: {  	_ =	shalt  }
0x46: {  	_ =	shalt  }
0x47: {  	_ =	shalt  }
0x48: {  	_ =	shalt  }
0x49: {  	_ =	shalt  }
0x4a: {  	_ =	shalt  }
0x4b: {  	_ =	shalt  }
0x4c: {  	_ =	shalt  }
0x4d: {  	_ =	shalt  }
0x4e: {  	_ =	shalt  }
0x4f: {  	_ =	shalt  }
0x50: {  	_ =	shalt  }
0x51: {  	_ =	shalt  }
0x52: {  	_ =	shalt  }
0x53: {  	_ =	shalt  }
0x54: {  	_ =	shalt  }
0x55: {  	_ =	shalt  }
0x56: {  	_ =	shalt  }
0x57: {  	_ =	shalt  }
0x58: {  	_ =	shalt  }
0x59: {  	_ =	shalt  }
0x5a: {  	_ =	shalt  }
0x5b: {  	_ =	shalt  }
0x5c: {  	_ =	shalt  }
0x5d: {  	_ =	shalt  }
0x5e: {  	_ =	shalt  }
0x5f: {  	_ =	shalt  }
0x60: {  	_ =	shalt  }
0x61: {  	_ =	shalt  }
0x62: {  	_ =	shalt  }
0x63: {  	_ =	shalt  }
0x64: {  	_ =	shalt  }
0x65: {  	_ =	shalt  }
0x66: {  	_ =	shalt  }
0x67: {  	_ =	shalt  }
0x68: {  	_ =	shalt  }
0x69: {  	_ =	shalt  }
0x6a: {  	_ =	shalt  }
0x6b: {  	_ =	shalt  }
0x6c: {  	_ =	shalt  }
0x6d: {  	_ =	shalt  }
0x6e: {  	_ =	shalt  }
0x6f: {  	_ =	shalt  }
0x70: {  	_ =	shalt  }
0x71: {  	_ =	shalt  }
0x72: {  	_ =	shalt  }
0x73: {  	_ =	shalt  }
0x74: {  	_ =	shalt  }
0x75: {  	_ =	shalt  }
0x76: {  	_ =	shalt  }
0x77: {  	_ =	shalt  }
0x78: {  	_ =	shalt  }
0x79: {  	_ =	shalt  }
0x7a: {  	_ =	shalt  }
0x7b: {  	_ =	shalt  }
0x7c: {  	_ =	shalt  }
0x7d: {  	_ =	shalt  }
0x7e: {  	_ =	shalt  }
0x7f: {  	_ =	shalt  }
0x80: {  	_ =	shalt  }
0x81: {  	_ =	shalt  }
0x82: {  	_ =	shalt  }
0x83: {  	_ =	shalt  }
0x84: {  	_ =	shalt  }
0x85: {  	_ =	shalt  }
0x86: {  	_ =	shalt  }
0x87: {  	_ =	shalt  }
.Lfunc_end0:
.L_simem_size_0:
called_computation_lowered:
.L_overlay_start_0:
0x88: {  	s2 =	sld [smem:$0x3FD9]  }
0x89: {  	s3 =	sld [smem:$0x3FFE];
	_ =	sdelay $0x1  }
0x8a: {  	s1 =	srdreg.scid  }
0x8b: {  	s0 =	sand.u32 $0x1, s1  }
0x8c: {  	s16 =	sshll.u32 s0, $0xA;
	s2 =	sadd.s32 s3, s2  }
0x8d: {  	s2 =	sadd.s32 s2, s16  }
0x8e: {  	[smem:$0x3FA2] =	sst s2  }
0x8f: {  	_ = 	snop  }
0x90: {  	(tm) =	ssettm $0x1  }
0x91: {  	s17 =	sld [smem:$0x3FFB];
	_ =	sdelay $0x3  }
0x92: {  	_ =	strace s17  }
0x93: {  	s2 =	sld [smem:$0x3FFC];
	_ =	sdelay $0x3  }
0x94: {  	_ =	strace s2  }
0x95: {  	s2 =	sld [smem:$0x3FFD];
	_ =	sdelay $0x3  }
0x96: {  	_ =	strace s2  }
0x97: {  	_ =	strace $0x8FFFFFFF  }
0x98: {  	s18 =	sld [smem:$0x3FDB];
	_ =	sdelay $0x1  }
0x99: {  	s19 =	simm.s32 $_scs_section_size  }
0x9a: {  	s4 =	simm.s32 $_size__tile_overlayer_lowered;
	s5 =	simm.s32 $_tile_overlayer_lowered  }
0x9b: {  	s22 =	simm.s32 $0x1BFF;
	s21 =	sshll.u32 s5, $0x1;
	s2 =	sadd.s32 s19, s18  }
0x9c: {  	s6 =	simm.s32 $0x0;
	s20 =	sshll.u32 s4, $0x1;
	s4 =	sadd.s32 s21, s2  }
0x9d: {  	[timem:s6], [sflag:s22] =	dma.local [hbm:s4], s20  }
0x9e: {  	_ =	swait.ge [sflag:s22], s20  }
0x9f: {  	s3 =	ssub.s32 $0x0, s20;
	[sflag:s22] =	ssyncset.done $0x0  }
0xa0: {  	[sflag:s22] =	ssyncadd.s32 s3;
	_ =	sdelay $0x1  }
0xa1: {  	s23 =	simm.s32 $0x1B8B  }
0xa2: {  	_ =	swait.ge [sflag:s23], $0x1  }
0xa3: {  	[sflag:s23] =	ssyncset.done $0x0  }
0xa4: {  	s25 =	simm.s32 $0x1B8E;
	s24 =	sld [smem:$0x3FFE];
	[sflag:s23] =	ssyncadd.s32 $0xFFFFFFFF  }
0xa5: {  	s26 =	simm.s32 $execute0_lowered;
	[smem:$0x3FD2] =	sst s25  }
0xa6: {  	s4 =	sshll.u32 s26, $0x1;
	_ =	strace $0x80000046;
	[dreg:$0x1] =	wrdreg $0xFFFFFFFF  }
0xa7: {  	s28 =	simm.s32 $_size_execute0_lowered;
	s2 =	sadd.s32 s2, s4;
	[dreg:$0x0] =	wrdreg $0x0  }
0xa8: {  	s4 =	sshll.u32 s28, $0x1;
	[dreg:$0x2] =	wrdreg s2  }
0xa9: {  	[dreg:$0x3] =	wrdreg s4  }
0xaa: {  	[dreg:$0x4] =	wrdreg $0xC0  }
0xab: {  	_ =	task [dreg:s6], $0x5FFFF  }
0xac: {  	[dreg:$0x1] =	wrdreg $0xFFFFFFFF  }
0xad: {  	[dreg:$0x0] =	wrdreg $0x60  }
0xae: {  	[dreg:$0x2] =	wrdreg s24  }
0xaf: {  	[dreg:$0x3] =	wrdreg $0x9  }
0xb0: {  	_ =	task.clear_ibuf [dreg:s6], $0x4FFFF;
	_ =	strace $0x90000046  }
0xb1: {  	s29 =	simm.s32 $0x9;
	_ =	strace $0x80000048  }
0xb2: {  	_ =	swait.ge [sflag:s29], $0x1  }
0xb3: {  	[sflag:s29] =	ssyncadd.s32 $0xFFFFFFFF  }
0xb4: {  	_ =	strace $0x90000048  }
0xb5: {  	_ =	sfence  }
0xb6: {  	s30 =	sld [smem:$0x0];
	_ =	sdelay $0x2  }
0xb7: {  	s31 =	sshll.u32 s1, $0xD;
	s1 =	sshrl.u32 s1, $0x2  }
0xb8: {  	s3 =	sand.u32 $0x4000, s31;
	s1 =	sadd.s32 s1, s30  }
0xb9: {  	s0 =	sor.u32 s3, s0;
	s1 =	sshll.u32 s1, $0x11  }
0xba: {  	s0 =	sor.u32 s1, s0  }
0xbb: {  	s0 =	sadd.s32 $0x8F2B, s0  }
0xbc: {  	[sflag:s0] =	ssyncadd.remote.s32 $0x1  }
0xbd: {  	_ =	sfence.sel $0xFFFF  }
0xbe: {  	[dreg:$0x0] =	wrdreg $0xFFFFFFFF;
	(pc) =	sbr.abs _section_cstart, $3  }
0xbf: {  	[dreg:$0x1] =	wrdreg $0xFFFFFFFF  }
0xc0: {  	_ =	task.clear_ibuf [dreg:s6], $0x2FFFF;
	_ =	strace $0x9FFFFFFF  }
0xc1: {  	(tm) =	ssettm $0x7FFFFFFF  }
tec
execute0_lowered:
.L_overlay_start_1:
0x0: {  	(tag) =	ssettag $0x1  }
0x1: {  	s1 =	srdreg.scid;
	s0 =	stileid.u32  }
0x2: {  	s22 =	sand.u32 $0x1, s1;
	s31 =	sshll.u32 s0, $0x1  }
0x3: {  	s11 =	sor.u32 s22, s31  }
0x4: {  	s7 =	rddreg [dreg:$0x0];
	s2 =	simm.s32 $0x0;
	s3 =	sshll.u32 s11, $0x8  }
0x5: {  	s4 =	simm.s32 $0x2;
	[smem:$0x7FF] =	sst s2;
	s3 =	sadd.s32 s3, s7  }
0x6: {  	s1 =	rddreg [dreg:$0x1];
	_ =	strace $0x80000047;
	s3 =	sadd.s32 $0x1600, s3  }
0x7: {  	[tilespmem:s2], [sflag:$0x2] =	stream.linear.gather [hbm4b:s3+s2], $0x500, $0x38;
	[tilespmem:$0x8800] =	vst v63  }
0x8: {  	s5 =	smul.u32 $0x5000, s11;
	_ =	swait.ge [sflag:s4], $0x500  }
0x9: {  	s12 =	sadd.s32 $0x9DA00, s7;
	[sflag:s4] =	ssyncset.done $0x0  }
0xa: {  	s6 =	simm.s32 $0x800;
	s5 =	sadd.s32 s12, s5;
	[sflag:s4] =	ssyncadd.s32 $0xFFFFFB00  }
0xb: {  	[tilespmem:s6], [sflag:$0x2] =	stream.linear.gather [hbm4b:s5+s2], $0x8000, $0x38;
	[tilespmem:$0x8800] =	vst v63  }
0xc: {  	_ =	swait.ge [sflag:s4], $0x8000  }
0xd: {  	[sflag:s4] =	ssyncset.done $0x0  }
0xe: {  	s8 =	simm.s32 $0x80;
	s7 =	sadd.s32 $0x13DA00, s7;
	[sflag:s4] =	ssyncadd.s32 $0xFFFF8000  }
0xf: {  	[hbm4b:s7+s8] =	stream.indirect.scatter [tilespmem:s6], [sflag:$0x1], $0x80, s2, s8, $0xb8;
	[tilespmem:$0x8800] =	vst v63  }
0x10: {  	s10 =	simm.s32 $0x4800;
	s9 =	simm.s32 $0x1  }
0x11: {  	[hbm4b:s7+s8] =	stream.indirect.scatter [tilespmem:s10], [sflag:$0x1], $0x80, s8, s8, $0xb8;
	[tilespmem:$0x8800] =	vst v63  }
0x12: {  	_ =	swait.ge [sflag:s9], $0x4000  }
0x13: {  	s11 =	smul.u32 $0x28000, s11;
	[sflag:s9] =	ssyncset.done $0x0  }
0x14: {  	[sflag:s9] =	ssyncadd.s32 $0xFFFFC000  }
0x15: {  	s11 =	sshrl.u32 s11, $0x3;
	_ =	swait.ge [sflag:s9], $0x4000  }
0x16: {  	s20 =	sadd.s32 s12, s11;
	[sflag:s9] =	ssyncset.done $0x0  }
0x17: {  	s11 =	sadd.s32 $0x1000, s20;
	[sflag:s9] =	ssyncadd.s32 $0xFFFFC000  }
0x18: {  	[tilespmem:s6], [sflag:$0x2] =	stream.linear.gather [hbm4b:s11+s2], $0x8000, $0x38;
	[tilespmem:$0x8800] =	vst v63  }
0x19: {  	_ =	swait.ge [sflag:s4], $0x8000  }
0x1a: {  	[sflag:s4] =	ssyncset.done $0x0  }
0x1b: {  	s12 =	simm.s32 $0x100;
	[sflag:s4] =	ssyncadd.s32 $0xFFFF8000  }
0x1c: {  	[hbm4b:s7+s8] =	stream.indirect.scatter [tilespmem:s6], [sflag:$0x1], $0x80, s12, s8, $0xb8;
	[tilespmem:$0x8800] =	vst v63  }
0x1d: {  	s13 =	simm.s32 $0x180  }
0x1e: {  	[hbm4b:s7+s8] =	stream.indirect.scatter [tilespmem:s10], [sflag:$0x1], $0x80, s13, s8, $0xb8;
	[tilespmem:$0x8800] =	vst v63  }
0x1f: {  	_ =	swait.ge [sflag:s9], $0x4000  }
0x20: {  	[sflag:s9] =	ssyncset.done $0x0  }
0x21: {  	[sflag:s9] =	ssyncadd.s32 $0xFFFFC000  }
0x22: {  	_ =	swait.ge [sflag:s9], $0x4000  }
0x23: {  	[sflag:s9] =	ssyncset.done $0x0  }
0x24: {  	s14 =	sadd.s32 $0x2000, s20;
	[sflag:s9] =	ssyncadd.s32 $0xFFFFC000  }
0x25: {  	[tilespmem:s6], [sflag:$0x2] =	stream.linear.gather [hbm4b:s14+s2], $0x8000, $0x38;
	[tilespmem:$0x8800] =	vst v63  }
0x26: {  	_ =	swait.ge [sflag:s4], $0x8000  }
0x27: {  	[sflag:s4] =	ssyncset.done $0x0  }
0x28: {  	s15 =	simm.s32 $0x200;
	[sflag:s4] =	ssyncadd.s32 $0xFFFF8000  }
0x29: {  	[hbm4b:s7+s8] =	stream.indirect.scatter [tilespmem:s6], [sflag:$0x1], $0x80, s15, s8, $0xb8;
	[tilespmem:$0x8800] =	vst v63  }
0x2a: {  	s16 =	simm.s32 $0x280  }
0x2b: {  	[hbm4b:s7+s8] =	stream.indirect.scatter [tilespmem:s10], [sflag:$0x1], $0x80, s16, s8, $0xb8;
	[tilespmem:$0x8800] =	vst v63  }
0x2c: {  	_ =	swait.ge [sflag:s9], $0x4000  }
0x2d: {  	[sflag:s9] =	ssyncset.done $0x0  }
0x2e: {  	[sflag:s9] =	ssyncadd.s32 $0xFFFFC000  }
0x2f: {  	_ =	swait.ge [sflag:s9], $0x4000  }
0x30: {  	[sflag:s9] =	ssyncset.done $0x0  }
0x31: {  	s17 =	sadd.s32 $0x3000, s20;
	[sflag:s9] =	ssyncadd.s32 $0xFFFFC000  }
0x32: {  	[tilespmem:s6], [sflag:$0x2] =	stream.linear.gather [hbm4b:s17+s2], $0x8000, $0x38;
	[tilespmem:$0x8800] =	vst v63  }
0x33: {  	_ =	swait.ge [sflag:s4], $0x8000  }
0x34: {  	[sflag:s4] =	ssyncset.done $0x0  }
0x35: {  	s18 =	simm.s32 $0x300;
	[sflag:s4] =	ssyncadd.s32 $0xFFFF8000  }
0x36: {  	[hbm4b:s7+s8] =	stream.indirect.scatter [tilespmem:s6], [sflag:$0x1], $0x80, s18, s8, $0xb8;
	[tilespmem:$0x8800] =	vst v63  }
0x37: {  	s19 =	simm.s32 $0x380  }
0x38: {  	[hbm4b:s7+s8] =	stream.indirect.scatter [tilespmem:s10], [sflag:$0x1], $0x80, s19, s8, $0xb8;
	[tilespmem:$0x8800] =	vst v63  }
0x39: {  	_ =	swait.ge [sflag:s9], $0x4000  }
0x3a: {  	[sflag:s9] =	ssyncset.done $0x0  }
0x3b: {  	[sflag:s9] =	ssyncadd.s32 $0xFFFFC000  }
0x3c: {  	_ =	swait.ge [sflag:s9], $0x4000  }
0x3d: {  	[sflag:s9] =	ssyncset.done $0x0  }
0x3e: {  	s23 =	ssub.s32 $0x2, s22;
	s20 =	sadd.s32 $0x4000, s20;
	[sflag:s9] =	ssyncadd.s32 $0xFFFFC000  }
0x3f: {  	[tilespmem:s6], [sflag:$0x2] =	stream.linear.gather [hbm4b:s20+s2], $0x8000, $0x38;
	[tilespmem:$0x8800] =	vst v63  }
0x40: {  	s24 =	sshrl.u32 s23, $0x1;
	_ =	swait.ge [sflag:s4], $0x8000  }
0x41: {  	s23 =	ssub.s32 s23, s24;
	[sflag:s4] =	ssyncset.done $0x0  }
0x42: {  	s21 =	simm.s32 $0x400;
	s23 =	smax.u32 s23, $0x1;
	[sflag:s4] =	ssyncadd.s32 $0xFFFF8000  }
0x43: {  	[hbm4b:s7+s8] =	stream.indirect.scatter [tilespmem:s6], [sflag:$0x1], $0x80, s21, s8, $0xb8;
	[tilespmem:$0x8800] =	vst v63  }
0x44: {  	s22 =	simm.s32 $0x480;
	p0 =	sne.s32 s23, $0x1  }
0x45: {  	[hbm4b:s7+s8] =	stream.indirect.scatter [tilespmem:s10], [sflag:$0x1], $0x80, s22, s8, $0xb8;
	[tilespmem:$0x8800] =	vst v63  }
.Ltmp0:
0x46: {  	_ =	swait.ge [sflag:s9], $0x4000;
	(pc) =	sbr.rel @!p0 .LBB2_2-.Ltmp0, $4  }
0x47: {  	[sflag:s9] =	ssyncset.done $0x0  }
0x48: {  	[sflag:s9] =	ssyncadd.s32 $0xFFFFC000  }
0x49: {  	_ =	swait.ge [sflag:s9], $0x4000  }
0x4a: {  	s23 =	sadd.s32 $0xFFFFFFFF, s23;
	[sflag:s9] =	ssyncset.done $0x0  }
.LBB2_1:
0x4b: {  	p0 =	sne.s32 s23, $0x1;
	s23 =	sadd.s32 $0xFFFFFFFF, s23;
	[sflag:s9] =	ssyncadd.s32 $0xFFFFC000  }
0x4c: {  	[tilespmem:s2], [sflag:$0x2] =	stream.linear.gather [hbm4b:s3+s2], $0x500, $0x38;
	[tilespmem:$0x8800] =	vst v63  }
0x4d: {  	_ =	swait.ge [sflag:s4], $0x500  }
0x4e: {  	[sflag:s4] =	ssyncset.done $0x0  }
0x4f: {  	[sflag:s4] =	ssyncadd.s32 $0xFFFFFB00  }
0x50: {  	[tilespmem:s6], [sflag:$0x2] =	stream.linear.gather [hbm4b:s5+s2], $0x8000, $0x38;
	[tilespmem:$0x8800] =	vst v63  }
0x51: {  	_ =	swait.ge [sflag:s4], $0x8000  }
0x52: {  	[sflag:s4] =	ssyncset.done $0x0  }
0x53: {  	[sflag:s4] =	ssyncadd.s32 $0xFFFF8000  }
0x54: {  	[hbm4b:s7+s8] =	stream.indirect.scatter [tilespmem:s6], [sflag:$0x1], $0x80, s2, s8, $0xb8;
	[tilespmem:$0x8800] =	vst v63  }
0x55: {  	_ = 	snop  }
0x56: {  	[hbm4b:s7+s8] =	stream.indirect.scatter [tilespmem:s10], [sflag:$0x1], $0x80, s8, s8, $0xb8;
	[tilespmem:$0x8800] =	vst v63  }
0x57: {  	_ =	swait.ge [sflag:s9], $0x4000  }
0x58: {  	[sflag:s9] =	ssyncset.done $0x0  }
0x59: {  	[sflag:s9] =	ssyncadd.s32 $0xFFFFC000  }
0x5a: {  	_ =	swait.ge [sflag:s9], $0x4000  }
0x5b: {  	[sflag:s9] =	ssyncset.done $0x0  }
0x5c: {  	[sflag:s9] =	ssyncadd.s32 $0xFFFFC000  }
0x5d: {  	[tilespmem:s6], [sflag:$0x2] =	stream.linear.gather [hbm4b:s11+s2], $0x8000, $0x38;
	[tilespmem:$0x8800] =	vst v63  }
0x5e: {  	_ =	swait.ge [sflag:s4], $0x8000  }
0x5f: {  	[sflag:s4] =	ssyncset.done $0x0  }
0x60: {  	[sflag:s4] =	ssyncadd.s32 $0xFFFF8000  }
0x61: {  	[hbm4b:s7+s8] =	stream.indirect.scatter [tilespmem:s6], [sflag:$0x1], $0x80, s12, s8, $0xb8;
	[tilespmem:$0x8800] =	vst v63  }
0x62: {  	_ = 	snop  }
0x63: {  	[hbm4b:s7+s8] =	stream.indirect.scatter [tilespmem:s10], [sflag:$0x1], $0x80, s13, s8, $0xb8;
	[tilespmem:$0x8800] =	vst v63  }
0x64: {  	_ =	swait.ge [sflag:s9], $0x4000  }
0x65: {  	[sflag:s9] =	ssyncset.done $0x0  }
0x66: {  	[sflag:s9] =	ssyncadd.s32 $0xFFFFC000  }
0x67: {  	_ =	swait.ge [sflag:s9], $0x4000  }
0x68: {  	[sflag:s9] =	ssyncset.done $0x0  }
0x69: {  	[sflag:s9] =	ssyncadd.s32 $0xFFFFC000  }
0x6a: {  	[tilespmem:s6], [sflag:$0x2] =	stream.linear.gather [hbm4b:s14+s2], $0x8000, $0x38;
	[tilespmem:$0x8800] =	vst v63  }
0x6b: {  	_ =	swait.ge [sflag:s4], $0x8000  }
0x6c: {  	[sflag:s4] =	ssyncset.done $0x0  }
0x6d: {  	[sflag:s4] =	ssyncadd.s32 $0xFFFF8000  }
0x6e: {  	[hbm4b:s7+s8] =	stream.indirect.scatter [tilespmem:s6], [sflag:$0x1], $0x80, s15, s8, $0xb8;
	[tilespmem:$0x8800] =	vst v63  }
0x6f: {  	_ = 	snop  }
0x70: {  	[hbm4b:s7+s8] =	stream.indirect.scatter [tilespmem:s10], [sflag:$0x1], $0x80, s16, s8, $0xb8;
	[tilespmem:$0x8800] =	vst v63  }
0x71: {  	_ =	swait.ge [sflag:s9], $0x4000  }
0x72: {  	[sflag:s9] =	ssyncset.done $0x0  }
0x73: {  	[sflag:s9] =	ssyncadd.s32 $0xFFFFC000  }
0x74: {  	_ =	swait.ge [sflag:s9], $0x4000  }
0x75: {  	[sflag:s9] =	ssyncset.done $0x0  }
0x76: {  	[sflag:s9] =	ssyncadd.s32 $0xFFFFC000  }
0x77: {  	[tilespmem:s6], [sflag:$0x2] =	stream.linear.gather [hbm4b:s17+s2], $0x8000, $0x38;
	[tilespmem:$0x8800] =	vst v63  }
0x78: {  	_ =	swait.ge [sflag:s4], $0x8000  }
0x79: {  	[sflag:s4] =	ssyncset.done $0x0  }
0x7a: {  	[sflag:s4] =	ssyncadd.s32 $0xFFFF8000  }
0x7b: {  	[hbm4b:s7+s8] =	stream.indirect.scatter [tilespmem:s6], [sflag:$0x1], $0x80, s18, s8, $0xb8;
	[tilespmem:$0x8800] =	vst v63  }
0x7c: {  	_ = 	snop  }
0x7d: {  	[hbm4b:s7+s8] =	stream.indirect.scatter [tilespmem:s10], [sflag:$0x1], $0x80, s19, s8, $0xb8;
	[tilespmem:$0x8800] =	vst v63  }
0x7e: {  	_ =	swait.ge [sflag:s9], $0x4000  }
0x7f: {  	[sflag:s9] =	ssyncset.done $0x0  }
0x80: {  	[sflag:s9] =	ssyncadd.s32 $0xFFFFC000  }
0x81: {  	_ =	swait.ge [sflag:s9], $0x4000  }
0x82: {  	[sflag:s9] =	ssyncset.done $0x0  }
0x83: {  	[sflag:s9] =	ssyncadd.s32 $0xFFFFC000  }
0x84: {  	[tilespmem:s6], [sflag:$0x2] =	stream.linear.gather [hbm4b:s20+s2], $0x8000, $0x38;
	[tilespmem:$0x8800] =	vst v63  }
0x85: {  	_ =	swait.ge [sflag:s4], $0x8000  }
0x86: {  	[sflag:s4] =	ssyncset.done $0x0  }
0x87: {  	[sflag:s4] =	ssyncadd.s32 $0xFFFF8000  }
0x88: {  	[hbm4b:s7+s8] =	stream.indirect.scatter [tilespmem:s6], [sflag:$0x1], $0x80, s21, s8, $0xb8;
	[tilespmem:$0x8800] =	vst v63  }
0x89: {  	_ = 	snop  }
0x8a: {  	[hbm4b:s7+s8] =	stream.indirect.scatter [tilespmem:s10], [sflag:$0x1], $0x80, s22, s8, $0xb8;
	[tilespmem:$0x8800] =	vst v63  }
.Ltmp1:
0x8b: {  	_ =	swait.ge [sflag:s9], $0x4000;
	(pc) =	sbr.rel @p0 .LBB2_1-.Ltmp1, $4  }
0x8c: {  	[sflag:s9] =	ssyncset.done $0x0  }
0x8d: {  	[sflag:s9] =	ssyncadd.s32 $0xFFFFC000  }
0x8e: {  	_ =	swait.ge [sflag:s9], $0x4000  }
0x8f: {  	[sflag:s9] =	ssyncset.done $0x0  }
.LBB2_2:
0x90: {  	[sflag:s9] =	ssyncadd.s32 $0xFFFFC000  }
0x91: {  	_ =	sfence.sel $0x180000  }
0x92: {  	[bflag:$0x0] =	sbarrier.arrive $0xFFFF  }
0x93: {  	p0 =	sne.s32 s0, $0x0;
	_ =	strace $0x90000047  }
0x94: {  	s0 =	sadd.s32 @!p0 $0x100000, s1;
	[bflag:$0x2] =	sbarrier.arrive $0xFFFF  }
0x95: {  	[sflag:s0] =	ssyncadd.tile.s32 @!p0 $0x1;
	_ =	shalt  }
.Lfunc_end2:
_tile_overlayer_lowered:
.L_overlay_start_2:
0x96: {  	(tag) =	ssettag $0x2  }
0x97: {  	s0 =	rddreg [dreg:$0x0];
	s2 =	stileid.u32  }
0x98: {  	s1 =	rddreg [dreg:$0x1];
	p0 =	sne.s32 s2, $0x0  }
0x99: {  	s3 =	rddreg [dreg:$0x2];
	[bflag:$0x3] =	sbarrier.arrive $0xFFFF;
	s2 =	simm.s32 @!p0 $0x1C02  }
0x9a: {  	[timem:s3], [sflag:s2] =	dma.local @!p0 [hbm:s0], s1  }
0x9b: {  	s0 =	simm.s32 @!p0 $0x2  }
0x9c: {  	_ =	swait.ge @!p0 [sflag:s0], s1  }
0x9d: {  	s1 =	ssub.s32 @!p0 $0x0, s1;
	[sflag:s0] =	ssyncset.done @!p0 $0x0  }
0x9e: {  	[sflag:s0] =	ssyncadd.s32 @!p0 s1  }
0x9f: {  	[bflag:$0x3] =	sbarrier.arrive $0xFFFF  }
0xa0: {  	_ =	shalt  }

</sc_bundles>
